<compile_context>
chip_gen: v7x
topology: tpu7x:2x2x1
jax: 0.10.2.dev20260603
libtpu: 0.0.44.dev20260713+nightly
codegen_flags: <defaults>
</compile_context>

<pallas_src>
import functools

import jax
import jax.numpy as jnp
from jax import lax
from jax.experimental import pallas as pl
from jax.experimental.pallas import tpu as pltpu
from jax.experimental.pallas import tpu_sc as plsc

BS = 2
T = 200
D = 64
R = 16
CH = 64

NC = 2
NS = 16
NW = NC * NS

CQ = 4
CPQ = CH // CQ
ITEMS = BS * D * CQ
IPW = ITEMS // NW

ROWW = CH + 16
ROWW2 = CH + 1


def _skew_rows(x):
    rows = jnp.arange(BS * T, dtype=jnp.int32)
    off = (rows + (rows >> 2)) & 15
    cols = off[:, None] + jnp.arange(CH, dtype=jnp.int32)[None, :]
    xt = jnp.transpose(x, (0, 2, 1)).reshape(BS * T, CH)
    pad = jnp.zeros((BS * T, ROWW), x.dtype)
    skewed = pad.at[rows[:, None], cols].set(xt).reshape(-1)
    padded = jnp.pad(xt, ((0, 0), (0, ROWW2 - CH))).reshape(-1)
    return skewed, padded

_mesh = plsc.VectorSubcoreMesh(core_axis_name="c", subcore_axis_name="s")


@functools.partial(
    pl.kernel,
    mesh=_mesh,
    out_type=jax.ShapeDtypeStruct((BS, CQ, CPQ * R, D, T), jnp.float32),
    compiler_params=pltpu.CompilerParams(
        needs_layout_passes=False, use_tc_tiling_on_sc=False
    ),
    scratch_types=[
        pltpu.VMEM((BS * T * ROWW,), jnp.float32),
        pltpu.VMEM((BS * T * ROWW2,), jnp.float32),
        pltpu.VMEM((CPQ * R, T + 9), jnp.float32),
        pltpu.SMEM((16,), jnp.float32),
    ],
)
def _align_sc(xt_hbm, xt2_hbm, out_hbm, xt_v, xt2_v, slab_v, wtab):
    wid = lax.axis_index("s") * NC + lax.axis_index("c")
    pltpu.sync_copy(xt_hbm, xt_v)
    pltpu.sync_copy(xt2_hbm, xt2_v)

    r_i = lax.iota(jnp.int32, R)
    r_f = r_i.astype(jnp.float32)


    def item_body(it, _):
        item = it * NW + wid
        b = item // (D * CQ)
        rem = item - b * (D * CQ)
        d = rem // CQ
        cq = rem - d * CQ
        df = d.astype(jnp.float32)
        gridi_va = d // 8 + 1
        invg_va = 1.0
        for g in range(2, 9):
            invg_va = jnp.where(gridi_va == g, jnp.float32(1.0 / g), invg_va)
        cbase = cq * CPQ
        rowbase = b * T

        def floori(o):
            k = o.astype(jnp.int32)
            return k - (o < k.astype(jnp.float32)).astype(jnp.int32)

        start0 = -(df + 1.0) * 0.5
        binsz_va = (2.0 * df + 1.0) * (1.0 / 16.0)
        step_va = binsz_va * invg_va
        gf_va = gridi_va.astype(jnp.float32)
        kmin = floori(start0 + 0.5 * step_va)
        kmax = floori(start0 + 15.0 * binsz_va + (gf_va - 0.5) * step_va)
        tL = -kmin
        tRlast = (T - 2) - kmax
        wspan = jnp.maximum(tRlast + 1 - tL, 0)
        J = wspan // 16
        tFend = tL + J * 16

        def t_body(t, _):
            va = (t + d) < T
            tf = t.astype(jnp.float32)
            start = jnp.where(va, tf - (df + 1.0) * 0.5, 0.0)
            width = jnp.where(va, 2.0 * df + 1.0, 1.0)
            gridi = jnp.where(va, gridi_va, 1)
            invg = jnp.where(va, invg_va, 1.0)
            binsz = width * (1.0 / 16.0)
            step = binsz * invg
            posb = start + r_f * binsz

            def iw_body(iw, accs):
                pos = posb + (iw.astype(jnp.float32) + 0.5) * step
                validm = (pos >= -1.0) & (pos <= float(T))
                p = jnp.maximum(pos, 0.0)
                low = p.astype(jnp.int32)
                lowc = jnp.minimum(low, T - 1)
                high = jnp.minimum(lowc + 1, T - 1)
                wfrac = p - lowc.astype(jnp.float32)
                wm = jnp.where(validm, invg, 0.0)
                wh = wfrac * wm
                wl = wm - wh
                vrl = rowbase + lowc
                vrh = rowbase + high
                lbase = vrl * ROWW + ((vrl + (vrl >> 2)) & 15) + cbase
                hbase = vrh * ROWW + ((vrh + (vrh >> 2)) & 15) + cbase
                new = []
                for cl in range(CPQ):
                    vl = plsc.load_gather(xt_v, [lbase + cl])
                    vh = plsc.load_gather(xt_v, [hbase + cl])
                    new.append(accs[cl] + wl * vl + wh * vh)
                return tuple(new)

            zero = jnp.zeros((R,), jnp.float32)
            accs = lax.fori_loop(0, gridi, iw_body, (zero,) * CPQ)
            tvec = r_i * 0 + t
            for cl in range(CPQ):
                plsc.store_scatter(slab_v, [cl * R + r_i, tvec], accs[cl])
            return 0

        tv = T - d
        tva = (tv + 15) & ~15
        kinv = jnp.maximum((T - tva + 15) // 16, 0)

        lax.fori_loop(0, tL, t_body, 0)
        lax.fori_loop(tFend, jnp.minimum(tva, T), t_body, 0)

        def rinv_body(r, _):
            rf = r.astype(jnp.float32)
            whs = (rf + 0.5) * (1.0 / 16.0)
            wls = 1.0 - whs
            ibase = rowbase * ROWW2 + cbase
            vals = []
            for cl in range(CPQ):
                i0 = r_i * 0 + (ibase + cl)
                gl = plsc.load_gather(xt2_v, [i0])
                gh = plsc.load_gather(xt2_v, [i0 + ROWW2])
                vals.append(wls * gl + whs * gh)

            def jinv(k, _):
                t0 = tva + k * 16
                for cl in range(CPQ):
                    slab_v[cl * R + r, pl.ds(t0, 16)] = vals[cl]
                return 0

            lax.fori_loop(0, kinv, jinv, 0)
            return 0

        lax.fori_loop(0, jnp.where(kinv > 0, R, 0), rinv_body, 0)

        def r_body(r, _):
            rf = r.astype(jnp.float32)
            ob = start0 + rf * binsz_va
            klo0 = floori(ob + 0.5 * step_va)
            klast = floori(ob + (gf_va - 0.5) * step_va)
            kcount = klast + 2 - klo0

            def zw(k, _):
                wtab[k] = 0.0
                return 0

            lax.fori_loop(0, kcount, zw, 0)

            def acc_w(iw, _):
                o = ob + (iw.astype(jnp.float32) + 0.5) * step_va
                klo = floori(o)
                wh = (o - klo.astype(jnp.float32)) * invg_va
                k = klo - klo0
                wtab[k] = wtab[k] + (invg_va - wh)
                wtab[k + 1] = wtab[k + 1] + wh
                return 0

            lax.fori_loop(0, gridi_va, acc_w, 0)

            def j_body(j, _):
                t0 = tL + j * 16
                bl0 = ((rowbase + t0 + klo0) + r_i) * ROWW2 + cbase

                def k_body(k, carry):
                    accs, bl = carry
                    w = wtab[k]
                    new = []
                    for cl in range(CPQ):
                        gv = plsc.load_gather(xt2_v, [bl + cl])
                        new.append(accs[cl] + w * gv)
                    return (tuple(new), bl + ROWW2)

                zero = jnp.zeros((R,), jnp.float32)
                accs, _bl = lax.fori_loop(
                    0, kcount, k_body, ((zero,) * CPQ, bl0)
                )
                for cl in range(CPQ):
                    slab_v[cl * R + r, pl.ds(t0, 16)] = accs[cl]
                return 0

            lax.fori_loop(0, J, j_body, 0)
            return 0

        lax.fori_loop(0, R, r_body, 0)

        pltpu.sync_copy(slab_v.at[:, pl.ds(0, T)], out_hbm.at[b, cq, :, d, :])
        return 0

    lax.fori_loop(0, IPW, item_body, 0)


def kernel(x, anchors):
    del anchors
    out = _align_sc(*_skew_rows(x))
    return out.reshape(BS, CH * R, D, T)

# --- scband reference (transcript-rebuilt; emitter-appended) ---
"""Pipeline reference for scband-align-layer-34144990003590 (READ-ONLY COPY).

The authoritative reference and input builder live on the scoring server;
editing this copy changes nothing except your own understanding.
"""

import jax, jax.numpy as jnp
import numpy as np
import math

BS = 2
T_SCALE = 200
DURATION = 64
EXPAND = 0.5
RESOLUTION = 16
CH = 64


def _build_anchors():
    anchors = []
    for k in range(BS):
        for start_index in range(T_SCALE):
            for duration_index in range(DURATION):
                if start_index + duration_index < T_SCALE:
                    p_xmin = start_index
                    p_xmax = start_index + duration_index
                    center_len = float(p_xmax - p_xmin) + 1
                    anchors.append([k, p_xmin - center_len * EXPAND, p_xmax + center_len * EXPAND])
                else:
                    anchors.append([k, 0.0, 0.0])
    return np.asarray(anchors, dtype=np.float32)


def _align1d(x, rois, resolution):
    # Faithful 1D ROIAlign (Align1DLayer with sampling_ratio=0 -> adaptive grid)
    B, C, T = x.shape
    N = rois.shape[0]
    batch_idx = rois[:, 0].astype(jnp.int32)
    start = rois[:, 1]
    end = rois[:, 2]
    width = jnp.maximum(end - start, 1.0)
    bin_size = width / resolution                       # [N]
    grid = jnp.ceil(width / resolution).astype(jnp.int32)  # adaptive per-ROI sample count
    gridf = grid.astype(jnp.float32)
    max_grid = int(math.ceil((2 * DURATION - 1) / resolution))  # static bound on grid size
    pw = jnp.arange(resolution, dtype=jnp.float32)      # [R]
    xt = jnp.transpose(x, (0, 2, 1)).reshape(B * T, C)  # [B*T, C] for flat gather
    base = batch_idx[:, None] * T                       # [N,1]
    acc = jnp.zeros((N, resolution, C), dtype=x.dtype)
    for iw in range(max_grid):
        pos = start[:, None] + pw[None, :] * bin_size[:, None] + (iw + 0.5) * bin_size[:, None] / gridf[:, None]  # [N,R]
        valid = (pos >= -1.0) & (pos <= float(T))
        p = jnp.maximum(pos, 0.0)
        low0 = jnp.floor(p).astype(jnp.int32)
        hi_case = low0 >= T - 1
        low = jnp.where(hi_case, T - 1, low0)
        high = jnp.where(hi_case, T - 1, low0 + 1)
        p = jnp.where(hi_case, low.astype(p.dtype), p)
        w = p - low.astype(p.dtype)                     # [N,R]
        vlow = jnp.take(xt, (base + low).reshape(-1), axis=0).reshape(N, resolution, C)
        vhigh = jnp.take(xt, (base + high).reshape(-1), axis=0).reshape(N, resolution, C)
        val = vlow * (1.0 - w)[..., None] + vhigh * w[..., None]
        m = (iw < grid)[:, None] & valid                # mask samples beyond this ROI's grid
        acc = acc + jnp.where(m[..., None], val, 0.0)
    out = acc / gridf[:, None, None]                    # average over adaptive grid count
    return jnp.transpose(out, (0, 2, 1))                # [N, C, R]


def setup_inputs(seed: int = 0) -> dict:
    key = jax.random.key(seed)
    x = jax.random.normal(key, (BS, CH, T_SCALE), dtype=jnp.float32)
    anchors = jnp.asarray(_build_anchors())
    return {"x": x, "anchors": anchors}


def reference(x, anchors):
    bs, ch, t = x.shape
    anchor_num = anchors.shape[0] // BS
    anchor = anchors[: anchor_num * bs, :]
    features = _align1d(x, anchor, RESOLUTION)          # [bs*t*d, ch, R]
    feat = features.reshape(bs, t, DURATION, ch * RESOLUTION)
    return jnp.transpose(feat, (0, 3, 2, 1))            # [bs, ch*R, d, t]

if __name__ == "__main__":
    import jax
    _d = setup_inputs()
    print(jax.jit(kernel)(*tuple(_d.values())))

</pallas_src>

<mosaic_0001>
#map = affine_map<(d0, d1) -> (0)>
#map1 = affine_map<(d0, d1) -> (0, 0, 0, 0, 0)>
module attributes {stable_mosaic.version = 14 : i64} {
  func.func @_align_sc(%arg0: i32, %arg1: i32, %arg2: memref<32000xf32, #tpu.memory_space<hbm>>, %arg3: memref<26000xf32, #tpu.memory_space<hbm>>, %arg4: memref<2x4x256x64x200xf32, #tpu.memory_space<hbm>>, %arg5: memref<32000xf32, #tpu.memory_space<vmem>>, %arg6: memref<26000xf32, #tpu.memory_space<vmem>>, %arg7: memref<256x209xf32, #tpu.memory_space<vmem>>, %arg8: memref<16xf32, #tpu.memory_space<smem>>) attributes {dimension_semantics = [#tpu.dimension_semantics<core_parallel>, #tpu.dimension_semantics<subcore_parallel>], iteration_bounds = array<i64: 2, 16>, scalar_prefetch = 0 : i64, scratch_operands = 4 : i64, tpu.core_type = #tpu.core_type<sc_vector_subcore>, window_params = [{transform_indices = #map}, {transform_indices = #map}, {transform_indices = #map1}]} {
    %mul3A = arith.constant 2 : i32
    %mul3A_0 = arith.muli %arg1, %mul3A : i32
    %add3A = arith.addi %mul3A_0, %arg0 : i32
    "tpu.region"() ({
      %run_scoped3A = tpu.sem_alloc : memref<!tpu.dma_semaphore, #tpu.memory_space<semaphore_mem>>
      tpu.enqueue_dma source(%arg2 : memref<32000xf32, #tpu.memory_space<hbm>>) target(%arg5 : memref<32000xf32, #tpu.memory_space<vmem>>) target_semaphore(%run_scoped3A : memref<!tpu.dma_semaphore, #tpu.memory_space<semaphore_mem>>)
      tpu.wait_dma2 semaphore(%run_scoped3A : memref<!tpu.dma_semaphore, #tpu.memory_space<semaphore_mem>>) src(%arg2 : memref<32000xf32, #tpu.memory_space<hbm>>) dst(%arg5 : memref<32000xf32, #tpu.memory_space<vmem>>)
      tpu.yield
    }) : () -> ()
    "tpu.region"() ({
      %run_scoped3A = tpu.sem_alloc : memref<!tpu.dma_semaphore, #tpu.memory_space<semaphore_mem>>
      tpu.enqueue_dma source(%arg3 : memref<26000xf32, #tpu.memory_space<hbm>>) target(%arg6 : memref<26000xf32, #tpu.memory_space<vmem>>) target_semaphore(%run_scoped3A : memref<!tpu.dma_semaphore, #tpu.memory_space<semaphore_mem>>)
      tpu.wait_dma2 semaphore(%run_scoped3A : memref<!tpu.dma_semaphore, #tpu.memory_space<semaphore_mem>>) src(%arg3 : memref<26000xf32, #tpu.memory_space<hbm>>) dst(%arg6 : memref<26000xf32, #tpu.memory_space<vmem>>)
      tpu.yield
    }) : () -> ()
    %iota3A = tpu.iota {dimensions = array<i32: 0>} : vector<16xi32>
    %convert_element_type3A = arith.sitofp %iota3A : vector<16xi32> to vector<16xf32>
    %scan3A = arith.constant 0 : i32
    %scan3A_1 = arith.constant 0 : i32
    %scan3A_2 = arith.constant 16 : i32
    %scan3A_3 = arith.addi %scan3A_1, %scan3A_2 : i32
    %scan3A_4 = arith.constant 1 : i32
    %scan3A_5 = scf.for %scan3A_7 = %scan3A_1 to %scan3A_3 step %scan3A_4 iter_args(%scan3A_8 = %scan3A) -> (i32)  : i32 {
      %mul3A_9 = arith.constant 32 : i32
      %mul3A_10 = arith.muli %scan3A_7, %mul3A_9 : i32
      %add3A_11 = arith.addi %mul3A_10, %add3A : i32
      %jit3A = arith.constant 256 : i32
      %div3A = arith.divsi %add3A_11, %jit3A : i32
      %sign3A = arith.constant 0 : i32
      %sign3A_12 = arith.cmpi sgt, %add3A_11, %sign3A : i32
      %sign3A_13 = arith.extui %sign3A_12 : i1 to i32
      %sign3A_14 = arith.constant 0 : i32
      %sign3A_15 = arith.cmpi slt, %add3A_11, %sign3A_14 : i32
      %sign3A_16 = arith.extui %sign3A_15 : i1 to i32
      %sign3A_17 = arith.subi %sign3A_13, %sign3A_16 : i32
      %sign3A_18 = arith.constant 0 : i32
      %sign3A_19 = arith.cmpi sgt, %jit3A, %sign3A_18 : i32
      %sign3A_20 = arith.extui %sign3A_19 : i1 to i32
      %sign3A_21 = arith.constant 0 : i32
      %sign3A_22 = arith.cmpi slt, %jit3A, %sign3A_21 : i32
      %sign3A_23 = arith.extui %sign3A_22 : i1 to i32
      %sign3A_24 = arith.subi %sign3A_20, %sign3A_23 : i32
      %ne3A = arith.cmpi ne, %sign3A_17, %sign3A_24 : i32
      %rem3A = arith.remsi %add3A_11, %jit3A : i32
      %ne3A_25 = arith.constant 0 : i32
      %ne3A_26 = arith.cmpi ne, %rem3A, %ne3A_25 : i32
      %and3A = arith.andi %ne3A, %ne3A_26 : i1
      %sub3A = arith.constant 1 : i32
      %sub3A_27 = arith.subi %div3A, %sub3A : i32
      %select_n3A = arith.select %and3A, %sub3A_27, %div3A : i32
      %mul3A_28 = arith.constant 256 : i32
      %mul3A_29 = arith.muli %select_n3A, %mul3A_28 : i32
      %sub3A_30 = arith.subi %add3A_11, %mul3A_29 : i32
      %jit3A_31 = arith.constant 4 : i32
      %div3A_32 = arith.divsi %sub3A_30, %jit3A_31 : i32
      %sign3A_33 = arith.constant 0 : i32
      %sign3A_34 = arith.cmpi sgt, %sub3A_30, %sign3A_33 : i32
      %sign3A_35 = arith.extui %sign3A_34 : i1 to i32
      %sign3A_36 = arith.constant 0 : i32
      %sign3A_37 = arith.cmpi slt, %sub3A_30, %sign3A_36 : i32
      %sign3A_38 = arith.extui %sign3A_37 : i1 to i32
      %sign3A_39 = arith.subi %sign3A_35, %sign3A_38 : i32
      %sign3A_40 = arith.constant 0 : i32
      %sign3A_41 = arith.cmpi sgt, %jit3A_31, %sign3A_40 : i32
      %sign3A_42 = arith.extui %sign3A_41 : i1 to i32
      %sign3A_43 = arith.constant 0 : i32
      %sign3A_44 = arith.cmpi slt, %jit3A_31, %sign3A_43 : i32
      %sign3A_45 = arith.extui %sign3A_44 : i1 to i32
      %sign3A_46 = arith.subi %sign3A_42, %sign3A_45 : i32
      %ne3A_47 = arith.cmpi ne, %sign3A_39, %sign3A_46 : i32
      %rem3A_48 = arith.remsi %sub3A_30, %jit3A_31 : i32
      %ne3A_49 = arith.constant 0 : i32
      %ne3A_50 = arith.cmpi ne, %rem3A_48, %ne3A_49 : i32
      %and3A_51 = arith.andi %ne3A_47, %ne3A_50 : i1
      %sub3A_52 = arith.constant 1 : i32
      %sub3A_53 = arith.subi %div3A_32, %sub3A_52 : i32
      %select_n3A_54 = arith.select %and3A_51, %sub3A_53, %div3A_32 : i32
      %mul3A_55 = arith.constant 4 : i32
      %mul3A_56 = arith.muli %select_n3A_54, %mul3A_55 : i32
      %sub3A_57 = arith.subi %sub3A_30, %mul3A_56 : i32
      %convert_element_type3A_58 = arith.sitofp %select_n3A_54 : i32 to f32
      %jit3A_59 = arith.constant 8 : i32
      %div3A_60 = arith.divsi %select_n3A_54, %jit3A_59 : i32
      %sign3A_61 = arith.constant 0 : i32
      %sign3A_62 = arith.cmpi sgt, %select_n3A_54, %sign3A_61 : i32
      %sign3A_63 = arith.extui %sign3A_62 : i1 to i32
      %sign3A_64 = arith.constant 0 : i32
      %sign3A_65 = arith.cmpi slt, %select_n3A_54, %sign3A_64 : i32
      %sign3A_66 = arith.extui %sign3A_65 : i1 to i32
      %sign3A_67 = arith.subi %sign3A_63, %sign3A_66 : i32
      %sign3A_68 = arith.constant 0 : i32
      %sign3A_69 = arith.cmpi sgt, %jit3A_59, %sign3A_68 : i32
      %sign3A_70 = arith.extui %sign3A_69 : i1 to i32
      %sign3A_71 = arith.constant 0 : i32
      %sign3A_72 = arith.cmpi slt, %jit3A_59, %sign3A_71 : i32
      %sign3A_73 = arith.extui %sign3A_72 : i1 to i32
      %sign3A_74 = arith.subi %sign3A_70, %sign3A_73 : i32
      %ne3A_75 = arith.cmpi ne, %sign3A_67, %sign3A_74 : i32
      %rem3A_76 = arith.remsi %select_n3A_54, %jit3A_59 : i32
      %ne3A_77 = arith.constant 0 : i32
      %ne3A_78 = arith.cmpi ne, %rem3A_76, %ne3A_77 : i32
      %and3A_79 = arith.andi %ne3A_75, %ne3A_78 : i1
      %sub3A_80 = arith.constant 1 : i32
      %sub3A_81 = arith.subi %div3A_60, %sub3A_80 : i32
      %select_n3A_82 = arith.select %and3A_79, %sub3A_81, %div3A_60 : i32
      %add3A_83 = arith.constant 1 : i32
      %add3A_84 = arith.addi %select_n3A_82, %add3A_83 : i32
      %eq3A = arith.constant 2 : i32
      %eq3A_85 = arith.cmpi eq, %add3A_84, %eq3A : i32
      %jit3A_86 = arith.constant 5.000000e-01 : f32
      %jit3A_87 = arith.constant 1.000000e+00 : f32
      %select_n3A_88 = arith.select %eq3A_85, %jit3A_86, %jit3A_87 : f32
      %eq3A_89 = arith.constant 3 : i32
      %eq3A_90 = arith.cmpi eq, %add3A_84, %eq3A_89 : i32
      %jit3A_91 = arith.constant 0.333333343 : f32
      %select_n3A_92 = arith.select %eq3A_90, %jit3A_91, %select_n3A_88 : f32
      %eq3A_93 = arith.constant 4 : i32
      %eq3A_94 = arith.cmpi eq, %add3A_84, %eq3A_93 : i32
      %jit3A_95 = arith.constant 2.500000e-01 : f32
      %select_n3A_96 = arith.select %eq3A_94, %jit3A_95, %select_n3A_92 : f32
      %eq3A_97 = arith.constant 5 : i32
      %eq3A_98 = arith.cmpi eq, %add3A_84, %eq3A_97 : i32
      %jit3A_99 = arith.constant 2.000000e-01 : f32
      %select_n3A_100 = arith.select %eq3A_98, %jit3A_99, %select_n3A_96 : f32
      %eq3A_101 = arith.constant 6 : i32
      %eq3A_102 = arith.cmpi eq, %add3A_84, %eq3A_101 : i32
      %jit3A_103 = arith.constant 0.166666672 : f32
      %select_n3A_104 = arith.select %eq3A_102, %jit3A_103, %select_n3A_100 : f32
      %eq3A_105 = arith.constant 7 : i32
      %eq3A_106 = arith.cmpi eq, %add3A_84, %eq3A_105 : i32
      %jit3A_107 = arith.constant 0.142857149 : f32
      %select_n3A_108 = arith.select %eq3A_106, %jit3A_107, %select_n3A_104 : f32
      %eq3A_109 = arith.constant 8 : i32
      %eq3A_110 = arith.cmpi eq, %add3A_84, %eq3A_109 : i32
      %jit3A_111 = arith.constant 1.250000e-01 : f32
      %select_n3A_112 = arith.select %eq3A_110, %jit3A_111, %select_n3A_108 : f32
      %mul3A_113 = arith.constant 16 : i32
      %mul3A_114 = arith.muli %sub3A_57, %mul3A_113 : i32
      %mul3A_115 = arith.constant 200 : i32
      %mul3A_116 = arith.muli %select_n3A, %mul3A_115 : i32
      %add3A_117 = arith.constant 1.000000e+00 : f32
      %add3A_118 = arith.addf %convert_element_type3A_58, %add3A_117 : f32
      %neg3A = arith.constant 0.000000e+00 : f32
      %neg3A_119 = arith.subf %neg3A, %add3A_118 : f32
      %mul3A_120 = arith.constant 5.000000e-01 : f32
      %mul3A_121 = arith.mulf %neg3A_119, %mul3A_120 : f32
      %mul3A_122 = arith.constant 2.000000e+00 : f32
      %mul3A_123 = arith.mulf %mul3A_122, %convert_element_type3A_58 : f32
      %add3A_124 = arith.constant 1.000000e+00 : f32
      %add3A_125 = arith.addf %mul3A_123, %add3A_124 : f32
      %mul3A_126 = arith.constant 6.250000e-02 : f32
      %mul3A_127 = arith.mulf %add3A_125, %mul3A_126 : f32
      %mul3A_128 = arith.mulf %mul3A_127, %select_n3A_112 : f32
      %convert_element_type3A_129 = arith.sitofp %add3A_84 : i32 to f32
      %mul3A_130 = arith.constant 5.000000e-01 : f32
      %mul3A_131 = arith.mulf %mul3A_130, %mul3A_128 : f32
      %add3A_132 = arith.addf %mul3A_121, %mul3A_131 : f32
      %convert_element_type3A_133 = arith.fptosi %add3A_132 : f32 to i32
      %convert_element_type3A_134 = arith.sitofp %convert_element_type3A_133 : i32 to f32
      %lt3A = arith.cmpf olt, %add3A_132, %convert_element_type3A_134 : f32
      %convert_element_type3A_135 = arith.extui %lt3A : i1 to i32
      %sub3A_136 = arith.subi %convert_element_type3A_133, %convert_element_type3A_135 : i32
      %mul3A_137 = arith.constant 1.500000e+01 : f32
      %mul3A_138 = arith.mulf %mul3A_137, %mul3A_127 : f32
      %add3A_139 = arith.addf %mul3A_121, %mul3A_138 : f32
      %sub3A_140 = arith.constant 5.000000e-01 : f32
      %sub3A_141 = arith.subf %convert_element_type3A_129, %sub3A_140 : f32
      %mul3A_142 = arith.mulf %sub3A_141, %mul3A_128 : f32
      %add3A_143 = arith.addf %add3A_139, %mul3A_142 : f32
      %convert_element_type3A_144 = arith.fptosi %add3A_143 : f32 to i32
      %convert_element_type3A_145 = arith.sitofp %convert_element_type3A_144 : i32 to f32
      %lt3A_146 = arith.cmpf olt, %add3A_143, %convert_element_type3A_145 : f32
      %convert_element_type3A_147 = arith.extui %lt3A_146 : i1 to i32
      %sub3A_148 = arith.subi %convert_element_type3A_144, %convert_element_type3A_147 : i32
      %neg3A_149 = arith.constant 0 : i32
      %neg3A_150 = arith.subi %neg3A_149, %sub3A_136 : i32
      %sub3A_151 = arith.constant 198 : i32
      %sub3A_152 = arith.subi %sub3A_151, %sub3A_148 : i32
      %add3A_153 = arith.constant 1 : i32
      %add3A_154 = arith.addi %sub3A_152, %add3A_153 : i32
      %sub3A_155 = arith.subi %add3A_154, %neg3A_150 : i32
      %max3A = arith.constant 0 : i32
      %max3A_156 = arith.maxsi %sub3A_155, %max3A : i32
      %jit3A_157 = arith.constant 16 : i32
      %div3A_158 = arith.divsi %max3A_156, %jit3A_157 : i32
      %sign3A_159 = arith.constant 0 : i32
      %sign3A_160 = arith.cmpi sgt, %max3A_156, %sign3A_159 : i32
      %sign3A_161 = arith.extui %sign3A_160 : i1 to i32
      %sign3A_162 = arith.constant 0 : i32
      %sign3A_163 = arith.cmpi slt, %max3A_156, %sign3A_162 : i32
      %sign3A_164 = arith.extui %sign3A_163 : i1 to i32
      %sign3A_165 = arith.subi %sign3A_161, %sign3A_164 : i32
      %sign3A_166 = arith.constant 0 : i32
      %sign3A_167 = arith.cmpi sgt, %jit3A_157, %sign3A_166 : i32
      %sign3A_168 = arith.extui %sign3A_167 : i1 to i32
      %sign3A_169 = arith.constant 0 : i32
      %sign3A_170 = arith.cmpi slt, %jit3A_157, %sign3A_169 : i32
      %sign3A_171 = arith.extui %sign3A_170 : i1 to i32
      %sign3A_172 = arith.subi %sign3A_168, %sign3A_171 : i32
      %ne3A_173 = arith.cmpi ne, %sign3A_165, %sign3A_172 : i32
      %rem3A_174 = arith.remsi %max3A_156, %jit3A_157 : i32
      %ne3A_175 = arith.constant 0 : i32
      %ne3A_176 = arith.cmpi ne, %rem3A_174, %ne3A_175 : i32
      %and3A_177 = arith.andi %ne3A_173, %ne3A_176 : i1
      %sub3A_178 = arith.constant 1 : i32
      %sub3A_179 = arith.subi %div3A_158, %sub3A_178 : i32
      %select_n3A_180 = arith.select %and3A_177, %sub3A_179, %div3A_158 : i32
      %mul3A_181 = arith.constant 16 : i32
      %mul3A_182 = arith.muli %select_n3A_180, %mul3A_181 : i32
      %add3A_183 = arith.addi %neg3A_150, %mul3A_182 : i32
      %sub3A_184 = arith.constant 200 : i32
      %sub3A_185 = arith.subi %sub3A_184, %select_n3A_54 : i32
      %add3A_186 = arith.constant 15 : i32
      %add3A_187 = arith.addi %sub3A_185, %add3A_186 : i32
      %and3A_188 = arith.constant -16 : i32
      %and3A_189 = arith.andi %add3A_187, %and3A_188 : i32
      %sub3A_190 = arith.constant 200 : i32
      %sub3A_191 = arith.subi %sub3A_190, %and3A_189 : i32
      %add3A_192 = arith.constant 15 : i32
      %add3A_193 = arith.addi %sub3A_191, %add3A_192 : i32
      %jit3A_194 = arith.constant 16 : i32
      %div3A_195 = arith.divsi %add3A_193, %jit3A_194 : i32
      %sign3A_196 = arith.constant 0 : i32
      %sign3A_197 = arith.cmpi sgt, %add3A_193, %sign3A_196 : i32
      %sign3A_198 = arith.extui %sign3A_197 : i1 to i32
      %sign3A_199 = arith.constant 0 : i32
      %sign3A_200 = arith.cmpi slt, %add3A_193, %sign3A_199 : i32
      %sign3A_201 = arith.extui %sign3A_200 : i1 to i32
      %sign3A_202 = arith.subi %sign3A_198, %sign3A_201 : i32
      %sign3A_203 = arith.constant 0 : i32
      %sign3A_204 = arith.cmpi sgt, %jit3A_194, %sign3A_203 : i32
      %sign3A_205 = arith.extui %sign3A_204 : i1 to i32
      %sign3A_206 = arith.constant 0 : i32
      %sign3A_207 = arith.cmpi slt, %jit3A_194, %sign3A_206 : i32
      %sign3A_208 = arith.extui %sign3A_207 : i1 to i32
      %sign3A_209 = arith.subi %sign3A_205, %sign3A_208 : i32
      %ne3A_210 = arith.cmpi ne, %sign3A_202, %sign3A_209 : i32
      %rem3A_211 = arith.remsi %add3A_193, %jit3A_194 : i32
      %ne3A_212 = arith.constant 0 : i32
      %ne3A_213 = arith.cmpi ne, %rem3A_211, %ne3A_212 : i32
      %and3A_214 = arith.andi %ne3A_210, %ne3A_213 : i1
      %sub3A_215 = arith.constant 1 : i32
      %sub3A_216 = arith.subi %div3A_195, %sub3A_215 : i32
      %select_n3A_217 = arith.select %and3A_214, %sub3A_216, %div3A_195 : i32
      %max3A_218 = arith.constant 0 : i32
      %max3A_219 = arith.maxsi %select_n3A_217, %max3A_218 : i32
      %while3A = arith.constant 0 : i32
      %while3A_220 = arith.constant 0 : i32
      %while3A_221 = arith.subi %neg3A_150, %while3A : i32
      %while3A_222 = arith.addi %while3A, %while3A_221 : i32
      %while3A_223 = arith.constant 1 : i32
      %while3A_224 = arith.divsi %while3A_221, %while3A_223 : i32
      %while3A_225 = arith.muli %while3A_224, %while3A_223 : i32
      %while3A_226 = arith.addi %while3A, %while3A_225 : i32
      %while3A_227 = arith.constant 1 : i32
      %while3A_228 = scf.for %while3A_267 = %while3A to %while3A_226 step %while3A_227 iter_args(%while3A_268 = %while3A_220) -> (i32)  : i32 {
        %add3A_269 = arith.addi %while3A_267, %select_n3A_54 : i32
        %lt3A_270 = arith.constant 200 : i32
        %lt3A_271 = arith.cmpi slt, %add3A_269, %lt3A_270 : i32
        %convert_element_type3A_272 = arith.sitofp %while3A_267 : i32 to f32
        %add3A_273 = arith.constant 1.000000e+00 : f32
        %add3A_274 = arith.addf %convert_element_type3A_58, %add3A_273 : f32
        %mul3A_275 = arith.constant 5.000000e-01 : f32
        %mul3A_276 = arith.mulf %add3A_274, %mul3A_275 : f32
        %sub3A_277 = arith.subf %convert_element_type3A_272, %mul3A_276 : f32
        %jit3A_278 = arith.constant 0.000000e+00 : f32
        %select_n3A_279 = arith.select %lt3A_271, %sub3A_277, %jit3A_278 : f32
        %mul3A_280 = arith.constant 2.000000e+00 : f32
        %mul3A_281 = arith.mulf %mul3A_280, %convert_element_type3A_58 : f32
        %add3A_282 = arith.constant 1.000000e+00 : f32
        %add3A_283 = arith.addf %mul3A_281, %add3A_282 : f32
        %jit3A_284 = arith.constant 1.000000e+00 : f32
        %select_n3A_285 = arith.select %lt3A_271, %add3A_283, %jit3A_284 : f32
        %jit3A_286 = arith.constant 1 : i32
        %select_n3A_287 = arith.select %lt3A_271, %add3A_84, %jit3A_286 : i32
        %jit3A_288 = arith.constant 1.000000e+00 : f32
        %select_n3A_289 = arith.select %lt3A_271, %select_n3A_112, %jit3A_288 : f32
        %mul3A_290 = arith.constant 6.250000e-02 : f32
        %mul3A_291 = arith.mulf %select_n3A_285, %mul3A_290 : f32
        %mul3A_292 = arith.mulf %mul3A_291, %select_n3A_289 : f32
        %mul3A_293 = vector.broadcast %mul3A_291 : f32 to vector<16xf32>
        %mul3A_294 = arith.mulf %convert_element_type3A, %mul3A_293 : vector<16xf32>
        %add3A_295 = vector.broadcast %select_n3A_279 : f32 to vector<16xf32>
        %add3A_296 = arith.addf %add3A_295, %mul3A_294 : vector<16xf32>
        %broadcast_in_dim3A = arith.constant 0.000000e+00 : f32
        %broadcast_in_dim3A_297 = vector.broadcast %broadcast_in_dim3A : f32 to vector<16xf32>
        %while3A_298 = arith.constant 0 : i32
        %while3A_299 = arith.subi %select_n3A_287, %while3A_298 : i32
        %while3A_300 = arith.addi %while3A_298, %while3A_299 : i32
        %while3A_301 = arith.constant 1 : i32
        %while3A_302 = arith.divsi %while3A_299, %while3A_301 : i32
        %while3A_303 = arith.muli %while3A_302, %while3A_301 : i32
        %while3A_304 = arith.addi %while3A_298, %while3A_303 : i32
        %while3A_305 = arith.constant 1 : i32
        %while3A_306:16 = scf.for %while3A_363 = %while3A_298 to %while3A_304 step %while3A_305 iter_args(%while3A_364 = %broadcast_in_dim3A_297, %while3A_365 = %broadcast_in_dim3A_297, %while3A_366 = %broadcast_in_dim3A_297, %while3A_367 = %broadcast_in_dim3A_297, %while3A_368 = %broadcast_in_dim3A_297, %while3A_369 = %broadcast_in_dim3A_297, %while3A_370 = %broadcast_in_dim3A_297, %while3A_371 = %broadcast_in_dim3A_297, %while3A_372 = %broadcast_in_dim3A_297, %while3A_373 = %broadcast_in_dim3A_297, %while3A_374 = %broadcast_in_dim3A_297, %while3A_375 = %broadcast_in_dim3A_297, %while3A_376 = %broadcast_in_dim3A_297, %while3A_377 = %broadcast_in_dim3A_297, %while3A_378 = %broadcast_in_dim3A_297, %while3A_379 = %broadcast_in_dim3A_297) -> (vector<16xf32>, vector<16xf32>, vector<16xf32>, vector<16xf32>, vector<16xf32>, vector<16xf32>, vector<16xf32>, vector<16xf32>, vector<16xf32>, vector<16xf32>, vector<16xf32>, vector<16xf32>, vector<16xf32>, vector<16xf32>, vector<16xf32>, vector<16xf32>)  : i32 {
          %convert_element_type3A_380 = arith.sitofp %while3A_363 : i32 to f32
          %add3A_381 = arith.constant 5.000000e-01 : f32
          %add3A_382 = arith.addf %convert_element_type3A_380, %add3A_381 : f32
          %mul3A_383 = arith.mulf %add3A_382, %mul3A_292 : f32
          %add3A_384 = vector.broadcast %mul3A_383 : f32 to vector<16xf32>
          %add3A_385 = arith.addf %add3A_296, %add3A_384 : vector<16xf32>
          %ge3A = arith.constant -1.000000e+00 : f32
          %ge3A_386 = vector.broadcast %ge3A : f32 to vector<16xf32>
          %ge3A_387 = arith.cmpf oge, %add3A_385, %ge3A_386 : vector<16xf32>
          %le3A = arith.constant 2.000000e+02 : f32
          %le3A_388 = vector.broadcast %le3A : f32 to vector<16xf32>
          %le3A_389 = arith.cmpf ole, %add3A_385, %le3A_388 : vector<16xf32>
          %and3A_390 = arith.andi %ge3A_387, %le3A_389 : vector<16xi1>
          %max3A_391 = arith.constant 0.000000e+00 : f32
          %max3A_392 = vector.broadcast %max3A_391 : f32 to vector<16xf32>
          %max3A_393 = arith.maximumf %add3A_385, %max3A_392 : vector<16xf32>
          %convert_element_type3A_394 = arith.fptosi %max3A_393 : vector<16xf32> to vector<16xi32>
          %min3A_395 = arith.constant 199 : i32
          %min3A_396 = vector.broadcast %min3A_395 : i32 to vector<16xi32>
          %min3A_397 = arith.minsi %convert_element_type3A_394, %min3A_396 : vector<16xi32>
          %add3A_398 = arith.constant 1 : i32
          %add3A_399 = vector.broadcast %add3A_398 : i32 to vector<16xi32>
          %add3A_400 = arith.addi %min3A_397, %add3A_399 : vector<16xi32>
          %min3A_401 = arith.constant 199 : i32
          %min3A_402 = vector.broadcast %min3A_401 : i32 to vector<16xi32>
          %min3A_403 = arith.minsi %add3A_400, %min3A_402 : vector<16xi32>
          %convert_element_type3A_404 = arith.sitofp %min3A_397 : vector<16xi32> to vector<16xf32>
          %sub3A_405 = arith.subf %max3A_393, %convert_element_type3A_404 : vector<16xf32>
          %jit3A_406 = arith.constant 0.000000e+00 : f32
          %broadcast_in_dim3A_407 = vector.broadcast %select_n3A_289 : f32 to vector<16xf32>
          %broadcast_in_dim3A_408 = vector.broadcast %jit3A_406 : f32 to vector<16xf32>
          %select_n3A_409 = arith.select %and3A_390, %broadcast_in_dim3A_407, %broadcast_in_dim3A_408 : vector<16xi1>, vector<16xf32>
          %mul3A_410 = arith.mulf %sub3A_405, %select_n3A_409 : vector<16xf32>
          %sub3A_411 = arith.subf %select_n3A_409, %mul3A_410 : vector<16xf32>
          %add3A_412 = vector.broadcast %mul3A_116 : i32 to vector<16xi32>
          %add3A_413 = arith.addi %add3A_412, %min3A_397 : vector<16xi32>
          %add3A_414 = vector.broadcast %mul3A_116 : i32 to vector<16xi32>
          %add3A_415 = arith.addi %add3A_414, %min3A_403 : vector<16xi32>
          %mul3A_416 = arith.constant 80 : i32
          %mul3A_417 = vector.broadcast %mul3A_416 : i32 to vector<16xi32>
          %mul3A_418 = arith.muli %add3A_413, %mul3A_417 : vector<16xi32>
          %shift_right_arithmetic3A = arith.constant 2 : i32
          %shift_right_arithmetic3A_419 = vector.broadcast %shift_right_arithmetic3A : i32 to vector<16xi32>
          %shift_right_arithmetic3A_420 = arith.shrsi %add3A_413, %shift_right_arithmetic3A_419 : vector<16xi32>
          %add3A_421 = arith.addi %add3A_413, %shift_right_arithmetic3A_420 : vector<16xi32>
          %and3A_422 = arith.constant 15 : i32
          %and3A_423 = vector.broadcast %and3A_422 : i32 to vector<16xi32>
          %and3A_424 = arith.andi %add3A_421, %and3A_423 : vector<16xi32>
          %add3A_425 = arith.addi %mul3A_418, %and3A_424 : vector<16xi32>
          %add3A_426 = vector.broadcast %mul3A_114 : i32 to vector<16xi32>
          %add3A_427 = arith.addi %add3A_425, %add3A_426 : vector<16xi32>
          %mul3A_428 = arith.constant 80 : i32
          %mul3A_429 = vector.broadcast %mul3A_428 : i32 to vector<16xi32>
          %mul3A_430 = arith.muli %add3A_415, %mul3A_429 : vector<16xi32>
          %shift_right_arithmetic3A_431 = arith.constant 2 : i32
          %shift_right_arithmetic3A_432 = vector.broadcast %shift_right_arithmetic3A_431 : i32 to vector<16xi32>
          %shift_right_arithmetic3A_433 = arith.shrsi %add3A_415, %shift_right_arithmetic3A_432 : vector<16xi32>
          %add3A_434 = arith.addi %add3A_415, %shift_right_arithmetic3A_433 : vector<16xi32>
          %and3A_435 = arith.constant 15 : i32
          %and3A_436 = vector.broadcast %and3A_435 : i32 to vector<16xi32>
          %and3A_437 = arith.andi %add3A_434, %and3A_436 : vector<16xi32>
          %add3A_438 = arith.addi %mul3A_430, %and3A_437 : vector<16xi32>
          %add3A_439 = vector.broadcast %mul3A_114 : i32 to vector<16xi32>
          %add3A_440 = arith.addi %add3A_438, %add3A_439 : vector<16xi32>
          %add3A_441 = arith.constant 0 : i32
          %add3A_442 = vector.broadcast %add3A_441 : i32 to vector<16xi32>
          %add3A_443 = arith.addi %add3A_427, %add3A_442 : vector<16xi32>
          %gather3A = tpu.vector_load_idx %arg5[%add3A_443] : memref<32000xf32, #tpu.memory_space<vmem>>[vector<16xi32>], vector<16xf32>,
          %add3A_444 = arith.constant 0 : i32
          %add3A_445 = vector.broadcast %add3A_444 : i32 to vector<16xi32>
          %add3A_446 = arith.addi %add3A_440, %add3A_445 : vector<16xi32>
          %gather3A_447 = tpu.vector_load_idx %arg5[%add3A_446] : memref<32000xf32, #tpu.memory_space<vmem>>[vector<16xi32>], vector<16xf32>,
          %mul3A_448 = arith.mulf %sub3A_411, %gather3A : vector<16xf32>
          %add3A_449 = arith.addf %while3A_364, %mul3A_448 : vector<16xf32>
          %mul3A_450 = arith.mulf %mul3A_410, %gather3A_447 : vector<16xf32>
          %add3A_451 = arith.addf %add3A_449, %mul3A_450 : vector<16xf32>
          %add3A_452 = arith.constant 1 : i32
          %add3A_453 = vector.broadcast %add3A_452 : i32 to vector<16xi32>
          %add3A_454 = arith.addi %add3A_427, %add3A_453 : vector<16xi32>
          %gather3A_455 = tpu.vector_load_idx %arg5[%add3A_454] : memref<32000xf32, #tpu.memory_space<vmem>>[vector<16xi32>], vector<16xf32>,
          %add3A_456 = arith.constant 1 : i32
          %add3A_457 = vector.broadcast %add3A_456 : i32 to vector<16xi32>
          %add3A_458 = arith.addi %add3A_440, %add3A_457 : vector<16xi32>
          %gather3A_459 = tpu.vector_load_idx %arg5[%add3A_458] : memref<32000xf32, #tpu.memory_space<vmem>>[vector<16xi32>], vector<16xf32>,
          %mul3A_460 = arith.mulf %sub3A_411, %gather3A_455 : vector<16xf32>
          %add3A_461 = arith.addf %while3A_365, %mul3A_460 : vector<16xf32>
          %mul3A_462 = arith.mulf %mul3A_410, %gather3A_459 : vector<16xf32>
          %add3A_463 = arith.addf %add3A_461, %mul3A_462 : vector<16xf32>
          %add3A_464 = arith.constant 2 : i32
          %add3A_465 = vector.broadcast %add3A_464 : i32 to vector<16xi32>
          %add3A_466 = arith.addi %add3A_427, %add3A_465 : vector<16xi32>
          %gather3A_467 = tpu.vector_load_idx %arg5[%add3A_466] : memref<32000xf32, #tpu.memory_space<vmem>>[vector<16xi32>], vector<16xf32>,
          %add3A_468 = arith.constant 2 : i32
          %add3A_469 = vector.broadcast %add3A_468 : i32 to vector<16xi32>
          %add3A_470 = arith.addi %add3A_440, %add3A_469 : vector<16xi32>
          %gather3A_471 = tpu.vector_load_idx %arg5[%add3A_470] : memref<32000xf32, #tpu.memory_space<vmem>>[vector<16xi32>], vector<16xf32>,
          %mul3A_472 = arith.mulf %sub3A_411, %gather3A_467 : vector<16xf32>
          %add3A_473 = arith.addf %while3A_366, %mul3A_472 : vector<16xf32>
          %mul3A_474 = arith.mulf %mul3A_410, %gather3A_471 : vector<16xf32>
          %add3A_475 = arith.addf %add3A_473, %mul3A_474 : vector<16xf32>
          %add3A_476 = arith.constant 3 : i32
          %add3A_477 = vector.broadcast %add3A_476 : i32 to vector<16xi32>
          %add3A_478 = arith.addi %add3A_427, %add3A_477 : vector<16xi32>
          %gather3A_479 = tpu.vector_load_idx %arg5[%add3A_478] : memref<32000xf32, #tpu.memory_space<vmem>>[vector<16xi32>], vector<16xf32>,
          %add3A_480 = arith.constant 3 : i32
          %add3A_481 = vector.broadcast %add3A_480 : i32 to vector<16xi32>
          %add3A_482 = arith.addi %add3A_440, %add3A_481 : vector<16xi32>
          %gather3A_483 = tpu.vector_load_idx %arg5[%add3A_482] : memref<32000xf32, #tpu.memory_space<vmem>>[vector<16xi32>], vector<16xf32>,
          %mul3A_484 = arith.mulf %sub3A_411, %gather3A_479 : vector<16xf32>
          %add3A_485 = arith.addf %while3A_367, %mul3A_484 : vector<16xf32>
          %mul3A_486 = arith.mulf %mul3A_410, %gather3A_483 : vector<16xf32>
          %add3A_487 = arith.addf %add3A_485, %mul3A_486 : vector<16xf32>
          %add3A_488 = arith.constant 4 : i32
          %add3A_489 = vector.broadcast %add3A_488 : i32 to vector<16xi32>
          %add3A_490 = arith.addi %add3A_427, %add3A_489 : vector<16xi32>
          %gather3A_491 = tpu.vector_load_idx %arg5[%add3A_490] : memref<32000xf32, #tpu.memory_space<vmem>>[vector<16xi32>], vector<16xf32>,
          %add3A_492 = arith.constant 4 : i32
          %add3A_493 = vector.broadcast %add3A_492 : i32 to vector<16xi32>
          %add3A_494 = arith.addi %add3A_440, %add3A_493 : vector<16xi32>
          %gather3A_495 = tpu.vector_load_idx %arg5[%add3A_494] : memref<32000xf32, #tpu.memory_space<vmem>>[vector<16xi32>], vector<16xf32>,
          %mul3A_496 = arith.mulf %sub3A_411, %gather3A_491 : vector<16xf32>
          %add3A_497 = arith.addf %while3A_368, %mul3A_496 : vector<16xf32>
          %mul3A_498 = arith.mulf %mul3A_410, %gather3A_495 : vector<16xf32>
          %add3A_499 = arith.addf %add3A_497, %mul3A_498 : vector<16xf32>
          %add3A_500 = arith.constant 5 : i32
          %add3A_501 = vector.broadcast %add3A_500 : i32 to vector<16xi32>
          %add3A_502 = arith.addi %add3A_427, %add3A_501 : vector<16xi32>
          %gather3A_503 = tpu.vector_load_idx %arg5[%add3A_502] : memref<32000xf32, #tpu.memory_space<vmem>>[vector<16xi32>], vector<16xf32>,
          %add3A_504 = arith.constant 5 : i32
          %add3A_505 = vector.broadcast %add3A_504 : i32 to vector<16xi32>
          %add3A_506 = arith.addi %add3A_440, %add3A_505 : vector<16xi32>
          %gather3A_507 = tpu.vector_load_idx %arg5[%add3A_506] : memref<32000xf32, #tpu.memory_space<vmem>>[vector<16xi32>], vector<16xf32>,
          %mul3A_508 = arith.mulf %sub3A_411, %gather3A_503 : vector<16xf32>
          %add3A_509 = arith.addf %while3A_369, %mul3A_508 : vector<16xf32>
          %mul3A_510 = arith.mulf %mul3A_410, %gather3A_507 : vector<16xf32>
          %add3A_511 = arith.addf %add3A_509, %mul3A_510 : vector<16xf32>
          %add3A_512 = arith.constant 6 : i32
          %add3A_513 = vector.broadcast %add3A_512 : i32 to vector<16xi32>
          %add3A_514 = arith.addi %add3A_427, %add3A_513 : vector<16xi32>
          %gather3A_515 = tpu.vector_load_idx %arg5[%add3A_514] : memref<32000xf32, #tpu.memory_space<vmem>>[vector<16xi32>], vector<16xf32>,
          %add3A_516 = arith.constant 6 : i32
          %add3A_517 = vector.broadcast %add3A_516 : i32 to vector<16xi32>
          %add3A_518 = arith.addi %add3A_440, %add3A_517 : vector<16xi32>
          %gather3A_519 = tpu.vector_load_idx %arg5[%add3A_518] : memref<32000xf32, #tpu.memory_space<vmem>>[vector<16xi32>], vector<16xf32>,
          %mul3A_520 = arith.mulf %sub3A_411, %gather3A_515 : vector<16xf32>
          %add3A_521 = arith.addf %while3A_370, %mul3A_520 : vector<16xf32>
          %mul3A_522 = arith.mulf %mul3A_410, %gather3A_519 : vector<16xf32>
          %add3A_523 = arith.addf %add3A_521, %mul3A_522 : vector<16xf32>
          %add3A_524 = arith.constant 7 : i32
          %add3A_525 = vector.broadcast %add3A_524 : i32 to vector<16xi32>
          %add3A_526 = arith.addi %add3A_427, %add3A_525 : vector<16xi32>
          %gather3A_527 = tpu.vector_load_idx %arg5[%add3A_526] : memref<32000xf32, #tpu.memory_space<vmem>>[vector<16xi32>], vector<16xf32>,
          %add3A_528 = arith.constant 7 : i32
          %add3A_529 = vector.broadcast %add3A_528 : i32 to vector<16xi32>
          %add3A_530 = arith.addi %add3A_440, %add3A_529 : vector<16xi32>
          %gather3A_531 = tpu.vector_load_idx %arg5[%add3A_530] : memref<32000xf32, #tpu.memory_space<vmem>>[vector<16xi32>], vector<16xf32>,
          %mul3A_532 = arith.mulf %sub3A_411, %gather3A_527 : vector<16xf32>
          %add3A_533 = arith.addf %while3A_371, %mul3A_532 : vector<16xf32>
          %mul3A_534 = arith.mulf %mul3A_410, %gather3A_531 : vector<16xf32>
          %add3A_535 = arith.addf %add3A_533, %mul3A_534 : vector<16xf32>
          %add3A_536 = arith.constant 8 : i32
          %add3A_537 = vector.broadcast %add3A_536 : i32 to vector<16xi32>
          %add3A_538 = arith.addi %add3A_427, %add3A_537 : vector<16xi32>
          %gather3A_539 = tpu.vector_load_idx %arg5[%add3A_538] : memref<32000xf32, #tpu.memory_space<vmem>>[vector<16xi32>], vector<16xf32>,
          %add3A_540 = arith.constant 8 : i32
          %add3A_541 = vector.broadcast %add3A_540 : i32 to vector<16xi32>
          %add3A_542 = arith.addi %add3A_440, %add3A_541 : vector<16xi32>
          %gather3A_543 = tpu.vector_load_idx %arg5[%add3A_542] : memref<32000xf32, #tpu.memory_space<vmem>>[vector<16xi32>], vector<16xf32>,
          %mul3A_544 = arith.mulf %sub3A_411, %gather3A_539 : vector<16xf32>
          %add3A_545 = arith.addf %while3A_372, %mul3A_544 : vector<16xf32>
          %mul3A_546 = arith.mulf %mul3A_410, %gather3A_543 : vector<16xf32>
          %add3A_547 = arith.addf %add3A_545, %mul3A_546 : vector<16xf32>
          %add3A_548 = arith.constant 9 : i32
          %add3A_549 = vector.broadcast %add3A_548 : i32 to vector<16xi32>
          %add3A_550 = arith.addi %add3A_427, %add3A_549 : vector<16xi32>
          %gather3A_551 = tpu.vector_load_idx %arg5[%add3A_550] : memref<32000xf32, #tpu.memory_space<vmem>>[vector<16xi32>], vector<16xf32>,
          %add3A_552 = arith.constant 9 : i32
          %add3A_553 = vector.broadcast %add3A_552 : i32 to vector<16xi32>
          %add3A_554 = arith.addi %add3A_440, %add3A_553 : vector<16xi32>
          %gather3A_555 = tpu.vector_load_idx %arg5[%add3A_554] : memref<32000xf32, #tpu.memory_space<vmem>>[vector<16xi32>], vector<16xf32>,
          %mul3A_556 = arith.mulf %sub3A_411, %gather3A_551 : vector<16xf32>
          %add3A_557 = arith.addf %while3A_373, %mul3A_556 : vector<16xf32>
          %mul3A_558 = arith.mulf %mul3A_410, %gather3A_555 : vector<16xf32>
          %add3A_559 = arith.addf %add3A_557, %mul3A_558 : vector<16xf32>
          %add3A_560 = arith.constant 10 : i32
          %add3A_561 = vector.broadcast %add3A_560 : i32 to vector<16xi32>
          %add3A_562 = arith.addi %add3A_427, %add3A_561 : vector<16xi32>
          %gather3A_563 = tpu.vector_load_idx %arg5[%add3A_562] : memref<32000xf32, #tpu.memory_space<vmem>>[vector<16xi32>], vector<16xf32>,
          %add3A_564 = arith.constant 10 : i32
          %add3A_565 = vector.broadcast %add3A_564 : i32 to vector<16xi32>
          %add3A_566 = arith.addi %add3A_440, %add3A_565 : vector<16xi32>
          %gather3A_567 = tpu.vector_load_idx %arg5[%add3A_566] : memref<32000xf32, #tpu.memory_space<vmem>>[vector<16xi32>], vector<16xf32>,
          %mul3A_568 = arith.mulf %sub3A_411, %gather3A_563 : vector<16xf32>
          %add3A_569 = arith.addf %while3A_374, %mul3A_568 : vector<16xf32>
          %mul3A_570 = arith.mulf %mul3A_410, %gather3A_567 : vector<16xf32>
          %add3A_571 = arith.addf %add3A_569, %mul3A_570 : vector<16xf32>
          %add3A_572 = arith.constant 11 : i32
          %add3A_573 = vector.broadcast %add3A_572 : i32 to vector<16xi32>
          %add3A_574 = arith.addi %add3A_427, %add3A_573 : vector<16xi32>
          %gather3A_575 = tpu.vector_load_idx %arg5[%add3A_574] : memref<32000xf32, #tpu.memory_space<vmem>>[vector<16xi32>], vector<16xf32>,
          %add3A_576 = arith.constant 11 : i32
          %add3A_577 = vector.broadcast %add3A_576 : i32 to vector<16xi32>
          %add3A_578 = arith.addi %add3A_440, %add3A_577 : vector<16xi32>
          %gather3A_579 = tpu.vector_load_idx %arg5[%add3A_578] : memref<32000xf32, #tpu.memory_space<vmem>>[vector<16xi32>], vector<16xf32>,
          %mul3A_580 = arith.mulf %sub3A_411, %gather3A_575 : vector<16xf32>
          %add3A_581 = arith.addf %while3A_375, %mul3A_580 : vector<16xf32>
          %mul3A_582 = arith.mulf %mul3A_410, %gather3A_579 : vector<16xf32>
          %add3A_583 = arith.addf %add3A_581, %mul3A_582 : vector<16xf32>
          %add3A_584 = arith.constant 12 : i32
          %add3A_585 = vector.broadcast %add3A_584 : i32 to vector<16xi32>
          %add3A_586 = arith.addi %add3A_427, %add3A_585 : vector<16xi32>
          %gather3A_587 = tpu.vector_load_idx %arg5[%add3A_586] : memref<32000xf32, #tpu.memory_space<vmem>>[vector<16xi32>], vector<16xf32>,
          %add3A_588 = arith.constant 12 : i32
          %add3A_589 = vector.broadcast %add3A_588 : i32 to vector<16xi32>
          %add3A_590 = arith.addi %add3A_440, %add3A_589 : vector<16xi32>
          %gather3A_591 = tpu.vector_load_idx %arg5[%add3A_590] : memref<32000xf32, #tpu.memory_space<vmem>>[vector<16xi32>], vector<16xf32>,
          %mul3A_592 = arith.mulf %sub3A_411, %gather3A_587 : vector<16xf32>
          %add3A_593 = arith.addf %while3A_376, %mul3A_592 : vector<16xf32>
          %mul3A_594 = arith.mulf %mul3A_410, %gather3A_591 : vector<16xf32>
          %add3A_595 = arith.addf %add3A_593, %mul3A_594 : vector<16xf32>
          %add3A_596 = arith.constant 13 : i32
          %add3A_597 = vector.broadcast %add3A_596 : i32 to vector<16xi32>
          %add3A_598 = arith.addi %add3A_427, %add3A_597 : vector<16xi32>
          %gather3A_599 = tpu.vector_load_idx %arg5[%add3A_598] : memref<32000xf32, #tpu.memory_space<vmem>>[vector<16xi32>], vector<16xf32>,
          %add3A_600 = arith.constant 13 : i32
          %add3A_601 = vector.broadcast %add3A_600 : i32 to vector<16xi32>
          %add3A_602 = arith.addi %add3A_440, %add3A_601 : vector<16xi32>
          %gather3A_603 = tpu.vector_load_idx %arg5[%add3A_602] : memref<32000xf32, #tpu.memory_space<vmem>>[vector<16xi32>], vector<16xf32>,
          %mul3A_604 = arith.mulf %sub3A_411, %gather3A_599 : vector<16xf32>
          %add3A_605 = arith.addf %while3A_377, %mul3A_604 : vector<16xf32>
          %mul3A_606 = arith.mulf %mul3A_410, %gather3A_603 : vector<16xf32>
          %add3A_607 = arith.addf %add3A_605, %mul3A_606 : vector<16xf32>
          %add3A_608 = arith.constant 14 : i32
          %add3A_609 = vector.broadcast %add3A_608 : i32 to vector<16xi32>
          %add3A_610 = arith.addi %add3A_427, %add3A_609 : vector<16xi32>
          %gather3A_611 = tpu.vector_load_idx %arg5[%add3A_610] : memref<32000xf32, #tpu.memory_space<vmem>>[vector<16xi32>], vector<16xf32>,
          %add3A_612 = arith.constant 14 : i32
          %add3A_613 = vector.broadcast %add3A_612 : i32 to vector<16xi32>
          %add3A_614 = arith.addi %add3A_440, %add3A_613 : vector<16xi32>
          %gather3A_615 = tpu.vector_load_idx %arg5[%add3A_614] : memref<32000xf32, #tpu.memory_space<vmem>>[vector<16xi32>], vector<16xf32>,
          %mul3A_616 = arith.mulf %sub3A_411, %gather3A_611 : vector<16xf32>
          %add3A_617 = arith.addf %while3A_378, %mul3A_616 : vector<16xf32>
          %mul3A_618 = arith.mulf %mul3A_410, %gather3A_615 : vector<16xf32>
          %add3A_619 = arith.addf %add3A_617, %mul3A_618 : vector<16xf32>
          %add3A_620 = arith.constant 15 : i32
          %add3A_621 = vector.broadcast %add3A_620 : i32 to vector<16xi32>
          %add3A_622 = arith.addi %add3A_427, %add3A_621 : vector<16xi32>
          %gather3A_623 = tpu.vector_load_idx %arg5[%add3A_622] : memref<32000xf32, #tpu.memory_space<vmem>>[vector<16xi32>], vector<16xf32>,
          %add3A_624 = arith.constant 15 : i32
          %add3A_625 = vector.broadcast %add3A_624 : i32 to vector<16xi32>
          %add3A_626 = arith.addi %add3A_440, %add3A_625 : vector<16xi32>
          %gather3A_627 = tpu.vector_load_idx %arg5[%add3A_626] : memref<32000xf32, #tpu.memory_space<vmem>>[vector<16xi32>], vector<16xf32>,
          %mul3A_628 = arith.mulf %sub3A_411, %gather3A_623 : vector<16xf32>
          %add3A_629 = arith.addf %while3A_379, %mul3A_628 : vector<16xf32>
          %mul3A_630 = arith.mulf %mul3A_410, %gather3A_627 : vector<16xf32>
          %add3A_631 = arith.addf %add3A_629, %mul3A_630 : vector<16xf32>
          scf.yield %add3A_451, %add3A_463, %add3A_475, %add3A_487, %add3A_499, %add3A_511, %add3A_523, %add3A_535, %add3A_547, %add3A_559, %add3A_571, %add3A_583, %add3A_595, %add3A_607, %add3A_619, %add3A_631 : vector<16xf32>, vector<16xf32>, vector<16xf32>, vector<16xf32>, vector<16xf32>, vector<16xf32>, vector<16xf32>, vector<16xf32>, vector<16xf32>, vector<16xf32>, vector<16xf32>, vector<16xf32>, vector<16xf32>, vector<16xf32>, vector<16xf32>, vector<16xf32>
        }
        %while3A_307 = arith.constant 1 : i32
        %while3A_308:16 = scf.for %while3A_363 = %while3A_304 to %while3A_300 step %while3A_307 iter_args(%while3A_364 = %while3A_306#0, %while3A_365 = %while3A_306#1, %while3A_366 = %while3A_306#2, %while3A_367 = %while3A_306#3, %while3A_368 = %while3A_306#4, %while3A_369 = %while3A_306#5, %while3A_370 = %while3A_306#6, %while3A_371 = %while3A_306#7, %while3A_372 = %while3A_306#8, %while3A_373 = %while3A_306#9, %while3A_374 = %while3A_306#10, %while3A_375 = %while3A_306#11, %while3A_376 = %while3A_306#12, %while3A_377 = %while3A_306#13, %while3A_378 = %while3A_306#14, %while3A_379 = %while3A_306#15) -> (vector<16xf32>, vector<16xf32>, vector<16xf32>, vector<16xf32>, vector<16xf32>, vector<16xf32>, vector<16xf32>, vector<16xf32>, vector<16xf32>, vector<16xf32>, vector<16xf32>, vector<16xf32>, vector<16xf32>, vector<16xf32>, vector<16xf32>, vector<16xf32>)  : i32 {
          %convert_element_type3A_380 = arith.sitofp %while3A_363 : i32 to f32
          %add3A_381 = arith.constant 5.000000e-01 : f32
          %add3A_382 = arith.addf %convert_element_type3A_380, %add3A_381 : f32
          %mul3A_383 = arith.mulf %add3A_382, %mul3A_292 : f32
          %add3A_384 = vector.broadcast %mul3A_383 : f32 to vector<16xf32>
          %add3A_385 = arith.addf %add3A_296, %add3A_384 : vector<16xf32>
          %ge3A = arith.constant -1.000000e+00 : f32
          %ge3A_386 = vector.broadcast %ge3A : f32 to vector<16xf32>
          %ge3A_387 = arith.cmpf oge, %add3A_385, %ge3A_386 : vector<16xf32>
          %le3A = arith.constant 2.000000e+02 : f32
          %le3A_388 = vector.broadcast %le3A : f32 to vector<16xf32>
          %le3A_389 = arith.cmpf ole, %add3A_385, %le3A_388 : vector<16xf32>
          %and3A_390 = arith.andi %ge3A_387, %le3A_389 : vector<16xi1>
          %max3A_391 = arith.constant 0.000000e+00 : f32
          %max3A_392 = vector.broadcast %max3A_391 : f32 to vector<16xf32>
          %max3A_393 = arith.maximumf %add3A_385, %max3A_392 : vector<16xf32>
          %convert_element_type3A_394 = arith.fptosi %max3A_393 : vector<16xf32> to vector<16xi32>
          %min3A_395 = arith.constant 199 : i32
          %min3A_396 = vector.broadcast %min3A_395 : i32 to vector<16xi32>
          %min3A_397 = arith.minsi %convert_element_type3A_394, %min3A_396 : vector<16xi32>
          %add3A_398 = arith.constant 1 : i32
          %add3A_399 = vector.broadcast %add3A_398 : i32 to vector<16xi32>
          %add3A_400 = arith.addi %min3A_397, %add3A_399 : vector<16xi32>
          %min3A_401 = arith.constant 199 : i32
          %min3A_402 = vector.broadcast %min3A_401 : i32 to vector<16xi32>
          %min3A_403 = arith.minsi %add3A_400, %min3A_402 : vector<16xi32>
          %convert_element_type3A_404 = arith.sitofp %min3A_397 : vector<16xi32> to vector<16xf32>
          %sub3A_405 = arith.subf %max3A_393, %convert_element_type3A_404 : vector<16xf32>
          %jit3A_406 = arith.constant 0.000000e+00 : f32
          %broadcast_in_dim3A_407 = vector.broadcast %select_n3A_289 : f32 to vector<16xf32>
          %broadcast_in_dim3A_408 = vector.broadcast %jit3A_406 : f32 to vector<16xf32>
          %select_n3A_409 = arith.select %and3A_390, %broadcast_in_dim3A_407, %broadcast_in_dim3A_408 : vector<16xi1>, vector<16xf32>
          %mul3A_410 = arith.mulf %sub3A_405, %select_n3A_409 : vector<16xf32>
          %sub3A_411 = arith.subf %select_n3A_409, %mul3A_410 : vector<16xf32>
          %add3A_412 = vector.broadcast %mul3A_116 : i32 to vector<16xi32>
          %add3A_413 = arith.addi %add3A_412, %min3A_397 : vector<16xi32>
          %add3A_414 = vector.broadcast %mul3A_116 : i32 to vector<16xi32>
          %add3A_415 = arith.addi %add3A_414, %min3A_403 : vector<16xi32>
          %mul3A_416 = arith.constant 80 : i32
          %mul3A_417 = vector.broadcast %mul3A_416 : i32 to vector<16xi32>
          %mul3A_418 = arith.muli %add3A_413, %mul3A_417 : vector<16xi32>
          %shift_right_arithmetic3A = arith.constant 2 : i32
          %shift_right_arithmetic3A_419 = vector.broadcast %shift_right_arithmetic3A : i32 to vector<16xi32>
          %shift_right_arithmetic3A_420 = arith.shrsi %add3A_413, %shift_right_arithmetic3A_419 : vector<16xi32>
          %add3A_421 = arith.addi %add3A_413, %shift_right_arithmetic3A_420 : vector<16xi32>
          %and3A_422 = arith.constant 15 : i32
          %and3A_423 = vector.broadcast %and3A_422 : i32 to vector<16xi32>
          %and3A_424 = arith.andi %add3A_421, %and3A_423 : vector<16xi32>
          %add3A_425 = arith.addi %mul3A_418, %and3A_424 : vector<16xi32>
          %add3A_426 = vector.broadcast %mul3A_114 : i32 to vector<16xi32>
          %add3A_427 = arith.addi %add3A_425, %add3A_426 : vector<16xi32>
          %mul3A_428 = arith.constant 80 : i32
          %mul3A_429 = vector.broadcast %mul3A_428 : i32 to vector<16xi32>
          %mul3A_430 = arith.muli %add3A_415, %mul3A_429 : vector<16xi32>
          %shift_right_arithmetic3A_431 = arith.constant 2 : i32
          %shift_right_arithmetic3A_432 = vector.broadcast %shift_right_arithmetic3A_431 : i32 to vector<16xi32>
          %shift_right_arithmetic3A_433 = arith.shrsi %add3A_415, %shift_right_arithmetic3A_432 : vector<16xi32>
          %add3A_434 = arith.addi %add3A_415, %shift_right_arithmetic3A_433 : vector<16xi32>
          %and3A_435 = arith.constant 15 : i32
          %and3A_436 = vector.broadcast %and3A_435 : i32 to vector<16xi32>
          %and3A_437 = arith.andi %add3A_434, %and3A_436 : vector<16xi32>
          %add3A_438 = arith.addi %mul3A_430, %and3A_437 : vector<16xi32>
          %add3A_439 = vector.broadcast %mul3A_114 : i32 to vector<16xi32>
          %add3A_440 = arith.addi %add3A_438, %add3A_439 : vector<16xi32>
          %add3A_441 = arith.constant 0 : i32
          %add3A_442 = vector.broadcast %add3A_441 : i32 to vector<16xi32>
          %add3A_443 = arith.addi %add3A_427, %add3A_442 : vector<16xi32>
          %gather3A = tpu.vector_load_idx %arg5[%add3A_443] : memref<32000xf32, #tpu.memory_space<vmem>>[vector<16xi32>], vector<16xf32>,
          %add3A_444 = arith.constant 0 : i32
          %add3A_445 = vector.broadcast %add3A_444 : i32 to vector<16xi32>
          %add3A_446 = arith.addi %add3A_440, %add3A_445 : vector<16xi32>
          %gather3A_447 = tpu.vector_load_idx %arg5[%add3A_446] : memref<32000xf32, #tpu.memory_space<vmem>>[vector<16xi32>], vector<16xf32>,
          %mul3A_448 = arith.mulf %sub3A_411, %gather3A : vector<16xf32>
          %add3A_449 = arith.addf %while3A_364, %mul3A_448 : vector<16xf32>
          %mul3A_450 = arith.mulf %mul3A_410, %gather3A_447 : vector<16xf32>
          %add3A_451 = arith.addf %add3A_449, %mul3A_450 : vector<16xf32>
          %add3A_452 = arith.constant 1 : i32
          %add3A_453 = vector.broadcast %add3A_452 : i32 to vector<16xi32>
          %add3A_454 = arith.addi %add3A_427, %add3A_453 : vector<16xi32>
          %gather3A_455 = tpu.vector_load_idx %arg5[%add3A_454] : memref<32000xf32, #tpu.memory_space<vmem>>[vector<16xi32>], vector<16xf32>,
          %add3A_456 = arith.constant 1 : i32
          %add3A_457 = vector.broadcast %add3A_456 : i32 to vector<16xi32>
          %add3A_458 = arith.addi %add3A_440, %add3A_457 : vector<16xi32>
          %gather3A_459 = tpu.vector_load_idx %arg5[%add3A_458] : memref<32000xf32, #tpu.memory_space<vmem>>[vector<16xi32>], vector<16xf32>,
          %mul3A_460 = arith.mulf %sub3A_411, %gather3A_455 : vector<16xf32>
          %add3A_461 = arith.addf %while3A_365, %mul3A_460 : vector<16xf32>
          %mul3A_462 = arith.mulf %mul3A_410, %gather3A_459 : vector<16xf32>
          %add3A_463 = arith.addf %add3A_461, %mul3A_462 : vector<16xf32>
          %add3A_464 = arith.constant 2 : i32
          %add3A_465 = vector.broadcast %add3A_464 : i32 to vector<16xi32>
          %add3A_466 = arith.addi %add3A_427, %add3A_465 : vector<16xi32>
          %gather3A_467 = tpu.vector_load_idx %arg5[%add3A_466] : memref<32000xf32, #tpu.memory_space<vmem>>[vector<16xi32>], vector<16xf32>,
          %add3A_468 = arith.constant 2 : i32
          %add3A_469 = vector.broadcast %add3A_468 : i32 to vector<16xi32>
          %add3A_470 = arith.addi %add3A_440, %add3A_469 : vector<16xi32>
          %gather3A_471 = tpu.vector_load_idx %arg5[%add3A_470] : memref<32000xf32, #tpu.memory_space<vmem>>[vector<16xi32>], vector<16xf32>,
          %mul3A_472 = arith.mulf %sub3A_411, %gather3A_467 : vector<16xf32>
          %add3A_473 = arith.addf %while3A_366, %mul3A_472 : vector<16xf32>
          %mul3A_474 = arith.mulf %mul3A_410, %gather3A_471 : vector<16xf32>
          %add3A_475 = arith.addf %add3A_473, %mul3A_474 : vector<16xf32>
          %add3A_476 = arith.constant 3 : i32
          %add3A_477 = vector.broadcast %add3A_476 : i32 to vector<16xi32>
          %add3A_478 = arith.addi %add3A_427, %add3A_477 : vector<16xi32>
          %gather3A_479 = tpu.vector_load_idx %arg5[%add3A_478] : memref<32000xf32, #tpu.memory_space<vmem>>[vector<16xi32>], vector<16xf32>,
          %add3A_480 = arith.constant 3 : i32
          %add3A_481 = vector.broadcast %add3A_480 : i32 to vector<16xi32>
          %add3A_482 = arith.addi %add3A_440, %add3A_481 : vector<16xi32>
          %gather3A_483 = tpu.vector_load_idx %arg5[%add3A_482] : memref<32000xf32, #tpu.memory_space<vmem>>[vector<16xi32>], vector<16xf32>,
          %mul3A_484 = arith.mulf %sub3A_411, %gather3A_479 : vector<16xf32>
          %add3A_485 = arith.addf %while3A_367, %mul3A_484 : vector<16xf32>
          %mul3A_486 = arith.mulf %mul3A_410, %gather3A_483 : vector<16xf32>
          %add3A_487 = arith.addf %add3A_485, %mul3A_486 : vector<16xf32>
          %add3A_488 = arith.constant 4 : i32
          %add3A_489 = vector.broadcast %add3A_488 : i32 to vector<16xi32>
          %add3A_490 = arith.addi %add3A_427, %add3A_489 : vector<16xi32>
          %gather3A_491 = tpu.vector_load_idx %arg5[%add3A_490] : memref<32000xf32, #tpu.memory_space<vmem>>[vector<16xi32>], vector<16xf32>,
          %add3A_492 = arith.constant 4 : i32
          %add3A_493 = vector.broadcast %add3A_492 : i32 to vector<16xi32>
          %add3A_494 = arith.addi %add3A_440, %add3A_493 : vector<16xi32>
          %gather3A_495 = tpu.vector_load_idx %arg5[%add3A_494] : memref<32000xf32, #tpu.memory_space<vmem>>[vector<16xi32>], vector<16xf32>,
          %mul3A_496 = arith.mulf %sub3A_411, %gather3A_491 : vector<16xf32>
          %add3A_497 = arith.addf %while3A_368, %mul3A_496 : vector<16xf32>
          %mul3A_498 = arith.mulf %mul3A_410, %gather3A_495 : vector<16xf32>
          %add3A_499 = arith.addf %add3A_497, %mul3A_498 : vector<16xf32>
          %add3A_500 = arith.constant 5 : i32
          %add3A_501 = vector.broadcast %add3A_500 : i32 to vector<16xi32>
          %add3A_502 = arith.addi %add3A_427, %add3A_501 : vector<16xi32>
          %gather3A_503 = tpu.vector_load_idx %arg5[%add3A_502] : memref<32000xf32, #tpu.memory_space<vmem>>[vector<16xi32>], vector<16xf32>,
          %add3A_504 = arith.constant 5 : i32
          %add3A_505 = vector.broadcast %add3A_504 : i32 to vector<16xi32>
          %add3A_506 = arith.addi %add3A_440, %add3A_505 : vector<16xi32>
          %gather3A_507 = tpu.vector_load_idx %arg5[%add3A_506] : memref<32000xf32, #tpu.memory_space<vmem>>[vector<16xi32>], vector<16xf32>,
          %mul3A_508 = arith.mulf %sub3A_411, %gather3A_503 : vector<16xf32>
          %add3A_509 = arith.addf %while3A_369, %mul3A_508 : vector<16xf32>
          %mul3A_510 = arith.mulf %mul3A_410, %gather3A_507 : vector<16xf32>
          %add3A_511 = arith.addf %add3A_509, %mul3A_510 : vector<16xf32>
          %add3A_512 = arith.constant 6 : i32
          %add3A_513 = vector.broadcast %add3A_512 : i32 to vector<16xi32>
          %add3A_514 = arith.addi %add3A_427, %add3A_513 : vector<16xi32>
          %gather3A_515 = tpu.vector_load_idx %arg5[%add3A_514] : memref<32000xf32, #tpu.memory_space<vmem>>[vector<16xi32>], vector<16xf32>,
          %add3A_516 = arith.constant 6 : i32
          %add3A_517 = vector.broadcast %add3A_516 : i32 to vector<16xi32>
          %add3A_518 = arith.addi %add3A_440, %add3A_517 : vector<16xi32>
          %gather3A_519 = tpu.vector_load_idx %arg5[%add3A_518] : memref<32000xf32, #tpu.memory_space<vmem>>[vector<16xi32>], vector<16xf32>,
          %mul3A_520 = arith.mulf %sub3A_411, %gather3A_515 : vector<16xf32>
          %add3A_521 = arith.addf %while3A_370, %mul3A_520 : vector<16xf32>
          %mul3A_522 = arith.mulf %mul3A_410, %gather3A_519 : vector<16xf32>
          %add3A_523 = arith.addf %add3A_521, %mul3A_522 : vector<16xf32>
          %add3A_524 = arith.constant 7 : i32
          %add3A_525 = vector.broadcast %add3A_524 : i32 to vector<16xi32>
          %add3A_526 = arith.addi %add3A_427, %add3A_525 : vector<16xi32>
          %gather3A_527 = tpu.vector_load_idx %arg5[%add3A_526] : memref<32000xf32, #tpu.memory_space<vmem>>[vector<16xi32>], vector<16xf32>,
          %add3A_528 = arith.constant 7 : i32
          %add3A_529 = vector.broadcast %add3A_528 : i32 to vector<16xi32>
          %add3A_530 = arith.addi %add3A_440, %add3A_529 : vector<16xi32>
          %gather3A_531 = tpu.vector_load_idx %arg5[%add3A_530] : memref<32000xf32, #tpu.memory_space<vmem>>[vector<16xi32>], vector<16xf32>,
          %mul3A_532 = arith.mulf %sub3A_411, %gather3A_527 : vector<16xf32>
          %add3A_533 = arith.addf %while3A_371, %mul3A_532 : vector<16xf32>
          %mul3A_534 = arith.mulf %mul3A_410, %gather3A_531 : vector<16xf32>
          %add3A_535 = arith.addf %add3A_533, %mul3A_534 : vector<16xf32>
          %add3A_536 = arith.constant 8 : i32
          %add3A_537 = vector.broadcast %add3A_536 : i32 to vector<16xi32>
          %add3A_538 = arith.addi %add3A_427, %add3A_537 : vector<16xi32>
          %gather3A_539 = tpu.vector_load_idx %arg5[%add3A_538] : memref<32000xf32, #tpu.memory_space<vmem>>[vector<16xi32>], vector<16xf32>,
          %add3A_540 = arith.constant 8 : i32
          %add3A_541 = vector.broadcast %add3A_540 : i32 to vector<16xi32>
          %add3A_542 = arith.addi %add3A_440, %add3A_541 : vector<16xi32>
          %gather3A_543 = tpu.vector_load_idx %arg5[%add3A_542] : memref<32000xf32, #tpu.memory_space<vmem>>[vector<16xi32>], vector<16xf32>,
          %mul3A_544 = arith.mulf %sub3A_411, %gather3A_539 : vector<16xf32>
          %add3A_545 = arith.addf %while3A_372, %mul3A_544 : vector<16xf32>
          %mul3A_546 = arith.mulf %mul3A_410, %gather3A_543 : vector<16xf32>
          %add3A_547 = arith.addf %add3A_545, %mul3A_546 : vector<16xf32>
          %add3A_548 = arith.constant 9 : i32
          %add3A_549 = vector.broadcast %add3A_548 : i32 to vector<16xi32>
          %add3A_550 = arith.addi %add3A_427, %add3A_549 : vector<16xi32>
          %gather3A_551 = tpu.vector_load_idx %arg5[%add3A_550] : memref<32000xf32, #tpu.memory_space<vmem>>[vector<16xi32>], vector<16xf32>,
          %add3A_552 = arith.constant 9 : i32
          %add3A_553 = vector.broadcast %add3A_552 : i32 to vector<16xi32>
          %add3A_554 = arith.addi %add3A_440, %add3A_553 : vector<16xi32>
          %gather3A_555 = tpu.vector_load_idx %arg5[%add3A_554] : memref<32000xf32, #tpu.memory_space<vmem>>[vector<16xi32>], vector<16xf32>,
          %mul3A_556 = arith.mulf %sub3A_411, %gather3A_551 : vector<16xf32>
          %add3A_557 = arith.addf %while3A_373, %mul3A_556 : vector<16xf32>
          %mul3A_558 = arith.mulf %mul3A_410, %gather3A_555 : vector<16xf32>
          %add3A_559 = arith.addf %add3A_557, %mul3A_558 : vector<16xf32>
          %add3A_560 = arith.constant 10 : i32
          %add3A_561 = vector.broadcast %add3A_560 : i32 to vector<16xi32>
          %add3A_562 = arith.addi %add3A_427, %add3A_561 : vector<16xi32>
          %gather3A_563 = tpu.vector_load_idx %arg5[%add3A_562] : memref<32000xf32, #tpu.memory_space<vmem>>[vector<16xi32>], vector<16xf32>,
          %add3A_564 = arith.constant 10 : i32
          %add3A_565 = vector.broadcast %add3A_564 : i32 to vector<16xi32>
          %add3A_566 = arith.addi %add3A_440, %add3A_565 : vector<16xi32>
          %gather3A_567 = tpu.vector_load_idx %arg5[%add3A_566] : memref<32000xf32, #tpu.memory_space<vmem>>[vector<16xi32>], vector<16xf32>,
          %mul3A_568 = arith.mulf %sub3A_411, %gather3A_563 : vector<16xf32>
          %add3A_569 = arith.addf %while3A_374, %mul3A_568 : vector<16xf32>
          %mul3A_570 = arith.mulf %mul3A_410, %gather3A_567 : vector<16xf32>
          %add3A_571 = arith.addf %add3A_569, %mul3A_570 : vector<16xf32>
          %add3A_572 = arith.constant 11 : i32
          %add3A_573 = vector.broadcast %add3A_572 : i32 to vector<16xi32>
          %add3A_574 = arith.addi %add3A_427, %add3A_573 : vector<16xi32>
          %gather3A_575 = tpu.vector_load_idx %arg5[%add3A_574] : memref<32000xf32, #tpu.memory_space<vmem>>[vector<16xi32>], vector<16xf32>,
          %add3A_576 = arith.constant 11 : i32
          %add3A_577 = vector.broadcast %add3A_576 : i32 to vector<16xi32>
          %add3A_578 = arith.addi %add3A_440, %add3A_577 : vector<16xi32>
          %gather3A_579 = tpu.vector_load_idx %arg5[%add3A_578] : memref<32000xf32, #tpu.memory_space<vmem>>[vector<16xi32>], vector<16xf32>,
          %mul3A_580 = arith.mulf %sub3A_411, %gather3A_575 : vector<16xf32>
          %add3A_581 = arith.addf %while3A_375, %mul3A_580 : vector<16xf32>
          %mul3A_582 = arith.mulf %mul3A_410, %gather3A_579 : vector<16xf32>
          %add3A_583 = arith.addf %add3A_581, %mul3A_582 : vector<16xf32>
          %add3A_584 = arith.constant 12 : i32
          %add3A_585 = vector.broadcast %add3A_584 : i32 to vector<16xi32>
          %add3A_586 = arith.addi %add3A_427, %add3A_585 : vector<16xi32>
          %gather3A_587 = tpu.vector_load_idx %arg5[%add3A_586] : memref<32000xf32, #tpu.memory_space<vmem>>[vector<16xi32>], vector<16xf32>,
          %add3A_588 = arith.constant 12 : i32
          %add3A_589 = vector.broadcast %add3A_588 : i32 to vector<16xi32>
          %add3A_590 = arith.addi %add3A_440, %add3A_589 : vector<16xi32>
          %gather3A_591 = tpu.vector_load_idx %arg5[%add3A_590] : memref<32000xf32, #tpu.memory_space<vmem>>[vector<16xi32>], vector<16xf32>,
          %mul3A_592 = arith.mulf %sub3A_411, %gather3A_587 : vector<16xf32>
          %add3A_593 = arith.addf %while3A_376, %mul3A_592 : vector<16xf32>
          %mul3A_594 = arith.mulf %mul3A_410, %gather3A_591 : vector<16xf32>
          %add3A_595 = arith.addf %add3A_593, %mul3A_594 : vector<16xf32>
          %add3A_596 = arith.constant 13 : i32
          %add3A_597 = vector.broadcast %add3A_596 : i32 to vector<16xi32>
          %add3A_598 = arith.addi %add3A_427, %add3A_597 : vector<16xi32>
          %gather3A_599 = tpu.vector_load_idx %arg5[%add3A_598] : memref<32000xf32, #tpu.memory_space<vmem>>[vector<16xi32>], vector<16xf32>,
          %add3A_600 = arith.constant 13 : i32
          %add3A_601 = vector.broadcast %add3A_600 : i32 to vector<16xi32>
          %add3A_602 = arith.addi %add3A_440, %add3A_601 : vector<16xi32>
          %gather3A_603 = tpu.vector_load_idx %arg5[%add3A_602] : memref<32000xf32, #tpu.memory_space<vmem>>[vector<16xi32>], vector<16xf32>,
          %mul3A_604 = arith.mulf %sub3A_411, %gather3A_599 : vector<16xf32>
          %add3A_605 = arith.addf %while3A_377, %mul3A_604 : vector<16xf32>
          %mul3A_606 = arith.mulf %mul3A_410, %gather3A_603 : vector<16xf32>
          %add3A_607 = arith.addf %add3A_605, %mul3A_606 : vector<16xf32>
          %add3A_608 = arith.constant 14 : i32
          %add3A_609 = vector.broadcast %add3A_608 : i32 to vector<16xi32>
          %add3A_610 = arith.addi %add3A_427, %add3A_609 : vector<16xi32>
          %gather3A_611 = tpu.vector_load_idx %arg5[%add3A_610] : memref<32000xf32, #tpu.memory_space<vmem>>[vector<16xi32>], vector<16xf32>,
          %add3A_612 = arith.constant 14 : i32
          %add3A_613 = vector.broadcast %add3A_612 : i32 to vector<16xi32>
          %add3A_614 = arith.addi %add3A_440, %add3A_613 : vector<16xi32>
          %gather3A_615 = tpu.vector_load_idx %arg5[%add3A_614] : memref<32000xf32, #tpu.memory_space<vmem>>[vector<16xi32>], vector<16xf32>,
          %mul3A_616 = arith.mulf %sub3A_411, %gather3A_611 : vector<16xf32>
          %add3A_617 = arith.addf %while3A_378, %mul3A_616 : vector<16xf32>
          %mul3A_618 = arith.mulf %mul3A_410, %gather3A_615 : vector<16xf32>
          %add3A_619 = arith.addf %add3A_617, %mul3A_618 : vector<16xf32>
          %add3A_620 = arith.constant 15 : i32
          %add3A_621 = vector.broadcast %add3A_620 : i32 to vector<16xi32>
          %add3A_622 = arith.addi %add3A_427, %add3A_621 : vector<16xi32>
          %gather3A_623 = tpu.vector_load_idx %arg5[%add3A_622] : memref<32000xf32, #tpu.memory_space<vmem>>[vector<16xi32>], vector<16xf32>,
          %add3A_624 = arith.constant 15 : i32
          %add3A_625 = vector.broadcast %add3A_624 : i32 to vector<16xi32>
          %add3A_626 = arith.addi %add3A_440, %add3A_625 : vector<16xi32>
          %gather3A_627 = tpu.vector_load_idx %arg5[%add3A_626] : memref<32000xf32, #tpu.memory_space<vmem>>[vector<16xi32>], vector<16xf32>,
          %mul3A_628 = arith.mulf %sub3A_411, %gather3A_623 : vector<16xf32>
          %add3A_629 = arith.addf %while3A_379, %mul3A_628 : vector<16xf32>
          %mul3A_630 = arith.mulf %mul3A_410, %gather3A_627 : vector<16xf32>
          %add3A_631 = arith.addf %add3A_629, %mul3A_630 : vector<16xf32>
          scf.yield %add3A_451, %add3A_463, %add3A_475, %add3A_487, %add3A_499, %add3A_511, %add3A_523, %add3A_535, %add3A_547, %add3A_559, %add3A_571, %add3A_583, %add3A_595, %add3A_607, %add3A_619, %add3A_631 : vector<16xf32>, vector<16xf32>, vector<16xf32>, vector<16xf32>, vector<16xf32>, vector<16xf32>, vector<16xf32>, vector<16xf32>, vector<16xf32>, vector<16xf32>, vector<16xf32>, vector<16xf32>, vector<16xf32>, vector<16xf32>, vector<16xf32>, vector<16xf32>
        }
        %mul3A_309 = arith.constant 0 : i32
        %mul3A_310 = vector.broadcast %mul3A_309 : i32 to vector<16xi32>
        %mul3A_311 = arith.muli %iota3A, %mul3A_310 : vector<16xi32>
        %add3A_312 = vector.broadcast %while3A_267 : i32 to vector<16xi32>
        %add3A_313 = arith.addi %mul3A_311, %add3A_312 : vector<16xi32>
        %add3A_314 = arith.constant 0 : i32
        %add3A_315 = vector.broadcast %add3A_314 : i32 to vector<16xi32>
        %add3A_316 = arith.addi %add3A_315, %iota3A : vector<16xi32>
        tpu.vector_store_idx %arg7[%add3A_316, %add3A_313], %while3A_308#0 : memref<256x209xf32, #tpu.memory_space<vmem>>[vector<16xi32>, vector<16xi32>], vector<16xf32>,
        %add3A_317 = arith.constant 16 : i32
        %add3A_318 = vector.broadcast %add3A_317 : i32 to vector<16xi32>
        %add3A_319 = arith.addi %add3A_318, %iota3A : vector<16xi32>
        tpu.vector_store_idx %arg7[%add3A_319, %add3A_313], %while3A_308#1 : memref<256x209xf32, #tpu.memory_space<vmem>>[vector<16xi32>, vector<16xi32>], vector<16xf32>,
        %add3A_320 = arith.constant 32 : i32
        %add3A_321 = vector.broadcast %add3A_320 : i32 to vector<16xi32>
        %add3A_322 = arith.addi %add3A_321, %iota3A : vector<16xi32>
        tpu.vector_store_idx %arg7[%add3A_322, %add3A_313], %while3A_308#2 : memref<256x209xf32, #tpu.memory_space<vmem>>[vector<16xi32>, vector<16xi32>], vector<16xf32>,
        %add3A_323 = arith.constant 48 : i32
        %add3A_324 = vector.broadcast %add3A_323 : i32 to vector<16xi32>
        %add3A_325 = arith.addi %add3A_324, %iota3A : vector<16xi32>
        tpu.vector_store_idx %arg7[%add3A_325, %add3A_313], %while3A_308#3 : memref<256x209xf32, #tpu.memory_space<vmem>>[vector<16xi32>, vector<16xi32>], vector<16xf32>,
        %add3A_326 = arith.constant 64 : i32
        %add3A_327 = vector.broadcast %add3A_326 : i32 to vector<16xi32>
        %add3A_328 = arith.addi %add3A_327, %iota3A : vector<16xi32>
        tpu.vector_store_idx %arg7[%add3A_328, %add3A_313], %while3A_308#4 : memref<256x209xf32, #tpu.memory_space<vmem>>[vector<16xi32>, vector<16xi32>], vector<16xf32>,
        %add3A_329 = arith.constant 80 : i32
        %add3A_330 = vector.broadcast %add3A_329 : i32 to vector<16xi32>
        %add3A_331 = arith.addi %add3A_330, %iota3A : vector<16xi32>
        tpu.vector_store_idx %arg7[%add3A_331, %add3A_313], %while3A_308#5 : memref<256x209xf32, #tpu.memory_space<vmem>>[vector<16xi32>, vector<16xi32>], vector<16xf32>,
        %add3A_332 = arith.constant 96 : i32
        %add3A_333 = vector.broadcast %add3A_332 : i32 to vector<16xi32>
        %add3A_334 = arith.addi %add3A_333, %iota3A : vector<16xi32>
        tpu.vector_store_idx %arg7[%add3A_334, %add3A_313], %while3A_308#6 : memref<256x209xf32, #tpu.memory_space<vmem>>[vector<16xi32>, vector<16xi32>], vector<16xf32>,
        %add3A_335 = arith.constant 112 : i32
        %add3A_336 = vector.broadcast %add3A_335 : i32 to vector<16xi32>
        %add3A_337 = arith.addi %add3A_336, %iota3A : vector<16xi32>
        tpu.vector_store_idx %arg7[%add3A_337, %add3A_313], %while3A_308#7 : memref<256x209xf32, #tpu.memory_space<vmem>>[vector<16xi32>, vector<16xi32>], vector<16xf32>,
        %add3A_338 = arith.constant 128 : i32
        %add3A_339 = vector.broadcast %add3A_338 : i32 to vector<16xi32>
        %add3A_340 = arith.addi %add3A_339, %iota3A : vector<16xi32>
        tpu.vector_store_idx %arg7[%add3A_340, %add3A_313], %while3A_308#8 : memref<256x209xf32, #tpu.memory_space<vmem>>[vector<16xi32>, vector<16xi32>], vector<16xf32>,
        %add3A_341 = arith.constant 144 : i32
        %add3A_342 = vector.broadcast %add3A_341 : i32 to vector<16xi32>
        %add3A_343 = arith.addi %add3A_342, %iota3A : vector<16xi32>
        tpu.vector_store_idx %arg7[%add3A_343, %add3A_313], %while3A_308#9 : memref<256x209xf32, #tpu.memory_space<vmem>>[vector<16xi32>, vector<16xi32>], vector<16xf32>,
        %add3A_344 = arith.constant 160 : i32
        %add3A_345 = vector.broadcast %add3A_344 : i32 to vector<16xi32>
        %add3A_346 = arith.addi %add3A_345, %iota3A : vector<16xi32>
        tpu.vector_store_idx %arg7[%add3A_346, %add3A_313], %while3A_308#10 : memref<256x209xf32, #tpu.memory_space<vmem>>[vector<16xi32>, vector<16xi32>], vector<16xf32>,
        %add3A_347 = arith.constant 176 : i32
        %add3A_348 = vector.broadcast %add3A_347 : i32 to vector<16xi32>
        %add3A_349 = arith.addi %add3A_348, %iota3A : vector<16xi32>
        tpu.vector_store_idx %arg7[%add3A_349, %add3A_313], %while3A_308#11 : memref<256x209xf32, #tpu.memory_space<vmem>>[vector<16xi32>, vector<16xi32>], vector<16xf32>,
        %add3A_350 = arith.constant 192 : i32
        %add3A_351 = vector.broadcast %add3A_350 : i32 to vector<16xi32>
        %add3A_352 = arith.addi %add3A_351, %iota3A : vector<16xi32>
        tpu.vector_store_idx %arg7[%add3A_352, %add3A_313], %while3A_308#12 : memref<256x209xf32, #tpu.memory_space<vmem>>[vector<16xi32>, vector<16xi32>], vector<16xf32>,
        %add3A_353 = arith.constant 208 : i32
        %add3A_354 = vector.broadcast %add3A_353 : i32 to vector<16xi32>
        %add3A_355 = arith.addi %add3A_354, %iota3A : vector<16xi32>
        tpu.vector_store_idx %arg7[%add3A_355, %add3A_313], %while3A_308#13 : memref<256x209xf32, #tpu.memory_space<vmem>>[vector<16xi32>, vector<16xi32>], vector<16xf32>,
        %add3A_356 = arith.constant 224 : i32
        %add3A_357 = vector.broadcast %add3A_356 : i32 to vector<16xi32>
        %add3A_358 = arith.addi %add3A_357, %iota3A : vector<16xi32>
        tpu.vector_store_idx %arg7[%add3A_358, %add3A_313], %while3A_308#14 : memref<256x209xf32, #tpu.memory_space<vmem>>[vector<16xi32>, vector<16xi32>], vector<16xf32>,
        %add3A_359 = arith.constant 240 : i32
        %add3A_360 = vector.broadcast %add3A_359 : i32 to vector<16xi32>
        %add3A_361 = arith.addi %add3A_360, %iota3A : vector<16xi32>
        tpu.vector_store_idx %arg7[%add3A_361, %add3A_313], %while3A_308#15 : memref<256x209xf32, #tpu.memory_space<vmem>>[vector<16xi32>, vector<16xi32>], vector<16xf32>,
        %while3A_362 = arith.constant 0 : i32
        scf.yield %while3A_362 : i32
      }
      %while3A_229 = arith.constant 1 : i32
      %while3A_230 = scf.for %while3A_267 = %while3A_226 to %while3A_222 step %while3A_229 iter_args(%while3A_268 = %while3A_228) -> (i32)  : i32 {
        %add3A_269 = arith.addi %while3A_267, %select_n3A_54 : i32
        %lt3A_270 = arith.constant 200 : i32
        %lt3A_271 = arith.cmpi slt, %add3A_269, %lt3A_270 : i32
        %convert_element_type3A_272 = arith.sitofp %while3A_267 : i32 to f32
        %add3A_273 = arith.constant 1.000000e+00 : f32
        %add3A_274 = arith.addf %convert_element_type3A_58, %add3A_273 : f32
        %mul3A_275 = arith.constant 5.000000e-01 : f32
        %mul3A_276 = arith.mulf %add3A_274, %mul3A_275 : f32
        %sub3A_277 = arith.subf %convert_element_type3A_272, %mul3A_276 : f32
        %jit3A_278 = arith.constant 0.000000e+00 : f32
        %select_n3A_279 = arith.select %lt3A_271, %sub3A_277, %jit3A_278 : f32
        %mul3A_280 = arith.constant 2.000000e+00 : f32
        %mul3A_281 = arith.mulf %mul3A_280, %convert_element_type3A_58 : f32
        %add3A_282 = arith.constant 1.000000e+00 : f32
        %add3A_283 = arith.addf %mul3A_281, %add3A_282 : f32
        %jit3A_284 = arith.constant 1.000000e+00 : f32
        %select_n3A_285 = arith.select %lt3A_271, %add3A_283, %jit3A_284 : f32
        %jit3A_286 = arith.constant 1 : i32
        %select_n3A_287 = arith.select %lt3A_271, %add3A_84, %jit3A_286 : i32
        %jit3A_288 = arith.constant 1.000000e+00 : f32
        %select_n3A_289 = arith.select %lt3A_271, %select_n3A_112, %jit3A_288 : f32
        %mul3A_290 = arith.constant 6.250000e-02 : f32
        %mul3A_291 = arith.mulf %select_n3A_285, %mul3A_290 : f32
        %mul3A_292 = arith.mulf %mul3A_291, %select_n3A_289 : f32
        %mul3A_293 = vector.broadcast %mul3A_291 : f32 to vector<16xf32>
        %mul3A_294 = arith.mulf %convert_element_type3A, %mul3A_293 : vector<16xf32>
        %add3A_295 = vector.broadcast %select_n3A_279 : f32 to vector<16xf32>
        %add3A_296 = arith.addf %add3A_295, %mul3A_294 : vector<16xf32>
        %broadcast_in_dim3A = arith.constant 0.000000e+00 : f32
        %broadcast_in_dim3A_297 = vector.broadcast %broadcast_in_dim3A : f32 to vector<16xf32>
        %while3A_298 = arith.constant 0 : i32
        %while3A_299 = arith.subi %select_n3A_287, %while3A_298 : i32
        %while3A_300 = arith.addi %while3A_298, %while3A_299 : i32
        %while3A_301 = arith.constant 1 : i32
        %while3A_302 = arith.divsi %while3A_299, %while3A_301 : i32
        %while3A_303 = arith.muli %while3A_302, %while3A_301 : i32
        %while3A_304 = arith.addi %while3A_298, %while3A_303 : i32
        %while3A_305 = arith.constant 1 : i32
        %while3A_306:16 = scf.for %while3A_363 = %while3A_298 to %while3A_304 step %while3A_305 iter_args(%while3A_364 = %broadcast_in_dim3A_297, %while3A_365 = %broadcast_in_dim3A_297, %while3A_366 = %broadcast_in_dim3A_297, %while3A_367 = %broadcast_in_dim3A_297, %while3A_368 = %broadcast_in_dim3A_297, %while3A_369 = %broadcast_in_dim3A_297, %while3A_370 = %broadcast_in_dim3A_297, %while3A_371 = %broadcast_in_dim3A_297, %while3A_372 = %broadcast_in_dim3A_297, %while3A_373 = %broadcast_in_dim3A_297, %while3A_374 = %broadcast_in_dim3A_297, %while3A_375 = %broadcast_in_dim3A_297, %while3A_376 = %broadcast_in_dim3A_297, %while3A_377 = %broadcast_in_dim3A_297, %while3A_378 = %broadcast_in_dim3A_297, %while3A_379 = %broadcast_in_dim3A_297) -> (vector<16xf32>, vector<16xf32>, vector<16xf32>, vector<16xf32>, vector<16xf32>, vector<16xf32>, vector<16xf32>, vector<16xf32>, vector<16xf32>, vector<16xf32>, vector<16xf32>, vector<16xf32>, vector<16xf32>, vector<16xf32>, vector<16xf32>, vector<16xf32>)  : i32 {
          %convert_element_type3A_380 = arith.sitofp %while3A_363 : i32 to f32
          %add3A_381 = arith.constant 5.000000e-01 : f32
          %add3A_382 = arith.addf %convert_element_type3A_380, %add3A_381 : f32
          %mul3A_383 = arith.mulf %add3A_382, %mul3A_292 : f32
          %add3A_384 = vector.broadcast %mul3A_383 : f32 to vector<16xf32>
          %add3A_385 = arith.addf %add3A_296, %add3A_384 : vector<16xf32>
          %ge3A = arith.constant -1.000000e+00 : f32
          %ge3A_386 = vector.broadcast %ge3A : f32 to vector<16xf32>
          %ge3A_387 = arith.cmpf oge, %add3A_385, %ge3A_386 : vector<16xf32>
          %le3A = arith.constant 2.000000e+02 : f32
          %le3A_388 = vector.broadcast %le3A : f32 to vector<16xf32>
          %le3A_389 = arith.cmpf ole, %add3A_385, %le3A_388 : vector<16xf32>
          %and3A_390 = arith.andi %ge3A_387, %le3A_389 : vector<16xi1>
          %max3A_391 = arith.constant 0.000000e+00 : f32
          %max3A_392 = vector.broadcast %max3A_391 : f32 to vector<16xf32>
          %max3A_393 = arith.maximumf %add3A_385, %max3A_392 : vector<16xf32>
          %convert_element_type3A_394 = arith.fptosi %max3A_393 : vector<16xf32> to vector<16xi32>
          %min3A_395 = arith.constant 199 : i32
          %min3A_396 = vector.broadcast %min3A_395 : i32 to vector<16xi32>
          %min3A_397 = arith.minsi %convert_element_type3A_394, %min3A_396 : vector<16xi32>
          %add3A_398 = arith.constant 1 : i32
          %add3A_399 = vector.broadcast %add3A_398 : i32 to vector<16xi32>
          %add3A_400 = arith.addi %min3A_397, %add3A_399 : vector<16xi32>
          %min3A_401 = arith.constant 199 : i32
          %min3A_402 = vector.broadcast %min3A_401 : i32 to vector<16xi32>
          %min3A_403 = arith.minsi %add3A_400, %min3A_402 : vector<16xi32>
          %convert_element_type3A_404 = arith.sitofp %min3A_397 : vector<16xi32> to vector<16xf32>
          %sub3A_405 = arith.subf %max3A_393, %convert_element_type3A_404 : vector<16xf32>
          %jit3A_406 = arith.constant 0.000000e+00 : f32
          %broadcast_in_dim3A_407 = vector.broadcast %select_n3A_289 : f32 to vector<16xf32>
          %broadcast_in_dim3A_408 = vector.broadcast %jit3A_406 : f32 to vector<16xf32>
          %select_n3A_409 = arith.select %and3A_390, %broadcast_in_dim3A_407, %broadcast_in_dim3A_408 : vector<16xi1>, vector<16xf32>
          %mul3A_410 = arith.mulf %sub3A_405, %select_n3A_409 : vector<16xf32>
          %sub3A_411 = arith.subf %select_n3A_409, %mul3A_410 : vector<16xf32>
          %add3A_412 = vector.broadcast %mul3A_116 : i32 to vector<16xi32>
          %add3A_413 = arith.addi %add3A_412, %min3A_397 : vector<16xi32>
          %add3A_414 = vector.broadcast %mul3A_116 : i32 to vector<16xi32>
          %add3A_415 = arith.addi %add3A_414, %min3A_403 : vector<16xi32>
          %mul3A_416 = arith.constant 80 : i32
          %mul3A_417 = vector.broadcast %mul3A_416 : i32 to vector<16xi32>
          %mul3A_418 = arith.muli %add3A_413, %mul3A_417 : vector<16xi32>
          %shift_right_arithmetic3A = arith.constant 2 : i32
          %shift_right_arithmetic3A_419 = vector.broadcast %shift_right_arithmetic3A : i32 to vector<16xi32>
          %shift_right_arithmetic3A_420 = arith.shrsi %add3A_413, %shift_right_arithmetic3A_419 : vector<16xi32>
          %add3A_421 = arith.addi %add3A_413, %shift_right_arithmetic3A_420 : vector<16xi32>
          %and3A_422 = arith.constant 15 : i32
          %and3A_423 = vector.broadcast %and3A_422 : i32 to vector<16xi32>
          %and3A_424 = arith.andi %add3A_421, %and3A_423 : vector<16xi32>
          %add3A_425 = arith.addi %mul3A_418, %and3A_424 : vector<16xi32>
          %add3A_426 = vector.broadcast %mul3A_114 : i32 to vector<16xi32>
          %add3A_427 = arith.addi %add3A_425, %add3A_426 : vector<16xi32>
          %mul3A_428 = arith.constant 80 : i32
          %mul3A_429 = vector.broadcast %mul3A_428 : i32 to vector<16xi32>
          %mul3A_430 = arith.muli %add3A_415, %mul3A_429 : vector<16xi32>
          %shift_right_arithmetic3A_431 = arith.constant 2 : i32
          %shift_right_arithmetic3A_432 = vector.broadcast %shift_right_arithmetic3A_431 : i32 to vector<16xi32>
          %shift_right_arithmetic3A_433 = arith.shrsi %add3A_415, %shift_right_arithmetic3A_432 : vector<16xi32>
          %add3A_434 = arith.addi %add3A_415, %shift_right_arithmetic3A_433 : vector<16xi32>
          %and3A_435 = arith.constant 15 : i32
          %and3A_436 = vector.broadcast %and3A_435 : i32 to vector<16xi32>
          %and3A_437 = arith.andi %add3A_434, %and3A_436 : vector<16xi32>
          %add3A_438 = arith.addi %mul3A_430, %and3A_437 : vector<16xi32>
          %add3A_439 = vector.broadcast %mul3A_114 : i32 to vector<16xi32>
          %add3A_440 = arith.addi %add3A_438, %add3A_439 : vector<16xi32>
          %add3A_441 = arith.constant 0 : i32
          %add3A_442 = vector.broadcast %add3A_441 : i32 to vector<16xi32>
          %add3A_443 = arith.addi %add3A_427, %add3A_442 : vector<16xi32>
          %gather3A = tpu.vector_load_idx %arg5[%add3A_443] : memref<32000xf32, #tpu.memory_space<vmem>>[vector<16xi32>], vector<16xf32>,
          %add3A_444 = arith.constant 0 : i32
          %add3A_445 = vector.broadcast %add3A_444 : i32 to vector<16xi32>
          %add3A_446 = arith.addi %add3A_440, %add3A_445 : vector<16xi32>
          %gather3A_447 = tpu.vector_load_idx %arg5[%add3A_446] : memref<32000xf32, #tpu.memory_space<vmem>>[vector<16xi32>], vector<16xf32>,
          %mul3A_448 = arith.mulf %sub3A_411, %gather3A : vector<16xf32>
          %add3A_449 = arith.addf %while3A_364, %mul3A_448 : vector<16xf32>
          %mul3A_450 = arith.mulf %mul3A_410, %gather3A_447 : vector<16xf32>
          %add3A_451 = arith.addf %add3A_449, %mul3A_450 : vector<16xf32>
          %add3A_452 = arith.constant 1 : i32
          %add3A_453 = vector.broadcast %add3A_452 : i32 to vector<16xi32>
          %add3A_454 = arith.addi %add3A_427, %add3A_453 : vector<16xi32>
          %gather3A_455 = tpu.vector_load_idx %arg5[%add3A_454] : memref<32000xf32, #tpu.memory_space<vmem>>[vector<16xi32>], vector<16xf32>,
          %add3A_456 = arith.constant 1 : i32
          %add3A_457 = vector.broadcast %add3A_456 : i32 to vector<16xi32>
          %add3A_458 = arith.addi %add3A_440, %add3A_457 : vector<16xi32>
          %gather3A_459 = tpu.vector_load_idx %arg5[%add3A_458] : memref<32000xf32, #tpu.memory_space<vmem>>[vector<16xi32>], vector<16xf32>,
          %mul3A_460 = arith.mulf %sub3A_411, %gather3A_455 : vector<16xf32>
          %add3A_461 = arith.addf %while3A_365, %mul3A_460 : vector<16xf32>
          %mul3A_462 = arith.mulf %mul3A_410, %gather3A_459 : vector<16xf32>
          %add3A_463 = arith.addf %add3A_461, %mul3A_462 : vector<16xf32>
          %add3A_464 = arith.constant 2 : i32
          %add3A_465 = vector.broadcast %add3A_464 : i32 to vector<16xi32>
          %add3A_466 = arith.addi %add3A_427, %add3A_465 : vector<16xi32>
          %gather3A_467 = tpu.vector_load_idx %arg5[%add3A_466] : memref<32000xf32, #tpu.memory_space<vmem>>[vector<16xi32>], vector<16xf32>,
          %add3A_468 = arith.constant 2 : i32
          %add3A_469 = vector.broadcast %add3A_468 : i32 to vector<16xi32>
          %add3A_470 = arith.addi %add3A_440, %add3A_469 : vector<16xi32>
          %gather3A_471 = tpu.vector_load_idx %arg5[%add3A_470] : memref<32000xf32, #tpu.memory_space<vmem>>[vector<16xi32>], vector<16xf32>,
          %mul3A_472 = arith.mulf %sub3A_411, %gather3A_467 : vector<16xf32>
          %add3A_473 = arith.addf %while3A_366, %mul3A_472 : vector<16xf32>
          %mul3A_474 = arith.mulf %mul3A_410, %gather3A_471 : vector<16xf32>
          %add3A_475 = arith.addf %add3A_473, %mul3A_474 : vector<16xf32>
          %add3A_476 = arith.constant 3 : i32
          %add3A_477 = vector.broadcast %add3A_476 : i32 to vector<16xi32>
          %add3A_478 = arith.addi %add3A_427, %add3A_477 : vector<16xi32>
          %gather3A_479 = tpu.vector_load_idx %arg5[%add3A_478] : memref<32000xf32, #tpu.memory_space<vmem>>[vector<16xi32>], vector<16xf32>,
          %add3A_480 = arith.constant 3 : i32
          %add3A_481 = vector.broadcast %add3A_480 : i32 to vector<16xi32>
          %add3A_482 = arith.addi %add3A_440, %add3A_481 : vector<16xi32>
          %gather3A_483 = tpu.vector_load_idx %arg5[%add3A_482] : memref<32000xf32, #tpu.memory_space<vmem>>[vector<16xi32>], vector<16xf32>,
          %mul3A_484 = arith.mulf %sub3A_411, %gather3A_479 : vector<16xf32>
          %add3A_485 = arith.addf %while3A_367, %mul3A_484 : vector<16xf32>
          %mul3A_486 = arith.mulf %mul3A_410, %gather3A_483 : vector<16xf32>
          %add3A_487 = arith.addf %add3A_485, %mul3A_486 : vector<16xf32>
          %add3A_488 = arith.constant 4 : i32
          %add3A_489 = vector.broadcast %add3A_488 : i32 to vector<16xi32>
          %add3A_490 = arith.addi %add3A_427, %add3A_489 : vector<16xi32>
          %gather3A_491 = tpu.vector_load_idx %arg5[%add3A_490] : memref<32000xf32, #tpu.memory_space<vmem>>[vector<16xi32>], vector<16xf32>,
          %add3A_492 = arith.constant 4 : i32
          %add3A_493 = vector.broadcast %add3A_492 : i32 to vector<16xi32>
          %add3A_494 = arith.addi %add3A_440, %add3A_493 : vector<16xi32>
          %gather3A_495 = tpu.vector_load_idx %arg5[%add3A_494] : memref<32000xf32, #tpu.memory_space<vmem>>[vector<16xi32>], vector<16xf32>,
          %mul3A_496 = arith.mulf %sub3A_411, %gather3A_491 : vector<16xf32>
          %add3A_497 = arith.addf %while3A_368, %mul3A_496 : vector<16xf32>
          %mul3A_498 = arith.mulf %mul3A_410, %gather3A_495 : vector<16xf32>
          %add3A_499 = arith.addf %add3A_497, %mul3A_498 : vector<16xf32>
          %add3A_500 = arith.constant 5 : i32
          %add3A_501 = vector.broadcast %add3A_500 : i32 to vector<16xi32>
          %add3A_502 = arith.addi %add3A_427, %add3A_501 : vector<16xi32>
          %gather3A_503 = tpu.vector_load_idx %arg5[%add3A_502] : memref<32000xf32, #tpu.memory_space<vmem>>[vector<16xi32>], vector<16xf32>,
          %add3A_504 = arith.constant 5 : i32
          %add3A_505 = vector.broadcast %add3A_504 : i32 to vector<16xi32>
          %add3A_506 = arith.addi %add3A_440, %add3A_505 : vector<16xi32>
          %gather3A_507 = tpu.vector_load_idx %arg5[%add3A_506] : memref<32000xf32, #tpu.memory_space<vmem>>[vector<16xi32>], vector<16xf32>,
          %mul3A_508 = arith.mulf %sub3A_411, %gather3A_503 : vector<16xf32>
          %add3A_509 = arith.addf %while3A_369, %mul3A_508 : vector<16xf32>
          %mul3A_510 = arith.mulf %mul3A_410, %gather3A_507 : vector<16xf32>
          %add3A_511 = arith.addf %add3A_509, %mul3A_510 : vector<16xf32>
          %add3A_512 = arith.constant 6 : i32
          %add3A_513 = vector.broadcast %add3A_512 : i32 to vector<16xi32>
          %add3A_514 = arith.addi %add3A_427, %add3A_513 : vector<16xi32>
          %gather3A_515 = tpu.vector_load_idx %arg5[%add3A_514] : memref<32000xf32, #tpu.memory_space<vmem>>[vector<16xi32>], vector<16xf32>,
          %add3A_516 = arith.constant 6 : i32
          %add3A_517 = vector.broadcast %add3A_516 : i32 to vector<16xi32>
          %add3A_518 = arith.addi %add3A_440, %add3A_517 : vector<16xi32>
          %gather3A_519 = tpu.vector_load_idx %arg5[%add3A_518] : memref<32000xf32, #tpu.memory_space<vmem>>[vector<16xi32>], vector<16xf32>,
          %mul3A_520 = arith.mulf %sub3A_411, %gather3A_515 : vector<16xf32>
          %add3A_521 = arith.addf %while3A_370, %mul3A_520 : vector<16xf32>
          %mul3A_522 = arith.mulf %mul3A_410, %gather3A_519 : vector<16xf32>
          %add3A_523 = arith.addf %add3A_521, %mul3A_522 : vector<16xf32>
          %add3A_524 = arith.constant 7 : i32
          %add3A_525 = vector.broadcast %add3A_524 : i32 to vector<16xi32>
          %add3A_526 = arith.addi %add3A_427, %add3A_525 : vector<16xi32>
          %gather3A_527 = tpu.vector_load_idx %arg5[%add3A_526] : memref<32000xf32, #tpu.memory_space<vmem>>[vector<16xi32>], vector<16xf32>,
          %add3A_528 = arith.constant 7 : i32
          %add3A_529 = vector.broadcast %add3A_528 : i32 to vector<16xi32>
          %add3A_530 = arith.addi %add3A_440, %add3A_529 : vector<16xi32>
          %gather3A_531 = tpu.vector_load_idx %arg5[%add3A_530] : memref<32000xf32, #tpu.memory_space<vmem>>[vector<16xi32>], vector<16xf32>,
          %mul3A_532 = arith.mulf %sub3A_411, %gather3A_527 : vector<16xf32>
          %add3A_533 = arith.addf %while3A_371, %mul3A_532 : vector<16xf32>
          %mul3A_534 = arith.mulf %mul3A_410, %gather3A_531 : vector<16xf32>
          %add3A_535 = arith.addf %add3A_533, %mul3A_534 : vector<16xf32>
          %add3A_536 = arith.constant 8 : i32
          %add3A_537 = vector.broadcast %add3A_536 : i32 to vector<16xi32>
          %add3A_538 = arith.addi %add3A_427, %add3A_537 : vector<16xi32>
          %gather3A_539 = tpu.vector_load_idx %arg5[%add3A_538] : memref<32000xf32, #tpu.memory_space<vmem>>[vector<16xi32>], vector<16xf32>,
          %add3A_540 = arith.constant 8 : i32
          %add3A_541 = vector.broadcast %add3A_540 : i32 to vector<16xi32>
          %add3A_542 = arith.addi %add3A_440, %add3A_541 : vector<16xi32>
          %gather3A_543 = tpu.vector_load_idx %arg5[%add3A_542] : memref<32000xf32, #tpu.memory_space<vmem>>[vector<16xi32>], vector<16xf32>,
          %mul3A_544 = arith.mulf %sub3A_411, %gather3A_539 : vector<16xf32>
          %add3A_545 = arith.addf %while3A_372, %mul3A_544 : vector<16xf32>
          %mul3A_546 = arith.mulf %mul3A_410, %gather3A_543 : vector<16xf32>
          %add3A_547 = arith.addf %add3A_545, %mul3A_546 : vector<16xf32>
          %add3A_548 = arith.constant 9 : i32
          %add3A_549 = vector.broadcast %add3A_548 : i32 to vector<16xi32>
          %add3A_550 = arith.addi %add3A_427, %add3A_549 : vector<16xi32>
          %gather3A_551 = tpu.vector_load_idx %arg5[%add3A_550] : memref<32000xf32, #tpu.memory_space<vmem>>[vector<16xi32>], vector<16xf32>,
          %add3A_552 = arith.constant 9 : i32
          %add3A_553 = vector.broadcast %add3A_552 : i32 to vector<16xi32>
          %add3A_554 = arith.addi %add3A_440, %add3A_553 : vector<16xi32>
          %gather3A_555 = tpu.vector_load_idx %arg5[%add3A_554] : memref<32000xf32, #tpu.memory_space<vmem>>[vector<16xi32>], vector<16xf32>,
          %mul3A_556 = arith.mulf %sub3A_411, %gather3A_551 : vector<16xf32>
          %add3A_557 = arith.addf %while3A_373, %mul3A_556 : vector<16xf32>
          %mul3A_558 = arith.mulf %mul3A_410, %gather3A_555 : vector<16xf32>
          %add3A_559 = arith.addf %add3A_557, %mul3A_558 : vector<16xf32>
          %add3A_560 = arith.constant 10 : i32
          %add3A_561 = vector.broadcast %add3A_560 : i32 to vector<16xi32>
          %add3A_562 = arith.addi %add3A_427, %add3A_561 : vector<16xi32>
          %gather3A_563 = tpu.vector_load_idx %arg5[%add3A_562] : memref<32000xf32, #tpu.memory_space<vmem>>[vector<16xi32>], vector<16xf32>,
          %add3A_564 = arith.constant 10 : i32
          %add3A_565 = vector.broadcast %add3A_564 : i32 to vector<16xi32>
          %add3A_566 = arith.addi %add3A_440, %add3A_565 : vector<16xi32>
          %gather3A_567 = tpu.vector_load_idx %arg5[%add3A_566] : memref<32000xf32, #tpu.memory_space<vmem>>[vector<16xi32>], vector<16xf32>,
          %mul3A_568 = arith.mulf %sub3A_411, %gather3A_563 : vector<16xf32>
          %add3A_569 = arith.addf %while3A_374, %mul3A_568 : vector<16xf32>
          %mul3A_570 = arith.mulf %mul3A_410, %gather3A_567 : vector<16xf32>
          %add3A_571 = arith.addf %add3A_569, %mul3A_570 : vector<16xf32>
          %add3A_572 = arith.constant 11 : i32
          %add3A_573 = vector.broadcast %add3A_572 : i32 to vector<16xi32>
          %add3A_574 = arith.addi %add3A_427, %add3A_573 : vector<16xi32>
          %gather3A_575 = tpu.vector_load_idx %arg5[%add3A_574] : memref<32000xf32, #tpu.memory_space<vmem>>[vector<16xi32>], vector<16xf32>,
          %add3A_576 = arith.constant 11 : i32
          %add3A_577 = vector.broadcast %add3A_576 : i32 to vector<16xi32>
          %add3A_578 = arith.addi %add3A_440, %add3A_577 : vector<16xi32>
          %gather3A_579 = tpu.vector_load_idx %arg5[%add3A_578] : memref<32000xf32, #tpu.memory_space<vmem>>[vector<16xi32>], vector<16xf32>,
          %mul3A_580 = arith.mulf %sub3A_411, %gather3A_575 : vector<16xf32>
          %add3A_581 = arith.addf %while3A_375, %mul3A_580 : vector<16xf32>
          %mul3A_582 = arith.mulf %mul3A_410, %gather3A_579 : vector<16xf32>
          %add3A_583 = arith.addf %add3A_581, %mul3A_582 : vector<16xf32>
          %add3A_584 = arith.constant 12 : i32
          %add3A_585 = vector.broadcast %add3A_584 : i32 to vector<16xi32>
          %add3A_586 = arith.addi %add3A_427, %add3A_585 : vector<16xi32>
          %gather3A_587 = tpu.vector_load_idx %arg5[%add3A_586] : memref<32000xf32, #tpu.memory_space<vmem>>[vector<16xi32>], vector<16xf32>,
          %add3A_588 = arith.constant 12 : i32
          %add3A_589 = vector.broadcast %add3A_588 : i32 to vector<16xi32>
          %add3A_590 = arith.addi %add3A_440, %add3A_589 : vector<16xi32>
          %gather3A_591 = tpu.vector_load_idx %arg5[%add3A_590] : memref<32000xf32, #tpu.memory_space<vmem>>[vector<16xi32>], vector<16xf32>,
          %mul3A_592 = arith.mulf %sub3A_411, %gather3A_587 : vector<16xf32>
          %add3A_593 = arith.addf %while3A_376, %mul3A_592 : vector<16xf32>
          %mul3A_594 = arith.mulf %mul3A_410, %gather3A_591 : vector<16xf32>
          %add3A_595 = arith.addf %add3A_593, %mul3A_594 : vector<16xf32>
          %add3A_596 = arith.constant 13 : i32
          %add3A_597 = vector.broadcast %add3A_596 : i32 to vector<16xi32>
          %add3A_598 = arith.addi %add3A_427, %add3A_597 : vector<16xi32>
          %gather3A_599 = tpu.vector_load_idx %arg5[%add3A_598] : memref<32000xf32, #tpu.memory_space<vmem>>[vector<16xi32>], vector<16xf32>,
          %add3A_600 = arith.constant 13 : i32
          %add3A_601 = vector.broadcast %add3A_600 : i32 to vector<16xi32>
          %add3A_602 = arith.addi %add3A_440, %add3A_601 : vector<16xi32>
          %gather3A_603 = tpu.vector_load_idx %arg5[%add3A_602] : memref<32000xf32, #tpu.memory_space<vmem>>[vector<16xi32>], vector<16xf32>,
          %mul3A_604 = arith.mulf %sub3A_411, %gather3A_599 : vector<16xf32>
          %add3A_605 = arith.addf %while3A_377, %mul3A_604 : vector<16xf32>
          %mul3A_606 = arith.mulf %mul3A_410, %gather3A_603 : vector<16xf32>
          %add3A_607 = arith.addf %add3A_605, %mul3A_606 : vector<16xf32>
          %add3A_608 = arith.constant 14 : i32
          %add3A_609 = vector.broadcast %add3A_608 : i32 to vector<16xi32>
          %add3A_610 = arith.addi %add3A_427, %add3A_609 : vector<16xi32>
          %gather3A_611 = tpu.vector_load_idx %arg5[%add3A_610] : memref<32000xf32, #tpu.memory_space<vmem>>[vector<16xi32>], vector<16xf32>,
          %add3A_612 = arith.constant 14 : i32
          %add3A_613 = vector.broadcast %add3A_612 : i32 to vector<16xi32>
          %add3A_614 = arith.addi %add3A_440, %add3A_613 : vector<16xi32>
          %gather3A_615 = tpu.vector_load_idx %arg5[%add3A_614] : memref<32000xf32, #tpu.memory_space<vmem>>[vector<16xi32>], vector<16xf32>,
          %mul3A_616 = arith.mulf %sub3A_411, %gather3A_611 : vector<16xf32>
          %add3A_617 = arith.addf %while3A_378, %mul3A_616 : vector<16xf32>
          %mul3A_618 = arith.mulf %mul3A_410, %gather3A_615 : vector<16xf32>
          %add3A_619 = arith.addf %add3A_617, %mul3A_618 : vector<16xf32>
          %add3A_620 = arith.constant 15 : i32
          %add3A_621 = vector.broadcast %add3A_620 : i32 to vector<16xi32>
          %add3A_622 = arith.addi %add3A_427, %add3A_621 : vector<16xi32>
          %gather3A_623 = tpu.vector_load_idx %arg5[%add3A_622] : memref<32000xf32, #tpu.memory_space<vmem>>[vector<16xi32>], vector<16xf32>,
          %add3A_624 = arith.constant 15 : i32
          %add3A_625 = vector.broadcast %add3A_624 : i32 to vector<16xi32>
          %add3A_626 = arith.addi %add3A_440, %add3A_625 : vector<16xi32>
          %gather3A_627 = tpu.vector_load_idx %arg5[%add3A_626] : memref<32000xf32, #tpu.memory_space<vmem>>[vector<16xi32>], vector<16xf32>,
          %mul3A_628 = arith.mulf %sub3A_411, %gather3A_623 : vector<16xf32>
          %add3A_629 = arith.addf %while3A_379, %mul3A_628 : vector<16xf32>
          %mul3A_630 = arith.mulf %mul3A_410, %gather3A_627 : vector<16xf32>
          %add3A_631 = arith.addf %add3A_629, %mul3A_630 : vector<16xf32>
          scf.yield %add3A_451, %add3A_463, %add3A_475, %add3A_487, %add3A_499, %add3A_511, %add3A_523, %add3A_535, %add3A_547, %add3A_559, %add3A_571, %add3A_583, %add3A_595, %add3A_607, %add3A_619, %add3A_631 : vector<16xf32>, vector<16xf32>, vector<16xf32>, vector<16xf32>, vector<16xf32>, vector<16xf32>, vector<16xf32>, vector<16xf32>, vector<16xf32>, vector<16xf32>, vector<16xf32>, vector<16xf32>, vector<16xf32>, vector<16xf32>, vector<16xf32>, vector<16xf32>
        }
        %while3A_307 = arith.constant 1 : i32
        %while3A_308:16 = scf.for %while3A_363 = %while3A_304 to %while3A_300 step %while3A_307 iter_args(%while3A_364 = %while3A_306#0, %while3A_365 = %while3A_306#1, %while3A_366 = %while3A_306#2, %while3A_367 = %while3A_306#3, %while3A_368 = %while3A_306#4, %while3A_369 = %while3A_306#5, %while3A_370 = %while3A_306#6, %while3A_371 = %while3A_306#7, %while3A_372 = %while3A_306#8, %while3A_373 = %while3A_306#9, %while3A_374 = %while3A_306#10, %while3A_375 = %while3A_306#11, %while3A_376 = %while3A_306#12, %while3A_377 = %while3A_306#13, %while3A_378 = %while3A_306#14, %while3A_379 = %while3A_306#15) -> (vector<16xf32>, vector<16xf32>, vector<16xf32>, vector<16xf32>, vector<16xf32>, vector<16xf32>, vector<16xf32>, vector<16xf32>, vector<16xf32>, vector<16xf32>, vector<16xf32>, vector<16xf32>, vector<16xf32>, vector<16xf32>, vector<16xf32>, vector<16xf32>)  : i32 {
          %convert_element_type3A_380 = arith.sitofp %while3A_363 : i32 to f32
          %add3A_381 = arith.constant 5.000000e-01 : f32
          %add3A_382 = arith.addf %convert_element_type3A_380, %add3A_381 : f32
          %mul3A_383 = arith.mulf %add3A_382, %mul3A_292 : f32
          %add3A_384 = vector.broadcast %mul3A_383 : f32 to vector<16xf32>
          %add3A_385 = arith.addf %add3A_296, %add3A_384 : vector<16xf32>
          %ge3A = arith.constant -1.000000e+00 : f32
          %ge3A_386 = vector.broadcast %ge3A : f32 to vector<16xf32>
          %ge3A_387 = arith.cmpf oge, %add3A_385, %ge3A_386 : vector<16xf32>
          %le3A = arith.constant 2.000000e+02 : f32
          %le3A_388 = vector.broadcast %le3A : f32 to vector<16xf32>
          %le3A_389 = arith.cmpf ole, %add3A_385, %le3A_388 : vector<16xf32>
          %and3A_390 = arith.andi %ge3A_387, %le3A_389 : vector<16xi1>
          %max3A_391 = arith.constant 0.000000e+00 : f32
          %max3A_392 = vector.broadcast %max3A_391 : f32 to vector<16xf32>
          %max3A_393 = arith.maximumf %add3A_385, %max3A_392 : vector<16xf32>
          %convert_element_type3A_394 = arith.fptosi %max3A_393 : vector<16xf32> to vector<16xi32>
          %min3A_395 = arith.constant 199 : i32
          %min3A_396 = vector.broadcast %min3A_395 : i32 to vector<16xi32>
          %min3A_397 = arith.minsi %convert_element_type3A_394, %min3A_396 : vector<16xi32>
          %add3A_398 = arith.constant 1 : i32
          %add3A_399 = vector.broadcast %add3A_398 : i32 to vector<16xi32>
          %add3A_400 = arith.addi %min3A_397, %add3A_399 : vector<16xi32>
          %min3A_401 = arith.constant 199 : i32
          %min3A_402 = vector.broadcast %min3A_401 : i32 to vector<16xi32>
          %min3A_403 = arith.minsi %add3A_400, %min3A_402 : vector<16xi32>
          %convert_element_type3A_404 = arith.sitofp %min3A_397 : vector<16xi32> to vector<16xf32>
          %sub3A_405 = arith.subf %max3A_393, %convert_element_type3A_404 : vector<16xf32>
          %jit3A_406 = arith.constant 0.000000e+00 : f32
          %broadcast_in_dim3A_407 = vector.broadcast %select_n3A_289 : f32 to vector<16xf32>
          %broadcast_in_dim3A_408 = vector.broadcast %jit3A_406 : f32 to vector<16xf32>
          %select_n3A_409 = arith.select %and3A_390, %broadcast_in_dim3A_407, %broadcast_in_dim3A_408 : vector<16xi1>, vector<16xf32>
          %mul3A_410 = arith.mulf %sub3A_405, %select_n3A_409 : vector<16xf32>
          %sub3A_411 = arith.subf %select_n3A_409, %mul3A_410 : vector<16xf32>
          %add3A_412 = vector.broadcast %mul3A_116 : i32 to vector<16xi32>
          %add3A_413 = arith.addi %add3A_412, %min3A_397 : vector<16xi32>
          %add3A_414 = vector.broadcast %mul3A_116 : i32 to vector<16xi32>
          %add3A_415 = arith.addi %add3A_414, %min3A_403 : vector<16xi32>
          %mul3A_416 = arith.constant 80 : i32
          %mul3A_417 = vector.broadcast %mul3A_416 : i32 to vector<16xi32>
          %mul3A_418 = arith.muli %add3A_413, %mul3A_417 : vector<16xi32>
          %shift_right_arithmetic3A = arith.constant 2 : i32
          %shift_right_arithmetic3A_419 = vector.broadcast %shift_right_arithmetic3A : i32 to vector<16xi32>
          %shift_right_arithmetic3A_420 = arith.shrsi %add3A_413, %shift_right_arithmetic3A_419 : vector<16xi32>
          %add3A_421 = arith.addi %add3A_413, %shift_right_arithmetic3A_420 : vector<16xi32>
          %and3A_422 = arith.constant 15 : i32
          %and3A_423 = vector.broadcast %and3A_422 : i32 to vector<16xi32>
          %and3A_424 = arith.andi %add3A_421, %and3A_423 : vector<16xi32>
          %add3A_425 = arith.addi %mul3A_418, %and3A_424 : vector<16xi32>
          %add3A_426 = vector.broadcast %mul3A_114 : i32 to vector<16xi32>
          %add3A_427 = arith.addi %add3A_425, %add3A_426 : vector<16xi32>
          %mul3A_428 = arith.constant 80 : i32
          %mul3A_429 = vector.broadcast %mul3A_428 : i32 to vector<16xi32>
          %mul3A_430 = arith.muli %add3A_415, %mul3A_429 : vector<16xi32>
          %shift_right_arithmetic3A_431 = arith.constant 2 : i32
          %shift_right_arithmetic3A_432 = vector.broadcast %shift_right_arithmetic3A_431 : i32 to vector<16xi32>
          %shift_right_arithmetic3A_433 = arith.shrsi %add3A_415, %shift_right_arithmetic3A_432 : vector<16xi32>
          %add3A_434 = arith.addi %add3A_415, %shift_right_arithmetic3A_433 : vector<16xi32>
          %and3A_435 = arith.constant 15 : i32
          %and3A_436 = vector.broadcast %and3A_435 : i32 to vector<16xi32>
          %and3A_437 = arith.andi %add3A_434, %and3A_436 : vector<16xi32>
          %add3A_438 = arith.addi %mul3A_430, %and3A_437 : vector<16xi32>
          %add3A_439 = vector.broadcast %mul3A_114 : i32 to vector<16xi32>
          %add3A_440 = arith.addi %add3A_438, %add3A_439 : vector<16xi32>
          %add3A_441 = arith.constant 0 : i32
          %add3A_442 = vector.broadcast %add3A_441 : i32 to vector<16xi32>
          %add3A_443 = arith.addi %add3A_427, %add3A_442 : vector<16xi32>
          %gather3A = tpu.vector_load_idx %arg5[%add3A_443] : memref<32000xf32, #tpu.memory_space<vmem>>[vector<16xi32>], vector<16xf32>,
          %add3A_444 = arith.constant 0 : i32
          %add3A_445 = vector.broadcast %add3A_444 : i32 to vector<16xi32>
          %add3A_446 = arith.addi %add3A_440, %add3A_445 : vector<16xi32>
          %gather3A_447 = tpu.vector_load_idx %arg5[%add3A_446] : memref<32000xf32, #tpu.memory_space<vmem>>[vector<16xi32>], vector<16xf32>,
          %mul3A_448 = arith.mulf %sub3A_411, %gather3A : vector<16xf32>
          %add3A_449 = arith.addf %while3A_364, %mul3A_448 : vector<16xf32>
          %mul3A_450 = arith.mulf %mul3A_410, %gather3A_447 : vector<16xf32>
          %add3A_451 = arith.addf %add3A_449, %mul3A_450 : vector<16xf32>
          %add3A_452 = arith.constant 1 : i32
          %add3A_453 = vector.broadcast %add3A_452 : i32 to vector<16xi32>
          %add3A_454 = arith.addi %add3A_427, %add3A_453 : vector<16xi32>
          %gather3A_455 = tpu.vector_load_idx %arg5[%add3A_454] : memref<32000xf32, #tpu.memory_space<vmem>>[vector<16xi32>], vector<16xf32>,
          %add3A_456 = arith.constant 1 : i32
          %add3A_457 = vector.broadcast %add3A_456 : i32 to vector<16xi32>
          %add3A_458 = arith.addi %add3A_440, %add3A_457 : vector<16xi32>
          %gather3A_459 = tpu.vector_load_idx %arg5[%add3A_458] : memref<32000xf32, #tpu.memory_space<vmem>>[vector<16xi32>], vector<16xf32>,
          %mul3A_460 = arith.mulf %sub3A_411, %gather3A_455 : vector<16xf32>
          %add3A_461 = arith.addf %while3A_365, %mul3A_460 : vector<16xf32>
          %mul3A_462 = arith.mulf %mul3A_410, %gather3A_459 : vector<16xf32>
          %add3A_463 = arith.addf %add3A_461, %mul3A_462 : vector<16xf32>
          %add3A_464 = arith.constant 2 : i32
          %add3A_465 = vector.broadcast %add3A_464 : i32 to vector<16xi32>
          %add3A_466 = arith.addi %add3A_427, %add3A_465 : vector<16xi32>
          %gather3A_467 = tpu.vector_load_idx %arg5[%add3A_466] : memref<32000xf32, #tpu.memory_space<vmem>>[vector<16xi32>], vector<16xf32>,
          %add3A_468 = arith.constant 2 : i32
          %add3A_469 = vector.broadcast %add3A_468 : i32 to vector<16xi32>
          %add3A_470 = arith.addi %add3A_440, %add3A_469 : vector<16xi32>
          %gather3A_471 = tpu.vector_load_idx %arg5[%add3A_470] : memref<32000xf32, #tpu.memory_space<vmem>>[vector<16xi32>], vector<16xf32>,
          %mul3A_472 = arith.mulf %sub3A_411, %gather3A_467 : vector<16xf32>
          %add3A_473 = arith.addf %while3A_366, %mul3A_472 : vector<16xf32>
          %mul3A_474 = arith.mulf %mul3A_410, %gather3A_471 : vector<16xf32>
          %add3A_475 = arith.addf %add3A_473, %mul3A_474 : vector<16xf32>
          %add3A_476 = arith.constant 3 : i32
          %add3A_477 = vector.broadcast %add3A_476 : i32 to vector<16xi32>
          %add3A_478 = arith.addi %add3A_427, %add3A_477 : vector<16xi32>
          %gather3A_479 = tpu.vector_load_idx %arg5[%add3A_478] : memref<32000xf32, #tpu.memory_space<vmem>>[vector<16xi32>], vector<16xf32>,
          %add3A_480 = arith.constant 3 : i32
          %add3A_481 = vector.broadcast %add3A_480 : i32 to vector<16xi32>
          %add3A_482 = arith.addi %add3A_440, %add3A_481 : vector<16xi32>
          %gather3A_483 = tpu.vector_load_idx %arg5[%add3A_482] : memref<32000xf32, #tpu.memory_space<vmem>>[vector<16xi32>], vector<16xf32>,
          %mul3A_484 = arith.mulf %sub3A_411, %gather3A_479 : vector<16xf32>
          %add3A_485 = arith.addf %while3A_367, %mul3A_484 : vector<16xf32>
          %mul3A_486 = arith.mulf %mul3A_410, %gather3A_483 : vector<16xf32>
          %add3A_487 = arith.addf %add3A_485, %mul3A_486 : vector<16xf32>
          %add3A_488 = arith.constant 4 : i32
          %add3A_489 = vector.broadcast %add3A_488 : i32 to vector<16xi32>
          %add3A_490 = arith.addi %add3A_427, %add3A_489 : vector<16xi32>
          %gather3A_491 = tpu.vector_load_idx %arg5[%add3A_490] : memref<32000xf32, #tpu.memory_space<vmem>>[vector<16xi32>], vector<16xf32>,
          %add3A_492 = arith.constant 4 : i32
          %add3A_493 = vector.broadcast %add3A_492 : i32 to vector<16xi32>
          %add3A_494 = arith.addi %add3A_440, %add3A_493 : vector<16xi32>
          %gather3A_495 = tpu.vector_load_idx %arg5[%add3A_494] : memref<32000xf32, #tpu.memory_space<vmem>>[vector<16xi32>], vector<16xf32>,
          %mul3A_496 = arith.mulf %sub3A_411, %gather3A_491 : vector<16xf32>
          %add3A_497 = arith.addf %while3A_368, %mul3A_496 : vector<16xf32>
          %mul3A_498 = arith.mulf %mul3A_410, %gather3A_495 : vector<16xf32>
          %add3A_499 = arith.addf %add3A_497, %mul3A_498 : vector<16xf32>
          %add3A_500 = arith.constant 5 : i32
          %add3A_501 = vector.broadcast %add3A_500 : i32 to vector<16xi32>
          %add3A_502 = arith.addi %add3A_427, %add3A_501 : vector<16xi32>
          %gather3A_503 = tpu.vector_load_idx %arg5[%add3A_502] : memref<32000xf32, #tpu.memory_space<vmem>>[vector<16xi32>], vector<16xf32>,
          %add3A_504 = arith.constant 5 : i32
          %add3A_505 = vector.broadcast %add3A_504 : i32 to vector<16xi32>
          %add3A_506 = arith.addi %add3A_440, %add3A_505 : vector<16xi32>
          %gather3A_507 = tpu.vector_load_idx %arg5[%add3A_506] : memref<32000xf32, #tpu.memory_space<vmem>>[vector<16xi32>], vector<16xf32>,
          %mul3A_508 = arith.mulf %sub3A_411, %gather3A_503 : vector<16xf32>
          %add3A_509 = arith.addf %while3A_369, %mul3A_508 : vector<16xf32>
          %mul3A_510 = arith.mulf %mul3A_410, %gather3A_507 : vector<16xf32>
          %add3A_511 = arith.addf %add3A_509, %mul3A_510 : vector<16xf32>
          %add3A_512 = arith.constant 6 : i32
          %add3A_513 = vector.broadcast %add3A_512 : i32 to vector<16xi32>
          %add3A_514 = arith.addi %add3A_427, %add3A_513 : vector<16xi32>
          %gather3A_515 = tpu.vector_load_idx %arg5[%add3A_514] : memref<32000xf32, #tpu.memory_space<vmem>>[vector<16xi32>], vector<16xf32>,
          %add3A_516 = arith.constant 6 : i32
          %add3A_517 = vector.broadcast %add3A_516 : i32 to vector<16xi32>
          %add3A_518 = arith.addi %add3A_440, %add3A_517 : vector<16xi32>
          %gather3A_519 = tpu.vector_load_idx %arg5[%add3A_518] : memref<32000xf32, #tpu.memory_space<vmem>>[vector<16xi32>], vector<16xf32>,
          %mul3A_520 = arith.mulf %sub3A_411, %gather3A_515 : vector<16xf32>
          %add3A_521 = arith.addf %while3A_370, %mul3A_520 : vector<16xf32>
          %mul3A_522 = arith.mulf %mul3A_410, %gather3A_519 : vector<16xf32>
          %add3A_523 = arith.addf %add3A_521, %mul3A_522 : vector<16xf32>
          %add3A_524 = arith.constant 7 : i32
          %add3A_525 = vector.broadcast %add3A_524 : i32 to vector<16xi32>
          %add3A_526 = arith.addi %add3A_427, %add3A_525 : vector<16xi32>
          %gather3A_527 = tpu.vector_load_idx %arg5[%add3A_526] : memref<32000xf32, #tpu.memory_space<vmem>>[vector<16xi32>], vector<16xf32>,
          %add3A_528 = arith.constant 7 : i32
          %add3A_529 = vector.broadcast %add3A_528 : i32 to vector<16xi32>
          %add3A_530 = arith.addi %add3A_440, %add3A_529 : vector<16xi32>
          %gather3A_531 = tpu.vector_load_idx %arg5[%add3A_530] : memref<32000xf32, #tpu.memory_space<vmem>>[vector<16xi32>], vector<16xf32>,
          %mul3A_532 = arith.mulf %sub3A_411, %gather3A_527 : vector<16xf32>
          %add3A_533 = arith.addf %while3A_371, %mul3A_532 : vector<16xf32>
          %mul3A_534 = arith.mulf %mul3A_410, %gather3A_531 : vector<16xf32>
          %add3A_535 = arith.addf %add3A_533, %mul3A_534 : vector<16xf32>
          %add3A_536 = arith.constant 8 : i32
          %add3A_537 = vector.broadcast %add3A_536 : i32 to vector<16xi32>
          %add3A_538 = arith.addi %add3A_427, %add3A_537 : vector<16xi32>
          %gather3A_539 = tpu.vector_load_idx %arg5[%add3A_538] : memref<32000xf32, #tpu.memory_space<vmem>>[vector<16xi32>], vector<16xf32>,
          %add3A_540 = arith.constant 8 : i32
          %add3A_541 = vector.broadcast %add3A_540 : i32 to vector<16xi32>
          %add3A_542 = arith.addi %add3A_440, %add3A_541 : vector<16xi32>
          %gather3A_543 = tpu.vector_load_idx %arg5[%add3A_542] : memref<32000xf32, #tpu.memory_space<vmem>>[vector<16xi32>], vector<16xf32>,
          %mul3A_544 = arith.mulf %sub3A_411, %gather3A_539 : vector<16xf32>
          %add3A_545 = arith.addf %while3A_372, %mul3A_544 : vector<16xf32>
          %mul3A_546 = arith.mulf %mul3A_410, %gather3A_543 : vector<16xf32>
          %add3A_547 = arith.addf %add3A_545, %mul3A_546 : vector<16xf32>
          %add3A_548 = arith.constant 9 : i32
          %add3A_549 = vector.broadcast %add3A_548 : i32 to vector<16xi32>
          %add3A_550 = arith.addi %add3A_427, %add3A_549 : vector<16xi32>
          %gather3A_551 = tpu.vector_load_idx %arg5[%add3A_550] : memref<32000xf32, #tpu.memory_space<vmem>>[vector<16xi32>], vector<16xf32>,
          %add3A_552 = arith.constant 9 : i32
          %add3A_553 = vector.broadcast %add3A_552 : i32 to vector<16xi32>
          %add3A_554 = arith.addi %add3A_440, %add3A_553 : vector<16xi32>
          %gather3A_555 = tpu.vector_load_idx %arg5[%add3A_554] : memref<32000xf32, #tpu.memory_space<vmem>>[vector<16xi32>], vector<16xf32>,
          %mul3A_556 = arith.mulf %sub3A_411, %gather3A_551 : vector<16xf32>
          %add3A_557 = arith.addf %while3A_373, %mul3A_556 : vector<16xf32>
          %mul3A_558 = arith.mulf %mul3A_410, %gather3A_555 : vector<16xf32>
          %add3A_559 = arith.addf %add3A_557, %mul3A_558 : vector<16xf32>
          %add3A_560 = arith.constant 10 : i32
          %add3A_561 = vector.broadcast %add3A_560 : i32 to vector<16xi32>
          %add3A_562 = arith.addi %add3A_427, %add3A_561 : vector<16xi32>
          %gather3A_563 = tpu.vector_load_idx %arg5[%add3A_562] : memref<32000xf32, #tpu.memory_space<vmem>>[vector<16xi32>], vector<16xf32>,
          %add3A_564 = arith.constant 10 : i32
          %add3A_565 = vector.broadcast %add3A_564 : i32 to vector<16xi32>
          %add3A_566 = arith.addi %add3A_440, %add3A_565 : vector<16xi32>
          %gather3A_567 = tpu.vector_load_idx %arg5[%add3A_566] : memref<32000xf32, #tpu.memory_space<vmem>>[vector<16xi32>], vector<16xf32>,
          %mul3A_568 = arith.mulf %sub3A_411, %gather3A_563 : vector<16xf32>
          %add3A_569 = arith.addf %while3A_374, %mul3A_568 : vector<16xf32>
          %mul3A_570 = arith.mulf %mul3A_410, %gather3A_567 : vector<16xf32>
          %add3A_571 = arith.addf %add3A_569, %mul3A_570 : vector<16xf32>
          %add3A_572 = arith.constant 11 : i32
          %add3A_573 = vector.broadcast %add3A_572 : i32 to vector<16xi32>
          %add3A_574 = arith.addi %add3A_427, %add3A_573 : vector<16xi32>
          %gather3A_575 = tpu.vector_load_idx %arg5[%add3A_574] : memref<32000xf32, #tpu.memory_space<vmem>>[vector<16xi32>], vector<16xf32>,
          %add3A_576 = arith.constant 11 : i32
          %add3A_577 = vector.broadcast %add3A_576 : i32 to vector<16xi32>
          %add3A_578 = arith.addi %add3A_440, %add3A_577 : vector<16xi32>
          %gather3A_579 = tpu.vector_load_idx %arg5[%add3A_578] : memref<32000xf32, #tpu.memory_space<vmem>>[vector<16xi32>], vector<16xf32>,
          %mul3A_580 = arith.mulf %sub3A_411, %gather3A_575 : vector<16xf32>
          %add3A_581 = arith.addf %while3A_375, %mul3A_580 : vector<16xf32>
          %mul3A_582 = arith.mulf %mul3A_410, %gather3A_579 : vector<16xf32>
          %add3A_583 = arith.addf %add3A_581, %mul3A_582 : vector<16xf32>
          %add3A_584 = arith.constant 12 : i32
          %add3A_585 = vector.broadcast %add3A_584 : i32 to vector<16xi32>
          %add3A_586 = arith.addi %add3A_427, %add3A_585 : vector<16xi32>
          %gather3A_587 = tpu.vector_load_idx %arg5[%add3A_586] : memref<32000xf32, #tpu.memory_space<vmem>>[vector<16xi32>], vector<16xf32>,
          %add3A_588 = arith.constant 12 : i32
          %add3A_589 = vector.broadcast %add3A_588 : i32 to vector<16xi32>
          %add3A_590 = arith.addi %add3A_440, %add3A_589 : vector<16xi32>
          %gather3A_591 = tpu.vector_load_idx %arg5[%add3A_590] : memref<32000xf32, #tpu.memory_space<vmem>>[vector<16xi32>], vector<16xf32>,
          %mul3A_592 = arith.mulf %sub3A_411, %gather3A_587 : vector<16xf32>
          %add3A_593 = arith.addf %while3A_376, %mul3A_592 : vector<16xf32>
          %mul3A_594 = arith.mulf %mul3A_410, %gather3A_591 : vector<16xf32>
          %add3A_595 = arith.addf %add3A_593, %mul3A_594 : vector<16xf32>
          %add3A_596 = arith.constant 13 : i32
          %add3A_597 = vector.broadcast %add3A_596 : i32 to vector<16xi32>
          %add3A_598 = arith.addi %add3A_427, %add3A_597 : vector<16xi32>
          %gather3A_599 = tpu.vector_load_idx %arg5[%add3A_598] : memref<32000xf32, #tpu.memory_space<vmem>>[vector<16xi32>], vector<16xf32>,
          %add3A_600 = arith.constant 13 : i32
          %add3A_601 = vector.broadcast %add3A_600 : i32 to vector<16xi32>
          %add3A_602 = arith.addi %add3A_440, %add3A_601 : vector<16xi32>
          %gather3A_603 = tpu.vector_load_idx %arg5[%add3A_602] : memref<32000xf32, #tpu.memory_space<vmem>>[vector<16xi32>], vector<16xf32>,
          %mul3A_604 = arith.mulf %sub3A_411, %gather3A_599 : vector<16xf32>
          %add3A_605 = arith.addf %while3A_377, %mul3A_604 : vector<16xf32>
          %mul3A_606 = arith.mulf %mul3A_410, %gather3A_603 : vector<16xf32>
          %add3A_607 = arith.addf %add3A_605, %mul3A_606 : vector<16xf32>
          %add3A_608 = arith.constant 14 : i32
          %add3A_609 = vector.broadcast %add3A_608 : i32 to vector<16xi32>
          %add3A_610 = arith.addi %add3A_427, %add3A_609 : vector<16xi32>
          %gather3A_611 = tpu.vector_load_idx %arg5[%add3A_610] : memref<32000xf32, #tpu.memory_space<vmem>>[vector<16xi32>], vector<16xf32>,
          %add3A_612 = arith.constant 14 : i32
          %add3A_613 = vector.broadcast %add3A_612 : i32 to vector<16xi32>
          %add3A_614 = arith.addi %add3A_440, %add3A_613 : vector<16xi32>
          %gather3A_615 = tpu.vector_load_idx %arg5[%add3A_614] : memref<32000xf32, #tpu.memory_space<vmem>>[vector<16xi32>], vector<16xf32>,
          %mul3A_616 = arith.mulf %sub3A_411, %gather3A_611 : vector<16xf32>
          %add3A_617 = arith.addf %while3A_378, %mul3A_616 : vector<16xf32>
          %mul3A_618 = arith.mulf %mul3A_410, %gather3A_615 : vector<16xf32>
          %add3A_619 = arith.addf %add3A_617, %mul3A_618 : vector<16xf32>
          %add3A_620 = arith.constant 15 : i32
          %add3A_621 = vector.broadcast %add3A_620 : i32 to vector<16xi32>
          %add3A_622 = arith.addi %add3A_427, %add3A_621 : vector<16xi32>
          %gather3A_623 = tpu.vector_load_idx %arg5[%add3A_622] : memref<32000xf32, #tpu.memory_space<vmem>>[vector<16xi32>], vector<16xf32>,
          %add3A_624 = arith.constant 15 : i32
          %add3A_625 = vector.broadcast %add3A_624 : i32 to vector<16xi32>
          %add3A_626 = arith.addi %add3A_440, %add3A_625 : vector<16xi32>
          %gather3A_627 = tpu.vector_load_idx %arg5[%add3A_626] : memref<32000xf32, #tpu.memory_space<vmem>>[vector<16xi32>], vector<16xf32>,
          %mul3A_628 = arith.mulf %sub3A_411, %gather3A_623 : vector<16xf32>
          %add3A_629 = arith.addf %while3A_379, %mul3A_628 : vector<16xf32>
          %mul3A_630 = arith.mulf %mul3A_410, %gather3A_627 : vector<16xf32>
          %add3A_631 = arith.addf %add3A_629, %mul3A_630 : vector<16xf32>
          scf.yield %add3A_451, %add3A_463, %add3A_475, %add3A_487, %add3A_499, %add3A_511, %add3A_523, %add3A_535, %add3A_547, %add3A_559, %add3A_571, %add3A_583, %add3A_595, %add3A_607, %add3A_619, %add3A_631 : vector<16xf32>, vector<16xf32>, vector<16xf32>, vector<16xf32>, vector<16xf32>, vector<16xf32>, vector<16xf32>, vector<16xf32>, vector<16xf32>, vector<16xf32>, vector<16xf32>, vector<16xf32>, vector<16xf32>, vector<16xf32>, vector<16xf32>, vector<16xf32>
        }
        %mul3A_309 = arith.constant 0 : i32
        %mul3A_310 = vector.broadcast %mul3A_309 : i32 to vector<16xi32>
        %mul3A_311 = arith.muli %iota3A, %mul3A_310 : vector<16xi32>
        %add3A_312 = vector.broadcast %while3A_267 : i32 to vector<16xi32>
        %add3A_313 = arith.addi %mul3A_311, %add3A_312 : vector<16xi32>
        %add3A_314 = arith.constant 0 : i32
        %add3A_315 = vector.broadcast %add3A_314 : i32 to vector<16xi32>
        %add3A_316 = arith.addi %add3A_315, %iota3A : vector<16xi32>
        tpu.vector_store_idx %arg7[%add3A_316, %add3A_313], %while3A_308#0 : memref<256x209xf32, #tpu.memory_space<vmem>>[vector<16xi32>, vector<16xi32>], vector<16xf32>,
        %add3A_317 = arith.constant 16 : i32
        %add3A_318 = vector.broadcast %add3A_317 : i32 to vector<16xi32>
        %add3A_319 = arith.addi %add3A_318, %iota3A : vector<16xi32>
        tpu.vector_store_idx %arg7[%add3A_319, %add3A_313], %while3A_308#1 : memref<256x209xf32, #tpu.memory_space<vmem>>[vector<16xi32>, vector<16xi32>], vector<16xf32>,
        %add3A_320 = arith.constant 32 : i32
        %add3A_321 = vector.broadcast %add3A_320 : i32 to vector<16xi32>
        %add3A_322 = arith.addi %add3A_321, %iota3A : vector<16xi32>
        tpu.vector_store_idx %arg7[%add3A_322, %add3A_313], %while3A_308#2 : memref<256x209xf32, #tpu.memory_space<vmem>>[vector<16xi32>, vector<16xi32>], vector<16xf32>,
        %add3A_323 = arith.constant 48 : i32
        %add3A_324 = vector.broadcast %add3A_323 : i32 to vector<16xi32>
        %add3A_325 = arith.addi %add3A_324, %iota3A : vector<16xi32>
        tpu.vector_store_idx %arg7[%add3A_325, %add3A_313], %while3A_308#3 : memref<256x209xf32, #tpu.memory_space<vmem>>[vector<16xi32>, vector<16xi32>], vector<16xf32>,
        %add3A_326 = arith.constant 64 : i32
        %add3A_327 = vector.broadcast %add3A_326 : i32 to vector<16xi32>
        %add3A_328 = arith.addi %add3A_327, %iota3A : vector<16xi32>
        tpu.vector_store_idx %arg7[%add3A_328, %add3A_313], %while3A_308#4 : memref<256x209xf32, #tpu.memory_space<vmem>>[vector<16xi32>, vector<16xi32>], vector<16xf32>,
        %add3A_329 = arith.constant 80 : i32
        %add3A_330 = vector.broadcast %add3A_329 : i32 to vector<16xi32>
        %add3A_331 = arith.addi %add3A_330, %iota3A : vector<16xi32>
        tpu.vector_store_idx %arg7[%add3A_331, %add3A_313], %while3A_308#5 : memref<256x209xf32, #tpu.memory_space<vmem>>[vector<16xi32>, vector<16xi32>], vector<16xf32>,
        %add3A_332 = arith.constant 96 : i32
        %add3A_333 = vector.broadcast %add3A_332 : i32 to vector<16xi32>
        %add3A_334 = arith.addi %add3A_333, %iota3A : vector<16xi32>
        tpu.vector_store_idx %arg7[%add3A_334, %add3A_313], %while3A_308#6 : memref<256x209xf32, #tpu.memory_space<vmem>>[vector<16xi32>, vector<16xi32>], vector<16xf32>,
        %add3A_335 = arith.constant 112 : i32
        %add3A_336 = vector.broadcast %add3A_335 : i32 to vector<16xi32>
        %add3A_337 = arith.addi %add3A_336, %iota3A : vector<16xi32>
        tpu.vector_store_idx %arg7[%add3A_337, %add3A_313], %while3A_308#7 : memref<256x209xf32, #tpu.memory_space<vmem>>[vector<16xi32>, vector<16xi32>], vector<16xf32>,
        %add3A_338 = arith.constant 128 : i32
        %add3A_339 = vector.broadcast %add3A_338 : i32 to vector<16xi32>
        %add3A_340 = arith.addi %add3A_339, %iota3A : vector<16xi32>
        tpu.vector_store_idx %arg7[%add3A_340, %add3A_313], %while3A_308#8 : memref<256x209xf32, #tpu.memory_space<vmem>>[vector<16xi32>, vector<16xi32>], vector<16xf32>,
        %add3A_341 = arith.constant 144 : i32
        %add3A_342 = vector.broadcast %add3A_341 : i32 to vector<16xi32>
        %add3A_343 = arith.addi %add3A_342, %iota3A : vector<16xi32>
        tpu.vector_store_idx %arg7[%add3A_343, %add3A_313], %while3A_308#9 : memref<256x209xf32, #tpu.memory_space<vmem>>[vector<16xi32>, vector<16xi32>], vector<16xf32>,
        %add3A_344 = arith.constant 160 : i32
        %add3A_345 = vector.broadcast %add3A_344 : i32 to vector<16xi32>
        %add3A_346 = arith.addi %add3A_345, %iota3A : vector<16xi32>
        tpu.vector_store_idx %arg7[%add3A_346, %add3A_313], %while3A_308#10 : memref<256x209xf32, #tpu.memory_space<vmem>>[vector<16xi32>, vector<16xi32>], vector<16xf32>,
        %add3A_347 = arith.constant 176 : i32
        %add3A_348 = vector.broadcast %add3A_347 : i32 to vector<16xi32>
        %add3A_349 = arith.addi %add3A_348, %iota3A : vector<16xi32>
        tpu.vector_store_idx %arg7[%add3A_349, %add3A_313], %while3A_308#11 : memref<256x209xf32, #tpu.memory_space<vmem>>[vector<16xi32>, vector<16xi32>], vector<16xf32>,
        %add3A_350 = arith.constant 192 : i32
        %add3A_351 = vector.broadcast %add3A_350 : i32 to vector<16xi32>
        %add3A_352 = arith.addi %add3A_351, %iota3A : vector<16xi32>
        tpu.vector_store_idx %arg7[%add3A_352, %add3A_313], %while3A_308#12 : memref<256x209xf32, #tpu.memory_space<vmem>>[vector<16xi32>, vector<16xi32>], vector<16xf32>,
        %add3A_353 = arith.constant 208 : i32
        %add3A_354 = vector.broadcast %add3A_353 : i32 to vector<16xi32>
        %add3A_355 = arith.addi %add3A_354, %iota3A : vector<16xi32>
        tpu.vector_store_idx %arg7[%add3A_355, %add3A_313], %while3A_308#13 : memref<256x209xf32, #tpu.memory_space<vmem>>[vector<16xi32>, vector<16xi32>], vector<16xf32>,
        %add3A_356 = arith.constant 224 : i32
        %add3A_357 = vector.broadcast %add3A_356 : i32 to vector<16xi32>
        %add3A_358 = arith.addi %add3A_357, %iota3A : vector<16xi32>
        tpu.vector_store_idx %arg7[%add3A_358, %add3A_313], %while3A_308#14 : memref<256x209xf32, #tpu.memory_space<vmem>>[vector<16xi32>, vector<16xi32>], vector<16xf32>,
        %add3A_359 = arith.constant 240 : i32
        %add3A_360 = vector.broadcast %add3A_359 : i32 to vector<16xi32>
        %add3A_361 = arith.addi %add3A_360, %iota3A : vector<16xi32>
        tpu.vector_store_idx %arg7[%add3A_361, %add3A_313], %while3A_308#15 : memref<256x209xf32, #tpu.memory_space<vmem>>[vector<16xi32>, vector<16xi32>], vector<16xf32>,
        %while3A_362 = arith.constant 0 : i32
        scf.yield %while3A_362 : i32
      }
      %min3A = arith.constant 200 : i32
      %min3A_231 = arith.minsi %and3A_189, %min3A : i32
      %while3A_232 = arith.constant 0 : i32
      %while3A_233 = arith.subi %min3A_231, %add3A_183 : i32
      %while3A_234 = arith.addi %add3A_183, %while3A_233 : i32
      %while3A_235 = arith.constant 1 : i32
      %while3A_236 = arith.divsi %while3A_233, %while3A_235 : i32
      %while3A_237 = arith.muli %while3A_236, %while3A_235 : i32
      %while3A_238 = arith.addi %add3A_183, %while3A_237 : i32
      %while3A_239 = arith.constant 1 : i32
      %while3A_240 = scf.for %while3A_267 = %add3A_183 to %while3A_238 step %while3A_239 iter_args(%while3A_268 = %while3A_232) -> (i32)  : i32 {
        %add3A_269 = arith.addi %while3A_267, %select_n3A_54 : i32
        %lt3A_270 = arith.constant 200 : i32
        %lt3A_271 = arith.cmpi slt, %add3A_269, %lt3A_270 : i32
        %convert_element_type3A_272 = arith.sitofp %while3A_267 : i32 to f32
        %add3A_273 = arith.constant 1.000000e+00 : f32
        %add3A_274 = arith.addf %convert_element_type3A_58, %add3A_273 : f32
        %mul3A_275 = arith.constant 5.000000e-01 : f32
        %mul3A_276 = arith.mulf %add3A_274, %mul3A_275 : f32
        %sub3A_277 = arith.subf %convert_element_type3A_272, %mul3A_276 : f32
        %jit3A_278 = arith.constant 0.000000e+00 : f32
        %select_n3A_279 = arith.select %lt3A_271, %sub3A_277, %jit3A_278 : f32
        %mul3A_280 = arith.constant 2.000000e+00 : f32
        %mul3A_281 = arith.mulf %mul3A_280, %convert_element_type3A_58 : f32
        %add3A_282 = arith.constant 1.000000e+00 : f32
        %add3A_283 = arith.addf %mul3A_281, %add3A_282 : f32
        %jit3A_284 = arith.constant 1.000000e+00 : f32
        %select_n3A_285 = arith.select %lt3A_271, %add3A_283, %jit3A_284 : f32
        %jit3A_286 = arith.constant 1 : i32
        %select_n3A_287 = arith.select %lt3A_271, %add3A_84, %jit3A_286 : i32
        %jit3A_288 = arith.constant 1.000000e+00 : f32
        %select_n3A_289 = arith.select %lt3A_271, %select_n3A_112, %jit3A_288 : f32
        %mul3A_290 = arith.constant 6.250000e-02 : f32
        %mul3A_291 = arith.mulf %select_n3A_285, %mul3A_290 : f32
        %mul3A_292 = arith.mulf %mul3A_291, %select_n3A_289 : f32
        %mul3A_293 = vector.broadcast %mul3A_291 : f32 to vector<16xf32>
        %mul3A_294 = arith.mulf %convert_element_type3A, %mul3A_293 : vector<16xf32>
        %add3A_295 = vector.broadcast %select_n3A_279 : f32 to vector<16xf32>
        %add3A_296 = arith.addf %add3A_295, %mul3A_294 : vector<16xf32>
        %broadcast_in_dim3A = arith.constant 0.000000e+00 : f32
        %broadcast_in_dim3A_297 = vector.broadcast %broadcast_in_dim3A : f32 to vector<16xf32>
        %while3A_298 = arith.constant 0 : i32
        %while3A_299 = arith.subi %select_n3A_287, %while3A_298 : i32
        %while3A_300 = arith.addi %while3A_298, %while3A_299 : i32
        %while3A_301 = arith.constant 1 : i32
        %while3A_302 = arith.divsi %while3A_299, %while3A_301 : i32
        %while3A_303 = arith.muli %while3A_302, %while3A_301 : i32
        %while3A_304 = arith.addi %while3A_298, %while3A_303 : i32
        %while3A_305 = arith.constant 1 : i32
        %while3A_306:16 = scf.for %while3A_363 = %while3A_298 to %while3A_304 step %while3A_305 iter_args(%while3A_364 = %broadcast_in_dim3A_297, %while3A_365 = %broadcast_in_dim3A_297, %while3A_366 = %broadcast_in_dim3A_297, %while3A_367 = %broadcast_in_dim3A_297, %while3A_368 = %broadcast_in_dim3A_297, %while3A_369 = %broadcast_in_dim3A_297, %while3A_370 = %broadcast_in_dim3A_297, %while3A_371 = %broadcast_in_dim3A_297, %while3A_372 = %broadcast_in_dim3A_297, %while3A_373 = %broadcast_in_dim3A_297, %while3A_374 = %broadcast_in_dim3A_297, %while3A_375 = %broadcast_in_dim3A_297, %while3A_376 = %broadcast_in_dim3A_297, %while3A_377 = %broadcast_in_dim3A_297, %while3A_378 = %broadcast_in_dim3A_297, %while3A_379 = %broadcast_in_dim3A_297) -> (vector<16xf32>, vector<16xf32>, vector<16xf32>, vector<16xf32>, vector<16xf32>, vector<16xf32>, vector<16xf32>, vector<16xf32>, vector<16xf32>, vector<16xf32>, vector<16xf32>, vector<16xf32>, vector<16xf32>, vector<16xf32>, vector<16xf32>, vector<16xf32>)  : i32 {
          %convert_element_type3A_380 = arith.sitofp %while3A_363 : i32 to f32
          %add3A_381 = arith.constant 5.000000e-01 : f32
          %add3A_382 = arith.addf %convert_element_type3A_380, %add3A_381 : f32
          %mul3A_383 = arith.mulf %add3A_382, %mul3A_292 : f32
          %add3A_384 = vector.broadcast %mul3A_383 : f32 to vector<16xf32>
          %add3A_385 = arith.addf %add3A_296, %add3A_384 : vector<16xf32>
          %ge3A = arith.constant -1.000000e+00 : f32
          %ge3A_386 = vector.broadcast %ge3A : f32 to vector<16xf32>
          %ge3A_387 = arith.cmpf oge, %add3A_385, %ge3A_386 : vector<16xf32>
          %le3A = arith.constant 2.000000e+02 : f32
          %le3A_388 = vector.broadcast %le3A : f32 to vector<16xf32>
          %le3A_389 = arith.cmpf ole, %add3A_385, %le3A_388 : vector<16xf32>
          %and3A_390 = arith.andi %ge3A_387, %le3A_389 : vector<16xi1>
          %max3A_391 = arith.constant 0.000000e+00 : f32
          %max3A_392 = vector.broadcast %max3A_391 : f32 to vector<16xf32>
          %max3A_393 = arith.maximumf %add3A_385, %max3A_392 : vector<16xf32>
          %convert_element_type3A_394 = arith.fptosi %max3A_393 : vector<16xf32> to vector<16xi32>
          %min3A_395 = arith.constant 199 : i32
          %min3A_396 = vector.broadcast %min3A_395 : i32 to vector<16xi32>
          %min3A_397 = arith.minsi %convert_element_type3A_394, %min3A_396 : vector<16xi32>
          %add3A_398 = arith.constant 1 : i32
          %add3A_399 = vector.broadcast %add3A_398 : i32 to vector<16xi32>
          %add3A_400 = arith.addi %min3A_397, %add3A_399 : vector<16xi32>
          %min3A_401 = arith.constant 199 : i32
          %min3A_402 = vector.broadcast %min3A_401 : i32 to vector<16xi32>
          %min3A_403 = arith.minsi %add3A_400, %min3A_402 : vector<16xi32>
          %convert_element_type3A_404 = arith.sitofp %min3A_397 : vector<16xi32> to vector<16xf32>
          %sub3A_405 = arith.subf %max3A_393, %convert_element_type3A_404 : vector<16xf32>
          %jit3A_406 = arith.constant 0.000000e+00 : f32
          %broadcast_in_dim3A_407 = vector.broadcast %select_n3A_289 : f32 to vector<16xf32>
          %broadcast_in_dim3A_408 = vector.broadcast %jit3A_406 : f32 to vector<16xf32>
          %select_n3A_409 = arith.select %and3A_390, %broadcast_in_dim3A_407, %broadcast_in_dim3A_408 : vector<16xi1>, vector<16xf32>
          %mul3A_410 = arith.mulf %sub3A_405, %select_n3A_409 : vector<16xf32>
          %sub3A_411 = arith.subf %select_n3A_409, %mul3A_410 : vector<16xf32>
          %add3A_412 = vector.broadcast %mul3A_116 : i32 to vector<16xi32>
          %add3A_413 = arith.addi %add3A_412, %min3A_397 : vector<16xi32>
          %add3A_414 = vector.broadcast %mul3A_116 : i32 to vector<16xi32>
          %add3A_415 = arith.addi %add3A_414, %min3A_403 : vector<16xi32>
          %mul3A_416 = arith.constant 80 : i32
          %mul3A_417 = vector.broadcast %mul3A_416 : i32 to vector<16xi32>
          %mul3A_418 = arith.muli %add3A_413, %mul3A_417 : vector<16xi32>
          %shift_right_arithmetic3A = arith.constant 2 : i32
          %shift_right_arithmetic3A_419 = vector.broadcast %shift_right_arithmetic3A : i32 to vector<16xi32>
          %shift_right_arithmetic3A_420 = arith.shrsi %add3A_413, %shift_right_arithmetic3A_419 : vector<16xi32>
          %add3A_421 = arith.addi %add3A_413, %shift_right_arithmetic3A_420 : vector<16xi32>
          %and3A_422 = arith.constant 15 : i32
          %and3A_423 = vector.broadcast %and3A_422 : i32 to vector<16xi32>
          %and3A_424 = arith.andi %add3A_421, %and3A_423 : vector<16xi32>
          %add3A_425 = arith.addi %mul3A_418, %and3A_424 : vector<16xi32>
          %add3A_426 = vector.broadcast %mul3A_114 : i32 to vector<16xi32>
          %add3A_427 = arith.addi %add3A_425, %add3A_426 : vector<16xi32>
          %mul3A_428 = arith.constant 80 : i32
          %mul3A_429 = vector.broadcast %mul3A_428 : i32 to vector<16xi32>
          %mul3A_430 = arith.muli %add3A_415, %mul3A_429 : vector<16xi32>
          %shift_right_arithmetic3A_431 = arith.constant 2 : i32
          %shift_right_arithmetic3A_432 = vector.broadcast %shift_right_arithmetic3A_431 : i32 to vector<16xi32>
          %shift_right_arithmetic3A_433 = arith.shrsi %add3A_415, %shift_right_arithmetic3A_432 : vector<16xi32>
          %add3A_434 = arith.addi %add3A_415, %shift_right_arithmetic3A_433 : vector<16xi32>
          %and3A_435 = arith.constant 15 : i32
          %and3A_436 = vector.broadcast %and3A_435 : i32 to vector<16xi32>
          %and3A_437 = arith.andi %add3A_434, %and3A_436 : vector<16xi32>
          %add3A_438 = arith.addi %mul3A_430, %and3A_437 : vector<16xi32>
          %add3A_439 = vector.broadcast %mul3A_114 : i32 to vector<16xi32>
          %add3A_440 = arith.addi %add3A_438, %add3A_439 : vector<16xi32>
          %add3A_441 = arith.constant 0 : i32
          %add3A_442 = vector.broadcast %add3A_441 : i32 to vector<16xi32>
          %add3A_443 = arith.addi %add3A_427, %add3A_442 : vector<16xi32>
          %gather3A = tpu.vector_load_idx %arg5[%add3A_443] : memref<32000xf32, #tpu.memory_space<vmem>>[vector<16xi32>], vector<16xf32>,
          %add3A_444 = arith.constant 0 : i32
          %add3A_445 = vector.broadcast %add3A_444 : i32 to vector<16xi32>
          %add3A_446 = arith.addi %add3A_440, %add3A_445 : vector<16xi32>
          %gather3A_447 = tpu.vector_load_idx %arg5[%add3A_446] : memref<32000xf32, #tpu.memory_space<vmem>>[vector<16xi32>], vector<16xf32>,
          %mul3A_448 = arith.mulf %sub3A_411, %gather3A : vector<16xf32>
          %add3A_449 = arith.addf %while3A_364, %mul3A_448 : vector<16xf32>
          %mul3A_450 = arith.mulf %mul3A_410, %gather3A_447 : vector<16xf32>
          %add3A_451 = arith.addf %add3A_449, %mul3A_450 : vector<16xf32>
          %add3A_452 = arith.constant 1 : i32
          %add3A_453 = vector.broadcast %add3A_452 : i32 to vector<16xi32>
          %add3A_454 = arith.addi %add3A_427, %add3A_453 : vector<16xi32>
          %gather3A_455 = tpu.vector_load_idx %arg5[%add3A_454] : memref<32000xf32, #tpu.memory_space<vmem>>[vector<16xi32>], vector<16xf32>,
          %add3A_456 = arith.constant 1 : i32
          %add3A_457 = vector.broadcast %add3A_456 : i32 to vector<16xi32>
          %add3A_458 = arith.addi %add3A_440, %add3A_457 : vector<16xi32>
          %gather3A_459 = tpu.vector_load_idx %arg5[%add3A_458] : memref<32000xf32, #tpu.memory_space<vmem>>[vector<16xi32>], vector<16xf32>,
          %mul3A_460 = arith.mulf %sub3A_411, %gather3A_455 : vector<16xf32>
          %add3A_461 = arith.addf %while3A_365, %mul3A_460 : vector<16xf32>
          %mul3A_462 = arith.mulf %mul3A_410, %gather3A_459 : vector<16xf32>
          %add3A_463 = arith.addf %add3A_461, %mul3A_462 : vector<16xf32>
          %add3A_464 = arith.constant 2 : i32
          %add3A_465 = vector.broadcast %add3A_464 : i32 to vector<16xi32>
          %add3A_466 = arith.addi %add3A_427, %add3A_465 : vector<16xi32>
          %gather3A_467 = tpu.vector_load_idx %arg5[%add3A_466] : memref<32000xf32, #tpu.memory_space<vmem>>[vector<16xi32>], vector<16xf32>,
          %add3A_468 = arith.constant 2 : i32
          %add3A_469 = vector.broadcast %add3A_468 : i32 to vector<16xi32>
          %add3A_470 = arith.addi %add3A_440, %add3A_469 : vector<16xi32>
          %gather3A_471 = tpu.vector_load_idx %arg5[%add3A_470] : memref<32000xf32, #tpu.memory_space<vmem>>[vector<16xi32>], vector<16xf32>,
          %mul3A_472 = arith.mulf %sub3A_411, %gather3A_467 : vector<16xf32>
          %add3A_473 = arith.addf %while3A_366, %mul3A_472 : vector<16xf32>
          %mul3A_474 = arith.mulf %mul3A_410, %gather3A_471 : vector<16xf32>
          %add3A_475 = arith.addf %add3A_473, %mul3A_474 : vector<16xf32>
          %add3A_476 = arith.constant 3 : i32
          %add3A_477 = vector.broadcast %add3A_476 : i32 to vector<16xi32>
          %add3A_478 = arith.addi %add3A_427, %add3A_477 : vector<16xi32>
          %gather3A_479 = tpu.vector_load_idx %arg5[%add3A_478] : memref<32000xf32, #tpu.memory_space<vmem>>[vector<16xi32>], vector<16xf32>,
          %add3A_480 = arith.constant 3 : i32
          %add3A_481 = vector.broadcast %add3A_480 : i32 to vector<16xi32>
          %add3A_482 = arith.addi %add3A_440, %add3A_481 : vector<16xi32>
          %gather3A_483 = tpu.vector_load_idx %arg5[%add3A_482] : memref<32000xf32, #tpu.memory_space<vmem>>[vector<16xi32>], vector<16xf32>,
          %mul3A_484 = arith.mulf %sub3A_411, %gather3A_479 : vector<16xf32>
          %add3A_485 = arith.addf %while3A_367, %mul3A_484 : vector<16xf32>
          %mul3A_486 = arith.mulf %mul3A_410, %gather3A_483 : vector<16xf32>
          %add3A_487 = arith.addf %add3A_485, %mul3A_486 : vector<16xf32>
          %add3A_488 = arith.constant 4 : i32
          %add3A_489 = vector.broadcast %add3A_488 : i32 to vector<16xi32>
          %add3A_490 = arith.addi %add3A_427, %add3A_489 : vector<16xi32>
          %gather3A_491 = tpu.vector_load_idx %arg5[%add3A_490] : memref<32000xf32, #tpu.memory_space<vmem>>[vector<16xi32>], vector<16xf32>,
          %add3A_492 = arith.constant 4 : i32
          %add3A_493 = vector.broadcast %add3A_492 : i32 to vector<16xi32>
          %add3A_494 = arith.addi %add3A_440, %add3A_493 : vector<16xi32>
          %gather3A_495 = tpu.vector_load_idx %arg5[%add3A_494] : memref<32000xf32, #tpu.memory_space<vmem>>[vector<16xi32>], vector<16xf32>,
          %mul3A_496 = arith.mulf %sub3A_411, %gather3A_491 : vector<16xf32>
          %add3A_497 = arith.addf %while3A_368, %mul3A_496 : vector<16xf32>
          %mul3A_498 = arith.mulf %mul3A_410, %gather3A_495 : vector<16xf32>
          %add3A_499 = arith.addf %add3A_497, %mul3A_498 : vector<16xf32>
          %add3A_500 = arith.constant 5 : i32
          %add3A_501 = vector.broadcast %add3A_500 : i32 to vector<16xi32>
          %add3A_502 = arith.addi %add3A_427, %add3A_501 : vector<16xi32>
          %gather3A_503 = tpu.vector_load_idx %arg5[%add3A_502] : memref<32000xf32, #tpu.memory_space<vmem>>[vector<16xi32>], vector<16xf32>,
          %add3A_504 = arith.constant 5 : i32
          %add3A_505 = vector.broadcast %add3A_504 : i32 to vector<16xi32>
          %add3A_506 = arith.addi %add3A_440, %add3A_505 : vector<16xi32>
          %gather3A_507 = tpu.vector_load_idx %arg5[%add3A_506] : memref<32000xf32, #tpu.memory_space<vmem>>[vector<16xi32>], vector<16xf32>,
          %mul3A_508 = arith.mulf %sub3A_411, %gather3A_503 : vector<16xf32>
          %add3A_509 = arith.addf %while3A_369, %mul3A_508 : vector<16xf32>
          %mul3A_510 = arith.mulf %mul3A_410, %gather3A_507 : vector<16xf32>
          %add3A_511 = arith.addf %add3A_509, %mul3A_510 : vector<16xf32>
          %add3A_512 = arith.constant 6 : i32
          %add3A_513 = vector.broadcast %add3A_512 : i32 to vector<16xi32>
          %add3A_514 = arith.addi %add3A_427, %add3A_513 : vector<16xi32>
          %gather3A_515 = tpu.vector_load_idx %arg5[%add3A_514] : memref<32000xf32, #tpu.memory_space<vmem>>[vector<16xi32>], vector<16xf32>,
          %add3A_516 = arith.constant 6 : i32
          %add3A_517 = vector.broadcast %add3A_516 : i32 to vector<16xi32>
          %add3A_518 = arith.addi %add3A_440, %add3A_517 : vector<16xi32>
          %gather3A_519 = tpu.vector_load_idx %arg5[%add3A_518] : memref<32000xf32, #tpu.memory_space<vmem>>[vector<16xi32>], vector<16xf32>,
          %mul3A_520 = arith.mulf %sub3A_411, %gather3A_515 : vector<16xf32>
          %add3A_521 = arith.addf %while3A_370, %mul3A_520 : vector<16xf32>
          %mul3A_522 = arith.mulf %mul3A_410, %gather3A_519 : vector<16xf32>
          %add3A_523 = arith.addf %add3A_521, %mul3A_522 : vector<16xf32>
          %add3A_524 = arith.constant 7 : i32
          %add3A_525 = vector.broadcast %add3A_524 : i32 to vector<16xi32>
          %add3A_526 = arith.addi %add3A_427, %add3A_525 : vector<16xi32>
          %gather3A_527 = tpu.vector_load_idx %arg5[%add3A_526] : memref<32000xf32, #tpu.memory_space<vmem>>[vector<16xi32>], vector<16xf32>,
          %add3A_528 = arith.constant 7 : i32
          %add3A_529 = vector.broadcast %add3A_528 : i32 to vector<16xi32>
          %add3A_530 = arith.addi %add3A_440, %add3A_529 : vector<16xi32>
          %gather3A_531 = tpu.vector_load_idx %arg5[%add3A_530] : memref<32000xf32, #tpu.memory_space<vmem>>[vector<16xi32>], vector<16xf32>,
          %mul3A_532 = arith.mulf %sub3A_411, %gather3A_527 : vector<16xf32>
          %add3A_533 = arith.addf %while3A_371, %mul3A_532 : vector<16xf32>
          %mul3A_534 = arith.mulf %mul3A_410, %gather3A_531 : vector<16xf32>
          %add3A_535 = arith.addf %add3A_533, %mul3A_534 : vector<16xf32>
          %add3A_536 = arith.constant 8 : i32
          %add3A_537 = vector.broadcast %add3A_536 : i32 to vector<16xi32>
          %add3A_538 = arith.addi %add3A_427, %add3A_537 : vector<16xi32>
          %gather3A_539 = tpu.vector_load_idx %arg5[%add3A_538] : memref<32000xf32, #tpu.memory_space<vmem>>[vector<16xi32>], vector<16xf32>,
          %add3A_540 = arith.constant 8 : i32
          %add3A_541 = vector.broadcast %add3A_540 : i32 to vector<16xi32>
          %add3A_542 = arith.addi %add3A_440, %add3A_541 : vector<16xi32>
          %gather3A_543 = tpu.vector_load_idx %arg5[%add3A_542] : memref<32000xf32, #tpu.memory_space<vmem>>[vector<16xi32>], vector<16xf32>,
          %mul3A_544 = arith.mulf %sub3A_411, %gather3A_539 : vector<16xf32>
          %add3A_545 = arith.addf %while3A_372, %mul3A_544 : vector<16xf32>
          %mul3A_546 = arith.mulf %mul3A_410, %gather3A_543 : vector<16xf32>
          %add3A_547 = arith.addf %add3A_545, %mul3A_546 : vector<16xf32>
          %add3A_548 = arith.constant 9 : i32
          %add3A_549 = vector.broadcast %add3A_548 : i32 to vector<16xi32>
          %add3A_550 = arith.addi %add3A_427, %add3A_549 : vector<16xi32>
          %gather3A_551 = tpu.vector_load_idx %arg5[%add3A_550] : memref<32000xf32, #tpu.memory_space<vmem>>[vector<16xi32>], vector<16xf32>,
          %add3A_552 = arith.constant 9 : i32
          %add3A_553 = vector.broadcast %add3A_552 : i32 to vector<16xi32>
          %add3A_554 = arith.addi %add3A_440, %add3A_553 : vector<16xi32>
          %gather3A_555 = tpu.vector_load_idx %arg5[%add3A_554] : memref<32000xf32, #tpu.memory_space<vmem>>[vector<16xi32>], vector<16xf32>,
          %mul3A_556 = arith.mulf %sub3A_411, %gather3A_551 : vector<16xf32>
          %add3A_557 = arith.addf %while3A_373, %mul3A_556 : vector<16xf32>
          %mul3A_558 = arith.mulf %mul3A_410, %gather3A_555 : vector<16xf32>
          %add3A_559 = arith.addf %add3A_557, %mul3A_558 : vector<16xf32>
          %add3A_560 = arith.constant 10 : i32
          %add3A_561 = vector.broadcast %add3A_560 : i32 to vector<16xi32>
          %add3A_562 = arith.addi %add3A_427, %add3A_561 : vector<16xi32>
          %gather3A_563 = tpu.vector_load_idx %arg5[%add3A_562] : memref<32000xf32, #tpu.memory_space<vmem>>[vector<16xi32>], vector<16xf32>,
          %add3A_564 = arith.constant 10 : i32
          %add3A_565 = vector.broadcast %add3A_564 : i32 to vector<16xi32>
          %add3A_566 = arith.addi %add3A_440, %add3A_565 : vector<16xi32>
          %gather3A_567 = tpu.vector_load_idx %arg5[%add3A_566] : memref<32000xf32, #tpu.memory_space<vmem>>[vector<16xi32>], vector<16xf32>,
          %mul3A_568 = arith.mulf %sub3A_411, %gather3A_563 : vector<16xf32>
          %add3A_569 = arith.addf %while3A_374, %mul3A_568 : vector<16xf32>
          %mul3A_570 = arith.mulf %mul3A_410, %gather3A_567 : vector<16xf32>
          %add3A_571 = arith.addf %add3A_569, %mul3A_570 : vector<16xf32>
          %add3A_572 = arith.constant 11 : i32
          %add3A_573 = vector.broadcast %add3A_572 : i32 to vector<16xi32>
          %add3A_574 = arith.addi %add3A_427, %add3A_573 : vector<16xi32>
          %gather3A_575 = tpu.vector_load_idx %arg5[%add3A_574] : memref<32000xf32, #tpu.memory_space<vmem>>[vector<16xi32>], vector<16xf32>,
          %add3A_576 = arith.constant 11 : i32
          %add3A_577 = vector.broadcast %add3A_576 : i32 to vector<16xi32>
          %add3A_578 = arith.addi %add3A_440, %add3A_577 : vector<16xi32>
          %gather3A_579 = tpu.vector_load_idx %arg5[%add3A_578] : memref<32000xf32, #tpu.memory_space<vmem>>[vector<16xi32>], vector<16xf32>,
          %mul3A_580 = arith.mulf %sub3A_411, %gather3A_575 : vector<16xf32>
          %add3A_581 = arith.addf %while3A_375, %mul3A_580 : vector<16xf32>
          %mul3A_582 = arith.mulf %mul3A_410, %gather3A_579 : vector<16xf32>
          %add3A_583 = arith.addf %add3A_581, %mul3A_582 : vector<16xf32>
          %add3A_584 = arith.constant 12 : i32
          %add3A_585 = vector.broadcast %add3A_584 : i32 to vector<16xi32>
          %add3A_586 = arith.addi %add3A_427, %add3A_585 : vector<16xi32>
          %gather3A_587 = tpu.vector_load_idx %arg5[%add3A_586] : memref<32000xf32, #tpu.memory_space<vmem>>[vector<16xi32>], vector<16xf32>,
          %add3A_588 = arith.constant 12 : i32
          %add3A_589 = vector.broadcast %add3A_588 : i32 to vector<16xi32>
          %add3A_590 = arith.addi %add3A_440, %add3A_589 : vector<16xi32>
          %gather3A_591 = tpu.vector_load_idx %arg5[%add3A_590] : memref<32000xf32, #tpu.memory_space<vmem>>[vector<16xi32>], vector<16xf32>,
          %mul3A_592 = arith.mulf %sub3A_411, %gather3A_587 : vector<16xf32>
          %add3A_593 = arith.addf %while3A_376, %mul3A_592 : vector<16xf32>
          %mul3A_594 = arith.mulf %mul3A_410, %gather3A_591 : vector<16xf32>
          %add3A_595 = arith.addf %add3A_593, %mul3A_594 : vector<16xf32>
          %add3A_596 = arith.constant 13 : i32
          %add3A_597 = vector.broadcast %add3A_596 : i32 to vector<16xi32>
          %add3A_598 = arith.addi %add3A_427, %add3A_597 : vector<16xi32>
          %gather3A_599 = tpu.vector_load_idx %arg5[%add3A_598] : memref<32000xf32, #tpu.memory_space<vmem>>[vector<16xi32>], vector<16xf32>,
          %add3A_600 = arith.constant 13 : i32
          %add3A_601 = vector.broadcast %add3A_600 : i32 to vector<16xi32>
          %add3A_602 = arith.addi %add3A_440, %add3A_601 : vector<16xi32>
          %gather3A_603 = tpu.vector_load_idx %arg5[%add3A_602] : memref<32000xf32, #tpu.memory_space<vmem>>[vector<16xi32>], vector<16xf32>,
          %mul3A_604 = arith.mulf %sub3A_411, %gather3A_599 : vector<16xf32>
          %add3A_605 = arith.addf %while3A_377, %mul3A_604 : vector<16xf32>
          %mul3A_606 = arith.mulf %mul3A_410, %gather3A_603 : vector<16xf32>
          %add3A_607 = arith.addf %add3A_605, %mul3A_606 : vector<16xf32>
          %add3A_608 = arith.constant 14 : i32
          %add3A_609 = vector.broadcast %add3A_608 : i32 to vector<16xi32>
          %add3A_610 = arith.addi %add3A_427, %add3A_609 : vector<16xi32>
          %gather3A_611 = tpu.vector_load_idx %arg5[%add3A_610] : memref<32000xf32, #tpu.memory_space<vmem>>[vector<16xi32>], vector<16xf32>,
          %add3A_612 = arith.constant 14 : i32
          %add3A_613 = vector.broadcast %add3A_612 : i32 to vector<16xi32>
          %add3A_614 = arith.addi %add3A_440, %add3A_613 : vector<16xi32>
          %gather3A_615 = tpu.vector_load_idx %arg5[%add3A_614] : memref<32000xf32, #tpu.memory_space<vmem>>[vector<16xi32>], vector<16xf32>,
          %mul3A_616 = arith.mulf %sub3A_411, %gather3A_611 : vector<16xf32>
          %add3A_617 = arith.addf %while3A_378, %mul3A_616 : vector<16xf32>
          %mul3A_618 = arith.mulf %mul3A_410, %gather3A_615 : vector<16xf32>
          %add3A_619 = arith.addf %add3A_617, %mul3A_618 : vector<16xf32>
          %add3A_620 = arith.constant 15 : i32
          %add3A_621 = vector.broadcast %add3A_620 : i32 to vector<16xi32>
          %add3A_622 = arith.addi %add3A_427, %add3A_621 : vector<16xi32>
          %gather3A_623 = tpu.vector_load_idx %arg5[%add3A_622] : memref<32000xf32, #tpu.memory_space<vmem>>[vector<16xi32>], vector<16xf32>,
          %add3A_624 = arith.constant 15 : i32
          %add3A_625 = vector.broadcast %add3A_624 : i32 to vector<16xi32>
          %add3A_626 = arith.addi %add3A_440, %add3A_625 : vector<16xi32>
          %gather3A_627 = tpu.vector_load_idx %arg5[%add3A_626] : memref<32000xf32, #tpu.memory_space<vmem>>[vector<16xi32>], vector<16xf32>,
          %mul3A_628 = arith.mulf %sub3A_411, %gather3A_623 : vector<16xf32>
          %add3A_629 = arith.addf %while3A_379, %mul3A_628 : vector<16xf32>
          %mul3A_630 = arith.mulf %mul3A_410, %gather3A_627 : vector<16xf32>
          %add3A_631 = arith.addf %add3A_629, %mul3A_630 : vector<16xf32>
          scf.yield %add3A_451, %add3A_463, %add3A_475, %add3A_487, %add3A_499, %add3A_511, %add3A_523, %add3A_535, %add3A_547, %add3A_559, %add3A_571, %add3A_583, %add3A_595, %add3A_607, %add3A_619, %add3A_631 : vector<16xf32>, vector<16xf32>, vector<16xf32>, vector<16xf32>, vector<16xf32>, vector<16xf32>, vector<16xf32>, vector<16xf32>, vector<16xf32>, vector<16xf32>, vector<16xf32>, vector<16xf32>, vector<16xf32>, vector<16xf32>, vector<16xf32>, vector<16xf32>
        }
        %while3A_307 = arith.constant 1 : i32
        %while3A_308:16 = scf.for %while3A_363 = %while3A_304 to %while3A_300 step %while3A_307 iter_args(%while3A_364 = %while3A_306#0, %while3A_365 = %while3A_306#1, %while3A_366 = %while3A_306#2, %while3A_367 = %while3A_306#3, %while3A_368 = %while3A_306#4, %while3A_369 = %while3A_306#5, %while3A_370 = %while3A_306#6, %while3A_371 = %while3A_306#7, %while3A_372 = %while3A_306#8, %while3A_373 = %while3A_306#9, %while3A_374 = %while3A_306#10, %while3A_375 = %while3A_306#11, %while3A_376 = %while3A_306#12, %while3A_377 = %while3A_306#13, %while3A_378 = %while3A_306#14, %while3A_379 = %while3A_306#15) -> (vector<16xf32>, vector<16xf32>, vector<16xf32>, vector<16xf32>, vector<16xf32>, vector<16xf32>, vector<16xf32>, vector<16xf32>, vector<16xf32>, vector<16xf32>, vector<16xf32>, vector<16xf32>, vector<16xf32>, vector<16xf32>, vector<16xf32>, vector<16xf32>)  : i32 {
          %convert_element_type3A_380 = arith.sitofp %while3A_363 : i32 to f32
          %add3A_381 = arith.constant 5.000000e-01 : f32
          %add3A_382 = arith.addf %convert_element_type3A_380, %add3A_381 : f32
          %mul3A_383 = arith.mulf %add3A_382, %mul3A_292 : f32
          %add3A_384 = vector.broadcast %mul3A_383 : f32 to vector<16xf32>
          %add3A_385 = arith.addf %add3A_296, %add3A_384 : vector<16xf32>
          %ge3A = arith.constant -1.000000e+00 : f32
          %ge3A_386 = vector.broadcast %ge3A : f32 to vector<16xf32>
          %ge3A_387 = arith.cmpf oge, %add3A_385, %ge3A_386 : vector<16xf32>
          %le3A = arith.constant 2.000000e+02 : f32
          %le3A_388 = vector.broadcast %le3A : f32 to vector<16xf32>
          %le3A_389 = arith.cmpf ole, %add3A_385, %le3A_388 : vector<16xf32>
          %and3A_390 = arith.andi %ge3A_387, %le3A_389 : vector<16xi1>
          %max3A_391 = arith.constant 0.000000e+00 : f32
          %max3A_392 = vector.broadcast %max3A_391 : f32 to vector<16xf32>
          %max3A_393 = arith.maximumf %add3A_385, %max3A_392 : vector<16xf32>
          %convert_element_type3A_394 = arith.fptosi %max3A_393 : vector<16xf32> to vector<16xi32>
          %min3A_395 = arith.constant 199 : i32
          %min3A_396 = vector.broadcast %min3A_395 : i32 to vector<16xi32>
          %min3A_397 = arith.minsi %convert_element_type3A_394, %min3A_396 : vector<16xi32>
          %add3A_398 = arith.constant 1 : i32
          %add3A_399 = vector.broadcast %add3A_398 : i32 to vector<16xi32>
          %add3A_400 = arith.addi %min3A_397, %add3A_399 : vector<16xi32>
          %min3A_401 = arith.constant 199 : i32
          %min3A_402 = vector.broadcast %min3A_401 : i32 to vector<16xi32>
          %min3A_403 = arith.minsi %add3A_400, %min3A_402 : vector<16xi32>
          %convert_element_type3A_404 = arith.sitofp %min3A_397 : vector<16xi32> to vector<16xf32>
          %sub3A_405 = arith.subf %max3A_393, %convert_element_type3A_404 : vector<16xf32>
          %jit3A_406 = arith.constant 0.000000e+00 : f32
          %broadcast_in_dim3A_407 = vector.broadcast %select_n3A_289 : f32 to vector<16xf32>
          %broadcast_in_dim3A_408 = vector.broadcast %jit3A_406 : f32 to vector<16xf32>
          %select_n3A_409 = arith.select %and3A_390, %broadcast_in_dim3A_407, %broadcast_in_dim3A_408 : vector<16xi1>, vector<16xf32>
          %mul3A_410 = arith.mulf %sub3A_405, %select_n3A_409 : vector<16xf32>
          %sub3A_411 = arith.subf %select_n3A_409, %mul3A_410 : vector<16xf32>
          %add3A_412 = vector.broadcast %mul3A_116 : i32 to vector<16xi32>
          %add3A_413 = arith.addi %add3A_412, %min3A_397 : vector<16xi32>
          %add3A_414 = vector.broadcast %mul3A_116 : i32 to vector<16xi32>
          %add3A_415 = arith.addi %add3A_414, %min3A_403 : vector<16xi32>
          %mul3A_416 = arith.constant 80 : i32
          %mul3A_417 = vector.broadcast %mul3A_416 : i32 to vector<16xi32>
          %mul3A_418 = arith.muli %add3A_413, %mul3A_417 : vector<16xi32>
          %shift_right_arithmetic3A = arith.constant 2 : i32
          %shift_right_arithmetic3A_419 = vector.broadcast %shift_right_arithmetic3A : i32 to vector<16xi32>
          %shift_right_arithmetic3A_420 = arith.shrsi %add3A_413, %shift_right_arithmetic3A_419 : vector<16xi32>
          %add3A_421 = arith.addi %add3A_413, %shift_right_arithmetic3A_420 : vector<16xi32>
          %and3A_422 = arith.constant 15 : i32
          %and3A_423 = vector.broadcast %and3A_422 : i32 to vector<16xi32>
          %and3A_424 = arith.andi %add3A_421, %and3A_423 : vector<16xi32>
          %add3A_425 = arith.addi %mul3A_418, %and3A_424 : vector<16xi32>
          %add3A_426 = vector.broadcast %mul3A_114 : i32 to vector<16xi32>
          %add3A_427 = arith.addi %add3A_425, %add3A_426 : vector<16xi32>
          %mul3A_428 = arith.constant 80 : i32
          %mul3A_429 = vector.broadcast %mul3A_428 : i32 to vector<16xi32>
          %mul3A_430 = arith.muli %add3A_415, %mul3A_429 : vector<16xi32>
          %shift_right_arithmetic3A_431 = arith.constant 2 : i32
          %shift_right_arithmetic3A_432 = vector.broadcast %shift_right_arithmetic3A_431 : i32 to vector<16xi32>
          %shift_right_arithmetic3A_433 = arith.shrsi %add3A_415, %shift_right_arithmetic3A_432 : vector<16xi32>
          %add3A_434 = arith.addi %add3A_415, %shift_right_arithmetic3A_433 : vector<16xi32>
          %and3A_435 = arith.constant 15 : i32
          %and3A_436 = vector.broadcast %and3A_435 : i32 to vector<16xi32>
          %and3A_437 = arith.andi %add3A_434, %and3A_436 : vector<16xi32>
          %add3A_438 = arith.addi %mul3A_430, %and3A_437 : vector<16xi32>
          %add3A_439 = vector.broadcast %mul3A_114 : i32 to vector<16xi32>
          %add3A_440 = arith.addi %add3A_438, %add3A_439 : vector<16xi32>
          %add3A_441 = arith.constant 0 : i32
          %add3A_442 = vector.broadcast %add3A_441 : i32 to vector<16xi32>
          %add3A_443 = arith.addi %add3A_427, %add3A_442 : vector<16xi32>
          %gather3A = tpu.vector_load_idx %arg5[%add3A_443] : memref<32000xf32, #tpu.memory_space<vmem>>[vector<16xi32>], vector<16xf32>,
          %add3A_444 = arith.constant 0 : i32
          %add3A_445 = vector.broadcast %add3A_444 : i32 to vector<16xi32>
          %add3A_446 = arith.addi %add3A_440, %add3A_445 : vector<16xi32>
          %gather3A_447 = tpu.vector_load_idx %arg5[%add3A_446] : memref<32000xf32, #tpu.memory_space<vmem>>[vector<16xi32>], vector<16xf32>,
          %mul3A_448 = arith.mulf %sub3A_411, %gather3A : vector<16xf32>
          %add3A_449 = arith.addf %while3A_364, %mul3A_448 : vector<16xf32>
          %mul3A_450 = arith.mulf %mul3A_410, %gather3A_447 : vector<16xf32>
          %add3A_451 = arith.addf %add3A_449, %mul3A_450 : vector<16xf32>
          %add3A_452 = arith.constant 1 : i32
          %add3A_453 = vector.broadcast %add3A_452 : i32 to vector<16xi32>
          %add3A_454 = arith.addi %add3A_427, %add3A_453 : vector<16xi32>
          %gather3A_455 = tpu.vector_load_idx %arg5[%add3A_454] : memref<32000xf32, #tpu.memory_space<vmem>>[vector<16xi32>], vector<16xf32>,
          %add3A_456 = arith.constant 1 : i32
          %add3A_457 = vector.broadcast %add3A_456 : i32 to vector<16xi32>
          %add3A_458 = arith.addi %add3A_440, %add3A_457 : vector<16xi32>
          %gather3A_459 = tpu.vector_load_idx %arg5[%add3A_458] : memref<32000xf32, #tpu.memory_space<vmem>>[vector<16xi32>], vector<16xf32>,
          %mul3A_460 = arith.mulf %sub3A_411, %gather3A_455 : vector<16xf32>
          %add3A_461 = arith.addf %while3A_365, %mul3A_460 : vector<16xf32>
          %mul3A_462 = arith.mulf %mul3A_410, %gather3A_459 : vector<16xf32>
          %add3A_463 = arith.addf %add3A_461, %mul3A_462 : vector<16xf32>
          %add3A_464 = arith.constant 2 : i32
          %add3A_465 = vector.broadcast %add3A_464 : i32 to vector<16xi32>
          %add3A_466 = arith.addi %add3A_427, %add3A_465 : vector<16xi32>
          %gather3A_467 = tpu.vector_load_idx %arg5[%add3A_466] : memref<32000xf32, #tpu.memory_space<vmem>>[vector<16xi32>], vector<16xf32>,
          %add3A_468 = arith.constant 2 : i32
          %add3A_469 = vector.broadcast %add3A_468 : i32 to vector<16xi32>
          %add3A_470 = arith.addi %add3A_440, %add3A_469 : vector<16xi32>
          %gather3A_471 = tpu.vector_load_idx %arg5[%add3A_470] : memref<32000xf32, #tpu.memory_space<vmem>>[vector<16xi32>], vector<16xf32>,
          %mul3A_472 = arith.mulf %sub3A_411, %gather3A_467 : vector<16xf32>
          %add3A_473 = arith.addf %while3A_366, %mul3A_472 : vector<16xf32>
          %mul3A_474 = arith.mulf %mul3A_410, %gather3A_471 : vector<16xf32>
          %add3A_475 = arith.addf %add3A_473, %mul3A_474 : vector<16xf32>
          %add3A_476 = arith.constant 3 : i32
          %add3A_477 = vector.broadcast %add3A_476 : i32 to vector<16xi32>
          %add3A_478 = arith.addi %add3A_427, %add3A_477 : vector<16xi32>
          %gather3A_479 = tpu.vector_load_idx %arg5[%add3A_478] : memref<32000xf32, #tpu.memory_space<vmem>>[vector<16xi32>], vector<16xf32>,
          %add3A_480 = arith.constant 3 : i32
          %add3A_481 = vector.broadcast %add3A_480 : i32 to vector<16xi32>
          %add3A_482 = arith.addi %add3A_440, %add3A_481 : vector<16xi32>
          %gather3A_483 = tpu.vector_load_idx %arg5[%add3A_482] : memref<32000xf32, #tpu.memory_space<vmem>>[vector<16xi32>], vector<16xf32>,
          %mul3A_484 = arith.mulf %sub3A_411, %gather3A_479 : vector<16xf32>
          %add3A_485 = arith.addf %while3A_367, %mul3A_484 : vector<16xf32>
          %mul3A_486 = arith.mulf %mul3A_410, %gather3A_483 : vector<16xf32>
          %add3A_487 = arith.addf %add3A_485, %mul3A_486 : vector<16xf32>
          %add3A_488 = arith.constant 4 : i32
          %add3A_489 = vector.broadcast %add3A_488 : i32 to vector<16xi32>
          %add3A_490 = arith.addi %add3A_427, %add3A_489 : vector<16xi32>
          %gather3A_491 = tpu.vector_load_idx %arg5[%add3A_490] : memref<32000xf32, #tpu.memory_space<vmem>>[vector<16xi32>], vector<16xf32>,
          %add3A_492 = arith.constant 4 : i32
          %add3A_493 = vector.broadcast %add3A_492 : i32 to vector<16xi32>
          %add3A_494 = arith.addi %add3A_440, %add3A_493 : vector<16xi32>
          %gather3A_495 = tpu.vector_load_idx %arg5[%add3A_494] : memref<32000xf32, #tpu.memory_space<vmem>>[vector<16xi32>], vector<16xf32>,
          %mul3A_496 = arith.mulf %sub3A_411, %gather3A_491 : vector<16xf32>
          %add3A_497 = arith.addf %while3A_368, %mul3A_496 : vector<16xf32>
          %mul3A_498 = arith.mulf %mul3A_410, %gather3A_495 : vector<16xf32>
          %add3A_499 = arith.addf %add3A_497, %mul3A_498 : vector<16xf32>
          %add3A_500 = arith.constant 5 : i32
          %add3A_501 = vector.broadcast %add3A_500 : i32 to vector<16xi32>
          %add3A_502 = arith.addi %add3A_427, %add3A_501 : vector<16xi32>
          %gather3A_503 = tpu.vector_load_idx %arg5[%add3A_502] : memref<32000xf32, #tpu.memory_space<vmem>>[vector<16xi32>], vector<16xf32>,
          %add3A_504 = arith.constant 5 : i32
          %add3A_505 = vector.broadcast %add3A_504 : i32 to vector<16xi32>
          %add3A_506 = arith.addi %add3A_440, %add3A_505 : vector<16xi32>
          %gather3A_507 = tpu.vector_load_idx %arg5[%add3A_506] : memref<32000xf32, #tpu.memory_space<vmem>>[vector<16xi32>], vector<16xf32>,
          %mul3A_508 = arith.mulf %sub3A_411, %gather3A_503 : vector<16xf32>
          %add3A_509 = arith.addf %while3A_369, %mul3A_508 : vector<16xf32>
          %mul3A_510 = arith.mulf %mul3A_410, %gather3A_507 : vector<16xf32>
          %add3A_511 = arith.addf %add3A_509, %mul3A_510 : vector<16xf32>
          %add3A_512 = arith.constant 6 : i32
          %add3A_513 = vector.broadcast %add3A_512 : i32 to vector<16xi32>
          %add3A_514 = arith.addi %add3A_427, %add3A_513 : vector<16xi32>
          %gather3A_515 = tpu.vector_load_idx %arg5[%add3A_514] : memref<32000xf32, #tpu.memory_space<vmem>>[vector<16xi32>], vector<16xf32>,
          %add3A_516 = arith.constant 6 : i32
          %add3A_517 = vector.broadcast %add3A_516 : i32 to vector<16xi32>
          %add3A_518 = arith.addi %add3A_440, %add3A_517 : vector<16xi32>
          %gather3A_519 = tpu.vector_load_idx %arg5[%add3A_518] : memref<32000xf32, #tpu.memory_space<vmem>>[vector<16xi32>], vector<16xf32>,
          %mul3A_520 = arith.mulf %sub3A_411, %gather3A_515 : vector<16xf32>
          %add3A_521 = arith.addf %while3A_370, %mul3A_520 : vector<16xf32>
          %mul3A_522 = arith.mulf %mul3A_410, %gather3A_519 : vector<16xf32>
          %add3A_523 = arith.addf %add3A_521, %mul3A_522 : vector<16xf32>
          %add3A_524 = arith.constant 7 : i32
          %add3A_525 = vector.broadcast %add3A_524 : i32 to vector<16xi32>
          %add3A_526 = arith.addi %add3A_427, %add3A_525 : vector<16xi32>
          %gather3A_527 = tpu.vector_load_idx %arg5[%add3A_526] : memref<32000xf32, #tpu.memory_space<vmem>>[vector<16xi32>], vector<16xf32>,
          %add3A_528 = arith.constant 7 : i32
          %add3A_529 = vector.broadcast %add3A_528 : i32 to vector<16xi32>
          %add3A_530 = arith.addi %add3A_440, %add3A_529 : vector<16xi32>
          %gather3A_531 = tpu.vector_load_idx %arg5[%add3A_530] : memref<32000xf32, #tpu.memory_space<vmem>>[vector<16xi32>], vector<16xf32>,
          %mul3A_532 = arith.mulf %sub3A_411, %gather3A_527 : vector<16xf32>
          %add3A_533 = arith.addf %while3A_371, %mul3A_532 : vector<16xf32>
          %mul3A_534 = arith.mulf %mul3A_410, %gather3A_531 : vector<16xf32>
          %add3A_535 = arith.addf %add3A_533, %mul3A_534 : vector<16xf32>
          %add3A_536 = arith.constant 8 : i32
          %add3A_537 = vector.broadcast %add3A_536 : i32 to vector<16xi32>
          %add3A_538 = arith.addi %add3A_427, %add3A_537 : vector<16xi32>
          %gather3A_539 = tpu.vector_load_idx %arg5[%add3A_538] : memref<32000xf32, #tpu.memory_space<vmem>>[vector<16xi32>], vector<16xf32>,
          %add3A_540 = arith.constant 8 : i32
          %add3A_541 = vector.broadcast %add3A_540 : i32 to vector<16xi32>
          %add3A_542 = arith.addi %add3A_440, %add3A_541 : vector<16xi32>
          %gather3A_543 = tpu.vector_load_idx %arg5[%add3A_542] : memref<32000xf32, #tpu.memory_space<vmem>>[vector<16xi32>], vector<16xf32>,
          %mul3A_544 = arith.mulf %sub3A_411, %gather3A_539 : vector<16xf32>
          %add3A_545 = arith.addf %while3A_372, %mul3A_544 : vector<16xf32>
          %mul3A_546 = arith.mulf %mul3A_410, %gather3A_543 : vector<16xf32>
          %add3A_547 = arith.addf %add3A_545, %mul3A_546 : vector<16xf32>
          %add3A_548 = arith.constant 9 : i32
          %add3A_549 = vector.broadcast %add3A_548 : i32 to vector<16xi32>
          %add3A_550 = arith.addi %add3A_427, %add3A_549 : vector<16xi32>
          %gather3A_551 = tpu.vector_load_idx %arg5[%add3A_550] : memref<32000xf32, #tpu.memory_space<vmem>>[vector<16xi32>], vector<16xf32>,
          %add3A_552 = arith.constant 9 : i32
          %add3A_553 = vector.broadcast %add3A_552 : i32 to vector<16xi32>
          %add3A_554 = arith.addi %add3A_440, %add3A_553 : vector<16xi32>
          %gather3A_555 = tpu.vector_load_idx %arg5[%add3A_554] : memref<32000xf32, #tpu.memory_space<vmem>>[vector<16xi32>], vector<16xf32>,
          %mul3A_556 = arith.mulf %sub3A_411, %gather3A_551 : vector<16xf32>
          %add3A_557 = arith.addf %while3A_373, %mul3A_556 : vector<16xf32>
          %mul3A_558 = arith.mulf %mul3A_410, %gather3A_555 : vector<16xf32>
          %add3A_559 = arith.addf %add3A_557, %mul3A_558 : vector<16xf32>
          %add3A_560 = arith.constant 10 : i32
          %add3A_561 = vector.broadcast %add3A_560 : i32 to vector<16xi32>
          %add3A_562 = arith.addi %add3A_427, %add3A_561 : vector<16xi32>
          %gather3A_563 = tpu.vector_load_idx %arg5[%add3A_562] : memref<32000xf32, #tpu.memory_space<vmem>>[vector<16xi32>], vector<16xf32>,
          %add3A_564 = arith.constant 10 : i32
          %add3A_565 = vector.broadcast %add3A_564 : i32 to vector<16xi32>
          %add3A_566 = arith.addi %add3A_440, %add3A_565 : vector<16xi32>
          %gather3A_567 = tpu.vector_load_idx %arg5[%add3A_566] : memref<32000xf32, #tpu.memory_space<vmem>>[vector<16xi32>], vector<16xf32>,
          %mul3A_568 = arith.mulf %sub3A_411, %gather3A_563 : vector<16xf32>
          %add3A_569 = arith.addf %while3A_374, %mul3A_568 : vector<16xf32>
          %mul3A_570 = arith.mulf %mul3A_410, %gather3A_567 : vector<16xf32>
          %add3A_571 = arith.addf %add3A_569, %mul3A_570 : vector<16xf32>
          %add3A_572 = arith.constant 11 : i32
          %add3A_573 = vector.broadcast %add3A_572 : i32 to vector<16xi32>
          %add3A_574 = arith.addi %add3A_427, %add3A_573 : vector<16xi32>
          %gather3A_575 = tpu.vector_load_idx %arg5[%add3A_574] : memref<32000xf32, #tpu.memory_space<vmem>>[vector<16xi32>], vector<16xf32>,
          %add3A_576 = arith.constant 11 : i32
          %add3A_577 = vector.broadcast %add3A_576 : i32 to vector<16xi32>
          %add3A_578 = arith.addi %add3A_440, %add3A_577 : vector<16xi32>
          %gather3A_579 = tpu.vector_load_idx %arg5[%add3A_578] : memref<32000xf32, #tpu.memory_space<vmem>>[vector<16xi32>], vector<16xf32>,
          %mul3A_580 = arith.mulf %sub3A_411, %gather3A_575 : vector<16xf32>
          %add3A_581 = arith.addf %while3A_375, %mul3A_580 : vector<16xf32>
          %mul3A_582 = arith.mulf %mul3A_410, %gather3A_579 : vector<16xf32>
          %add3A_583 = arith.addf %add3A_581, %mul3A_582 : vector<16xf32>
          %add3A_584 = arith.constant 12 : i32
          %add3A_585 = vector.broadcast %add3A_584 : i32 to vector<16xi32>
          %add3A_586 = arith.addi %add3A_427, %add3A_585 : vector<16xi32>
          %gather3A_587 = tpu.vector_load_idx %arg5[%add3A_586] : memref<32000xf32, #tpu.memory_space<vmem>>[vector<16xi32>], vector<16xf32>,
          %add3A_588 = arith.constant 12 : i32
          %add3A_589 = vector.broadcast %add3A_588 : i32 to vector<16xi32>
          %add3A_590 = arith.addi %add3A_440, %add3A_589 : vector<16xi32>
          %gather3A_591 = tpu.vector_load_idx %arg5[%add3A_590] : memref<32000xf32, #tpu.memory_space<vmem>>[vector<16xi32>], vector<16xf32>,
          %mul3A_592 = arith.mulf %sub3A_411, %gather3A_587 : vector<16xf32>
          %add3A_593 = arith.addf %while3A_376, %mul3A_592 : vector<16xf32>
          %mul3A_594 = arith.mulf %mul3A_410, %gather3A_591 : vector<16xf32>
          %add3A_595 = arith.addf %add3A_593, %mul3A_594 : vector<16xf32>
          %add3A_596 = arith.constant 13 : i32
          %add3A_597 = vector.broadcast %add3A_596 : i32 to vector<16xi32>
          %add3A_598 = arith.addi %add3A_427, %add3A_597 : vector<16xi32>
          %gather3A_599 = tpu.vector_load_idx %arg5[%add3A_598] : memref<32000xf32, #tpu.memory_space<vmem>>[vector<16xi32>], vector<16xf32>,
          %add3A_600 = arith.constant 13 : i32
          %add3A_601 = vector.broadcast %add3A_600 : i32 to vector<16xi32>
          %add3A_602 = arith.addi %add3A_440, %add3A_601 : vector<16xi32>
          %gather3A_603 = tpu.vector_load_idx %arg5[%add3A_602] : memref<32000xf32, #tpu.memory_space<vmem>>[vector<16xi32>], vector<16xf32>,
          %mul3A_604 = arith.mulf %sub3A_411, %gather3A_599 : vector<16xf32>
          %add3A_605 = arith.addf %while3A_377, %mul3A_604 : vector<16xf32>
          %mul3A_606 = arith.mulf %mul3A_410, %gather3A_603 : vector<16xf32>
          %add3A_607 = arith.addf %add3A_605, %mul3A_606 : vector<16xf32>
          %add3A_608 = arith.constant 14 : i32
          %add3A_609 = vector.broadcast %add3A_608 : i32 to vector<16xi32>
          %add3A_610 = arith.addi %add3A_427, %add3A_609 : vector<16xi32>
          %gather3A_611 = tpu.vector_load_idx %arg5[%add3A_610] : memref<32000xf32, #tpu.memory_space<vmem>>[vector<16xi32>], vector<16xf32>,
          %add3A_612 = arith.constant 14 : i32
          %add3A_613 = vector.broadcast %add3A_612 : i32 to vector<16xi32>
          %add3A_614 = arith.addi %add3A_440, %add3A_613 : vector<16xi32>
          %gather3A_615 = tpu.vector_load_idx %arg5[%add3A_614] : memref<32000xf32, #tpu.memory_space<vmem>>[vector<16xi32>], vector<16xf32>,
          %mul3A_616 = arith.mulf %sub3A_411, %gather3A_611 : vector<16xf32>
          %add3A_617 = arith.addf %while3A_378, %mul3A_616 : vector<16xf32>
          %mul3A_618 = arith.mulf %mul3A_410, %gather3A_615 : vector<16xf32>
          %add3A_619 = arith.addf %add3A_617, %mul3A_618 : vector<16xf32>
          %add3A_620 = arith.constant 15 : i32
          %add3A_621 = vector.broadcast %add3A_620 : i32 to vector<16xi32>
          %add3A_622 = arith.addi %add3A_427, %add3A_621 : vector<16xi32>
          %gather3A_623 = tpu.vector_load_idx %arg5[%add3A_622] : memref<32000xf32, #tpu.memory_space<vmem>>[vector<16xi32>], vector<16xf32>,
          %add3A_624 = arith.constant 15 : i32
          %add3A_625 = vector.broadcast %add3A_624 : i32 to vector<16xi32>
          %add3A_626 = arith.addi %add3A_440, %add3A_625 : vector<16xi32>
          %gather3A_627 = tpu.vector_load_idx %arg5[%add3A_626] : memref<32000xf32, #tpu.memory_space<vmem>>[vector<16xi32>], vector<16xf32>,
          %mul3A_628 = arith.mulf %sub3A_411, %gather3A_623 : vector<16xf32>
          %add3A_629 = arith.addf %while3A_379, %mul3A_628 : vector<16xf32>
          %mul3A_630 = arith.mulf %mul3A_410, %gather3A_627 : vector<16xf32>
          %add3A_631 = arith.addf %add3A_629, %mul3A_630 : vector<16xf32>
          scf.yield %add3A_451, %add3A_463, %add3A_475, %add3A_487, %add3A_499, %add3A_511, %add3A_523, %add3A_535, %add3A_547, %add3A_559, %add3A_571, %add3A_583, %add3A_595, %add3A_607, %add3A_619, %add3A_631 : vector<16xf32>, vector<16xf32>, vector<16xf32>, vector<16xf32>, vector<16xf32>, vector<16xf32>, vector<16xf32>, vector<16xf32>, vector<16xf32>, vector<16xf32>, vector<16xf32>, vector<16xf32>, vector<16xf32>, vector<16xf32>, vector<16xf32>, vector<16xf32>
        }
        %mul3A_309 = arith.constant 0 : i32
        %mul3A_310 = vector.broadcast %mul3A_309 : i32 to vector<16xi32>
        %mul3A_311 = arith.muli %iota3A, %mul3A_310 : vector<16xi32>
        %add3A_312 = vector.broadcast %while3A_267 : i32 to vector<16xi32>
        %add3A_313 = arith.addi %mul3A_311, %add3A_312 : vector<16xi32>
        %add3A_314 = arith.constant 0 : i32
        %add3A_315 = vector.broadcast %add3A_314 : i32 to vector<16xi32>
        %add3A_316 = arith.addi %add3A_315, %iota3A : vector<16xi32>
        tpu.vector_store_idx %arg7[%add3A_316, %add3A_313], %while3A_308#0 : memref<256x209xf32, #tpu.memory_space<vmem>>[vector<16xi32>, vector<16xi32>], vector<16xf32>,
        %add3A_317 = arith.constant 16 : i32
        %add3A_318 = vector.broadcast %add3A_317 : i32 to vector<16xi32>
        %add3A_319 = arith.addi %add3A_318, %iota3A : vector<16xi32>
        tpu.vector_store_idx %arg7[%add3A_319, %add3A_313], %while3A_308#1 : memref<256x209xf32, #tpu.memory_space<vmem>>[vector<16xi32>, vector<16xi32>], vector<16xf32>,
        %add3A_320 = arith.constant 32 : i32
        %add3A_321 = vector.broadcast %add3A_320 : i32 to vector<16xi32>
        %add3A_322 = arith.addi %add3A_321, %iota3A : vector<16xi32>
        tpu.vector_store_idx %arg7[%add3A_322, %add3A_313], %while3A_308#2 : memref<256x209xf32, #tpu.memory_space<vmem>>[vector<16xi32>, vector<16xi32>], vector<16xf32>,
        %add3A_323 = arith.constant 48 : i32
        %add3A_324 = vector.broadcast %add3A_323 : i32 to vector<16xi32>
        %add3A_325 = arith.addi %add3A_324, %iota3A : vector<16xi32>
        tpu.vector_store_idx %arg7[%add3A_325, %add3A_313], %while3A_308#3 : memref<256x209xf32, #tpu.memory_space<vmem>>[vector<16xi32>, vector<16xi32>], vector<16xf32>,
        %add3A_326 = arith.constant 64 : i32
        %add3A_327 = vector.broadcast %add3A_326 : i32 to vector<16xi32>
        %add3A_328 = arith.addi %add3A_327, %iota3A : vector<16xi32>
        tpu.vector_store_idx %arg7[%add3A_328, %add3A_313], %while3A_308#4 : memref<256x209xf32, #tpu.memory_space<vmem>>[vector<16xi32>, vector<16xi32>], vector<16xf32>,
        %add3A_329 = arith.constant 80 : i32
        %add3A_330 = vector.broadcast %add3A_329 : i32 to vector<16xi32>
        %add3A_331 = arith.addi %add3A_330, %iota3A : vector<16xi32>
        tpu.vector_store_idx %arg7[%add3A_331, %add3A_313], %while3A_308#5 : memref<256x209xf32, #tpu.memory_space<vmem>>[vector<16xi32>, vector<16xi32>], vector<16xf32>,
        %add3A_332 = arith.constant 96 : i32
        %add3A_333 = vector.broadcast %add3A_332 : i32 to vector<16xi32>
        %add3A_334 = arith.addi %add3A_333, %iota3A : vector<16xi32>
        tpu.vector_store_idx %arg7[%add3A_334, %add3A_313], %while3A_308#6 : memref<256x209xf32, #tpu.memory_space<vmem>>[vector<16xi32>, vector<16xi32>], vector<16xf32>,
        %add3A_335 = arith.constant 112 : i32
        %add3A_336 = vector.broadcast %add3A_335 : i32 to vector<16xi32>
        %add3A_337 = arith.addi %add3A_336, %iota3A : vector<16xi32>
        tpu.vector_store_idx %arg7[%add3A_337, %add3A_313], %while3A_308#7 : memref<256x209xf32, #tpu.memory_space<vmem>>[vector<16xi32>, vector<16xi32>], vector<16xf32>,
        %add3A_338 = arith.constant 128 : i32
        %add3A_339 = vector.broadcast %add3A_338 : i32 to vector<16xi32>
        %add3A_340 = arith.addi %add3A_339, %iota3A : vector<16xi32>
        tpu.vector_store_idx %arg7[%add3A_340, %add3A_313], %while3A_308#8 : memref<256x209xf32, #tpu.memory_space<vmem>>[vector<16xi32>, vector<16xi32>], vector<16xf32>,
        %add3A_341 = arith.constant 144 : i32
        %add3A_342 = vector.broadcast %add3A_341 : i32 to vector<16xi32>
        %add3A_343 = arith.addi %add3A_342, %iota3A : vector<16xi32>
        tpu.vector_store_idx %arg7[%add3A_343, %add3A_313], %while3A_308#9 : memref<256x209xf32, #tpu.memory_space<vmem>>[vector<16xi32>, vector<16xi32>], vector<16xf32>,
        %add3A_344 = arith.constant 160 : i32
        %add3A_345 = vector.broadcast %add3A_344 : i32 to vector<16xi32>
        %add3A_346 = arith.addi %add3A_345, %iota3A : vector<16xi32>
        tpu.vector_store_idx %arg7[%add3A_346, %add3A_313], %while3A_308#10 : memref<256x209xf32, #tpu.memory_space<vmem>>[vector<16xi32>, vector<16xi32>], vector<16xf32>,
        %add3A_347 = arith.constant 176 : i32
        %add3A_348 = vector.broadcast %add3A_347 : i32 to vector<16xi32>
        %add3A_349 = arith.addi %add3A_348, %iota3A : vector<16xi32>
        tpu.vector_store_idx %arg7[%add3A_349, %add3A_313], %while3A_308#11 : memref<256x209xf32, #tpu.memory_space<vmem>>[vector<16xi32>, vector<16xi32>], vector<16xf32>,
        %add3A_350 = arith.constant 192 : i32
        %add3A_351 = vector.broadcast %add3A_350 : i32 to vector<16xi32>
        %add3A_352 = arith.addi %add3A_351, %iota3A : vector<16xi32>
        tpu.vector_store_idx %arg7[%add3A_352, %add3A_313], %while3A_308#12 : memref<256x209xf32, #tpu.memory_space<vmem>>[vector<16xi32>, vector<16xi32>], vector<16xf32>,
        %add3A_353 = arith.constant 208 : i32
        %add3A_354 = vector.broadcast %add3A_353 : i32 to vector<16xi32>
        %add3A_355 = arith.addi %add3A_354, %iota3A : vector<16xi32>
        tpu.vector_store_idx %arg7[%add3A_355, %add3A_313], %while3A_308#13 : memref<256x209xf32, #tpu.memory_space<vmem>>[vector<16xi32>, vector<16xi32>], vector<16xf32>,
        %add3A_356 = arith.constant 224 : i32
        %add3A_357 = vector.broadcast %add3A_356 : i32 to vector<16xi32>
        %add3A_358 = arith.addi %add3A_357, %iota3A : vector<16xi32>
        tpu.vector_store_idx %arg7[%add3A_358, %add3A_313], %while3A_308#14 : memref<256x209xf32, #tpu.memory_space<vmem>>[vector<16xi32>, vector<16xi32>], vector<16xf32>,
        %add3A_359 = arith.constant 240 : i32
        %add3A_360 = vector.broadcast %add3A_359 : i32 to vector<16xi32>
        %add3A_361 = arith.addi %add3A_360, %iota3A : vector<16xi32>
        tpu.vector_store_idx %arg7[%add3A_361, %add3A_313], %while3A_308#15 : memref<256x209xf32, #tpu.memory_space<vmem>>[vector<16xi32>, vector<16xi32>], vector<16xf32>,
        %while3A_362 = arith.constant 0 : i32
        scf.yield %while3A_362 : i32
      }
      %while3A_241 = arith.constant 1 : i32
      %while3A_242 = scf.for %while3A_267 = %while3A_238 to %while3A_234 step %while3A_241 iter_args(%while3A_268 = %while3A_240) -> (i32)  : i32 {
        %add3A_269 = arith.addi %while3A_267, %select_n3A_54 : i32
        %lt3A_270 = arith.constant 200 : i32
        %lt3A_271 = arith.cmpi slt, %add3A_269, %lt3A_270 : i32
        %convert_element_type3A_272 = arith.sitofp %while3A_267 : i32 to f32
        %add3A_273 = arith.constant 1.000000e+00 : f32
        %add3A_274 = arith.addf %convert_element_type3A_58, %add3A_273 : f32
        %mul3A_275 = arith.constant 5.000000e-01 : f32
        %mul3A_276 = arith.mulf %add3A_274, %mul3A_275 : f32
        %sub3A_277 = arith.subf %convert_element_type3A_272, %mul3A_276 : f32
        %jit3A_278 = arith.constant 0.000000e+00 : f32
        %select_n3A_279 = arith.select %lt3A_271, %sub3A_277, %jit3A_278 : f32
        %mul3A_280 = arith.constant 2.000000e+00 : f32
        %mul3A_281 = arith.mulf %mul3A_280, %convert_element_type3A_58 : f32
        %add3A_282 = arith.constant 1.000000e+00 : f32
        %add3A_283 = arith.addf %mul3A_281, %add3A_282 : f32
        %jit3A_284 = arith.constant 1.000000e+00 : f32
        %select_n3A_285 = arith.select %lt3A_271, %add3A_283, %jit3A_284 : f32
        %jit3A_286 = arith.constant 1 : i32
        %select_n3A_287 = arith.select %lt3A_271, %add3A_84, %jit3A_286 : i32
        %jit3A_288 = arith.constant 1.000000e+00 : f32
        %select_n3A_289 = arith.select %lt3A_271, %select_n3A_112, %jit3A_288 : f32
        %mul3A_290 = arith.constant 6.250000e-02 : f32
        %mul3A_291 = arith.mulf %select_n3A_285, %mul3A_290 : f32
        %mul3A_292 = arith.mulf %mul3A_291, %select_n3A_289 : f32
        %mul3A_293 = vector.broadcast %mul3A_291 : f32 to vector<16xf32>
        %mul3A_294 = arith.mulf %convert_element_type3A, %mul3A_293 : vector<16xf32>
        %add3A_295 = vector.broadcast %select_n3A_279 : f32 to vector<16xf32>
        %add3A_296 = arith.addf %add3A_295, %mul3A_294 : vector<16xf32>
        %broadcast_in_dim3A = arith.constant 0.000000e+00 : f32
        %broadcast_in_dim3A_297 = vector.broadcast %broadcast_in_dim3A : f32 to vector<16xf32>
        %while3A_298 = arith.constant 0 : i32
        %while3A_299 = arith.subi %select_n3A_287, %while3A_298 : i32
        %while3A_300 = arith.addi %while3A_298, %while3A_299 : i32
        %while3A_301 = arith.constant 1 : i32
        %while3A_302 = arith.divsi %while3A_299, %while3A_301 : i32
        %while3A_303 = arith.muli %while3A_302, %while3A_301 : i32
        %while3A_304 = arith.addi %while3A_298, %while3A_303 : i32
        %while3A_305 = arith.constant 1 : i32
        %while3A_306:16 = scf.for %while3A_363 = %while3A_298 to %while3A_304 step %while3A_305 iter_args(%while3A_364 = %broadcast_in_dim3A_297, %while3A_365 = %broadcast_in_dim3A_297, %while3A_366 = %broadcast_in_dim3A_297, %while3A_367 = %broadcast_in_dim3A_297, %while3A_368 = %broadcast_in_dim3A_297, %while3A_369 = %broadcast_in_dim3A_297, %while3A_370 = %broadcast_in_dim3A_297, %while3A_371 = %broadcast_in_dim3A_297, %while3A_372 = %broadcast_in_dim3A_297, %while3A_373 = %broadcast_in_dim3A_297, %while3A_374 = %broadcast_in_dim3A_297, %while3A_375 = %broadcast_in_dim3A_297, %while3A_376 = %broadcast_in_dim3A_297, %while3A_377 = %broadcast_in_dim3A_297, %while3A_378 = %broadcast_in_dim3A_297, %while3A_379 = %broadcast_in_dim3A_297) -> (vector<16xf32>, vector<16xf32>, vector<16xf32>, vector<16xf32>, vector<16xf32>, vector<16xf32>, vector<16xf32>, vector<16xf32>, vector<16xf32>, vector<16xf32>, vector<16xf32>, vector<16xf32>, vector<16xf32>, vector<16xf32>, vector<16xf32>, vector<16xf32>)  : i32 {
          %convert_element_type3A_380 = arith.sitofp %while3A_363 : i32 to f32
          %add3A_381 = arith.constant 5.000000e-01 : f32
          %add3A_382 = arith.addf %convert_element_type3A_380, %add3A_381 : f32
          %mul3A_383 = arith.mulf %add3A_382, %mul3A_292 : f32
          %add3A_384 = vector.broadcast %mul3A_383 : f32 to vector<16xf32>
          %add3A_385 = arith.addf %add3A_296, %add3A_384 : vector<16xf32>
          %ge3A = arith.constant -1.000000e+00 : f32
          %ge3A_386 = vector.broadcast %ge3A : f32 to vector<16xf32>
          %ge3A_387 = arith.cmpf oge, %add3A_385, %ge3A_386 : vector<16xf32>
          %le3A = arith.constant 2.000000e+02 : f32
          %le3A_388 = vector.broadcast %le3A : f32 to vector<16xf32>
          %le3A_389 = arith.cmpf ole, %add3A_385, %le3A_388 : vector<16xf32>
          %and3A_390 = arith.andi %ge3A_387, %le3A_389 : vector<16xi1>
          %max3A_391 = arith.constant 0.000000e+00 : f32
          %max3A_392 = vector.broadcast %max3A_391 : f32 to vector<16xf32>
          %max3A_393 = arith.maximumf %add3A_385, %max3A_392 : vector<16xf32>
          %convert_element_type3A_394 = arith.fptosi %max3A_393 : vector<16xf32> to vector<16xi32>
          %min3A_395 = arith.constant 199 : i32
          %min3A_396 = vector.broadcast %min3A_395 : i32 to vector<16xi32>
          %min3A_397 = arith.minsi %convert_element_type3A_394, %min3A_396 : vector<16xi32>
          %add3A_398 = arith.constant 1 : i32
          %add3A_399 = vector.broadcast %add3A_398 : i32 to vector<16xi32>
          %add3A_400 = arith.addi %min3A_397, %add3A_399 : vector<16xi32>
          %min3A_401 = arith.constant 199 : i32
          %min3A_402 = vector.broadcast %min3A_401 : i32 to vector<16xi32>
          %min3A_403 = arith.minsi %add3A_400, %min3A_402 : vector<16xi32>
          %convert_element_type3A_404 = arith.sitofp %min3A_397 : vector<16xi32> to vector<16xf32>
          %sub3A_405 = arith.subf %max3A_393, %convert_element_type3A_404 : vector<16xf32>
          %jit3A_406 = arith.constant 0.000000e+00 : f32
          %broadcast_in_dim3A_407 = vector.broadcast %select_n3A_289 : f32 to vector<16xf32>
          %broadcast_in_dim3A_408 = vector.broadcast %jit3A_406 : f32 to vector<16xf32>
          %select_n3A_409 = arith.select %and3A_390, %broadcast_in_dim3A_407, %broadcast_in_dim3A_408 : vector<16xi1>, vector<16xf32>
          %mul3A_410 = arith.mulf %sub3A_405, %select_n3A_409 : vector<16xf32>
          %sub3A_411 = arith.subf %select_n3A_409, %mul3A_410 : vector<16xf32>
          %add3A_412 = vector.broadcast %mul3A_116 : i32 to vector<16xi32>
          %add3A_413 = arith.addi %add3A_412, %min3A_397 : vector<16xi32>
          %add3A_414 = vector.broadcast %mul3A_116 : i32 to vector<16xi32>
          %add3A_415 = arith.addi %add3A_414, %min3A_403 : vector<16xi32>
          %mul3A_416 = arith.constant 80 : i32
          %mul3A_417 = vector.broadcast %mul3A_416 : i32 to vector<16xi32>
          %mul3A_418 = arith.muli %add3A_413, %mul3A_417 : vector<16xi32>
          %shift_right_arithmetic3A = arith.constant 2 : i32
          %shift_right_arithmetic3A_419 = vector.broadcast %shift_right_arithmetic3A : i32 to vector<16xi32>
          %shift_right_arithmetic3A_420 = arith.shrsi %add3A_413, %shift_right_arithmetic3A_419 : vector<16xi32>
          %add3A_421 = arith.addi %add3A_413, %shift_right_arithmetic3A_420 : vector<16xi32>
          %and3A_422 = arith.constant 15 : i32
          %and3A_423 = vector.broadcast %and3A_422 : i32 to vector<16xi32>
          %and3A_424 = arith.andi %add3A_421, %and3A_423 : vector<16xi32>
          %add3A_425 = arith.addi %mul3A_418, %and3A_424 : vector<16xi32>
          %add3A_426 = vector.broadcast %mul3A_114 : i32 to vector<16xi32>
          %add3A_427 = arith.addi %add3A_425, %add3A_426 : vector<16xi32>
          %mul3A_428 = arith.constant 80 : i32
          %mul3A_429 = vector.broadcast %mul3A_428 : i32 to vector<16xi32>
          %mul3A_430 = arith.muli %add3A_415, %mul3A_429 : vector<16xi32>
          %shift_right_arithmetic3A_431 = arith.constant 2 : i32
          %shift_right_arithmetic3A_432 = vector.broadcast %shift_right_arithmetic3A_431 : i32 to vector<16xi32>
          %shift_right_arithmetic3A_433 = arith.shrsi %add3A_415, %shift_right_arithmetic3A_432 : vector<16xi32>
          %add3A_434 = arith.addi %add3A_415, %shift_right_arithmetic3A_433 : vector<16xi32>
          %and3A_435 = arith.constant 15 : i32
          %and3A_436 = vector.broadcast %and3A_435 : i32 to vector<16xi32>
          %and3A_437 = arith.andi %add3A_434, %and3A_436 : vector<16xi32>
          %add3A_438 = arith.addi %mul3A_430, %and3A_437 : vector<16xi32>
          %add3A_439 = vector.broadcast %mul3A_114 : i32 to vector<16xi32>
          %add3A_440 = arith.addi %add3A_438, %add3A_439 : vector<16xi32>
          %add3A_441 = arith.constant 0 : i32
          %add3A_442 = vector.broadcast %add3A_441 : i32 to vector<16xi32>
          %add3A_443 = arith.addi %add3A_427, %add3A_442 : vector<16xi32>
          %gather3A = tpu.vector_load_idx %arg5[%add3A_443] : memref<32000xf32, #tpu.memory_space<vmem>>[vector<16xi32>], vector<16xf32>,
          %add3A_444 = arith.constant 0 : i32
          %add3A_445 = vector.broadcast %add3A_444 : i32 to vector<16xi32>
          %add3A_446 = arith.addi %add3A_440, %add3A_445 : vector<16xi32>
          %gather3A_447 = tpu.vector_load_idx %arg5[%add3A_446] : memref<32000xf32, #tpu.memory_space<vmem>>[vector<16xi32>], vector<16xf32>,
          %mul3A_448 = arith.mulf %sub3A_411, %gather3A : vector<16xf32>
          %add3A_449 = arith.addf %while3A_364, %mul3A_448 : vector<16xf32>
          %mul3A_450 = arith.mulf %mul3A_410, %gather3A_447 : vector<16xf32>
          %add3A_451 = arith.addf %add3A_449, %mul3A_450 : vector<16xf32>
          %add3A_452 = arith.constant 1 : i32
          %add3A_453 = vector.broadcast %add3A_452 : i32 to vector<16xi32>
          %add3A_454 = arith.addi %add3A_427, %add3A_453 : vector<16xi32>
          %gather3A_455 = tpu.vector_load_idx %arg5[%add3A_454] : memref<32000xf32, #tpu.memory_space<vmem>>[vector<16xi32>], vector<16xf32>,
          %add3A_456 = arith.constant 1 : i32
          %add3A_457 = vector.broadcast %add3A_456 : i32 to vector<16xi32>
          %add3A_458 = arith.addi %add3A_440, %add3A_457 : vector<16xi32>
          %gather3A_459 = tpu.vector_load_idx %arg5[%add3A_458] : memref<32000xf32, #tpu.memory_space<vmem>>[vector<16xi32>], vector<16xf32>,
          %mul3A_460 = arith.mulf %sub3A_411, %gather3A_455 : vector<16xf32>
          %add3A_461 = arith.addf %while3A_365, %mul3A_460 : vector<16xf32>
          %mul3A_462 = arith.mulf %mul3A_410, %gather3A_459 : vector<16xf32>
          %add3A_463 = arith.addf %add3A_461, %mul3A_462 : vector<16xf32>
          %add3A_464 = arith.constant 2 : i32
          %add3A_465 = vector.broadcast %add3A_464 : i32 to vector<16xi32>
          %add3A_466 = arith.addi %add3A_427, %add3A_465 : vector<16xi32>
          %gather3A_467 = tpu.vector_load_idx %arg5[%add3A_466] : memref<32000xf32, #tpu.memory_space<vmem>>[vector<16xi32>], vector<16xf32>,
          %add3A_468 = arith.constant 2 : i32
          %add3A_469 = vector.broadcast %add3A_468 : i32 to vector<16xi32>
          %add3A_470 = arith.addi %add3A_440, %add3A_469 : vector<16xi32>
          %gather3A_471 = tpu.vector_load_idx %arg5[%add3A_470] : memref<32000xf32, #tpu.memory_space<vmem>>[vector<16xi32>], vector<16xf32>,
          %mul3A_472 = arith.mulf %sub3A_411, %gather3A_467 : vector<16xf32>
          %add3A_473 = arith.addf %while3A_366, %mul3A_472 : vector<16xf32>
          %mul3A_474 = arith.mulf %mul3A_410, %gather3A_471 : vector<16xf32>
          %add3A_475 = arith.addf %add3A_473, %mul3A_474 : vector<16xf32>
          %add3A_476 = arith.constant 3 : i32
          %add3A_477 = vector.broadcast %add3A_476 : i32 to vector<16xi32>
          %add3A_478 = arith.addi %add3A_427, %add3A_477 : vector<16xi32>
          %gather3A_479 = tpu.vector_load_idx %arg5[%add3A_478] : memref<32000xf32, #tpu.memory_space<vmem>>[vector<16xi32>], vector<16xf32>,
          %add3A_480 = arith.constant 3 : i32
          %add3A_481 = vector.broadcast %add3A_480 : i32 to vector<16xi32>
          %add3A_482 = arith.addi %add3A_440, %add3A_481 : vector<16xi32>
          %gather3A_483 = tpu.vector_load_idx %arg5[%add3A_482] : memref<32000xf32, #tpu.memory_space<vmem>>[vector<16xi32>], vector<16xf32>,
          %mul3A_484 = arith.mulf %sub3A_411, %gather3A_479 : vector<16xf32>
          %add3A_485 = arith.addf %while3A_367, %mul3A_484 : vector<16xf32>
          %mul3A_486 = arith.mulf %mul3A_410, %gather3A_483 : vector<16xf32>
          %add3A_487 = arith.addf %add3A_485, %mul3A_486 : vector<16xf32>
          %add3A_488 = arith.constant 4 : i32
          %add3A_489 = vector.broadcast %add3A_488 : i32 to vector<16xi32>
          %add3A_490 = arith.addi %add3A_427, %add3A_489 : vector<16xi32>
          %gather3A_491 = tpu.vector_load_idx %arg5[%add3A_490] : memref<32000xf32, #tpu.memory_space<vmem>>[vector<16xi32>], vector<16xf32>,
          %add3A_492 = arith.constant 4 : i32
          %add3A_493 = vector.broadcast %add3A_492 : i32 to vector<16xi32>
          %add3A_494 = arith.addi %add3A_440, %add3A_493 : vector<16xi32>
          %gather3A_495 = tpu.vector_load_idx %arg5[%add3A_494] : memref<32000xf32, #tpu.memory_space<vmem>>[vector<16xi32>], vector<16xf32>,
          %mul3A_496 = arith.mulf %sub3A_411, %gather3A_491 : vector<16xf32>
          %add3A_497 = arith.addf %while3A_368, %mul3A_496 : vector<16xf32>
          %mul3A_498 = arith.mulf %mul3A_410, %gather3A_495 : vector<16xf32>
          %add3A_499 = arith.addf %add3A_497, %mul3A_498 : vector<16xf32>
          %add3A_500 = arith.constant 5 : i32
          %add3A_501 = vector.broadcast %add3A_500 : i32 to vector<16xi32>
          %add3A_502 = arith.addi %add3A_427, %add3A_501 : vector<16xi32>
          %gather3A_503 = tpu.vector_load_idx %arg5[%add3A_502] : memref<32000xf32, #tpu.memory_space<vmem>>[vector<16xi32>], vector<16xf32>,
          %add3A_504 = arith.constant 5 : i32
          %add3A_505 = vector.broadcast %add3A_504 : i32 to vector<16xi32>
          %add3A_506 = arith.addi %add3A_440, %add3A_505 : vector<16xi32>
          %gather3A_507 = tpu.vector_load_idx %arg5[%add3A_506] : memref<32000xf32, #tpu.memory_space<vmem>>[vector<16xi32>], vector<16xf32>,
          %mul3A_508 = arith.mulf %sub3A_411, %gather3A_503 : vector<16xf32>
          %add3A_509 = arith.addf %while3A_369, %mul3A_508 : vector<16xf32>
          %mul3A_510 = arith.mulf %mul3A_410, %gather3A_507 : vector<16xf32>
          %add3A_511 = arith.addf %add3A_509, %mul3A_510 : vector<16xf32>
          %add3A_512 = arith.constant 6 : i32
          %add3A_513 = vector.broadcast %add3A_512 : i32 to vector<16xi32>
          %add3A_514 = arith.addi %add3A_427, %add3A_513 : vector<16xi32>
          %gather3A_515 = tpu.vector_load_idx %arg5[%add3A_514] : memref<32000xf32, #tpu.memory_space<vmem>>[vector<16xi32>], vector<16xf32>,
          %add3A_516 = arith.constant 6 : i32
          %add3A_517 = vector.broadcast %add3A_516 : i32 to vector<16xi32>
          %add3A_518 = arith.addi %add3A_440, %add3A_517 : vector<16xi32>
          %gather3A_519 = tpu.vector_load_idx %arg5[%add3A_518] : memref<32000xf32, #tpu.memory_space<vmem>>[vector<16xi32>], vector<16xf32>,
          %mul3A_520 = arith.mulf %sub3A_411, %gather3A_515 : vector<16xf32>
          %add3A_521 = arith.addf %while3A_370, %mul3A_520 : vector<16xf32>
          %mul3A_522 = arith.mulf %mul3A_410, %gather3A_519 : vector<16xf32>
          %add3A_523 = arith.addf %add3A_521, %mul3A_522 : vector<16xf32>
          %add3A_524 = arith.constant 7 : i32
          %add3A_525 = vector.broadcast %add3A_524 : i32 to vector<16xi32>
          %add3A_526 = arith.addi %add3A_427, %add3A_525 : vector<16xi32>
          %gather3A_527 = tpu.vector_load_idx %arg5[%add3A_526] : memref<32000xf32, #tpu.memory_space<vmem>>[vector<16xi32>], vector<16xf32>,
          %add3A_528 = arith.constant 7 : i32
          %add3A_529 = vector.broadcast %add3A_528 : i32 to vector<16xi32>
          %add3A_530 = arith.addi %add3A_440, %add3A_529 : vector<16xi32>
          %gather3A_531 = tpu.vector_load_idx %arg5[%add3A_530] : memref<32000xf32, #tpu.memory_space<vmem>>[vector<16xi32>], vector<16xf32>,
          %mul3A_532 = arith.mulf %sub3A_411, %gather3A_527 : vector<16xf32>
          %add3A_533 = arith.addf %while3A_371, %mul3A_532 : vector<16xf32>
          %mul3A_534 = arith.mulf %mul3A_410, %gather3A_531 : vector<16xf32>
          %add3A_535 = arith.addf %add3A_533, %mul3A_534 : vector<16xf32>
          %add3A_536 = arith.constant 8 : i32
          %add3A_537 = vector.broadcast %add3A_536 : i32 to vector<16xi32>
          %add3A_538 = arith.addi %add3A_427, %add3A_537 : vector<16xi32>
          %gather3A_539 = tpu.vector_load_idx %arg5[%add3A_538] : memref<32000xf32, #tpu.memory_space<vmem>>[vector<16xi32>], vector<16xf32>,
          %add3A_540 = arith.constant 8 : i32
          %add3A_541 = vector.broadcast %add3A_540 : i32 to vector<16xi32>
          %add3A_542 = arith.addi %add3A_440, %add3A_541 : vector<16xi32>
          %gather3A_543 = tpu.vector_load_idx %arg5[%add3A_542] : memref<32000xf32, #tpu.memory_space<vmem>>[vector<16xi32>], vector<16xf32>,
          %mul3A_544 = arith.mulf %sub3A_411, %gather3A_539 : vector<16xf32>
          %add3A_545 = arith.addf %while3A_372, %mul3A_544 : vector<16xf32>
          %mul3A_546 = arith.mulf %mul3A_410, %gather3A_543 : vector<16xf32>
          %add3A_547 = arith.addf %add3A_545, %mul3A_546 : vector<16xf32>
          %add3A_548 = arith.constant 9 : i32
          %add3A_549 = vector.broadcast %add3A_548 : i32 to vector<16xi32>
          %add3A_550 = arith.addi %add3A_427, %add3A_549 : vector<16xi32>
          %gather3A_551 = tpu.vector_load_idx %arg5[%add3A_550] : memref<32000xf32, #tpu.memory_space<vmem>>[vector<16xi32>], vector<16xf32>,
          %add3A_552 = arith.constant 9 : i32
          %add3A_553 = vector.broadcast %add3A_552 : i32 to vector<16xi32>
          %add3A_554 = arith.addi %add3A_440, %add3A_553 : vector<16xi32>
          %gather3A_555 = tpu.vector_load_idx %arg5[%add3A_554] : memref<32000xf32, #tpu.memory_space<vmem>>[vector<16xi32>], vector<16xf32>,
          %mul3A_556 = arith.mulf %sub3A_411, %gather3A_551 : vector<16xf32>
          %add3A_557 = arith.addf %while3A_373, %mul3A_556 : vector<16xf32>
          %mul3A_558 = arith.mulf %mul3A_410, %gather3A_555 : vector<16xf32>
          %add3A_559 = arith.addf %add3A_557, %mul3A_558 : vector<16xf32>
          %add3A_560 = arith.constant 10 : i32
          %add3A_561 = vector.broadcast %add3A_560 : i32 to vector<16xi32>
          %add3A_562 = arith.addi %add3A_427, %add3A_561 : vector<16xi32>
          %gather3A_563 = tpu.vector_load_idx %arg5[%add3A_562] : memref<32000xf32, #tpu.memory_space<vmem>>[vector<16xi32>], vector<16xf32>,
          %add3A_564 = arith.constant 10 : i32
          %add3A_565 = vector.broadcast %add3A_564 : i32 to vector<16xi32>
          %add3A_566 = arith.addi %add3A_440, %add3A_565 : vector<16xi32>
          %gather3A_567 = tpu.vector_load_idx %arg5[%add3A_566] : memref<32000xf32, #tpu.memory_space<vmem>>[vector<16xi32>], vector<16xf32>,
          %mul3A_568 = arith.mulf %sub3A_411, %gather3A_563 : vector<16xf32>
          %add3A_569 = arith.addf %while3A_374, %mul3A_568 : vector<16xf32>
          %mul3A_570 = arith.mulf %mul3A_410, %gather3A_567 : vector<16xf32>
          %add3A_571 = arith.addf %add3A_569, %mul3A_570 : vector<16xf32>
          %add3A_572 = arith.constant 11 : i32
          %add3A_573 = vector.broadcast %add3A_572 : i32 to vector<16xi32>
          %add3A_574 = arith.addi %add3A_427, %add3A_573 : vector<16xi32>
          %gather3A_575 = tpu.vector_load_idx %arg5[%add3A_574] : memref<32000xf32, #tpu.memory_space<vmem>>[vector<16xi32>], vector<16xf32>,
          %add3A_576 = arith.constant 11 : i32
          %add3A_577 = vector.broadcast %add3A_576 : i32 to vector<16xi32>
          %add3A_578 = arith.addi %add3A_440, %add3A_577 : vector<16xi32>
          %gather3A_579 = tpu.vector_load_idx %arg5[%add3A_578] : memref<32000xf32, #tpu.memory_space<vmem>>[vector<16xi32>], vector<16xf32>,
          %mul3A_580 = arith.mulf %sub3A_411, %gather3A_575 : vector<16xf32>
          %add3A_581 = arith.addf %while3A_375, %mul3A_580 : vector<16xf32>
          %mul3A_582 = arith.mulf %mul3A_410, %gather3A_579 : vector<16xf32>
          %add3A_583 = arith.addf %add3A_581, %mul3A_582 : vector<16xf32>
          %add3A_584 = arith.constant 12 : i32
          %add3A_585 = vector.broadcast %add3A_584 : i32 to vector<16xi32>
          %add3A_586 = arith.addi %add3A_427, %add3A_585 : vector<16xi32>
          %gather3A_587 = tpu.vector_load_idx %arg5[%add3A_586] : memref<32000xf32, #tpu.memory_space<vmem>>[vector<16xi32>], vector<16xf32>,
          %add3A_588 = arith.constant 12 : i32
          %add3A_589 = vector.broadcast %add3A_588 : i32 to vector<16xi32>
          %add3A_590 = arith.addi %add3A_440, %add3A_589 : vector<16xi32>
          %gather3A_591 = tpu.vector_load_idx %arg5[%add3A_590] : memref<32000xf32, #tpu.memory_space<vmem>>[vector<16xi32>], vector<16xf32>,
          %mul3A_592 = arith.mulf %sub3A_411, %gather3A_587 : vector<16xf32>
          %add3A_593 = arith.addf %while3A_376, %mul3A_592 : vector<16xf32>
          %mul3A_594 = arith.mulf %mul3A_410, %gather3A_591 : vector<16xf32>
          %add3A_595 = arith.addf %add3A_593, %mul3A_594 : vector<16xf32>
          %add3A_596 = arith.constant 13 : i32
          %add3A_597 = vector.broadcast %add3A_596 : i32 to vector<16xi32>
          %add3A_598 = arith.addi %add3A_427, %add3A_597 : vector<16xi32>
          %gather3A_599 = tpu.vector_load_idx %arg5[%add3A_598] : memref<32000xf32, #tpu.memory_space<vmem>>[vector<16xi32>], vector<16xf32>,
          %add3A_600 = arith.constant 13 : i32
          %add3A_601 = vector.broadcast %add3A_600 : i32 to vector<16xi32>
          %add3A_602 = arith.addi %add3A_440, %add3A_601 : vector<16xi32>
          %gather3A_603 = tpu.vector_load_idx %arg5[%add3A_602] : memref<32000xf32, #tpu.memory_space<vmem>>[vector<16xi32>], vector<16xf32>,
          %mul3A_604 = arith.mulf %sub3A_411, %gather3A_599 : vector<16xf32>
          %add3A_605 = arith.addf %while3A_377, %mul3A_604 : vector<16xf32>
          %mul3A_606 = arith.mulf %mul3A_410, %gather3A_603 : vector<16xf32>
          %add3A_607 = arith.addf %add3A_605, %mul3A_606 : vector<16xf32>
          %add3A_608 = arith.constant 14 : i32
          %add3A_609 = vector.broadcast %add3A_608 : i32 to vector<16xi32>
          %add3A_610 = arith.addi %add3A_427, %add3A_609 : vector<16xi32>
          %gather3A_611 = tpu.vector_load_idx %arg5[%add3A_610] : memref<32000xf32, #tpu.memory_space<vmem>>[vector<16xi32>], vector<16xf32>,
          %add3A_612 = arith.constant 14 : i32
          %add3A_613 = vector.broadcast %add3A_612 : i32 to vector<16xi32>
          %add3A_614 = arith.addi %add3A_440, %add3A_613 : vector<16xi32>
          %gather3A_615 = tpu.vector_load_idx %arg5[%add3A_614] : memref<32000xf32, #tpu.memory_space<vmem>>[vector<16xi32>], vector<16xf32>,
          %mul3A_616 = arith.mulf %sub3A_411, %gather3A_611 : vector<16xf32>
          %add3A_617 = arith.addf %while3A_378, %mul3A_616 : vector<16xf32>
          %mul3A_618 = arith.mulf %mul3A_410, %gather3A_615 : vector<16xf32>
          %add3A_619 = arith.addf %add3A_617, %mul3A_618 : vector<16xf32>
          %add3A_620 = arith.constant 15 : i32
          %add3A_621 = vector.broadcast %add3A_620 : i32 to vector<16xi32>
          %add3A_622 = arith.addi %add3A_427, %add3A_621 : vector<16xi32>
          %gather3A_623 = tpu.vector_load_idx %arg5[%add3A_622] : memref<32000xf32, #tpu.memory_space<vmem>>[vector<16xi32>], vector<16xf32>,
          %add3A_624 = arith.constant 15 : i32
          %add3A_625 = vector.broadcast %add3A_624 : i32 to vector<16xi32>
          %add3A_626 = arith.addi %add3A_440, %add3A_625 : vector<16xi32>
          %gather3A_627 = tpu.vector_load_idx %arg5[%add3A_626] : memref<32000xf32, #tpu.memory_space<vmem>>[vector<16xi32>], vector<16xf32>,
          %mul3A_628 = arith.mulf %sub3A_411, %gather3A_623 : vector<16xf32>
          %add3A_629 = arith.addf %while3A_379, %mul3A_628 : vector<16xf32>
          %mul3A_630 = arith.mulf %mul3A_410, %gather3A_627 : vector<16xf32>
          %add3A_631 = arith.addf %add3A_629, %mul3A_630 : vector<16xf32>
          scf.yield %add3A_451, %add3A_463, %add3A_475, %add3A_487, %add3A_499, %add3A_511, %add3A_523, %add3A_535, %add3A_547, %add3A_559, %add3A_571, %add3A_583, %add3A_595, %add3A_607, %add3A_619, %add3A_631 : vector<16xf32>, vector<16xf32>, vector<16xf32>, vector<16xf32>, vector<16xf32>, vector<16xf32>, vector<16xf32>, vector<16xf32>, vector<16xf32>, vector<16xf32>, vector<16xf32>, vector<16xf32>, vector<16xf32>, vector<16xf32>, vector<16xf32>, vector<16xf32>
        }
        %while3A_307 = arith.constant 1 : i32
        %while3A_308:16 = scf.for %while3A_363 = %while3A_304 to %while3A_300 step %while3A_307 iter_args(%while3A_364 = %while3A_306#0, %while3A_365 = %while3A_306#1, %while3A_366 = %while3A_306#2, %while3A_367 = %while3A_306#3, %while3A_368 = %while3A_306#4, %while3A_369 = %while3A_306#5, %while3A_370 = %while3A_306#6, %while3A_371 = %while3A_306#7, %while3A_372 = %while3A_306#8, %while3A_373 = %while3A_306#9, %while3A_374 = %while3A_306#10, %while3A_375 = %while3A_306#11, %while3A_376 = %while3A_306#12, %while3A_377 = %while3A_306#13, %while3A_378 = %while3A_306#14, %while3A_379 = %while3A_306#15) -> (vector<16xf32>, vector<16xf32>, vector<16xf32>, vector<16xf32>, vector<16xf32>, vector<16xf32>, vector<16xf32>, vector<16xf32>, vector<16xf32>, vector<16xf32>, vector<16xf32>, vector<16xf32>, vector<16xf32>, vector<16xf32>, vector<16xf32>, vector<16xf32>)  : i32 {
          %convert_element_type3A_380 = arith.sitofp %while3A_363 : i32 to f32
          %add3A_381 = arith.constant 5.000000e-01 : f32
          %add3A_382 = arith.addf %convert_element_type3A_380, %add3A_381 : f32
          %mul3A_383 = arith.mulf %add3A_382, %mul3A_292 : f32
          %add3A_384 = vector.broadcast %mul3A_383 : f32 to vector<16xf32>
          %add3A_385 = arith.addf %add3A_296, %add3A_384 : vector<16xf32>
          %ge3A = arith.constant -1.000000e+00 : f32
          %ge3A_386 = vector.broadcast %ge3A : f32 to vector<16xf32>
          %ge3A_387 = arith.cmpf oge, %add3A_385, %ge3A_386 : vector<16xf32>
          %le3A = arith.constant 2.000000e+02 : f32
          %le3A_388 = vector.broadcast %le3A : f32 to vector<16xf32>
          %le3A_389 = arith.cmpf ole, %add3A_385, %le3A_388 : vector<16xf32>
          %and3A_390 = arith.andi %ge3A_387, %le3A_389 : vector<16xi1>
          %max3A_391 = arith.constant 0.000000e+00 : f32
          %max3A_392 = vector.broadcast %max3A_391 : f32 to vector<16xf32>
          %max3A_393 = arith.maximumf %add3A_385, %max3A_392 : vector<16xf32>
          %convert_element_type3A_394 = arith.fptosi %max3A_393 : vector<16xf32> to vector<16xi32>
          %min3A_395 = arith.constant 199 : i32
          %min3A_396 = vector.broadcast %min3A_395 : i32 to vector<16xi32>
          %min3A_397 = arith.minsi %convert_element_type3A_394, %min3A_396 : vector<16xi32>
          %add3A_398 = arith.constant 1 : i32
          %add3A_399 = vector.broadcast %add3A_398 : i32 to vector<16xi32>
          %add3A_400 = arith.addi %min3A_397, %add3A_399 : vector<16xi32>
          %min3A_401 = arith.constant 199 : i32
          %min3A_402 = vector.broadcast %min3A_401 : i32 to vector<16xi32>
          %min3A_403 = arith.minsi %add3A_400, %min3A_402 : vector<16xi32>
          %convert_element_type3A_404 = arith.sitofp %min3A_397 : vector<16xi32> to vector<16xf32>
          %sub3A_405 = arith.subf %max3A_393, %convert_element_type3A_404 : vector<16xf32>
          %jit3A_406 = arith.constant 0.000000e+00 : f32
          %broadcast_in_dim3A_407 = vector.broadcast %select_n3A_289 : f32 to vector<16xf32>
          %broadcast_in_dim3A_408 = vector.broadcast %jit3A_406 : f32 to vector<16xf32>
          %select_n3A_409 = arith.select %and3A_390, %broadcast_in_dim3A_407, %broadcast_in_dim3A_408 : vector<16xi1>, vector<16xf32>
          %mul3A_410 = arith.mulf %sub3A_405, %select_n3A_409 : vector<16xf32>
          %sub3A_411 = arith.subf %select_n3A_409, %mul3A_410 : vector<16xf32>
          %add3A_412 = vector.broadcast %mul3A_116 : i32 to vector<16xi32>
          %add3A_413 = arith.addi %add3A_412, %min3A_397 : vector<16xi32>
          %add3A_414 = vector.broadcast %mul3A_116 : i32 to vector<16xi32>
          %add3A_415 = arith.addi %add3A_414, %min3A_403 : vector<16xi32>
          %mul3A_416 = arith.constant 80 : i32
          %mul3A_417 = vector.broadcast %mul3A_416 : i32 to vector<16xi32>
          %mul3A_418 = arith.muli %add3A_413, %mul3A_417 : vector<16xi32>
          %shift_right_arithmetic3A = arith.constant 2 : i32
          %shift_right_arithmetic3A_419 = vector.broadcast %shift_right_arithmetic3A : i32 to vector<16xi32>
          %shift_right_arithmetic3A_420 = arith.shrsi %add3A_413, %shift_right_arithmetic3A_419 : vector<16xi32>
          %add3A_421 = arith.addi %add3A_413, %shift_right_arithmetic3A_420 : vector<16xi32>
          %and3A_422 = arith.constant 15 : i32
          %and3A_423 = vector.broadcast %and3A_422 : i32 to vector<16xi32>
          %and3A_424 = arith.andi %add3A_421, %and3A_423 : vector<16xi32>
          %add3A_425 = arith.addi %mul3A_418, %and3A_424 : vector<16xi32>
          %add3A_426 = vector.broadcast %mul3A_114 : i32 to vector<16xi32>
          %add3A_427 = arith.addi %add3A_425, %add3A_426 : vector<16xi32>
          %mul3A_428 = arith.constant 80 : i32
          %mul3A_429 = vector.broadcast %mul3A_428 : i32 to vector<16xi32>
          %mul3A_430 = arith.muli %add3A_415, %mul3A_429 : vector<16xi32>
          %shift_right_arithmetic3A_431 = arith.constant 2 : i32
          %shift_right_arithmetic3A_432 = vector.broadcast %shift_right_arithmetic3A_431 : i32 to vector<16xi32>
          %shift_right_arithmetic3A_433 = arith.shrsi %add3A_415, %shift_right_arithmetic3A_432 : vector<16xi32>
          %add3A_434 = arith.addi %add3A_415, %shift_right_arithmetic3A_433 : vector<16xi32>
          %and3A_435 = arith.constant 15 : i32
          %and3A_436 = vector.broadcast %and3A_435 : i32 to vector<16xi32>
          %and3A_437 = arith.andi %add3A_434, %and3A_436 : vector<16xi32>
          %add3A_438 = arith.addi %mul3A_430, %and3A_437 : vector<16xi32>
          %add3A_439 = vector.broadcast %mul3A_114 : i32 to vector<16xi32>
          %add3A_440 = arith.addi %add3A_438, %add3A_439 : vector<16xi32>
          %add3A_441 = arith.constant 0 : i32
          %add3A_442 = vector.broadcast %add3A_441 : i32 to vector<16xi32>
          %add3A_443 = arith.addi %add3A_427, %add3A_442 : vector<16xi32>
          %gather3A = tpu.vector_load_idx %arg5[%add3A_443] : memref<32000xf32, #tpu.memory_space<vmem>>[vector<16xi32>], vector<16xf32>,
          %add3A_444 = arith.constant 0 : i32
          %add3A_445 = vector.broadcast %add3A_444 : i32 to vector<16xi32>
          %add3A_446 = arith.addi %add3A_440, %add3A_445 : vector<16xi32>
          %gather3A_447 = tpu.vector_load_idx %arg5[%add3A_446] : memref<32000xf32, #tpu.memory_space<vmem>>[vector<16xi32>], vector<16xf32>,
          %mul3A_448 = arith.mulf %sub3A_411, %gather3A : vector<16xf32>
          %add3A_449 = arith.addf %while3A_364, %mul3A_448 : vector<16xf32>
          %mul3A_450 = arith.mulf %mul3A_410, %gather3A_447 : vector<16xf32>
          %add3A_451 = arith.addf %add3A_449, %mul3A_450 : vector<16xf32>
          %add3A_452 = arith.constant 1 : i32
          %add3A_453 = vector.broadcast %add3A_452 : i32 to vector<16xi32>
          %add3A_454 = arith.addi %add3A_427, %add3A_453 : vector<16xi32>
          %gather3A_455 = tpu.vector_load_idx %arg5[%add3A_454] : memref<32000xf32, #tpu.memory_space<vmem>>[vector<16xi32>], vector<16xf32>,
          %add3A_456 = arith.constant 1 : i32
          %add3A_457 = vector.broadcast %add3A_456 : i32 to vector<16xi32>
          %add3A_458 = arith.addi %add3A_440, %add3A_457 : vector<16xi32>
          %gather3A_459 = tpu.vector_load_idx %arg5[%add3A_458] : memref<32000xf32, #tpu.memory_space<vmem>>[vector<16xi32>], vector<16xf32>,
          %mul3A_460 = arith.mulf %sub3A_411, %gather3A_455 : vector<16xf32>
          %add3A_461 = arith.addf %while3A_365, %mul3A_460 : vector<16xf32>
          %mul3A_462 = arith.mulf %mul3A_410, %gather3A_459 : vector<16xf32>
          %add3A_463 = arith.addf %add3A_461, %mul3A_462 : vector<16xf32>
          %add3A_464 = arith.constant 2 : i32
          %add3A_465 = vector.broadcast %add3A_464 : i32 to vector<16xi32>
          %add3A_466 = arith.addi %add3A_427, %add3A_465 : vector<16xi32>
          %gather3A_467 = tpu.vector_load_idx %arg5[%add3A_466] : memref<32000xf32, #tpu.memory_space<vmem>>[vector<16xi32>], vector<16xf32>,
          %add3A_468 = arith.constant 2 : i32
          %add3A_469 = vector.broadcast %add3A_468 : i32 to vector<16xi32>
          %add3A_470 = arith.addi %add3A_440, %add3A_469 : vector<16xi32>
          %gather3A_471 = tpu.vector_load_idx %arg5[%add3A_470] : memref<32000xf32, #tpu.memory_space<vmem>>[vector<16xi32>], vector<16xf32>,
          %mul3A_472 = arith.mulf %sub3A_411, %gather3A_467 : vector<16xf32>
          %add3A_473 = arith.addf %while3A_366, %mul3A_472 : vector<16xf32>
          %mul3A_474 = arith.mulf %mul3A_410, %gather3A_471 : vector<16xf32>
          %add3A_475 = arith.addf %add3A_473, %mul3A_474 : vector<16xf32>
          %add3A_476 = arith.constant 3 : i32
          %add3A_477 = vector.broadcast %add3A_476 : i32 to vector<16xi32>
          %add3A_478 = arith.addi %add3A_427, %add3A_477 : vector<16xi32>
          %gather3A_479 = tpu.vector_load_idx %arg5[%add3A_478] : memref<32000xf32, #tpu.memory_space<vmem>>[vector<16xi32>], vector<16xf32>,
          %add3A_480 = arith.constant 3 : i32
          %add3A_481 = vector.broadcast %add3A_480 : i32 to vector<16xi32>
          %add3A_482 = arith.addi %add3A_440, %add3A_481 : vector<16xi32>
          %gather3A_483 = tpu.vector_load_idx %arg5[%add3A_482] : memref<32000xf32, #tpu.memory_space<vmem>>[vector<16xi32>], vector<16xf32>,
          %mul3A_484 = arith.mulf %sub3A_411, %gather3A_479 : vector<16xf32>
          %add3A_485 = arith.addf %while3A_367, %mul3A_484 : vector<16xf32>
          %mul3A_486 = arith.mulf %mul3A_410, %gather3A_483 : vector<16xf32>
          %add3A_487 = arith.addf %add3A_485, %mul3A_486 : vector<16xf32>
          %add3A_488 = arith.constant 4 : i32
          %add3A_489 = vector.broadcast %add3A_488 : i32 to vector<16xi32>
          %add3A_490 = arith.addi %add3A_427, %add3A_489 : vector<16xi32>
          %gather3A_491 = tpu.vector_load_idx %arg5[%add3A_490] : memref<32000xf32, #tpu.memory_space<vmem>>[vector<16xi32>], vector<16xf32>,
          %add3A_492 = arith.constant 4 : i32
          %add3A_493 = vector.broadcast %add3A_492 : i32 to vector<16xi32>
          %add3A_494 = arith.addi %add3A_440, %add3A_493 : vector<16xi32>
          %gather3A_495 = tpu.vector_load_idx %arg5[%add3A_494] : memref<32000xf32, #tpu.memory_space<vmem>>[vector<16xi32>], vector<16xf32>,
          %mul3A_496 = arith.mulf %sub3A_411, %gather3A_491 : vector<16xf32>
          %add3A_497 = arith.addf %while3A_368, %mul3A_496 : vector<16xf32>
          %mul3A_498 = arith.mulf %mul3A_410, %gather3A_495 : vector<16xf32>
          %add3A_499 = arith.addf %add3A_497, %mul3A_498 : vector<16xf32>
          %add3A_500 = arith.constant 5 : i32
          %add3A_501 = vector.broadcast %add3A_500 : i32 to vector<16xi32>
          %add3A_502 = arith.addi %add3A_427, %add3A_501 : vector<16xi32>
          %gather3A_503 = tpu.vector_load_idx %arg5[%add3A_502] : memref<32000xf32, #tpu.memory_space<vmem>>[vector<16xi32>], vector<16xf32>,
          %add3A_504 = arith.constant 5 : i32
          %add3A_505 = vector.broadcast %add3A_504 : i32 to vector<16xi32>
          %add3A_506 = arith.addi %add3A_440, %add3A_505 : vector<16xi32>
          %gather3A_507 = tpu.vector_load_idx %arg5[%add3A_506] : memref<32000xf32, #tpu.memory_space<vmem>>[vector<16xi32>], vector<16xf32>,
          %mul3A_508 = arith.mulf %sub3A_411, %gather3A_503 : vector<16xf32>
          %add3A_509 = arith.addf %while3A_369, %mul3A_508 : vector<16xf32>
          %mul3A_510 = arith.mulf %mul3A_410, %gather3A_507 : vector<16xf32>
          %add3A_511 = arith.addf %add3A_509, %mul3A_510 : vector<16xf32>
          %add3A_512 = arith.constant 6 : i32
          %add3A_513 = vector.broadcast %add3A_512 : i32 to vector<16xi32>
          %add3A_514 = arith.addi %add3A_427, %add3A_513 : vector<16xi32>
          %gather3A_515 = tpu.vector_load_idx %arg5[%add3A_514] : memref<32000xf32, #tpu.memory_space<vmem>>[vector<16xi32>], vector<16xf32>,
          %add3A_516 = arith.constant 6 : i32
          %add3A_517 = vector.broadcast %add3A_516 : i32 to vector<16xi32>
          %add3A_518 = arith.addi %add3A_440, %add3A_517 : vector<16xi32>
          %gather3A_519 = tpu.vector_load_idx %arg5[%add3A_518] : memref<32000xf32, #tpu.memory_space<vmem>>[vector<16xi32>], vector<16xf32>,
          %mul3A_520 = arith.mulf %sub3A_411, %gather3A_515 : vector<16xf32>
          %add3A_521 = arith.addf %while3A_370, %mul3A_520 : vector<16xf32>
          %mul3A_522 = arith.mulf %mul3A_410, %gather3A_519 : vector<16xf32>
          %add3A_523 = arith.addf %add3A_521, %mul3A_522 : vector<16xf32>
          %add3A_524 = arith.constant 7 : i32
          %add3A_525 = vector.broadcast %add3A_524 : i32 to vector<16xi32>
          %add3A_526 = arith.addi %add3A_427, %add3A_525 : vector<16xi32>
          %gather3A_527 = tpu.vector_load_idx %arg5[%add3A_526] : memref<32000xf32, #tpu.memory_space<vmem>>[vector<16xi32>], vector<16xf32>,
          %add3A_528 = arith.constant 7 : i32
          %add3A_529 = vector.broadcast %add3A_528 : i32 to vector<16xi32>
          %add3A_530 = arith.addi %add3A_440, %add3A_529 : vector<16xi32>
          %gather3A_531 = tpu.vector_load_idx %arg5[%add3A_530] : memref<32000xf32, #tpu.memory_space<vmem>>[vector<16xi32>], vector<16xf32>,
          %mul3A_532 = arith.mulf %sub3A_411, %gather3A_527 : vector<16xf32>
          %add3A_533 = arith.addf %while3A_371, %mul3A_532 : vector<16xf32>
          %mul3A_534 = arith.mulf %mul3A_410, %gather3A_531 : vector<16xf32>
          %add3A_535 = arith.addf %add3A_533, %mul3A_534 : vector<16xf32>
          %add3A_536 = arith.constant 8 : i32
          %add3A_537 = vector.broadcast %add3A_536 : i32 to vector<16xi32>
          %add3A_538 = arith.addi %add3A_427, %add3A_537 : vector<16xi32>
          %gather3A_539 = tpu.vector_load_idx %arg5[%add3A_538] : memref<32000xf32, #tpu.memory_space<vmem>>[vector<16xi32>], vector<16xf32>,
          %add3A_540 = arith.constant 8 : i32
          %add3A_541 = vector.broadcast %add3A_540 : i32 to vector<16xi32>
          %add3A_542 = arith.addi %add3A_440, %add3A_541 : vector<16xi32>
          %gather3A_543 = tpu.vector_load_idx %arg5[%add3A_542] : memref<32000xf32, #tpu.memory_space<vmem>>[vector<16xi32>], vector<16xf32>,
          %mul3A_544 = arith.mulf %sub3A_411, %gather3A_539 : vector<16xf32>
          %add3A_545 = arith.addf %while3A_372, %mul3A_544 : vector<16xf32>
          %mul3A_546 = arith.mulf %mul3A_410, %gather3A_543 : vector<16xf32>
          %add3A_547 = arith.addf %add3A_545, %mul3A_546 : vector<16xf32>
          %add3A_548 = arith.constant 9 : i32
          %add3A_549 = vector.broadcast %add3A_548 : i32 to vector<16xi32>
          %add3A_550 = arith.addi %add3A_427, %add3A_549 : vector<16xi32>
          %gather3A_551 = tpu.vector_load_idx %arg5[%add3A_550] : memref<32000xf32, #tpu.memory_space<vmem>>[vector<16xi32>], vector<16xf32>,
          %add3A_552 = arith.constant 9 : i32
          %add3A_553 = vector.broadcast %add3A_552 : i32 to vector<16xi32>
          %add3A_554 = arith.addi %add3A_440, %add3A_553 : vector<16xi32>
          %gather3A_555 = tpu.vector_load_idx %arg5[%add3A_554] : memref<32000xf32, #tpu.memory_space<vmem>>[vector<16xi32>], vector<16xf32>,
          %mul3A_556 = arith.mulf %sub3A_411, %gather3A_551 : vector<16xf32>
          %add3A_557 = arith.addf %while3A_373, %mul3A_556 : vector<16xf32>
          %mul3A_558 = arith.mulf %mul3A_410, %gather3A_555 : vector<16xf32>
          %add3A_559 = arith.addf %add3A_557, %mul3A_558 : vector<16xf32>
          %add3A_560 = arith.constant 10 : i32
          %add3A_561 = vector.broadcast %add3A_560 : i32 to vector<16xi32>
          %add3A_562 = arith.addi %add3A_427, %add3A_561 : vector<16xi32>
          %gather3A_563 = tpu.vector_load_idx %arg5[%add3A_562] : memref<32000xf32, #tpu.memory_space<vmem>>[vector<16xi32>], vector<16xf32>,
          %add3A_564 = arith.constant 10 : i32
          %add3A_565 = vector.broadcast %add3A_564 : i32 to vector<16xi32>
          %add3A_566 = arith.addi %add3A_440, %add3A_565 : vector<16xi32>
          %gather3A_567 = tpu.vector_load_idx %arg5[%add3A_566] : memref<32000xf32, #tpu.memory_space<vmem>>[vector<16xi32>], vector<16xf32>,
          %mul3A_568 = arith.mulf %sub3A_411, %gather3A_563 : vector<16xf32>
          %add3A_569 = arith.addf %while3A_374, %mul3A_568 : vector<16xf32>
          %mul3A_570 = arith.mulf %mul3A_410, %gather3A_567 : vector<16xf32>
          %add3A_571 = arith.addf %add3A_569, %mul3A_570 : vector<16xf32>
          %add3A_572 = arith.constant 11 : i32
          %add3A_573 = vector.broadcast %add3A_572 : i32 to vector<16xi32>
          %add3A_574 = arith.addi %add3A_427, %add3A_573 : vector<16xi32>
          %gather3A_575 = tpu.vector_load_idx %arg5[%add3A_574] : memref<32000xf32, #tpu.memory_space<vmem>>[vector<16xi32>], vector<16xf32>,
          %add3A_576 = arith.constant 11 : i32
          %add3A_577 = vector.broadcast %add3A_576 : i32 to vector<16xi32>
          %add3A_578 = arith.addi %add3A_440, %add3A_577 : vector<16xi32>
          %gather3A_579 = tpu.vector_load_idx %arg5[%add3A_578] : memref<32000xf32, #tpu.memory_space<vmem>>[vector<16xi32>], vector<16xf32>,
          %mul3A_580 = arith.mulf %sub3A_411, %gather3A_575 : vector<16xf32>
          %add3A_581 = arith.addf %while3A_375, %mul3A_580 : vector<16xf32>
          %mul3A_582 = arith.mulf %mul3A_410, %gather3A_579 : vector<16xf32>
          %add3A_583 = arith.addf %add3A_581, %mul3A_582 : vector<16xf32>
          %add3A_584 = arith.constant 12 : i32
          %add3A_585 = vector.broadcast %add3A_584 : i32 to vector<16xi32>
          %add3A_586 = arith.addi %add3A_427, %add3A_585 : vector<16xi32>
          %gather3A_587 = tpu.vector_load_idx %arg5[%add3A_586] : memref<32000xf32, #tpu.memory_space<vmem>>[vector<16xi32>], vector<16xf32>,
          %add3A_588 = arith.constant 12 : i32
          %add3A_589 = vector.broadcast %add3A_588 : i32 to vector<16xi32>
          %add3A_590 = arith.addi %add3A_440, %add3A_589 : vector<16xi32>
          %gather3A_591 = tpu.vector_load_idx %arg5[%add3A_590] : memref<32000xf32, #tpu.memory_space<vmem>>[vector<16xi32>], vector<16xf32>,
          %mul3A_592 = arith.mulf %sub3A_411, %gather3A_587 : vector<16xf32>
          %add3A_593 = arith.addf %while3A_376, %mul3A_592 : vector<16xf32>
          %mul3A_594 = arith.mulf %mul3A_410, %gather3A_591 : vector<16xf32>
          %add3A_595 = arith.addf %add3A_593, %mul3A_594 : vector<16xf32>
          %add3A_596 = arith.constant 13 : i32
          %add3A_597 = vector.broadcast %add3A_596 : i32 to vector<16xi32>
          %add3A_598 = arith.addi %add3A_427, %add3A_597 : vector<16xi32>
          %gather3A_599 = tpu.vector_load_idx %arg5[%add3A_598] : memref<32000xf32, #tpu.memory_space<vmem>>[vector<16xi32>], vector<16xf32>,
          %add3A_600 = arith.constant 13 : i32
          %add3A_601 = vector.broadcast %add3A_600 : i32 to vector<16xi32>
          %add3A_602 = arith.addi %add3A_440, %add3A_601 : vector<16xi32>
          %gather3A_603 = tpu.vector_load_idx %arg5[%add3A_602] : memref<32000xf32, #tpu.memory_space<vmem>>[vector<16xi32>], vector<16xf32>,
          %mul3A_604 = arith.mulf %sub3A_411, %gather3A_599 : vector<16xf32>
          %add3A_605 = arith.addf %while3A_377, %mul3A_604 : vector<16xf32>
          %mul3A_606 = arith.mulf %mul3A_410, %gather3A_603 : vector<16xf32>
          %add3A_607 = arith.addf %add3A_605, %mul3A_606 : vector<16xf32>
          %add3A_608 = arith.constant 14 : i32
          %add3A_609 = vector.broadcast %add3A_608 : i32 to vector<16xi32>
          %add3A_610 = arith.addi %add3A_427, %add3A_609 : vector<16xi32>
          %gather3A_611 = tpu.vector_load_idx %arg5[%add3A_610] : memref<32000xf32, #tpu.memory_space<vmem>>[vector<16xi32>], vector<16xf32>,
          %add3A_612 = arith.constant 14 : i32
          %add3A_613 = vector.broadcast %add3A_612 : i32 to vector<16xi32>
          %add3A_614 = arith.addi %add3A_440, %add3A_613 : vector<16xi32>
          %gather3A_615 = tpu.vector_load_idx %arg5[%add3A_614] : memref<32000xf32, #tpu.memory_space<vmem>>[vector<16xi32>], vector<16xf32>,
          %mul3A_616 = arith.mulf %sub3A_411, %gather3A_611 : vector<16xf32>
          %add3A_617 = arith.addf %while3A_378, %mul3A_616 : vector<16xf32>
          %mul3A_618 = arith.mulf %mul3A_410, %gather3A_615 : vector<16xf32>
          %add3A_619 = arith.addf %add3A_617, %mul3A_618 : vector<16xf32>
          %add3A_620 = arith.constant 15 : i32
          %add3A_621 = vector.broadcast %add3A_620 : i32 to vector<16xi32>
          %add3A_622 = arith.addi %add3A_427, %add3A_621 : vector<16xi32>
          %gather3A_623 = tpu.vector_load_idx %arg5[%add3A_622] : memref<32000xf32, #tpu.memory_space<vmem>>[vector<16xi32>], vector<16xf32>,
          %add3A_624 = arith.constant 15 : i32
          %add3A_625 = vector.broadcast %add3A_624 : i32 to vector<16xi32>
          %add3A_626 = arith.addi %add3A_440, %add3A_625 : vector<16xi32>
          %gather3A_627 = tpu.vector_load_idx %arg5[%add3A_626] : memref<32000xf32, #tpu.memory_space<vmem>>[vector<16xi32>], vector<16xf32>,
          %mul3A_628 = arith.mulf %sub3A_411, %gather3A_623 : vector<16xf32>
          %add3A_629 = arith.addf %while3A_379, %mul3A_628 : vector<16xf32>
          %mul3A_630 = arith.mulf %mul3A_410, %gather3A_627 : vector<16xf32>
          %add3A_631 = arith.addf %add3A_629, %mul3A_630 : vector<16xf32>
          scf.yield %add3A_451, %add3A_463, %add3A_475, %add3A_487, %add3A_499, %add3A_511, %add3A_523, %add3A_535, %add3A_547, %add3A_559, %add3A_571, %add3A_583, %add3A_595, %add3A_607, %add3A_619, %add3A_631 : vector<16xf32>, vector<16xf32>, vector<16xf32>, vector<16xf32>, vector<16xf32>, vector<16xf32>, vector<16xf32>, vector<16xf32>, vector<16xf32>, vector<16xf32>, vector<16xf32>, vector<16xf32>, vector<16xf32>, vector<16xf32>, vector<16xf32>, vector<16xf32>
        }
        %mul3A_309 = arith.constant 0 : i32
        %mul3A_310 = vector.broadcast %mul3A_309 : i32 to vector<16xi32>
        %mul3A_311 = arith.muli %iota3A, %mul3A_310 : vector<16xi32>
        %add3A_312 = vector.broadcast %while3A_267 : i32 to vector<16xi32>
        %add3A_313 = arith.addi %mul3A_311, %add3A_312 : vector<16xi32>
        %add3A_314 = arith.constant 0 : i32
        %add3A_315 = vector.broadcast %add3A_314 : i32 to vector<16xi32>
        %add3A_316 = arith.addi %add3A_315, %iota3A : vector<16xi32>
        tpu.vector_store_idx %arg7[%add3A_316, %add3A_313], %while3A_308#0 : memref<256x209xf32, #tpu.memory_space<vmem>>[vector<16xi32>, vector<16xi32>], vector<16xf32>,
        %add3A_317 = arith.constant 16 : i32
        %add3A_318 = vector.broadcast %add3A_317 : i32 to vector<16xi32>
        %add3A_319 = arith.addi %add3A_318, %iota3A : vector<16xi32>
        tpu.vector_store_idx %arg7[%add3A_319, %add3A_313], %while3A_308#1 : memref<256x209xf32, #tpu.memory_space<vmem>>[vector<16xi32>, vector<16xi32>], vector<16xf32>,
        %add3A_320 = arith.constant 32 : i32
        %add3A_321 = vector.broadcast %add3A_320 : i32 to vector<16xi32>
        %add3A_322 = arith.addi %add3A_321, %iota3A : vector<16xi32>
        tpu.vector_store_idx %arg7[%add3A_322, %add3A_313], %while3A_308#2 : memref<256x209xf32, #tpu.memory_space<vmem>>[vector<16xi32>, vector<16xi32>], vector<16xf32>,
        %add3A_323 = arith.constant 48 : i32
        %add3A_324 = vector.broadcast %add3A_323 : i32 to vector<16xi32>
        %add3A_325 = arith.addi %add3A_324, %iota3A : vector<16xi32>
        tpu.vector_store_idx %arg7[%add3A_325, %add3A_313], %while3A_308#3 : memref<256x209xf32, #tpu.memory_space<vmem>>[vector<16xi32>, vector<16xi32>], vector<16xf32>,
        %add3A_326 = arith.constant 64 : i32
        %add3A_327 = vector.broadcast %add3A_326 : i32 to vector<16xi32>
        %add3A_328 = arith.addi %add3A_327, %iota3A : vector<16xi32>
        tpu.vector_store_idx %arg7[%add3A_328, %add3A_313], %while3A_308#4 : memref<256x209xf32, #tpu.memory_space<vmem>>[vector<16xi32>, vector<16xi32>], vector<16xf32>,
        %add3A_329 = arith.constant 80 : i32
        %add3A_330 = vector.broadcast %add3A_329 : i32 to vector<16xi32>
        %add3A_331 = arith.addi %add3A_330, %iota3A : vector<16xi32>
        tpu.vector_store_idx %arg7[%add3A_331, %add3A_313], %while3A_308#5 : memref<256x209xf32, #tpu.memory_space<vmem>>[vector<16xi32>, vector<16xi32>], vector<16xf32>,
        %add3A_332 = arith.constant 96 : i32
        %add3A_333 = vector.broadcast %add3A_332 : i32 to vector<16xi32>
        %add3A_334 = arith.addi %add3A_333, %iota3A : vector<16xi32>
        tpu.vector_store_idx %arg7[%add3A_334, %add3A_313], %while3A_308#6 : memref<256x209xf32, #tpu.memory_space<vmem>>[vector<16xi32>, vector<16xi32>], vector<16xf32>,
        %add3A_335 = arith.constant 112 : i32
        %add3A_336 = vector.broadcast %add3A_335 : i32 to vector<16xi32>
        %add3A_337 = arith.addi %add3A_336, %iota3A : vector<16xi32>
        tpu.vector_store_idx %arg7[%add3A_337, %add3A_313], %while3A_308#7 : memref<256x209xf32, #tpu.memory_space<vmem>>[vector<16xi32>, vector<16xi32>], vector<16xf32>,
        %add3A_338 = arith.constant 128 : i32
        %add3A_339 = vector.broadcast %add3A_338 : i32 to vector<16xi32>
        %add3A_340 = arith.addi %add3A_339, %iota3A : vector<16xi32>
        tpu.vector_store_idx %arg7[%add3A_340, %add3A_313], %while3A_308#8 : memref<256x209xf32, #tpu.memory_space<vmem>>[vector<16xi32>, vector<16xi32>], vector<16xf32>,
        %add3A_341 = arith.constant 144 : i32
        %add3A_342 = vector.broadcast %add3A_341 : i32 to vector<16xi32>
        %add3A_343 = arith.addi %add3A_342, %iota3A : vector<16xi32>
        tpu.vector_store_idx %arg7[%add3A_343, %add3A_313], %while3A_308#9 : memref<256x209xf32, #tpu.memory_space<vmem>>[vector<16xi32>, vector<16xi32>], vector<16xf32>,
        %add3A_344 = arith.constant 160 : i32
        %add3A_345 = vector.broadcast %add3A_344 : i32 to vector<16xi32>
        %add3A_346 = arith.addi %add3A_345, %iota3A : vector<16xi32>
        tpu.vector_store_idx %arg7[%add3A_346, %add3A_313], %while3A_308#10 : memref<256x209xf32, #tpu.memory_space<vmem>>[vector<16xi32>, vector<16xi32>], vector<16xf32>,
        %add3A_347 = arith.constant 176 : i32
        %add3A_348 = vector.broadcast %add3A_347 : i32 to vector<16xi32>
        %add3A_349 = arith.addi %add3A_348, %iota3A : vector<16xi32>
        tpu.vector_store_idx %arg7[%add3A_349, %add3A_313], %while3A_308#11 : memref<256x209xf32, #tpu.memory_space<vmem>>[vector<16xi32>, vector<16xi32>], vector<16xf32>,
        %add3A_350 = arith.constant 192 : i32
        %add3A_351 = vector.broadcast %add3A_350 : i32 to vector<16xi32>
        %add3A_352 = arith.addi %add3A_351, %iota3A : vector<16xi32>
        tpu.vector_store_idx %arg7[%add3A_352, %add3A_313], %while3A_308#12 : memref<256x209xf32, #tpu.memory_space<vmem>>[vector<16xi32>, vector<16xi32>], vector<16xf32>,
        %add3A_353 = arith.constant 208 : i32
        %add3A_354 = vector.broadcast %add3A_353 : i32 to vector<16xi32>
        %add3A_355 = arith.addi %add3A_354, %iota3A : vector<16xi32>
        tpu.vector_store_idx %arg7[%add3A_355, %add3A_313], %while3A_308#13 : memref<256x209xf32, #tpu.memory_space<vmem>>[vector<16xi32>, vector<16xi32>], vector<16xf32>,
        %add3A_356 = arith.constant 224 : i32
        %add3A_357 = vector.broadcast %add3A_356 : i32 to vector<16xi32>
        %add3A_358 = arith.addi %add3A_357, %iota3A : vector<16xi32>
        tpu.vector_store_idx %arg7[%add3A_358, %add3A_313], %while3A_308#14 : memref<256x209xf32, #tpu.memory_space<vmem>>[vector<16xi32>, vector<16xi32>], vector<16xf32>,
        %add3A_359 = arith.constant 240 : i32
        %add3A_360 = vector.broadcast %add3A_359 : i32 to vector<16xi32>
        %add3A_361 = arith.addi %add3A_360, %iota3A : vector<16xi32>
        tpu.vector_store_idx %arg7[%add3A_361, %add3A_313], %while3A_308#15 : memref<256x209xf32, #tpu.memory_space<vmem>>[vector<16xi32>, vector<16xi32>], vector<16xf32>,
        %while3A_362 = arith.constant 0 : i32
        scf.yield %while3A_362 : i32
      }
      %gt3A = arith.constant 0 : i32
      %gt3A_243 = arith.cmpi sgt, %max3A_219, %gt3A : i32
      %jit3A_244 = arith.constant 16 : i32
      %jit3A_245 = arith.constant 0 : i32
      %select_n3A_246 = arith.select %gt3A_243, %jit3A_244, %jit3A_245 : i32
      %while3A_247 = arith.constant 0 : i32
      %while3A_248 = arith.constant 0 : i32
      %while3A_249 = arith.subi %select_n3A_246, %while3A_247 : i32
      %while3A_250 = arith.addi %while3A_247, %while3A_249 : i32
      %while3A_251 = arith.constant 1 : i32
      %while3A_252 = arith.divsi %while3A_249, %while3A_251 : i32
      %while3A_253 = arith.muli %while3A_252, %while3A_251 : i32
      %while3A_254 = arith.addi %while3A_247, %while3A_253 : i32
      %while3A_255 = arith.constant 1 : i32
      %while3A_256 = scf.for %while3A_267 = %while3A_247 to %while3A_254 step %while3A_255 iter_args(%while3A_268 = %while3A_248) -> (i32)  : i32 {
        %convert_element_type3A_269 = arith.sitofp %while3A_267 : i32 to f32
        %add3A_270 = arith.constant 5.000000e-01 : f32
        %add3A_271 = arith.addf %convert_element_type3A_269, %add3A_270 : f32
        %mul3A_272 = arith.constant 6.250000e-02 : f32
        %mul3A_273 = arith.mulf %add3A_271, %mul3A_272 : f32
        %sub3A_274 = arith.constant 1.000000e+00 : f32
        %sub3A_275 = arith.subf %sub3A_274, %mul3A_273 : f32
        %mul3A_276 = arith.constant 65 : i32
        %mul3A_277 = arith.muli %mul3A_116, %mul3A_276 : i32
        %add3A_278 = arith.addi %mul3A_277, %mul3A_114 : i32
        %mul3A_279 = arith.constant 0 : i32
        %mul3A_280 = vector.broadcast %mul3A_279 : i32 to vector<16xi32>
        %mul3A_281 = arith.muli %iota3A, %mul3A_280 : vector<16xi32>
        %add3A_282 = arith.constant 0 : i32
        %add3A_283 = arith.addi %add3A_278, %add3A_282 : i32
        %add3A_284 = vector.broadcast %add3A_283 : i32 to vector<16xi32>
        %add3A_285 = arith.addi %mul3A_281, %add3A_284 : vector<16xi32>
        %gather3A = tpu.vector_load_idx %arg6[%add3A_285] : memref<26000xf32, #tpu.memory_space<vmem>>[vector<16xi32>], vector<16xf32>,
        %add3A_286 = arith.constant 65 : i32
        %add3A_287 = vector.broadcast %add3A_286 : i32 to vector<16xi32>
        %add3A_288 = arith.addi %add3A_285, %add3A_287 : vector<16xi32>
        %gather3A_289 = tpu.vector_load_idx %arg6[%add3A_288] : memref<26000xf32, #tpu.memory_space<vmem>>[vector<16xi32>], vector<16xf32>,
        %mul3A_290 = vector.broadcast %sub3A_275 : f32 to vector<16xf32>
        %mul3A_291 = arith.mulf %mul3A_290, %gather3A : vector<16xf32>
        %mul3A_292 = vector.broadcast %mul3A_273 : f32 to vector<16xf32>
        %mul3A_293 = arith.mulf %mul3A_292, %gather3A_289 : vector<16xf32>
        %add3A_294 = arith.addf %mul3A_291, %mul3A_293 : vector<16xf32>
        %mul3A_295 = arith.constant 0 : i32
        %mul3A_296 = vector.broadcast %mul3A_295 : i32 to vector<16xi32>
        %mul3A_297 = arith.muli %iota3A, %mul3A_296 : vector<16xi32>
        %add3A_298 = arith.constant 1 : i32
        %add3A_299 = arith.addi %add3A_278, %add3A_298 : i32
        %add3A_300 = vector.broadcast %add3A_299 : i32 to vector<16xi32>
        %add3A_301 = arith.addi %mul3A_297, %add3A_300 : vector<16xi32>
        %gather3A_302 = tpu.vector_load_idx %arg6[%add3A_301] : memref<26000xf32, #tpu.memory_space<vmem>>[vector<16xi32>], vector<16xf32>,
        %add3A_303 = arith.constant 65 : i32
        %add3A_304 = vector.broadcast %add3A_303 : i32 to vector<16xi32>
        %add3A_305 = arith.addi %add3A_301, %add3A_304 : vector<16xi32>
        %gather3A_306 = tpu.vector_load_idx %arg6[%add3A_305] : memref<26000xf32, #tpu.memory_space<vmem>>[vector<16xi32>], vector<16xf32>,
        %mul3A_307 = vector.broadcast %sub3A_275 : f32 to vector<16xf32>
        %mul3A_308 = arith.mulf %mul3A_307, %gather3A_302 : vector<16xf32>
        %mul3A_309 = vector.broadcast %mul3A_273 : f32 to vector<16xf32>
        %mul3A_310 = arith.mulf %mul3A_309, %gather3A_306 : vector<16xf32>
        %add3A_311 = arith.addf %mul3A_308, %mul3A_310 : vector<16xf32>
        %mul3A_312 = arith.constant 0 : i32
        %mul3A_313 = vector.broadcast %mul3A_312 : i32 to vector<16xi32>
        %mul3A_314 = arith.muli %iota3A, %mul3A_313 : vector<16xi32>
        %add3A_315 = arith.constant 2 : i32
        %add3A_316 = arith.addi %add3A_278, %add3A_315 : i32
        %add3A_317 = vector.broadcast %add3A_316 : i32 to vector<16xi32>
        %add3A_318 = arith.addi %mul3A_314, %add3A_317 : vector<16xi32>
        %gather3A_319 = tpu.vector_load_idx %arg6[%add3A_318] : memref<26000xf32, #tpu.memory_space<vmem>>[vector<16xi32>], vector<16xf32>,
        %add3A_320 = arith.constant 65 : i32
        %add3A_321 = vector.broadcast %add3A_320 : i32 to vector<16xi32>
        %add3A_322 = arith.addi %add3A_318, %add3A_321 : vector<16xi32>
        %gather3A_323 = tpu.vector_load_idx %arg6[%add3A_322] : memref<26000xf32, #tpu.memory_space<vmem>>[vector<16xi32>], vector<16xf32>,
        %mul3A_324 = vector.broadcast %sub3A_275 : f32 to vector<16xf32>
        %mul3A_325 = arith.mulf %mul3A_324, %gather3A_319 : vector<16xf32>
        %mul3A_326 = vector.broadcast %mul3A_273 : f32 to vector<16xf32>
        %mul3A_327 = arith.mulf %mul3A_326, %gather3A_323 : vector<16xf32>
        %add3A_328 = arith.addf %mul3A_325, %mul3A_327 : vector<16xf32>
        %mul3A_329 = arith.constant 0 : i32
        %mul3A_330 = vector.broadcast %mul3A_329 : i32 to vector<16xi32>
        %mul3A_331 = arith.muli %iota3A, %mul3A_330 : vector<16xi32>
        %add3A_332 = arith.constant 3 : i32
        %add3A_333 = arith.addi %add3A_278, %add3A_332 : i32
        %add3A_334 = vector.broadcast %add3A_333 : i32 to vector<16xi32>
        %add3A_335 = arith.addi %mul3A_331, %add3A_334 : vector<16xi32>
        %gather3A_336 = tpu.vector_load_idx %arg6[%add3A_335] : memref<26000xf32, #tpu.memory_space<vmem>>[vector<16xi32>], vector<16xf32>,
        %add3A_337 = arith.constant 65 : i32
        %add3A_338 = vector.broadcast %add3A_337 : i32 to vector<16xi32>
        %add3A_339 = arith.addi %add3A_335, %add3A_338 : vector<16xi32>
        %gather3A_340 = tpu.vector_load_idx %arg6[%add3A_339] : memref<26000xf32, #tpu.memory_space<vmem>>[vector<16xi32>], vector<16xf32>,
        %mul3A_341 = vector.broadcast %sub3A_275 : f32 to vector<16xf32>
        %mul3A_342 = arith.mulf %mul3A_341, %gather3A_336 : vector<16xf32>
        %mul3A_343 = vector.broadcast %mul3A_273 : f32 to vector<16xf32>
        %mul3A_344 = arith.mulf %mul3A_343, %gather3A_340 : vector<16xf32>
        %add3A_345 = arith.addf %mul3A_342, %mul3A_344 : vector<16xf32>
        %mul3A_346 = arith.constant 0 : i32
        %mul3A_347 = vector.broadcast %mul3A_346 : i32 to vector<16xi32>
        %mul3A_348 = arith.muli %iota3A, %mul3A_347 : vector<16xi32>
        %add3A_349 = arith.constant 4 : i32
        %add3A_350 = arith.addi %add3A_278, %add3A_349 : i32
        %add3A_351 = vector.broadcast %add3A_350 : i32 to vector<16xi32>
        %add3A_352 = arith.addi %mul3A_348, %add3A_351 : vector<16xi32>
        %gather3A_353 = tpu.vector_load_idx %arg6[%add3A_352] : memref<26000xf32, #tpu.memory_space<vmem>>[vector<16xi32>], vector<16xf32>,
        %add3A_354 = arith.constant 65 : i32
        %add3A_355 = vector.broadcast %add3A_354 : i32 to vector<16xi32>
        %add3A_356 = arith.addi %add3A_352, %add3A_355 : vector<16xi32>
        %gather3A_357 = tpu.vector_load_idx %arg6[%add3A_356] : memref<26000xf32, #tpu.memory_space<vmem>>[vector<16xi32>], vector<16xf32>,
        %mul3A_358 = vector.broadcast %sub3A_275 : f32 to vector<16xf32>
        %mul3A_359 = arith.mulf %mul3A_358, %gather3A_353 : vector<16xf32>
        %mul3A_360 = vector.broadcast %mul3A_273 : f32 to vector<16xf32>
        %mul3A_361 = arith.mulf %mul3A_360, %gather3A_357 : vector<16xf32>
        %add3A_362 = arith.addf %mul3A_359, %mul3A_361 : vector<16xf32>
        %mul3A_363 = arith.constant 0 : i32
        %mul3A_364 = vector.broadcast %mul3A_363 : i32 to vector<16xi32>
        %mul3A_365 = arith.muli %iota3A, %mul3A_364 : vector<16xi32>
        %add3A_366 = arith.constant 5 : i32
        %add3A_367 = arith.addi %add3A_278, %add3A_366 : i32
        %add3A_368 = vector.broadcast %add3A_367 : i32 to vector<16xi32>
        %add3A_369 = arith.addi %mul3A_365, %add3A_368 : vector<16xi32>
        %gather3A_370 = tpu.vector_load_idx %arg6[%add3A_369] : memref<26000xf32, #tpu.memory_space<vmem>>[vector<16xi32>], vector<16xf32>,
        %add3A_371 = arith.constant 65 : i32
        %add3A_372 = vector.broadcast %add3A_371 : i32 to vector<16xi32>
        %add3A_373 = arith.addi %add3A_369, %add3A_372 : vector<16xi32>
        %gather3A_374 = tpu.vector_load_idx %arg6[%add3A_373] : memref<26000xf32, #tpu.memory_space<vmem>>[vector<16xi32>], vector<16xf32>,
        %mul3A_375 = vector.broadcast %sub3A_275 : f32 to vector<16xf32>
        %mul3A_376 = arith.mulf %mul3A_375, %gather3A_370 : vector<16xf32>
        %mul3A_377 = vector.broadcast %mul3A_273 : f32 to vector<16xf32>
        %mul3A_378 = arith.mulf %mul3A_377, %gather3A_374 : vector<16xf32>
        %add3A_379 = arith.addf %mul3A_376, %mul3A_378 : vector<16xf32>
        %mul3A_380 = arith.constant 0 : i32
        %mul3A_381 = vector.broadcast %mul3A_380 : i32 to vector<16xi32>
        %mul3A_382 = arith.muli %iota3A, %mul3A_381 : vector<16xi32>
        %add3A_383 = arith.constant 6 : i32
        %add3A_384 = arith.addi %add3A_278, %add3A_383 : i32
        %add3A_385 = vector.broadcast %add3A_384 : i32 to vector<16xi32>
        %add3A_386 = arith.addi %mul3A_382, %add3A_385 : vector<16xi32>
        %gather3A_387 = tpu.vector_load_idx %arg6[%add3A_386] : memref<26000xf32, #tpu.memory_space<vmem>>[vector<16xi32>], vector<16xf32>,
        %add3A_388 = arith.constant 65 : i32
        %add3A_389 = vector.broadcast %add3A_388 : i32 to vector<16xi32>
        %add3A_390 = arith.addi %add3A_386, %add3A_389 : vector<16xi32>
        %gather3A_391 = tpu.vector_load_idx %arg6[%add3A_390] : memref<26000xf32, #tpu.memory_space<vmem>>[vector<16xi32>], vector<16xf32>,
        %mul3A_392 = vector.broadcast %sub3A_275 : f32 to vector<16xf32>
        %mul3A_393 = arith.mulf %mul3A_392, %gather3A_387 : vector<16xf32>
        %mul3A_394 = vector.broadcast %mul3A_273 : f32 to vector<16xf32>
        %mul3A_395 = arith.mulf %mul3A_394, %gather3A_391 : vector<16xf32>
        %add3A_396 = arith.addf %mul3A_393, %mul3A_395 : vector<16xf32>
        %mul3A_397 = arith.constant 0 : i32
        %mul3A_398 = vector.broadcast %mul3A_397 : i32 to vector<16xi32>
        %mul3A_399 = arith.muli %iota3A, %mul3A_398 : vector<16xi32>
        %add3A_400 = arith.constant 7 : i32
        %add3A_401 = arith.addi %add3A_278, %add3A_400 : i32
        %add3A_402 = vector.broadcast %add3A_401 : i32 to vector<16xi32>
        %add3A_403 = arith.addi %mul3A_399, %add3A_402 : vector<16xi32>
        %gather3A_404 = tpu.vector_load_idx %arg6[%add3A_403] : memref<26000xf32, #tpu.memory_space<vmem>>[vector<16xi32>], vector<16xf32>,
        %add3A_405 = arith.constant 65 : i32
        %add3A_406 = vector.broadcast %add3A_405 : i32 to vector<16xi32>
        %add3A_407 = arith.addi %add3A_403, %add3A_406 : vector<16xi32>
        %gather3A_408 = tpu.vector_load_idx %arg6[%add3A_407] : memref<26000xf32, #tpu.memory_space<vmem>>[vector<16xi32>], vector<16xf32>,
        %mul3A_409 = vector.broadcast %sub3A_275 : f32 to vector<16xf32>
        %mul3A_410 = arith.mulf %mul3A_409, %gather3A_404 : vector<16xf32>
        %mul3A_411 = vector.broadcast %mul3A_273 : f32 to vector<16xf32>
        %mul3A_412 = arith.mulf %mul3A_411, %gather3A_408 : vector<16xf32>
        %add3A_413 = arith.addf %mul3A_410, %mul3A_412 : vector<16xf32>
        %mul3A_414 = arith.constant 0 : i32
        %mul3A_415 = vector.broadcast %mul3A_414 : i32 to vector<16xi32>
        %mul3A_416 = arith.muli %iota3A, %mul3A_415 : vector<16xi32>
        %add3A_417 = arith.constant 8 : i32
        %add3A_418 = arith.addi %add3A_278, %add3A_417 : i32
        %add3A_419 = vector.broadcast %add3A_418 : i32 to vector<16xi32>
        %add3A_420 = arith.addi %mul3A_416, %add3A_419 : vector<16xi32>
        %gather3A_421 = tpu.vector_load_idx %arg6[%add3A_420] : memref<26000xf32, #tpu.memory_space<vmem>>[vector<16xi32>], vector<16xf32>,
        %add3A_422 = arith.constant 65 : i32
        %add3A_423 = vector.broadcast %add3A_422 : i32 to vector<16xi32>
        %add3A_424 = arith.addi %add3A_420, %add3A_423 : vector<16xi32>
        %gather3A_425 = tpu.vector_load_idx %arg6[%add3A_424] : memref<26000xf32, #tpu.memory_space<vmem>>[vector<16xi32>], vector<16xf32>,
        %mul3A_426 = vector.broadcast %sub3A_275 : f32 to vector<16xf32>
        %mul3A_427 = arith.mulf %mul3A_426, %gather3A_421 : vector<16xf32>
        %mul3A_428 = vector.broadcast %mul3A_273 : f32 to vector<16xf32>
        %mul3A_429 = arith.mulf %mul3A_428, %gather3A_425 : vector<16xf32>
        %add3A_430 = arith.addf %mul3A_427, %mul3A_429 : vector<16xf32>
        %mul3A_431 = arith.constant 0 : i32
        %mul3A_432 = vector.broadcast %mul3A_431 : i32 to vector<16xi32>
        %mul3A_433 = arith.muli %iota3A, %mul3A_432 : vector<16xi32>
        %add3A_434 = arith.constant 9 : i32
        %add3A_435 = arith.addi %add3A_278, %add3A_434 : i32
        %add3A_436 = vector.broadcast %add3A_435 : i32 to vector<16xi32>
        %add3A_437 = arith.addi %mul3A_433, %add3A_436 : vector<16xi32>
        %gather3A_438 = tpu.vector_load_idx %arg6[%add3A_437] : memref<26000xf32, #tpu.memory_space<vmem>>[vector<16xi32>], vector<16xf32>,
        %add3A_439 = arith.constant 65 : i32
        %add3A_440 = vector.broadcast %add3A_439 : i32 to vector<16xi32>
        %add3A_441 = arith.addi %add3A_437, %add3A_440 : vector<16xi32>
        %gather3A_442 = tpu.vector_load_idx %arg6[%add3A_441] : memref<26000xf32, #tpu.memory_space<vmem>>[vector<16xi32>], vector<16xf32>,
        %mul3A_443 = vector.broadcast %sub3A_275 : f32 to vector<16xf32>
        %mul3A_444 = arith.mulf %mul3A_443, %gather3A_438 : vector<16xf32>
        %mul3A_445 = vector.broadcast %mul3A_273 : f32 to vector<16xf32>
        %mul3A_446 = arith.mulf %mul3A_445, %gather3A_442 : vector<16xf32>
        %add3A_447 = arith.addf %mul3A_444, %mul3A_446 : vector<16xf32>
        %mul3A_448 = arith.constant 0 : i32
        %mul3A_449 = vector.broadcast %mul3A_448 : i32 to vector<16xi32>
        %mul3A_450 = arith.muli %iota3A, %mul3A_449 : vector<16xi32>
        %add3A_451 = arith.constant 10 : i32
        %add3A_452 = arith.addi %add3A_278, %add3A_451 : i32
        %add3A_453 = vector.broadcast %add3A_452 : i32 to vector<16xi32>
        %add3A_454 = arith.addi %mul3A_450, %add3A_453 : vector<16xi32>
        %gather3A_455 = tpu.vector_load_idx %arg6[%add3A_454] : memref<26000xf32, #tpu.memory_space<vmem>>[vector<16xi32>], vector<16xf32>,
        %add3A_456 = arith.constant 65 : i32
        %add3A_457 = vector.broadcast %add3A_456 : i32 to vector<16xi32>
        %add3A_458 = arith.addi %add3A_454, %add3A_457 : vector<16xi32>
        %gather3A_459 = tpu.vector_load_idx %arg6[%add3A_458] : memref<26000xf32, #tpu.memory_space<vmem>>[vector<16xi32>], vector<16xf32>,
        %mul3A_460 = vector.broadcast %sub3A_275 : f32 to vector<16xf32>
        %mul3A_461 = arith.mulf %mul3A_460, %gather3A_455 : vector<16xf32>
        %mul3A_462 = vector.broadcast %mul3A_273 : f32 to vector<16xf32>
        %mul3A_463 = arith.mulf %mul3A_462, %gather3A_459 : vector<16xf32>
        %add3A_464 = arith.addf %mul3A_461, %mul3A_463 : vector<16xf32>
        %mul3A_465 = arith.constant 0 : i32
        %mul3A_466 = vector.broadcast %mul3A_465 : i32 to vector<16xi32>
        %mul3A_467 = arith.muli %iota3A, %mul3A_466 : vector<16xi32>
        %add3A_468 = arith.constant 11 : i32
        %add3A_469 = arith.addi %add3A_278, %add3A_468 : i32
        %add3A_470 = vector.broadcast %add3A_469 : i32 to vector<16xi32>
        %add3A_471 = arith.addi %mul3A_467, %add3A_470 : vector<16xi32>
        %gather3A_472 = tpu.vector_load_idx %arg6[%add3A_471] : memref<26000xf32, #tpu.memory_space<vmem>>[vector<16xi32>], vector<16xf32>,
        %add3A_473 = arith.constant 65 : i32
        %add3A_474 = vector.broadcast %add3A_473 : i32 to vector<16xi32>
        %add3A_475 = arith.addi %add3A_471, %add3A_474 : vector<16xi32>
        %gather3A_476 = tpu.vector_load_idx %arg6[%add3A_475] : memref<26000xf32, #tpu.memory_space<vmem>>[vector<16xi32>], vector<16xf32>,
        %mul3A_477 = vector.broadcast %sub3A_275 : f32 to vector<16xf32>
        %mul3A_478 = arith.mulf %mul3A_477, %gather3A_472 : vector<16xf32>
        %mul3A_479 = vector.broadcast %mul3A_273 : f32 to vector<16xf32>
        %mul3A_480 = arith.mulf %mul3A_479, %gather3A_476 : vector<16xf32>
        %add3A_481 = arith.addf %mul3A_478, %mul3A_480 : vector<16xf32>
        %mul3A_482 = arith.constant 0 : i32
        %mul3A_483 = vector.broadcast %mul3A_482 : i32 to vector<16xi32>
        %mul3A_484 = arith.muli %iota3A, %mul3A_483 : vector<16xi32>
        %add3A_485 = arith.constant 12 : i32
        %add3A_486 = arith.addi %add3A_278, %add3A_485 : i32
        %add3A_487 = vector.broadcast %add3A_486 : i32 to vector<16xi32>
        %add3A_488 = arith.addi %mul3A_484, %add3A_487 : vector<16xi32>
        %gather3A_489 = tpu.vector_load_idx %arg6[%add3A_488] : memref<26000xf32, #tpu.memory_space<vmem>>[vector<16xi32>], vector<16xf32>,
        %add3A_490 = arith.constant 65 : i32
        %add3A_491 = vector.broadcast %add3A_490 : i32 to vector<16xi32>
        %add3A_492 = arith.addi %add3A_488, %add3A_491 : vector<16xi32>
        %gather3A_493 = tpu.vector_load_idx %arg6[%add3A_492] : memref<26000xf32, #tpu.memory_space<vmem>>[vector<16xi32>], vector<16xf32>,
        %mul3A_494 = vector.broadcast %sub3A_275 : f32 to vector<16xf32>
        %mul3A_495 = arith.mulf %mul3A_494, %gather3A_489 : vector<16xf32>
        %mul3A_496 = vector.broadcast %mul3A_273 : f32 to vector<16xf32>
        %mul3A_497 = arith.mulf %mul3A_496, %gather3A_493 : vector<16xf32>
        %add3A_498 = arith.addf %mul3A_495, %mul3A_497 : vector<16xf32>
        %mul3A_499 = arith.constant 0 : i32
        %mul3A_500 = vector.broadcast %mul3A_499 : i32 to vector<16xi32>
        %mul3A_501 = arith.muli %iota3A, %mul3A_500 : vector<16xi32>
        %add3A_502 = arith.constant 13 : i32
        %add3A_503 = arith.addi %add3A_278, %add3A_502 : i32
        %add3A_504 = vector.broadcast %add3A_503 : i32 to vector<16xi32>
        %add3A_505 = arith.addi %mul3A_501, %add3A_504 : vector<16xi32>
        %gather3A_506 = tpu.vector_load_idx %arg6[%add3A_505] : memref<26000xf32, #tpu.memory_space<vmem>>[vector<16xi32>], vector<16xf32>,
        %add3A_507 = arith.constant 65 : i32
        %add3A_508 = vector.broadcast %add3A_507 : i32 to vector<16xi32>
        %add3A_509 = arith.addi %add3A_505, %add3A_508 : vector<16xi32>
        %gather3A_510 = tpu.vector_load_idx %arg6[%add3A_509] : memref<26000xf32, #tpu.memory_space<vmem>>[vector<16xi32>], vector<16xf32>,
        %mul3A_511 = vector.broadcast %sub3A_275 : f32 to vector<16xf32>
        %mul3A_512 = arith.mulf %mul3A_511, %gather3A_506 : vector<16xf32>
        %mul3A_513 = vector.broadcast %mul3A_273 : f32 to vector<16xf32>
        %mul3A_514 = arith.mulf %mul3A_513, %gather3A_510 : vector<16xf32>
        %add3A_515 = arith.addf %mul3A_512, %mul3A_514 : vector<16xf32>
        %mul3A_516 = arith.constant 0 : i32
        %mul3A_517 = vector.broadcast %mul3A_516 : i32 to vector<16xi32>
        %mul3A_518 = arith.muli %iota3A, %mul3A_517 : vector<16xi32>
        %add3A_519 = arith.constant 14 : i32
        %add3A_520 = arith.addi %add3A_278, %add3A_519 : i32
        %add3A_521 = vector.broadcast %add3A_520 : i32 to vector<16xi32>
        %add3A_522 = arith.addi %mul3A_518, %add3A_521 : vector<16xi32>
        %gather3A_523 = tpu.vector_load_idx %arg6[%add3A_522] : memref<26000xf32, #tpu.memory_space<vmem>>[vector<16xi32>], vector<16xf32>,
        %add3A_524 = arith.constant 65 : i32
        %add3A_525 = vector.broadcast %add3A_524 : i32 to vector<16xi32>
        %add3A_526 = arith.addi %add3A_522, %add3A_525 : vector<16xi32>
        %gather3A_527 = tpu.vector_load_idx %arg6[%add3A_526] : memref<26000xf32, #tpu.memory_space<vmem>>[vector<16xi32>], vector<16xf32>,
        %mul3A_528 = vector.broadcast %sub3A_275 : f32 to vector<16xf32>
        %mul3A_529 = arith.mulf %mul3A_528, %gather3A_523 : vector<16xf32>
        %mul3A_530 = vector.broadcast %mul3A_273 : f32 to vector<16xf32>
        %mul3A_531 = arith.mulf %mul3A_530, %gather3A_527 : vector<16xf32>
        %add3A_532 = arith.addf %mul3A_529, %mul3A_531 : vector<16xf32>
        %mul3A_533 = arith.constant 0 : i32
        %mul3A_534 = vector.broadcast %mul3A_533 : i32 to vector<16xi32>
        %mul3A_535 = arith.muli %iota3A, %mul3A_534 : vector<16xi32>
        %add3A_536 = arith.constant 15 : i32
        %add3A_537 = arith.addi %add3A_278, %add3A_536 : i32
        %add3A_538 = vector.broadcast %add3A_537 : i32 to vector<16xi32>
        %add3A_539 = arith.addi %mul3A_535, %add3A_538 : vector<16xi32>
        %gather3A_540 = tpu.vector_load_idx %arg6[%add3A_539] : memref<26000xf32, #tpu.memory_space<vmem>>[vector<16xi32>], vector<16xf32>,
        %add3A_541 = arith.constant 65 : i32
        %add3A_542 = vector.broadcast %add3A_541 : i32 to vector<16xi32>
        %add3A_543 = arith.addi %add3A_539, %add3A_542 : vector<16xi32>
        %gather3A_544 = tpu.vector_load_idx %arg6[%add3A_543] : memref<26000xf32, #tpu.memory_space<vmem>>[vector<16xi32>], vector<16xf32>,
        %mul3A_545 = vector.broadcast %sub3A_275 : f32 to vector<16xf32>
        %mul3A_546 = arith.mulf %mul3A_545, %gather3A_540 : vector<16xf32>
        %mul3A_547 = vector.broadcast %mul3A_273 : f32 to vector<16xf32>
        %mul3A_548 = arith.mulf %mul3A_547, %gather3A_544 : vector<16xf32>
        %add3A_549 = arith.addf %mul3A_546, %mul3A_548 : vector<16xf32>
        %while3A_550 = arith.constant 0 : i32
        %while3A_551 = arith.constant 0 : i32
        %while3A_552 = arith.subi %max3A_219, %while3A_550 : i32
        %while3A_553 = arith.addi %while3A_550, %while3A_552 : i32
        %while3A_554 = arith.constant 1 : i32
        %while3A_555 = arith.divsi %while3A_552, %while3A_554 : i32
        %while3A_556 = arith.muli %while3A_555, %while3A_554 : i32
        %while3A_557 = arith.addi %while3A_550, %while3A_556 : i32
        %while3A_558 = arith.constant 1 : i32
        %while3A_559 = scf.for %while3A_563 = %while3A_550 to %while3A_557 step %while3A_558 iter_args(%while3A_564 = %while3A_551) -> (i32)  : i32 {
          %mul3A_565 = arith.constant 16 : i32
          %mul3A_566 = arith.muli %while3A_563, %mul3A_565 : i32
          %add3A_567 = arith.addi %and3A_189, %mul3A_566 : i32
          %add3A_568 = arith.constant 0 : i32
          %add3A_569 = arith.addi %add3A_568, %while3A_267 : i32
          %swap3A = arith.index_cast %add3A_569 : i32 to index
          %swap3A_570 = arith.index_cast %add3A_567 : i32 to index
          %swap3A_571 = tpu.vector_load %arg7[%swap3A, %swap3A_570] {strides = array<i32>} : memref<256x209xf32, #tpu.memory_space<vmem>>, vector<16xf32>,
          tpu.vector_store %arg7[%swap3A, %swap3A_570], %add3A_294 {strides = array<i32>} : memref<256x209xf32, #tpu.memory_space<vmem>>, vector<16xf32>,
          %add3A_572 = arith.constant 16 : i32
          %add3A_573 = arith.addi %add3A_572, %while3A_267 : i32
          %swap3A_574 = arith.index_cast %add3A_573 : i32 to index
          %swap3A_575 = arith.index_cast %add3A_567 : i32 to index
          %swap3A_576 = tpu.vector_load %arg7[%swap3A_574, %swap3A_575] {strides = array<i32>} : memref<256x209xf32, #tpu.memory_space<vmem>>, vector<16xf32>,
          tpu.vector_store %arg7[%swap3A_574, %swap3A_575], %add3A_311 {strides = array<i32>} : memref<256x209xf32, #tpu.memory_space<vmem>>, vector<16xf32>,
          %add3A_577 = arith.constant 32 : i32
          %add3A_578 = arith.addi %add3A_577, %while3A_267 : i32
          %swap3A_579 = arith.index_cast %add3A_578 : i32 to index
          %swap3A_580 = arith.index_cast %add3A_567 : i32 to index
          %swap3A_581 = tpu.vector_load %arg7[%swap3A_579, %swap3A_580] {strides = array<i32>} : memref<256x209xf32, #tpu.memory_space<vmem>>, vector<16xf32>,
          tpu.vector_store %arg7[%swap3A_579, %swap3A_580], %add3A_328 {strides = array<i32>} : memref<256x209xf32, #tpu.memory_space<vmem>>, vector<16xf32>,
          %add3A_582 = arith.constant 48 : i32
          %add3A_583 = arith.addi %add3A_582, %while3A_267 : i32
          %swap3A_584 = arith.index_cast %add3A_583 : i32 to index
          %swap3A_585 = arith.index_cast %add3A_567 : i32 to index
          %swap3A_586 = tpu.vector_load %arg7[%swap3A_584, %swap3A_585] {strides = array<i32>} : memref<256x209xf32, #tpu.memory_space<vmem>>, vector<16xf32>,
          tpu.vector_store %arg7[%swap3A_584, %swap3A_585], %add3A_345 {strides = array<i32>} : memref<256x209xf32, #tpu.memory_space<vmem>>, vector<16xf32>,
          %add3A_587 = arith.constant 64 : i32
          %add3A_588 = arith.addi %add3A_587, %while3A_267 : i32
          %swap3A_589 = arith.index_cast %add3A_588 : i32 to index
          %swap3A_590 = arith.index_cast %add3A_567 : i32 to index
          %swap3A_591 = tpu.vector_load %arg7[%swap3A_589, %swap3A_590] {strides = array<i32>} : memref<256x209xf32, #tpu.memory_space<vmem>>, vector<16xf32>,
          tpu.vector_store %arg7[%swap3A_589, %swap3A_590], %add3A_362 {strides = array<i32>} : memref<256x209xf32, #tpu.memory_space<vmem>>, vector<16xf32>,
          %add3A_592 = arith.constant 80 : i32
          %add3A_593 = arith.addi %add3A_592, %while3A_267 : i32
          %swap3A_594 = arith.index_cast %add3A_593 : i32 to index
          %swap3A_595 = arith.index_cast %add3A_567 : i32 to index
          %swap3A_596 = tpu.vector_load %arg7[%swap3A_594, %swap3A_595] {strides = array<i32>} : memref<256x209xf32, #tpu.memory_space<vmem>>, vector<16xf32>,
          tpu.vector_store %arg7[%swap3A_594, %swap3A_595], %add3A_379 {strides = array<i32>} : memref<256x209xf32, #tpu.memory_space<vmem>>, vector<16xf32>,
          %add3A_597 = arith.constant 96 : i32
          %add3A_598 = arith.addi %add3A_597, %while3A_267 : i32
          %swap3A_599 = arith.index_cast %add3A_598 : i32 to index
          %swap3A_600 = arith.index_cast %add3A_567 : i32 to index
          %swap3A_601 = tpu.vector_load %arg7[%swap3A_599, %swap3A_600] {strides = array<i32>} : memref<256x209xf32, #tpu.memory_space<vmem>>, vector<16xf32>,
          tpu.vector_store %arg7[%swap3A_599, %swap3A_600], %add3A_396 {strides = array<i32>} : memref<256x209xf32, #tpu.memory_space<vmem>>, vector<16xf32>,
          %add3A_602 = arith.constant 112 : i32
          %add3A_603 = arith.addi %add3A_602, %while3A_267 : i32
          %swap3A_604 = arith.index_cast %add3A_603 : i32 to index
          %swap3A_605 = arith.index_cast %add3A_567 : i32 to index
          %swap3A_606 = tpu.vector_load %arg7[%swap3A_604, %swap3A_605] {strides = array<i32>} : memref<256x209xf32, #tpu.memory_space<vmem>>, vector<16xf32>,
          tpu.vector_store %arg7[%swap3A_604, %swap3A_605], %add3A_413 {strides = array<i32>} : memref<256x209xf32, #tpu.memory_space<vmem>>, vector<16xf32>,
          %add3A_607 = arith.constant 128 : i32
          %add3A_608 = arith.addi %add3A_607, %while3A_267 : i32
          %swap3A_609 = arith.index_cast %add3A_608 : i32 to index
          %swap3A_610 = arith.index_cast %add3A_567 : i32 to index
          %swap3A_611 = tpu.vector_load %arg7[%swap3A_609, %swap3A_610] {strides = array<i32>} : memref<256x209xf32, #tpu.memory_space<vmem>>, vector<16xf32>,
          tpu.vector_store %arg7[%swap3A_609, %swap3A_610], %add3A_430 {strides = array<i32>} : memref<256x209xf32, #tpu.memory_space<vmem>>, vector<16xf32>,
          %add3A_612 = arith.constant 144 : i32
          %add3A_613 = arith.addi %add3A_612, %while3A_267 : i32
          %swap3A_614 = arith.index_cast %add3A_613 : i32 to index
          %swap3A_615 = arith.index_cast %add3A_567 : i32 to index
          %swap3A_616 = tpu.vector_load %arg7[%swap3A_614, %swap3A_615] {strides = array<i32>} : memref<256x209xf32, #tpu.memory_space<vmem>>, vector<16xf32>,
          tpu.vector_store %arg7[%swap3A_614, %swap3A_615], %add3A_447 {strides = array<i32>} : memref<256x209xf32, #tpu.memory_space<vmem>>, vector<16xf32>,
          %add3A_617 = arith.constant 160 : i32
          %add3A_618 = arith.addi %add3A_617, %while3A_267 : i32
          %swap3A_619 = arith.index_cast %add3A_618 : i32 to index
          %swap3A_620 = arith.index_cast %add3A_567 : i32 to index
          %swap3A_621 = tpu.vector_load %arg7[%swap3A_619, %swap3A_620] {strides = array<i32>} : memref<256x209xf32, #tpu.memory_space<vmem>>, vector<16xf32>,
          tpu.vector_store %arg7[%swap3A_619, %swap3A_620], %add3A_464 {strides = array<i32>} : memref<256x209xf32, #tpu.memory_space<vmem>>, vector<16xf32>,
          %add3A_622 = arith.constant 176 : i32
          %add3A_623 = arith.addi %add3A_622, %while3A_267 : i32
          %swap3A_624 = arith.index_cast %add3A_623 : i32 to index
          %swap3A_625 = arith.index_cast %add3A_567 : i32 to index
          %swap3A_626 = tpu.vector_load %arg7[%swap3A_624, %swap3A_625] {strides = array<i32>} : memref<256x209xf32, #tpu.memory_space<vmem>>, vector<16xf32>,
          tpu.vector_store %arg7[%swap3A_624, %swap3A_625], %add3A_481 {strides = array<i32>} : memref<256x209xf32, #tpu.memory_space<vmem>>, vector<16xf32>,
          %add3A_627 = arith.constant 192 : i32
          %add3A_628 = arith.addi %add3A_627, %while3A_267 : i32
          %swap3A_629 = arith.index_cast %add3A_628 : i32 to index
          %swap3A_630 = arith.index_cast %add3A_567 : i32 to index
          %swap3A_631 = tpu.vector_load %arg7[%swap3A_629, %swap3A_630] {strides = array<i32>} : memref<256x209xf32, #tpu.memory_space<vmem>>, vector<16xf32>,
          tpu.vector_store %arg7[%swap3A_629, %swap3A_630], %add3A_498 {strides = array<i32>} : memref<256x209xf32, #tpu.memory_space<vmem>>, vector<16xf32>,
          %add3A_632 = arith.constant 208 : i32
          %add3A_633 = arith.addi %add3A_632, %while3A_267 : i32
          %swap3A_634 = arith.index_cast %add3A_633 : i32 to index
          %swap3A_635 = arith.index_cast %add3A_567 : i32 to index
          %swap3A_636 = tpu.vector_load %arg7[%swap3A_634, %swap3A_635] {strides = array<i32>} : memref<256x209xf32, #tpu.memory_space<vmem>>, vector<16xf32>,
          tpu.vector_store %arg7[%swap3A_634, %swap3A_635], %add3A_515 {strides = array<i32>} : memref<256x209xf32, #tpu.memory_space<vmem>>, vector<16xf32>,
          %add3A_637 = arith.constant 224 : i32
          %add3A_638 = arith.addi %add3A_637, %while3A_267 : i32
          %swap3A_639 = arith.index_cast %add3A_638 : i32 to index
          %swap3A_640 = arith.index_cast %add3A_567 : i32 to index
          %swap3A_641 = tpu.vector_load %arg7[%swap3A_639, %swap3A_640] {strides = array<i32>} : memref<256x209xf32, #tpu.memory_space<vmem>>, vector<16xf32>,
          tpu.vector_store %arg7[%swap3A_639, %swap3A_640], %add3A_532 {strides = array<i32>} : memref<256x209xf32, #tpu.memory_space<vmem>>, vector<16xf32>,
          %add3A_642 = arith.constant 240 : i32
          %add3A_643 = arith.addi %add3A_642, %while3A_267 : i32
          %swap3A_644 = arith.index_cast %add3A_643 : i32 to index
          %swap3A_645 = arith.index_cast %add3A_567 : i32 to index
          %swap3A_646 = tpu.vector_load %arg7[%swap3A_644, %swap3A_645] {strides = array<i32>} : memref<256x209xf32, #tpu.memory_space<vmem>>, vector<16xf32>,
          tpu.vector_store %arg7[%swap3A_644, %swap3A_645], %add3A_549 {strides = array<i32>} : memref<256x209xf32, #tpu.memory_space<vmem>>, vector<16xf32>,
          %while3A_647 = arith.constant 0 : i32
          scf.yield %while3A_647 : i32
        }
        %while3A_560 = arith.constant 1 : i32
        %while3A_561 = scf.for %while3A_563 = %while3A_557 to %while3A_553 step %while3A_560 iter_args(%while3A_564 = %while3A_559) -> (i32)  : i32 {
          %mul3A_565 = arith.constant 16 : i32
          %mul3A_566 = arith.muli %while3A_563, %mul3A_565 : i32
          %add3A_567 = arith.addi %and3A_189, %mul3A_566 : i32
          %add3A_568 = arith.constant 0 : i32
          %add3A_569 = arith.addi %add3A_568, %while3A_267 : i32
          %swap3A = arith.index_cast %add3A_569 : i32 to index
          %swap3A_570 = arith.index_cast %add3A_567 : i32 to index
          %swap3A_571 = tpu.vector_load %arg7[%swap3A, %swap3A_570] {strides = array<i32>} : memref<256x209xf32, #tpu.memory_space<vmem>>, vector<16xf32>,
          tpu.vector_store %arg7[%swap3A, %swap3A_570], %add3A_294 {strides = array<i32>} : memref<256x209xf32, #tpu.memory_space<vmem>>, vector<16xf32>,
          %add3A_572 = arith.constant 16 : i32
          %add3A_573 = arith.addi %add3A_572, %while3A_267 : i32
          %swap3A_574 = arith.index_cast %add3A_573 : i32 to index
          %swap3A_575 = arith.index_cast %add3A_567 : i32 to index
          %swap3A_576 = tpu.vector_load %arg7[%swap3A_574, %swap3A_575] {strides = array<i32>} : memref<256x209xf32, #tpu.memory_space<vmem>>, vector<16xf32>,
          tpu.vector_store %arg7[%swap3A_574, %swap3A_575], %add3A_311 {strides = array<i32>} : memref<256x209xf32, #tpu.memory_space<vmem>>, vector<16xf32>,
          %add3A_577 = arith.constant 32 : i32
          %add3A_578 = arith.addi %add3A_577, %while3A_267 : i32
          %swap3A_579 = arith.index_cast %add3A_578 : i32 to index
          %swap3A_580 = arith.index_cast %add3A_567 : i32 to index
          %swap3A_581 = tpu.vector_load %arg7[%swap3A_579, %swap3A_580] {strides = array<i32>} : memref<256x209xf32, #tpu.memory_space<vmem>>, vector<16xf32>,
          tpu.vector_store %arg7[%swap3A_579, %swap3A_580], %add3A_328 {strides = array<i32>} : memref<256x209xf32, #tpu.memory_space<vmem>>, vector<16xf32>,
          %add3A_582 = arith.constant 48 : i32
          %add3A_583 = arith.addi %add3A_582, %while3A_267 : i32
          %swap3A_584 = arith.index_cast %add3A_583 : i32 to index
          %swap3A_585 = arith.index_cast %add3A_567 : i32 to index
          %swap3A_586 = tpu.vector_load %arg7[%swap3A_584, %swap3A_585] {strides = array<i32>} : memref<256x209xf32, #tpu.memory_space<vmem>>, vector<16xf32>,
          tpu.vector_store %arg7[%swap3A_584, %swap3A_585], %add3A_345 {strides = array<i32>} : memref<256x209xf32, #tpu.memory_space<vmem>>, vector<16xf32>,
          %add3A_587 = arith.constant 64 : i32
          %add3A_588 = arith.addi %add3A_587, %while3A_267 : i32
          %swap3A_589 = arith.index_cast %add3A_588 : i32 to index
          %swap3A_590 = arith.index_cast %add3A_567 : i32 to index
          %swap3A_591 = tpu.vector_load %arg7[%swap3A_589, %swap3A_590] {strides = array<i32>} : memref<256x209xf32, #tpu.memory_space<vmem>>, vector<16xf32>,
          tpu.vector_store %arg7[%swap3A_589, %swap3A_590], %add3A_362 {strides = array<i32>} : memref<256x209xf32, #tpu.memory_space<vmem>>, vector<16xf32>,
          %add3A_592 = arith.constant 80 : i32
          %add3A_593 = arith.addi %add3A_592, %while3A_267 : i32
          %swap3A_594 = arith.index_cast %add3A_593 : i32 to index
          %swap3A_595 = arith.index_cast %add3A_567 : i32 to index
          %swap3A_596 = tpu.vector_load %arg7[%swap3A_594, %swap3A_595] {strides = array<i32>} : memref<256x209xf32, #tpu.memory_space<vmem>>, vector<16xf32>,
          tpu.vector_store %arg7[%swap3A_594, %swap3A_595], %add3A_379 {strides = array<i32>} : memref<256x209xf32, #tpu.memory_space<vmem>>, vector<16xf32>,
          %add3A_597 = arith.constant 96 : i32
          %add3A_598 = arith.addi %add3A_597, %while3A_267 : i32
          %swap3A_599 = arith.index_cast %add3A_598 : i32 to index
          %swap3A_600 = arith.index_cast %add3A_567 : i32 to index
          %swap3A_601 = tpu.vector_load %arg7[%swap3A_599, %swap3A_600] {strides = array<i32>} : memref<256x209xf32, #tpu.memory_space<vmem>>, vector<16xf32>,
          tpu.vector_store %arg7[%swap3A_599, %swap3A_600], %add3A_396 {strides = array<i32>} : memref<256x209xf32, #tpu.memory_space<vmem>>, vector<16xf32>,
          %add3A_602 = arith.constant 112 : i32
          %add3A_603 = arith.addi %add3A_602, %while3A_267 : i32
          %swap3A_604 = arith.index_cast %add3A_603 : i32 to index
          %swap3A_605 = arith.index_cast %add3A_567 : i32 to index
          %swap3A_606 = tpu.vector_load %arg7[%swap3A_604, %swap3A_605] {strides = array<i32>} : memref<256x209xf32, #tpu.memory_space<vmem>>, vector<16xf32>,
          tpu.vector_store %arg7[%swap3A_604, %swap3A_605], %add3A_413 {strides = array<i32>} : memref<256x209xf32, #tpu.memory_space<vmem>>, vector<16xf32>,
          %add3A_607 = arith.constant 128 : i32
          %add3A_608 = arith.addi %add3A_607, %while3A_267 : i32
          %swap3A_609 = arith.index_cast %add3A_608 : i32 to index
          %swap3A_610 = arith.index_cast %add3A_567 : i32 to index
          %swap3A_611 = tpu.vector_load %arg7[%swap3A_609, %swap3A_610] {strides = array<i32>} : memref<256x209xf32, #tpu.memory_space<vmem>>, vector<16xf32>,
          tpu.vector_store %arg7[%swap3A_609, %swap3A_610], %add3A_430 {strides = array<i32>} : memref<256x209xf32, #tpu.memory_space<vmem>>, vector<16xf32>,
          %add3A_612 = arith.constant 144 : i32
          %add3A_613 = arith.addi %add3A_612, %while3A_267 : i32
          %swap3A_614 = arith.index_cast %add3A_613 : i32 to index
          %swap3A_615 = arith.index_cast %add3A_567 : i32 to index
          %swap3A_616 = tpu.vector_load %arg7[%swap3A_614, %swap3A_615] {strides = array<i32>} : memref<256x209xf32, #tpu.memory_space<vmem>>, vector<16xf32>,
          tpu.vector_store %arg7[%swap3A_614, %swap3A_615], %add3A_447 {strides = array<i32>} : memref<256x209xf32, #tpu.memory_space<vmem>>, vector<16xf32>,
          %add3A_617 = arith.constant 160 : i32
          %add3A_618 = arith.addi %add3A_617, %while3A_267 : i32
          %swap3A_619 = arith.index_cast %add3A_618 : i32 to index
          %swap3A_620 = arith.index_cast %add3A_567 : i32 to index
          %swap3A_621 = tpu.vector_load %arg7[%swap3A_619, %swap3A_620] {strides = array<i32>} : memref<256x209xf32, #tpu.memory_space<vmem>>, vector<16xf32>,
          tpu.vector_store %arg7[%swap3A_619, %swap3A_620], %add3A_464 {strides = array<i32>} : memref<256x209xf32, #tpu.memory_space<vmem>>, vector<16xf32>,
          %add3A_622 = arith.constant 176 : i32
          %add3A_623 = arith.addi %add3A_622, %while3A_267 : i32
          %swap3A_624 = arith.index_cast %add3A_623 : i32 to index
          %swap3A_625 = arith.index_cast %add3A_567 : i32 to index
          %swap3A_626 = tpu.vector_load %arg7[%swap3A_624, %swap3A_625] {strides = array<i32>} : memref<256x209xf32, #tpu.memory_space<vmem>>, vector<16xf32>,
          tpu.vector_store %arg7[%swap3A_624, %swap3A_625], %add3A_481 {strides = array<i32>} : memref<256x209xf32, #tpu.memory_space<vmem>>, vector<16xf32>,
          %add3A_627 = arith.constant 192 : i32
          %add3A_628 = arith.addi %add3A_627, %while3A_267 : i32
          %swap3A_629 = arith.index_cast %add3A_628 : i32 to index
          %swap3A_630 = arith.index_cast %add3A_567 : i32 to index
          %swap3A_631 = tpu.vector_load %arg7[%swap3A_629, %swap3A_630] {strides = array<i32>} : memref<256x209xf32, #tpu.memory_space<vmem>>, vector<16xf32>,
          tpu.vector_store %arg7[%swap3A_629, %swap3A_630], %add3A_498 {strides = array<i32>} : memref<256x209xf32, #tpu.memory_space<vmem>>, vector<16xf32>,
          %add3A_632 = arith.constant 208 : i32
          %add3A_633 = arith.addi %add3A_632, %while3A_267 : i32
          %swap3A_634 = arith.index_cast %add3A_633 : i32 to index
          %swap3A_635 = arith.index_cast %add3A_567 : i32 to index
          %swap3A_636 = tpu.vector_load %arg7[%swap3A_634, %swap3A_635] {strides = array<i32>} : memref<256x209xf32, #tpu.memory_space<vmem>>, vector<16xf32>,
          tpu.vector_store %arg7[%swap3A_634, %swap3A_635], %add3A_515 {strides = array<i32>} : memref<256x209xf32, #tpu.memory_space<vmem>>, vector<16xf32>,
          %add3A_637 = arith.constant 224 : i32
          %add3A_638 = arith.addi %add3A_637, %while3A_267 : i32
          %swap3A_639 = arith.index_cast %add3A_638 : i32 to index
          %swap3A_640 = arith.index_cast %add3A_567 : i32 to index
          %swap3A_641 = tpu.vector_load %arg7[%swap3A_639, %swap3A_640] {strides = array<i32>} : memref<256x209xf32, #tpu.memory_space<vmem>>, vector<16xf32>,
          tpu.vector_store %arg7[%swap3A_639, %swap3A_640], %add3A_532 {strides = array<i32>} : memref<256x209xf32, #tpu.memory_space<vmem>>, vector<16xf32>,
          %add3A_642 = arith.constant 240 : i32
          %add3A_643 = arith.addi %add3A_642, %while3A_267 : i32
          %swap3A_644 = arith.index_cast %add3A_643 : i32 to index
          %swap3A_645 = arith.index_cast %add3A_567 : i32 to index
          %swap3A_646 = tpu.vector_load %arg7[%swap3A_644, %swap3A_645] {strides = array<i32>} : memref<256x209xf32, #tpu.memory_space<vmem>>, vector<16xf32>,
          tpu.vector_store %arg7[%swap3A_644, %swap3A_645], %add3A_549 {strides = array<i32>} : memref<256x209xf32, #tpu.memory_space<vmem>>, vector<16xf32>,
          %while3A_647 = arith.constant 0 : i32
          scf.yield %while3A_647 : i32
        }
        %while3A_562 = arith.constant 0 : i32
        scf.yield %while3A_562 : i32
      }
      %while3A_257 = arith.constant 1 : i32
      %while3A_258 = scf.for %while3A_267 = %while3A_254 to %while3A_250 step %while3A_257 iter_args(%while3A_268 = %while3A_256) -> (i32)  : i32 {
        %convert_element_type3A_269 = arith.sitofp %while3A_267 : i32 to f32
        %add3A_270 = arith.constant 5.000000e-01 : f32
        %add3A_271 = arith.addf %convert_element_type3A_269, %add3A_270 : f32
        %mul3A_272 = arith.constant 6.250000e-02 : f32
        %mul3A_273 = arith.mulf %add3A_271, %mul3A_272 : f32
        %sub3A_274 = arith.constant 1.000000e+00 : f32
        %sub3A_275 = arith.subf %sub3A_274, %mul3A_273 : f32
        %mul3A_276 = arith.constant 65 : i32
        %mul3A_277 = arith.muli %mul3A_116, %mul3A_276 : i32
        %add3A_278 = arith.addi %mul3A_277, %mul3A_114 : i32
        %mul3A_279 = arith.constant 0 : i32
        %mul3A_280 = vector.broadcast %mul3A_279 : i32 to vector<16xi32>
        %mul3A_281 = arith.muli %iota3A, %mul3A_280 : vector<16xi32>
        %add3A_282 = arith.constant 0 : i32
        %add3A_283 = arith.addi %add3A_278, %add3A_282 : i32
        %add3A_284 = vector.broadcast %add3A_283 : i32 to vector<16xi32>
        %add3A_285 = arith.addi %mul3A_281, %add3A_284 : vector<16xi32>
        %gather3A = tpu.vector_load_idx %arg6[%add3A_285] : memref<26000xf32, #tpu.memory_space<vmem>>[vector<16xi32>], vector<16xf32>,
        %add3A_286 = arith.constant 65 : i32
        %add3A_287 = vector.broadcast %add3A_286 : i32 to vector<16xi32>
        %add3A_288 = arith.addi %add3A_285, %add3A_287 : vector<16xi32>
        %gather3A_289 = tpu.vector_load_idx %arg6[%add3A_288] : memref<26000xf32, #tpu.memory_space<vmem>>[vector<16xi32>], vector<16xf32>,
        %mul3A_290 = vector.broadcast %sub3A_275 : f32 to vector<16xf32>
        %mul3A_291 = arith.mulf %mul3A_290, %gather3A : vector<16xf32>
        %mul3A_292 = vector.broadcast %mul3A_273 : f32 to vector<16xf32>
        %mul3A_293 = arith.mulf %mul3A_292, %gather3A_289 : vector<16xf32>
        %add3A_294 = arith.addf %mul3A_291, %mul3A_293 : vector<16xf32>
        %mul3A_295 = arith.constant 0 : i32
        %mul3A_296 = vector.broadcast %mul3A_295 : i32 to vector<16xi32>
        %mul3A_297 = arith.muli %iota3A, %mul3A_296 : vector<16xi32>
        %add3A_298 = arith.constant 1 : i32
        %add3A_299 = arith.addi %add3A_278, %add3A_298 : i32
        %add3A_300 = vector.broadcast %add3A_299 : i32 to vector<16xi32>
        %add3A_301 = arith.addi %mul3A_297, %add3A_300 : vector<16xi32>
        %gather3A_302 = tpu.vector_load_idx %arg6[%add3A_301] : memref<26000xf32, #tpu.memory_space<vmem>>[vector<16xi32>], vector<16xf32>,
        %add3A_303 = arith.constant 65 : i32
        %add3A_304 = vector.broadcast %add3A_303 : i32 to vector<16xi32>
        %add3A_305 = arith.addi %add3A_301, %add3A_304 : vector<16xi32>
        %gather3A_306 = tpu.vector_load_idx %arg6[%add3A_305] : memref<26000xf32, #tpu.memory_space<vmem>>[vector<16xi32>], vector<16xf32>,
        %mul3A_307 = vector.broadcast %sub3A_275 : f32 to vector<16xf32>
        %mul3A_308 = arith.mulf %mul3A_307, %gather3A_302 : vector<16xf32>
        %mul3A_309 = vector.broadcast %mul3A_273 : f32 to vector<16xf32>
        %mul3A_310 = arith.mulf %mul3A_309, %gather3A_306 : vector<16xf32>
        %add3A_311 = arith.addf %mul3A_308, %mul3A_310 : vector<16xf32>
        %mul3A_312 = arith.constant 0 : i32
        %mul3A_313 = vector.broadcast %mul3A_312 : i32 to vector<16xi32>
        %mul3A_314 = arith.muli %iota3A, %mul3A_313 : vector<16xi32>
        %add3A_315 = arith.constant 2 : i32
        %add3A_316 = arith.addi %add3A_278, %add3A_315 : i32
        %add3A_317 = vector.broadcast %add3A_316 : i32 to vector<16xi32>
        %add3A_318 = arith.addi %mul3A_314, %add3A_317 : vector<16xi32>
        %gather3A_319 = tpu.vector_load_idx %arg6[%add3A_318] : memref<26000xf32, #tpu.memory_space<vmem>>[vector<16xi32>], vector<16xf32>,
        %add3A_320 = arith.constant 65 : i32
        %add3A_321 = vector.broadcast %add3A_320 : i32 to vector<16xi32>
        %add3A_322 = arith.addi %add3A_318, %add3A_321 : vector<16xi32>
        %gather3A_323 = tpu.vector_load_idx %arg6[%add3A_322] : memref<26000xf32, #tpu.memory_space<vmem>>[vector<16xi32>], vector<16xf32>,
        %mul3A_324 = vector.broadcast %sub3A_275 : f32 to vector<16xf32>
        %mul3A_325 = arith.mulf %mul3A_324, %gather3A_319 : vector<16xf32>
        %mul3A_326 = vector.broadcast %mul3A_273 : f32 to vector<16xf32>
        %mul3A_327 = arith.mulf %mul3A_326, %gather3A_323 : vector<16xf32>
        %add3A_328 = arith.addf %mul3A_325, %mul3A_327 : vector<16xf32>
        %mul3A_329 = arith.constant 0 : i32
        %mul3A_330 = vector.broadcast %mul3A_329 : i32 to vector<16xi32>
        %mul3A_331 = arith.muli %iota3A, %mul3A_330 : vector<16xi32>
        %add3A_332 = arith.constant 3 : i32
        %add3A_333 = arith.addi %add3A_278, %add3A_332 : i32
        %add3A_334 = vector.broadcast %add3A_333 : i32 to vector<16xi32>
        %add3A_335 = arith.addi %mul3A_331, %add3A_334 : vector<16xi32>
        %gather3A_336 = tpu.vector_load_idx %arg6[%add3A_335] : memref<26000xf32, #tpu.memory_space<vmem>>[vector<16xi32>], vector<16xf32>,
        %add3A_337 = arith.constant 65 : i32
        %add3A_338 = vector.broadcast %add3A_337 : i32 to vector<16xi32>
        %add3A_339 = arith.addi %add3A_335, %add3A_338 : vector<16xi32>
        %gather3A_340 = tpu.vector_load_idx %arg6[%add3A_339] : memref<26000xf32, #tpu.memory_space<vmem>>[vector<16xi32>], vector<16xf32>,
        %mul3A_341 = vector.broadcast %sub3A_275 : f32 to vector<16xf32>
        %mul3A_342 = arith.mulf %mul3A_341, %gather3A_336 : vector<16xf32>
        %mul3A_343 = vector.broadcast %mul3A_273 : f32 to vector<16xf32>
        %mul3A_344 = arith.mulf %mul3A_343, %gather3A_340 : vector<16xf32>
        %add3A_345 = arith.addf %mul3A_342, %mul3A_344 : vector<16xf32>
        %mul3A_346 = arith.constant 0 : i32
        %mul3A_347 = vector.broadcast %mul3A_346 : i32 to vector<16xi32>
        %mul3A_348 = arith.muli %iota3A, %mul3A_347 : vector<16xi32>
        %add3A_349 = arith.constant 4 : i32
        %add3A_350 = arith.addi %add3A_278, %add3A_349 : i32
        %add3A_351 = vector.broadcast %add3A_350 : i32 to vector<16xi32>
        %add3A_352 = arith.addi %mul3A_348, %add3A_351 : vector<16xi32>
        %gather3A_353 = tpu.vector_load_idx %arg6[%add3A_352] : memref<26000xf32, #tpu.memory_space<vmem>>[vector<16xi32>], vector<16xf32>,
        %add3A_354 = arith.constant 65 : i32
        %add3A_355 = vector.broadcast %add3A_354 : i32 to vector<16xi32>
        %add3A_356 = arith.addi %add3A_352, %add3A_355 : vector<16xi32>
        %gather3A_357 = tpu.vector_load_idx %arg6[%add3A_356] : memref<26000xf32, #tpu.memory_space<vmem>>[vector<16xi32>], vector<16xf32>,
        %mul3A_358 = vector.broadcast %sub3A_275 : f32 to vector<16xf32>
        %mul3A_359 = arith.mulf %mul3A_358, %gather3A_353 : vector<16xf32>
        %mul3A_360 = vector.broadcast %mul3A_273 : f32 to vector<16xf32>
        %mul3A_361 = arith.mulf %mul3A_360, %gather3A_357 : vector<16xf32>
        %add3A_362 = arith.addf %mul3A_359, %mul3A_361 : vector<16xf32>
        %mul3A_363 = arith.constant 0 : i32
        %mul3A_364 = vector.broadcast %mul3A_363 : i32 to vector<16xi32>
        %mul3A_365 = arith.muli %iota3A, %mul3A_364 : vector<16xi32>
        %add3A_366 = arith.constant 5 : i32
        %add3A_367 = arith.addi %add3A_278, %add3A_366 : i32
        %add3A_368 = vector.broadcast %add3A_367 : i32 to vector<16xi32>
        %add3A_369 = arith.addi %mul3A_365, %add3A_368 : vector<16xi32>
        %gather3A_370 = tpu.vector_load_idx %arg6[%add3A_369] : memref<26000xf32, #tpu.memory_space<vmem>>[vector<16xi32>], vector<16xf32>,
        %add3A_371 = arith.constant 65 : i32
        %add3A_372 = vector.broadcast %add3A_371 : i32 to vector<16xi32>
        %add3A_373 = arith.addi %add3A_369, %add3A_372 : vector<16xi32>
        %gather3A_374 = tpu.vector_load_idx %arg6[%add3A_373] : memref<26000xf32, #tpu.memory_space<vmem>>[vector<16xi32>], vector<16xf32>,
        %mul3A_375 = vector.broadcast %sub3A_275 : f32 to vector<16xf32>
        %mul3A_376 = arith.mulf %mul3A_375, %gather3A_370 : vector<16xf32>
        %mul3A_377 = vector.broadcast %mul3A_273 : f32 to vector<16xf32>
        %mul3A_378 = arith.mulf %mul3A_377, %gather3A_374 : vector<16xf32>
        %add3A_379 = arith.addf %mul3A_376, %mul3A_378 : vector<16xf32>
        %mul3A_380 = arith.constant 0 : i32
        %mul3A_381 = vector.broadcast %mul3A_380 : i32 to vector<16xi32>
        %mul3A_382 = arith.muli %iota3A, %mul3A_381 : vector<16xi32>
        %add3A_383 = arith.constant 6 : i32
        %add3A_384 = arith.addi %add3A_278, %add3A_383 : i32
        %add3A_385 = vector.broadcast %add3A_384 : i32 to vector<16xi32>
        %add3A_386 = arith.addi %mul3A_382, %add3A_385 : vector<16xi32>
        %gather3A_387 = tpu.vector_load_idx %arg6[%add3A_386] : memref<26000xf32, #tpu.memory_space<vmem>>[vector<16xi32>], vector<16xf32>,
        %add3A_388 = arith.constant 65 : i32
        %add3A_389 = vector.broadcast %add3A_388 : i32 to vector<16xi32>
        %add3A_390 = arith.addi %add3A_386, %add3A_389 : vector<16xi32>
        %gather3A_391 = tpu.vector_load_idx %arg6[%add3A_390] : memref<26000xf32, #tpu.memory_space<vmem>>[vector<16xi32>], vector<16xf32>,
        %mul3A_392 = vector.broadcast %sub3A_275 : f32 to vector<16xf32>
        %mul3A_393 = arith.mulf %mul3A_392, %gather3A_387 : vector<16xf32>
        %mul3A_394 = vector.broadcast %mul3A_273 : f32 to vector<16xf32>
        %mul3A_395 = arith.mulf %mul3A_394, %gather3A_391 : vector<16xf32>
        %add3A_396 = arith.addf %mul3A_393, %mul3A_395 : vector<16xf32>
        %mul3A_397 = arith.constant 0 : i32
        %mul3A_398 = vector.broadcast %mul3A_397 : i32 to vector<16xi32>
        %mul3A_399 = arith.muli %iota3A, %mul3A_398 : vector<16xi32>
        %add3A_400 = arith.constant 7 : i32
        %add3A_401 = arith.addi %add3A_278, %add3A_400 : i32
        %add3A_402 = vector.broadcast %add3A_401 : i32 to vector<16xi32>
        %add3A_403 = arith.addi %mul3A_399, %add3A_402 : vector<16xi32>
        %gather3A_404 = tpu.vector_load_idx %arg6[%add3A_403] : memref<26000xf32, #tpu.memory_space<vmem>>[vector<16xi32>], vector<16xf32>,
        %add3A_405 = arith.constant 65 : i32
        %add3A_406 = vector.broadcast %add3A_405 : i32 to vector<16xi32>
        %add3A_407 = arith.addi %add3A_403, %add3A_406 : vector<16xi32>
        %gather3A_408 = tpu.vector_load_idx %arg6[%add3A_407] : memref<26000xf32, #tpu.memory_space<vmem>>[vector<16xi32>], vector<16xf32>,
        %mul3A_409 = vector.broadcast %sub3A_275 : f32 to vector<16xf32>
        %mul3A_410 = arith.mulf %mul3A_409, %gather3A_404 : vector<16xf32>
        %mul3A_411 = vector.broadcast %mul3A_273 : f32 to vector<16xf32>
        %mul3A_412 = arith.mulf %mul3A_411, %gather3A_408 : vector<16xf32>
        %add3A_413 = arith.addf %mul3A_410, %mul3A_412 : vector<16xf32>
        %mul3A_414 = arith.constant 0 : i32
        %mul3A_415 = vector.broadcast %mul3A_414 : i32 to vector<16xi32>
        %mul3A_416 = arith.muli %iota3A, %mul3A_415 : vector<16xi32>
        %add3A_417 = arith.constant 8 : i32
        %add3A_418 = arith.addi %add3A_278, %add3A_417 : i32
        %add3A_419 = vector.broadcast %add3A_418 : i32 to vector<16xi32>
        %add3A_420 = arith.addi %mul3A_416, %add3A_419 : vector<16xi32>
        %gather3A_421 = tpu.vector_load_idx %arg6[%add3A_420] : memref<26000xf32, #tpu.memory_space<vmem>>[vector<16xi32>], vector<16xf32>,
        %add3A_422 = arith.constant 65 : i32
        %add3A_423 = vector.broadcast %add3A_422 : i32 to vector<16xi32>
        %add3A_424 = arith.addi %add3A_420, %add3A_423 : vector<16xi32>
        %gather3A_425 = tpu.vector_load_idx %arg6[%add3A_424] : memref<26000xf32, #tpu.memory_space<vmem>>[vector<16xi32>], vector<16xf32>,
        %mul3A_426 = vector.broadcast %sub3A_275 : f32 to vector<16xf32>
        %mul3A_427 = arith.mulf %mul3A_426, %gather3A_421 : vector<16xf32>
        %mul3A_428 = vector.broadcast %mul3A_273 : f32 to vector<16xf32>
        %mul3A_429 = arith.mulf %mul3A_428, %gather3A_425 : vector<16xf32>
        %add3A_430 = arith.addf %mul3A_427, %mul3A_429 : vector<16xf32>
        %mul3A_431 = arith.constant 0 : i32
        %mul3A_432 = vector.broadcast %mul3A_431 : i32 to vector<16xi32>
        %mul3A_433 = arith.muli %iota3A, %mul3A_432 : vector<16xi32>
        %add3A_434 = arith.constant 9 : i32
        %add3A_435 = arith.addi %add3A_278, %add3A_434 : i32
        %add3A_436 = vector.broadcast %add3A_435 : i32 to vector<16xi32>
        %add3A_437 = arith.addi %mul3A_433, %add3A_436 : vector<16xi32>
        %gather3A_438 = tpu.vector_load_idx %arg6[%add3A_437] : memref<26000xf32, #tpu.memory_space<vmem>>[vector<16xi32>], vector<16xf32>,
        %add3A_439 = arith.constant 65 : i32
        %add3A_440 = vector.broadcast %add3A_439 : i32 to vector<16xi32>
        %add3A_441 = arith.addi %add3A_437, %add3A_440 : vector<16xi32>
        %gather3A_442 = tpu.vector_load_idx %arg6[%add3A_441] : memref<26000xf32, #tpu.memory_space<vmem>>[vector<16xi32>], vector<16xf32>,
        %mul3A_443 = vector.broadcast %sub3A_275 : f32 to vector<16xf32>
        %mul3A_444 = arith.mulf %mul3A_443, %gather3A_438 : vector<16xf32>
        %mul3A_445 = vector.broadcast %mul3A_273 : f32 to vector<16xf32>
        %mul3A_446 = arith.mulf %mul3A_445, %gather3A_442 : vector<16xf32>
        %add3A_447 = arith.addf %mul3A_444, %mul3A_446 : vector<16xf32>
        %mul3A_448 = arith.constant 0 : i32
        %mul3A_449 = vector.broadcast %mul3A_448 : i32 to vector<16xi32>
        %mul3A_450 = arith.muli %iota3A, %mul3A_449 : vector<16xi32>
        %add3A_451 = arith.constant 10 : i32
        %add3A_452 = arith.addi %add3A_278, %add3A_451 : i32
        %add3A_453 = vector.broadcast %add3A_452 : i32 to vector<16xi32>
        %add3A_454 = arith.addi %mul3A_450, %add3A_453 : vector<16xi32>
        %gather3A_455 = tpu.vector_load_idx %arg6[%add3A_454] : memref<26000xf32, #tpu.memory_space<vmem>>[vector<16xi32>], vector<16xf32>,
        %add3A_456 = arith.constant 65 : i32
        %add3A_457 = vector.broadcast %add3A_456 : i32 to vector<16xi32>
        %add3A_458 = arith.addi %add3A_454, %add3A_457 : vector<16xi32>
        %gather3A_459 = tpu.vector_load_idx %arg6[%add3A_458] : memref<26000xf32, #tpu.memory_space<vmem>>[vector<16xi32>], vector<16xf32>,
        %mul3A_460 = vector.broadcast %sub3A_275 : f32 to vector<16xf32>
        %mul3A_461 = arith.mulf %mul3A_460, %gather3A_455 : vector<16xf32>
        %mul3A_462 = vector.broadcast %mul3A_273 : f32 to vector<16xf32>
        %mul3A_463 = arith.mulf %mul3A_462, %gather3A_459 : vector<16xf32>
        %add3A_464 = arith.addf %mul3A_461, %mul3A_463 : vector<16xf32>
        %mul3A_465 = arith.constant 0 : i32
        %mul3A_466 = vector.broadcast %mul3A_465 : i32 to vector<16xi32>
        %mul3A_467 = arith.muli %iota3A, %mul3A_466 : vector<16xi32>
        %add3A_468 = arith.constant 11 : i32
        %add3A_469 = arith.addi %add3A_278, %add3A_468 : i32
        %add3A_470 = vector.broadcast %add3A_469 : i32 to vector<16xi32>
        %add3A_471 = arith.addi %mul3A_467, %add3A_470 : vector<16xi32>
        %gather3A_472 = tpu.vector_load_idx %arg6[%add3A_471] : memref<26000xf32, #tpu.memory_space<vmem>>[vector<16xi32>], vector<16xf32>,
        %add3A_473 = arith.constant 65 : i32
        %add3A_474 = vector.broadcast %add3A_473 : i32 to vector<16xi32>
        %add3A_475 = arith.addi %add3A_471, %add3A_474 : vector<16xi32>
        %gather3A_476 = tpu.vector_load_idx %arg6[%add3A_475] : memref<26000xf32, #tpu.memory_space<vmem>>[vector<16xi32>], vector<16xf32>,
        %mul3A_477 = vector.broadcast %sub3A_275 : f32 to vector<16xf32>
        %mul3A_478 = arith.mulf %mul3A_477, %gather3A_472 : vector<16xf32>
        %mul3A_479 = vector.broadcast %mul3A_273 : f32 to vector<16xf32>
        %mul3A_480 = arith.mulf %mul3A_479, %gather3A_476 : vector<16xf32>
        %add3A_481 = arith.addf %mul3A_478, %mul3A_480 : vector<16xf32>
        %mul3A_482 = arith.constant 0 : i32
        %mul3A_483 = vector.broadcast %mul3A_482 : i32 to vector<16xi32>
        %mul3A_484 = arith.muli %iota3A, %mul3A_483 : vector<16xi32>
        %add3A_485 = arith.constant 12 : i32
        %add3A_486 = arith.addi %add3A_278, %add3A_485 : i32
        %add3A_487 = vector.broadcast %add3A_486 : i32 to vector<16xi32>
        %add3A_488 = arith.addi %mul3A_484, %add3A_487 : vector<16xi32>
        %gather3A_489 = tpu.vector_load_idx %arg6[%add3A_488] : memref<26000xf32, #tpu.memory_space<vmem>>[vector<16xi32>], vector<16xf32>,
        %add3A_490 = arith.constant 65 : i32
        %add3A_491 = vector.broadcast %add3A_490 : i32 to vector<16xi32>
        %add3A_492 = arith.addi %add3A_488, %add3A_491 : vector<16xi32>
        %gather3A_493 = tpu.vector_load_idx %arg6[%add3A_492] : memref<26000xf32, #tpu.memory_space<vmem>>[vector<16xi32>], vector<16xf32>,
        %mul3A_494 = vector.broadcast %sub3A_275 : f32 to vector<16xf32>
        %mul3A_495 = arith.mulf %mul3A_494, %gather3A_489 : vector<16xf32>
        %mul3A_496 = vector.broadcast %mul3A_273 : f32 to vector<16xf32>
        %mul3A_497 = arith.mulf %mul3A_496, %gather3A_493 : vector<16xf32>
        %add3A_498 = arith.addf %mul3A_495, %mul3A_497 : vector<16xf32>
        %mul3A_499 = arith.constant 0 : i32
        %mul3A_500 = vector.broadcast %mul3A_499 : i32 to vector<16xi32>
        %mul3A_501 = arith.muli %iota3A, %mul3A_500 : vector<16xi32>
        %add3A_502 = arith.constant 13 : i32
        %add3A_503 = arith.addi %add3A_278, %add3A_502 : i32
        %add3A_504 = vector.broadcast %add3A_503 : i32 to vector<16xi32>
        %add3A_505 = arith.addi %mul3A_501, %add3A_504 : vector<16xi32>
        %gather3A_506 = tpu.vector_load_idx %arg6[%add3A_505] : memref<26000xf32, #tpu.memory_space<vmem>>[vector<16xi32>], vector<16xf32>,
        %add3A_507 = arith.constant 65 : i32
        %add3A_508 = vector.broadcast %add3A_507 : i32 to vector<16xi32>
        %add3A_509 = arith.addi %add3A_505, %add3A_508 : vector<16xi32>
        %gather3A_510 = tpu.vector_load_idx %arg6[%add3A_509] : memref<26000xf32, #tpu.memory_space<vmem>>[vector<16xi32>], vector<16xf32>,
        %mul3A_511 = vector.broadcast %sub3A_275 : f32 to vector<16xf32>
        %mul3A_512 = arith.mulf %mul3A_511, %gather3A_506 : vector<16xf32>
        %mul3A_513 = vector.broadcast %mul3A_273 : f32 to vector<16xf32>
        %mul3A_514 = arith.mulf %mul3A_513, %gather3A_510 : vector<16xf32>
        %add3A_515 = arith.addf %mul3A_512, %mul3A_514 : vector<16xf32>
        %mul3A_516 = arith.constant 0 : i32
        %mul3A_517 = vector.broadcast %mul3A_516 : i32 to vector<16xi32>
        %mul3A_518 = arith.muli %iota3A, %mul3A_517 : vector<16xi32>
        %add3A_519 = arith.constant 14 : i32
        %add3A_520 = arith.addi %add3A_278, %add3A_519 : i32
        %add3A_521 = vector.broadcast %add3A_520 : i32 to vector<16xi32>
        %add3A_522 = arith.addi %mul3A_518, %add3A_521 : vector<16xi32>
        %gather3A_523 = tpu.vector_load_idx %arg6[%add3A_522] : memref<26000xf32, #tpu.memory_space<vmem>>[vector<16xi32>], vector<16xf32>,
        %add3A_524 = arith.constant 65 : i32
        %add3A_525 = vector.broadcast %add3A_524 : i32 to vector<16xi32>
        %add3A_526 = arith.addi %add3A_522, %add3A_525 : vector<16xi32>
        %gather3A_527 = tpu.vector_load_idx %arg6[%add3A_526] : memref<26000xf32, #tpu.memory_space<vmem>>[vector<16xi32>], vector<16xf32>,
        %mul3A_528 = vector.broadcast %sub3A_275 : f32 to vector<16xf32>
        %mul3A_529 = arith.mulf %mul3A_528, %gather3A_523 : vector<16xf32>
        %mul3A_530 = vector.broadcast %mul3A_273 : f32 to vector<16xf32>
        %mul3A_531 = arith.mulf %mul3A_530, %gather3A_527 : vector<16xf32>
        %add3A_532 = arith.addf %mul3A_529, %mul3A_531 : vector<16xf32>
        %mul3A_533 = arith.constant 0 : i32
        %mul3A_534 = vector.broadcast %mul3A_533 : i32 to vector<16xi32>
        %mul3A_535 = arith.muli %iota3A, %mul3A_534 : vector<16xi32>
        %add3A_536 = arith.constant 15 : i32
        %add3A_537 = arith.addi %add3A_278, %add3A_536 : i32
        %add3A_538 = vector.broadcast %add3A_537 : i32 to vector<16xi32>
        %add3A_539 = arith.addi %mul3A_535, %add3A_538 : vector<16xi32>
        %gather3A_540 = tpu.vector_load_idx %arg6[%add3A_539] : memref<26000xf32, #tpu.memory_space<vmem>>[vector<16xi32>], vector<16xf32>,
        %add3A_541 = arith.constant 65 : i32
        %add3A_542 = vector.broadcast %add3A_541 : i32 to vector<16xi32>
        %add3A_543 = arith.addi %add3A_539, %add3A_542 : vector<16xi32>
        %gather3A_544 = tpu.vector_load_idx %arg6[%add3A_543] : memref<26000xf32, #tpu.memory_space<vmem>>[vector<16xi32>], vector<16xf32>,
        %mul3A_545 = vector.broadcast %sub3A_275 : f32 to vector<16xf32>
        %mul3A_546 = arith.mulf %mul3A_545, %gather3A_540 : vector<16xf32>
        %mul3A_547 = vector.broadcast %mul3A_273 : f32 to vector<16xf32>
        %mul3A_548 = arith.mulf %mul3A_547, %gather3A_544 : vector<16xf32>
        %add3A_549 = arith.addf %mul3A_546, %mul3A_548 : vector<16xf32>
        %while3A_550 = arith.constant 0 : i32
        %while3A_551 = arith.constant 0 : i32
        %while3A_552 = arith.subi %max3A_219, %while3A_550 : i32
        %while3A_553 = arith.addi %while3A_550, %while3A_552 : i32
        %while3A_554 = arith.constant 1 : i32
        %while3A_555 = arith.divsi %while3A_552, %while3A_554 : i32
        %while3A_556 = arith.muli %while3A_555, %while3A_554 : i32
        %while3A_557 = arith.addi %while3A_550, %while3A_556 : i32
        %while3A_558 = arith.constant 1 : i32
        %while3A_559 = scf.for %while3A_563 = %while3A_550 to %while3A_557 step %while3A_558 iter_args(%while3A_564 = %while3A_551) -> (i32)  : i32 {
          %mul3A_565 = arith.constant 16 : i32
          %mul3A_566 = arith.muli %while3A_563, %mul3A_565 : i32
          %add3A_567 = arith.addi %and3A_189, %mul3A_566 : i32
          %add3A_568 = arith.constant 0 : i32
          %add3A_569 = arith.addi %add3A_568, %while3A_267 : i32
          %swap3A = arith.index_cast %add3A_569 : i32 to index
          %swap3A_570 = arith.index_cast %add3A_567 : i32 to index
          %swap3A_571 = tpu.vector_load %arg7[%swap3A, %swap3A_570] {strides = array<i32>} : memref<256x209xf32, #tpu.memory_space<vmem>>, vector<16xf32>,
          tpu.vector_store %arg7[%swap3A, %swap3A_570], %add3A_294 {strides = array<i32>} : memref<256x209xf32, #tpu.memory_space<vmem>>, vector<16xf32>,
          %add3A_572 = arith.constant 16 : i32
          %add3A_573 = arith.addi %add3A_572, %while3A_267 : i32
          %swap3A_574 = arith.index_cast %add3A_573 : i32 to index
          %swap3A_575 = arith.index_cast %add3A_567 : i32 to index
          %swap3A_576 = tpu.vector_load %arg7[%swap3A_574, %swap3A_575] {strides = array<i32>} : memref<256x209xf32, #tpu.memory_space<vmem>>, vector<16xf32>,
          tpu.vector_store %arg7[%swap3A_574, %swap3A_575], %add3A_311 {strides = array<i32>} : memref<256x209xf32, #tpu.memory_space<vmem>>, vector<16xf32>,
          %add3A_577 = arith.constant 32 : i32
          %add3A_578 = arith.addi %add3A_577, %while3A_267 : i32
          %swap3A_579 = arith.index_cast %add3A_578 : i32 to index
          %swap3A_580 = arith.index_cast %add3A_567 : i32 to index
          %swap3A_581 = tpu.vector_load %arg7[%swap3A_579, %swap3A_580] {strides = array<i32>} : memref<256x209xf32, #tpu.memory_space<vmem>>, vector<16xf32>,
          tpu.vector_store %arg7[%swap3A_579, %swap3A_580], %add3A_328 {strides = array<i32>} : memref<256x209xf32, #tpu.memory_space<vmem>>, vector<16xf32>,
          %add3A_582 = arith.constant 48 : i32
          %add3A_583 = arith.addi %add3A_582, %while3A_267 : i32
          %swap3A_584 = arith.index_cast %add3A_583 : i32 to index
          %swap3A_585 = arith.index_cast %add3A_567 : i32 to index
          %swap3A_586 = tpu.vector_load %arg7[%swap3A_584, %swap3A_585] {strides = array<i32>} : memref<256x209xf32, #tpu.memory_space<vmem>>, vector<16xf32>,
          tpu.vector_store %arg7[%swap3A_584, %swap3A_585], %add3A_345 {strides = array<i32>} : memref<256x209xf32, #tpu.memory_space<vmem>>, vector<16xf32>,
          %add3A_587 = arith.constant 64 : i32
          %add3A_588 = arith.addi %add3A_587, %while3A_267 : i32
          %swap3A_589 = arith.index_cast %add3A_588 : i32 to index
          %swap3A_590 = arith.index_cast %add3A_567 : i32 to index
          %swap3A_591 = tpu.vector_load %arg7[%swap3A_589, %swap3A_590] {strides = array<i32>} : memref<256x209xf32, #tpu.memory_space<vmem>>, vector<16xf32>,
          tpu.vector_store %arg7[%swap3A_589, %swap3A_590], %add3A_362 {strides = array<i32>} : memref<256x209xf32, #tpu.memory_space<vmem>>, vector<16xf32>,
          %add3A_592 = arith.constant 80 : i32
          %add3A_593 = arith.addi %add3A_592, %while3A_267 : i32
          %swap3A_594 = arith.index_cast %add3A_593 : i32 to index
          %swap3A_595 = arith.index_cast %add3A_567 : i32 to index
          %swap3A_596 = tpu.vector_load %arg7[%swap3A_594, %swap3A_595] {strides = array<i32>} : memref<256x209xf32, #tpu.memory_space<vmem>>, vector<16xf32>,
          tpu.vector_store %arg7[%swap3A_594, %swap3A_595], %add3A_379 {strides = array<i32>} : memref<256x209xf32, #tpu.memory_space<vmem>>, vector<16xf32>,
          %add3A_597 = arith.constant 96 : i32
          %add3A_598 = arith.addi %add3A_597, %while3A_267 : i32
          %swap3A_599 = arith.index_cast %add3A_598 : i32 to index
          %swap3A_600 = arith.index_cast %add3A_567 : i32 to index
          %swap3A_601 = tpu.vector_load %arg7[%swap3A_599, %swap3A_600] {strides = array<i32>} : memref<256x209xf32, #tpu.memory_space<vmem>>, vector<16xf32>,
          tpu.vector_store %arg7[%swap3A_599, %swap3A_600], %add3A_396 {strides = array<i32>} : memref<256x209xf32, #tpu.memory_space<vmem>>, vector<16xf32>,
          %add3A_602 = arith.constant 112 : i32
          %add3A_603 = arith.addi %add3A_602, %while3A_267 : i32
          %swap3A_604 = arith.index_cast %add3A_603 : i32 to index
          %swap3A_605 = arith.index_cast %add3A_567 : i32 to index
          %swap3A_606 = tpu.vector_load %arg7[%swap3A_604, %swap3A_605] {strides = array<i32>} : memref<256x209xf32, #tpu.memory_space<vmem>>, vector<16xf32>,
          tpu.vector_store %arg7[%swap3A_604, %swap3A_605], %add3A_413 {strides = array<i32>} : memref<256x209xf32, #tpu.memory_space<vmem>>, vector<16xf32>,
          %add3A_607 = arith.constant 128 : i32
          %add3A_608 = arith.addi %add3A_607, %while3A_267 : i32
          %swap3A_609 = arith.index_cast %add3A_608 : i32 to index
          %swap3A_610 = arith.index_cast %add3A_567 : i32 to index
          %swap3A_611 = tpu.vector_load %arg7[%swap3A_609, %swap3A_610] {strides = array<i32>} : memref<256x209xf32, #tpu.memory_space<vmem>>, vector<16xf32>,
          tpu.vector_store %arg7[%swap3A_609, %swap3A_610], %add3A_430 {strides = array<i32>} : memref<256x209xf32, #tpu.memory_space<vmem>>, vector<16xf32>,
          %add3A_612 = arith.constant 144 : i32
          %add3A_613 = arith.addi %add3A_612, %while3A_267 : i32
          %swap3A_614 = arith.index_cast %add3A_613 : i32 to index
          %swap3A_615 = arith.index_cast %add3A_567 : i32 to index
          %swap3A_616 = tpu.vector_load %arg7[%swap3A_614, %swap3A_615] {strides = array<i32>} : memref<256x209xf32, #tpu.memory_space<vmem>>, vector<16xf32>,
          tpu.vector_store %arg7[%swap3A_614, %swap3A_615], %add3A_447 {strides = array<i32>} : memref<256x209xf32, #tpu.memory_space<vmem>>, vector<16xf32>,
          %add3A_617 = arith.constant 160 : i32
          %add3A_618 = arith.addi %add3A_617, %while3A_267 : i32
          %swap3A_619 = arith.index_cast %add3A_618 : i32 to index
          %swap3A_620 = arith.index_cast %add3A_567 : i32 to index
          %swap3A_621 = tpu.vector_load %arg7[%swap3A_619, %swap3A_620] {strides = array<i32>} : memref<256x209xf32, #tpu.memory_space<vmem>>, vector<16xf32>,
          tpu.vector_store %arg7[%swap3A_619, %swap3A_620], %add3A_464 {strides = array<i32>} : memref<256x209xf32, #tpu.memory_space<vmem>>, vector<16xf32>,
          %add3A_622 = arith.constant 176 : i32
          %add3A_623 = arith.addi %add3A_622, %while3A_267 : i32
          %swap3A_624 = arith.index_cast %add3A_623 : i32 to index
          %swap3A_625 = arith.index_cast %add3A_567 : i32 to index
          %swap3A_626 = tpu.vector_load %arg7[%swap3A_624, %swap3A_625] {strides = array<i32>} : memref<256x209xf32, #tpu.memory_space<vmem>>, vector<16xf32>,
          tpu.vector_store %arg7[%swap3A_624, %swap3A_625], %add3A_481 {strides = array<i32>} : memref<256x209xf32, #tpu.memory_space<vmem>>, vector<16xf32>,
          %add3A_627 = arith.constant 192 : i32
          %add3A_628 = arith.addi %add3A_627, %while3A_267 : i32
          %swap3A_629 = arith.index_cast %add3A_628 : i32 to index
          %swap3A_630 = arith.index_cast %add3A_567 : i32 to index
          %swap3A_631 = tpu.vector_load %arg7[%swap3A_629, %swap3A_630] {strides = array<i32>} : memref<256x209xf32, #tpu.memory_space<vmem>>, vector<16xf32>,
          tpu.vector_store %arg7[%swap3A_629, %swap3A_630], %add3A_498 {strides = array<i32>} : memref<256x209xf32, #tpu.memory_space<vmem>>, vector<16xf32>,
          %add3A_632 = arith.constant 208 : i32
          %add3A_633 = arith.addi %add3A_632, %while3A_267 : i32
          %swap3A_634 = arith.index_cast %add3A_633 : i32 to index
          %swap3A_635 = arith.index_cast %add3A_567 : i32 to index
          %swap3A_636 = tpu.vector_load %arg7[%swap3A_634, %swap3A_635] {strides = array<i32>} : memref<256x209xf32, #tpu.memory_space<vmem>>, vector<16xf32>,
          tpu.vector_store %arg7[%swap3A_634, %swap3A_635], %add3A_515 {strides = array<i32>} : memref<256x209xf32, #tpu.memory_space<vmem>>, vector<16xf32>,
          %add3A_637 = arith.constant 224 : i32
          %add3A_638 = arith.addi %add3A_637, %while3A_267 : i32
          %swap3A_639 = arith.index_cast %add3A_638 : i32 to index
          %swap3A_640 = arith.index_cast %add3A_567 : i32 to index
          %swap3A_641 = tpu.vector_load %arg7[%swap3A_639, %swap3A_640] {strides = array<i32>} : memref<256x209xf32, #tpu.memory_space<vmem>>, vector<16xf32>,
          tpu.vector_store %arg7[%swap3A_639, %swap3A_640], %add3A_532 {strides = array<i32>} : memref<256x209xf32, #tpu.memory_space<vmem>>, vector<16xf32>,
          %add3A_642 = arith.constant 240 : i32
          %add3A_643 = arith.addi %add3A_642, %while3A_267 : i32
          %swap3A_644 = arith.index_cast %add3A_643 : i32 to index
          %swap3A_645 = arith.index_cast %add3A_567 : i32 to index
          %swap3A_646 = tpu.vector_load %arg7[%swap3A_644, %swap3A_645] {strides = array<i32>} : memref<256x209xf32, #tpu.memory_space<vmem>>, vector<16xf32>,
          tpu.vector_store %arg7[%swap3A_644, %swap3A_645], %add3A_549 {strides = array<i32>} : memref<256x209xf32, #tpu.memory_space<vmem>>, vector<16xf32>,
          %while3A_647 = arith.constant 0 : i32
          scf.yield %while3A_647 : i32
        }
        %while3A_560 = arith.constant 1 : i32
        %while3A_561 = scf.for %while3A_563 = %while3A_557 to %while3A_553 step %while3A_560 iter_args(%while3A_564 = %while3A_559) -> (i32)  : i32 {
          %mul3A_565 = arith.constant 16 : i32
          %mul3A_566 = arith.muli %while3A_563, %mul3A_565 : i32
          %add3A_567 = arith.addi %and3A_189, %mul3A_566 : i32
          %add3A_568 = arith.constant 0 : i32
          %add3A_569 = arith.addi %add3A_568, %while3A_267 : i32
          %swap3A = arith.index_cast %add3A_569 : i32 to index
          %swap3A_570 = arith.index_cast %add3A_567 : i32 to index
          %swap3A_571 = tpu.vector_load %arg7[%swap3A, %swap3A_570] {strides = array<i32>} : memref<256x209xf32, #tpu.memory_space<vmem>>, vector<16xf32>,
          tpu.vector_store %arg7[%swap3A, %swap3A_570], %add3A_294 {strides = array<i32>} : memref<256x209xf32, #tpu.memory_space<vmem>>, vector<16xf32>,
          %add3A_572 = arith.constant 16 : i32
          %add3A_573 = arith.addi %add3A_572, %while3A_267 : i32
          %swap3A_574 = arith.index_cast %add3A_573 : i32 to index
          %swap3A_575 = arith.index_cast %add3A_567 : i32 to index
          %swap3A_576 = tpu.vector_load %arg7[%swap3A_574, %swap3A_575] {strides = array<i32>} : memref<256x209xf32, #tpu.memory_space<vmem>>, vector<16xf32>,
          tpu.vector_store %arg7[%swap3A_574, %swap3A_575], %add3A_311 {strides = array<i32>} : memref<256x209xf32, #tpu.memory_space<vmem>>, vector<16xf32>,
          %add3A_577 = arith.constant 32 : i32
          %add3A_578 = arith.addi %add3A_577, %while3A_267 : i32
          %swap3A_579 = arith.index_cast %add3A_578 : i32 to index
          %swap3A_580 = arith.index_cast %add3A_567 : i32 to index
          %swap3A_581 = tpu.vector_load %arg7[%swap3A_579, %swap3A_580] {strides = array<i32>} : memref<256x209xf32, #tpu.memory_space<vmem>>, vector<16xf32>,
          tpu.vector_store %arg7[%swap3A_579, %swap3A_580], %add3A_328 {strides = array<i32>} : memref<256x209xf32, #tpu.memory_space<vmem>>, vector<16xf32>,
          %add3A_582 = arith.constant 48 : i32
          %add3A_583 = arith.addi %add3A_582, %while3A_267 : i32
          %swap3A_584 = arith.index_cast %add3A_583 : i32 to index
          %swap3A_585 = arith.index_cast %add3A_567 : i32 to index
          %swap3A_586 = tpu.vector_load %arg7[%swap3A_584, %swap3A_585] {strides = array<i32>} : memref<256x209xf32, #tpu.memory_space<vmem>>, vector<16xf32>,
          tpu.vector_store %arg7[%swap3A_584, %swap3A_585], %add3A_345 {strides = array<i32>} : memref<256x209xf32, #tpu.memory_space<vmem>>, vector<16xf32>,
          %add3A_587 = arith.constant 64 : i32
          %add3A_588 = arith.addi %add3A_587, %while3A_267 : i32
          %swap3A_589 = arith.index_cast %add3A_588 : i32 to index
          %swap3A_590 = arith.index_cast %add3A_567 : i32 to index
          %swap3A_591 = tpu.vector_load %arg7[%swap3A_589, %swap3A_590] {strides = array<i32>} : memref<256x209xf32, #tpu.memory_space<vmem>>, vector<16xf32>,
          tpu.vector_store %arg7[%swap3A_589, %swap3A_590], %add3A_362 {strides = array<i32>} : memref<256x209xf32, #tpu.memory_space<vmem>>, vector<16xf32>,
          %add3A_592 = arith.constant 80 : i32
          %add3A_593 = arith.addi %add3A_592, %while3A_267 : i32
          %swap3A_594 = arith.index_cast %add3A_593 : i32 to index
          %swap3A_595 = arith.index_cast %add3A_567 : i32 to index
          %swap3A_596 = tpu.vector_load %arg7[%swap3A_594, %swap3A_595] {strides = array<i32>} : memref<256x209xf32, #tpu.memory_space<vmem>>, vector<16xf32>,
          tpu.vector_store %arg7[%swap3A_594, %swap3A_595], %add3A_379 {strides = array<i32>} : memref<256x209xf32, #tpu.memory_space<vmem>>, vector<16xf32>,
          %add3A_597 = arith.constant 96 : i32
          %add3A_598 = arith.addi %add3A_597, %while3A_267 : i32
          %swap3A_599 = arith.index_cast %add3A_598 : i32 to index
          %swap3A_600 = arith.index_cast %add3A_567 : i32 to index
          %swap3A_601 = tpu.vector_load %arg7[%swap3A_599, %swap3A_600] {strides = array<i32>} : memref<256x209xf32, #tpu.memory_space<vmem>>, vector<16xf32>,
          tpu.vector_store %arg7[%swap3A_599, %swap3A_600], %add3A_396 {strides = array<i32>} : memref<256x209xf32, #tpu.memory_space<vmem>>, vector<16xf32>,
          %add3A_602 = arith.constant 112 : i32
          %add3A_603 = arith.addi %add3A_602, %while3A_267 : i32
          %swap3A_604 = arith.index_cast %add3A_603 : i32 to index
          %swap3A_605 = arith.index_cast %add3A_567 : i32 to index
          %swap3A_606 = tpu.vector_load %arg7[%swap3A_604, %swap3A_605] {strides = array<i32>} : memref<256x209xf32, #tpu.memory_space<vmem>>, vector<16xf32>,
          tpu.vector_store %arg7[%swap3A_604, %swap3A_605], %add3A_413 {strides = array<i32>} : memref<256x209xf32, #tpu.memory_space<vmem>>, vector<16xf32>,
          %add3A_607 = arith.constant 128 : i32
          %add3A_608 = arith.addi %add3A_607, %while3A_267 : i32
          %swap3A_609 = arith.index_cast %add3A_608 : i32 to index
          %swap3A_610 = arith.index_cast %add3A_567 : i32 to index
          %swap3A_611 = tpu.vector_load %arg7[%swap3A_609, %swap3A_610] {strides = array<i32>} : memref<256x209xf32, #tpu.memory_space<vmem>>, vector<16xf32>,
          tpu.vector_store %arg7[%swap3A_609, %swap3A_610], %add3A_430 {strides = array<i32>} : memref<256x209xf32, #tpu.memory_space<vmem>>, vector<16xf32>,
          %add3A_612 = arith.constant 144 : i32
          %add3A_613 = arith.addi %add3A_612, %while3A_267 : i32
          %swap3A_614 = arith.index_cast %add3A_613 : i32 to index
          %swap3A_615 = arith.index_cast %add3A_567 : i32 to index
          %swap3A_616 = tpu.vector_load %arg7[%swap3A_614, %swap3A_615] {strides = array<i32>} : memref<256x209xf32, #tpu.memory_space<vmem>>, vector<16xf32>,
          tpu.vector_store %arg7[%swap3A_614, %swap3A_615], %add3A_447 {strides = array<i32>} : memref<256x209xf32, #tpu.memory_space<vmem>>, vector<16xf32>,
          %add3A_617 = arith.constant 160 : i32
          %add3A_618 = arith.addi %add3A_617, %while3A_267 : i32
          %swap3A_619 = arith.index_cast %add3A_618 : i32 to index
          %swap3A_620 = arith.index_cast %add3A_567 : i32 to index
          %swap3A_621 = tpu.vector_load %arg7[%swap3A_619, %swap3A_620] {strides = array<i32>} : memref<256x209xf32, #tpu.memory_space<vmem>>, vector<16xf32>,
          tpu.vector_store %arg7[%swap3A_619, %swap3A_620], %add3A_464 {strides = array<i32>} : memref<256x209xf32, #tpu.memory_space<vmem>>, vector<16xf32>,
          %add3A_622 = arith.constant 176 : i32
          %add3A_623 = arith.addi %add3A_622, %while3A_267 : i32
          %swap3A_624 = arith.index_cast %add3A_623 : i32 to index
          %swap3A_625 = arith.index_cast %add3A_567 : i32 to index
          %swap3A_626 = tpu.vector_load %arg7[%swap3A_624, %swap3A_625] {strides = array<i32>} : memref<256x209xf32, #tpu.memory_space<vmem>>, vector<16xf32>,
          tpu.vector_store %arg7[%swap3A_624, %swap3A_625], %add3A_481 {strides = array<i32>} : memref<256x209xf32, #tpu.memory_space<vmem>>, vector<16xf32>,
          %add3A_627 = arith.constant 192 : i32
          %add3A_628 = arith.addi %add3A_627, %while3A_267 : i32
          %swap3A_629 = arith.index_cast %add3A_628 : i32 to index
          %swap3A_630 = arith.index_cast %add3A_567 : i32 to index
          %swap3A_631 = tpu.vector_load %arg7[%swap3A_629, %swap3A_630] {strides = array<i32>} : memref<256x209xf32, #tpu.memory_space<vmem>>, vector<16xf32>,
          tpu.vector_store %arg7[%swap3A_629, %swap3A_630], %add3A_498 {strides = array<i32>} : memref<256x209xf32, #tpu.memory_space<vmem>>, vector<16xf32>,
          %add3A_632 = arith.constant 208 : i32
          %add3A_633 = arith.addi %add3A_632, %while3A_267 : i32
          %swap3A_634 = arith.index_cast %add3A_633 : i32 to index
          %swap3A_635 = arith.index_cast %add3A_567 : i32 to index
          %swap3A_636 = tpu.vector_load %arg7[%swap3A_634, %swap3A_635] {strides = array<i32>} : memref<256x209xf32, #tpu.memory_space<vmem>>, vector<16xf32>,
          tpu.vector_store %arg7[%swap3A_634, %swap3A_635], %add3A_515 {strides = array<i32>} : memref<256x209xf32, #tpu.memory_space<vmem>>, vector<16xf32>,
          %add3A_637 = arith.constant 224 : i32
          %add3A_638 = arith.addi %add3A_637, %while3A_267 : i32
          %swap3A_639 = arith.index_cast %add3A_638 : i32 to index
          %swap3A_640 = arith.index_cast %add3A_567 : i32 to index
          %swap3A_641 = tpu.vector_load %arg7[%swap3A_639, %swap3A_640] {strides = array<i32>} : memref<256x209xf32, #tpu.memory_space<vmem>>, vector<16xf32>,
          tpu.vector_store %arg7[%swap3A_639, %swap3A_640], %add3A_532 {strides = array<i32>} : memref<256x209xf32, #tpu.memory_space<vmem>>, vector<16xf32>,
          %add3A_642 = arith.constant 240 : i32
          %add3A_643 = arith.addi %add3A_642, %while3A_267 : i32
          %swap3A_644 = arith.index_cast %add3A_643 : i32 to index
          %swap3A_645 = arith.index_cast %add3A_567 : i32 to index
          %swap3A_646 = tpu.vector_load %arg7[%swap3A_644, %swap3A_645] {strides = array<i32>} : memref<256x209xf32, #tpu.memory_space<vmem>>, vector<16xf32>,
          tpu.vector_store %arg7[%swap3A_644, %swap3A_645], %add3A_549 {strides = array<i32>} : memref<256x209xf32, #tpu.memory_space<vmem>>, vector<16xf32>,
          %while3A_647 = arith.constant 0 : i32
          scf.yield %while3A_647 : i32
        }
        %while3A_562 = arith.constant 0 : i32
        scf.yield %while3A_562 : i32
      }
      %scan3A_259 = arith.constant 0 : i32
      %scan3A_260 = arith.constant 0 : i32
      %scan3A_261 = arith.constant 16 : i32
      %scan3A_262 = arith.addi %scan3A_260, %scan3A_261 : i32
      %scan3A_263 = arith.constant 1 : i32
      %scan3A_264 = scf.for %scan3A_267 = %scan3A_260 to %scan3A_262 step %scan3A_263 iter_args(%scan3A_268 = %scan3A_259) -> (i32)  : i32 {
        %convert_element_type3A_269 = arith.sitofp %scan3A_267 : i32 to f32
        %mul3A_270 = arith.mulf %convert_element_type3A_269, %mul3A_127 : f32
        %add3A_271 = arith.addf %mul3A_121, %mul3A_270 : f32
        %mul3A_272 = arith.constant 5.000000e-01 : f32
        %mul3A_273 = arith.mulf %mul3A_272, %mul3A_128 : f32
        %add3A_274 = arith.addf %add3A_271, %mul3A_273 : f32
        %convert_element_type3A_275 = arith.fptosi %add3A_274 : f32 to i32
        %convert_element_type3A_276 = arith.sitofp %convert_element_type3A_275 : i32 to f32
        %lt3A_277 = arith.cmpf olt, %add3A_274, %convert_element_type3A_276 : f32
        %convert_element_type3A_278 = arith.extui %lt3A_277 : i1 to i32
        %sub3A_279 = arith.subi %convert_element_type3A_275, %convert_element_type3A_278 : i32
        %sub3A_280 = arith.constant 5.000000e-01 : f32
        %sub3A_281 = arith.subf %convert_element_type3A_129, %sub3A_280 : f32
        %mul3A_282 = arith.mulf %sub3A_281, %mul3A_128 : f32
        %add3A_283 = arith.addf %add3A_271, %mul3A_282 : f32
        %convert_element_type3A_284 = arith.fptosi %add3A_283 : f32 to i32
        %convert_element_type3A_285 = arith.sitofp %convert_element_type3A_284 : i32 to f32
        %lt3A_286 = arith.cmpf olt, %add3A_283, %convert_element_type3A_285 : f32
        %convert_element_type3A_287 = arith.extui %lt3A_286 : i1 to i32
        %sub3A_288 = arith.subi %convert_element_type3A_284, %convert_element_type3A_287 : i32
        %add3A_289 = arith.constant 2 : i32
        %add3A_290 = arith.addi %sub3A_288, %add3A_289 : i32
        %sub3A_291 = arith.subi %add3A_290, %sub3A_279 : i32
        %while3A_292 = arith.constant 0 : i32
        %while3A_293 = arith.constant 0 : i32
        %while3A_294 = arith.subi %sub3A_291, %while3A_292 : i32
        %while3A_295 = arith.addi %while3A_292, %while3A_294 : i32
        %while3A_296 = arith.constant 1 : i32
        %while3A_297 = arith.divsi %while3A_294, %while3A_296 : i32
        %while3A_298 = arith.muli %while3A_297, %while3A_296 : i32
        %while3A_299 = arith.addi %while3A_292, %while3A_298 : i32
        %while3A_300 = arith.constant 1 : i32
        %while3A_301 = scf.for %while3A_329 = %while3A_292 to %while3A_299 step %while3A_300 iter_args(%while3A_330 = %while3A_293) -> (i32)  : i32 {
          %swap3A = arith.constant 0.000000e+00 : f32
          %swap3A_331 = arith.index_cast %while3A_329 : i32 to index
          %swap3A_332 = memref.load %arg8[%swap3A_331] : memref<16xf32, #tpu.memory_space<smem>>
          memref.store %swap3A, %arg8[%swap3A_331] : memref<16xf32, #tpu.memory_space<smem>>
          %while3A_333 = arith.constant 0 : i32
          scf.yield %while3A_333 : i32
        }
        %while3A_302 = arith.constant 1 : i32
        %while3A_303 = scf.for %while3A_329 = %while3A_299 to %while3A_295 step %while3A_302 iter_args(%while3A_330 = %while3A_301) -> (i32)  : i32 {
          %swap3A = arith.constant 0.000000e+00 : f32
          %swap3A_331 = arith.index_cast %while3A_329 : i32 to index
          %swap3A_332 = memref.load %arg8[%swap3A_331] : memref<16xf32, #tpu.memory_space<smem>>
          memref.store %swap3A, %arg8[%swap3A_331] : memref<16xf32, #tpu.memory_space<smem>>
          %while3A_333 = arith.constant 0 : i32
          scf.yield %while3A_333 : i32
        }
        %while3A_304 = arith.constant 0 : i32
        %while3A_305 = arith.constant 0 : i32
        %while3A_306 = arith.subi %add3A_84, %while3A_304 : i32
        %while3A_307 = arith.addi %while3A_304, %while3A_306 : i32
        %while3A_308 = arith.constant 1 : i32
        %while3A_309 = arith.divsi %while3A_306, %while3A_308 : i32
        %while3A_310 = arith.muli %while3A_309, %while3A_308 : i32
        %while3A_311 = arith.addi %while3A_304, %while3A_310 : i32
        %while3A_312 = arith.constant 1 : i32
        %while3A_313 = scf.for %while3A_329 = %while3A_304 to %while3A_311 step %while3A_312 iter_args(%while3A_330 = %while3A_305) -> (i32)  : i32 {
          %convert_element_type3A_331 = arith.sitofp %while3A_329 : i32 to f32
          %add3A_332 = arith.constant 5.000000e-01 : f32
          %add3A_333 = arith.addf %convert_element_type3A_331, %add3A_332 : f32
          %mul3A_334 = arith.mulf %add3A_333, %mul3A_128 : f32
          %add3A_335 = arith.addf %add3A_271, %mul3A_334 : f32
          %convert_element_type3A_336 = arith.fptosi %add3A_335 : f32 to i32
          %convert_element_type3A_337 = arith.sitofp %convert_element_type3A_336 : i32 to f32
          %lt3A_338 = arith.cmpf olt, %add3A_335, %convert_element_type3A_337 : f32
          %convert_element_type3A_339 = arith.extui %lt3A_338 : i1 to i32
          %sub3A_340 = arith.subi %convert_element_type3A_336, %convert_element_type3A_339 : i32
          %convert_element_type3A_341 = arith.sitofp %sub3A_340 : i32 to f32
          %sub3A_342 = arith.subf %add3A_335, %convert_element_type3A_341 : f32
          %mul3A_343 = arith.mulf %sub3A_342, %select_n3A_112 : f32
          %sub3A_344 = arith.subi %sub3A_340, %sub3A_279 : i32
          %get3A = arith.index_cast %sub3A_344 : i32 to index
          %get3A_345 = memref.load %arg8[%get3A] : memref<16xf32, #tpu.memory_space<smem>>
          %sub3A_346 = arith.subf %select_n3A_112, %mul3A_343 : f32
          %add3A_347 = arith.addf %get3A_345, %sub3A_346 : f32
          %swap3A = arith.index_cast %sub3A_344 : i32 to index
          %swap3A_348 = memref.load %arg8[%swap3A] : memref<16xf32, #tpu.memory_space<smem>>
          memref.store %add3A_347, %arg8[%swap3A] : memref<16xf32, #tpu.memory_space<smem>>
          %add3A_349 = arith.constant 1 : i32
          %add3A_350 = arith.addi %sub3A_344, %add3A_349 : i32
          %get3A_351 = arith.index_cast %add3A_350 : i32 to index
          %get3A_352 = memref.load %arg8[%get3A_351] : memref<16xf32, #tpu.memory_space<smem>>
          %add3A_353 = arith.addf %get3A_352, %mul3A_343 : f32
          %add3A_354 = arith.constant 1 : i32
          %add3A_355 = arith.addi %sub3A_344, %add3A_354 : i32
          %swap3A_356 = arith.index_cast %add3A_355 : i32 to index
          %swap3A_357 = memref.load %arg8[%swap3A_356] : memref<16xf32, #tpu.memory_space<smem>>
          memref.store %add3A_353, %arg8[%swap3A_356] : memref<16xf32, #tpu.memory_space<smem>>
          %while3A_358 = arith.constant 0 : i32
          scf.yield %while3A_358 : i32
        }
        %while3A_314 = arith.constant 1 : i32
        %while3A_315 = scf.for %while3A_329 = %while3A_311 to %while3A_307 step %while3A_314 iter_args(%while3A_330 = %while3A_313) -> (i32)  : i32 {
          %convert_element_type3A_331 = arith.sitofp %while3A_329 : i32 to f32
          %add3A_332 = arith.constant 5.000000e-01 : f32
          %add3A_333 = arith.addf %convert_element_type3A_331, %add3A_332 : f32
          %mul3A_334 = arith.mulf %add3A_333, %mul3A_128 : f32
          %add3A_335 = arith.addf %add3A_271, %mul3A_334 : f32
          %convert_element_type3A_336 = arith.fptosi %add3A_335 : f32 to i32
          %convert_element_type3A_337 = arith.sitofp %convert_element_type3A_336 : i32 to f32
          %lt3A_338 = arith.cmpf olt, %add3A_335, %convert_element_type3A_337 : f32
          %convert_element_type3A_339 = arith.extui %lt3A_338 : i1 to i32
          %sub3A_340 = arith.subi %convert_element_type3A_336, %convert_element_type3A_339 : i32
          %convert_element_type3A_341 = arith.sitofp %sub3A_340 : i32 to f32
          %sub3A_342 = arith.subf %add3A_335, %convert_element_type3A_341 : f32
          %mul3A_343 = arith.mulf %sub3A_342, %select_n3A_112 : f32
          %sub3A_344 = arith.subi %sub3A_340, %sub3A_279 : i32
          %get3A = arith.index_cast %sub3A_344 : i32 to index
          %get3A_345 = memref.load %arg8[%get3A] : memref<16xf32, #tpu.memory_space<smem>>
          %sub3A_346 = arith.subf %select_n3A_112, %mul3A_343 : f32
          %add3A_347 = arith.addf %get3A_345, %sub3A_346 : f32
          %swap3A = arith.index_cast %sub3A_344 : i32 to index
          %swap3A_348 = memref.load %arg8[%swap3A] : memref<16xf32, #tpu.memory_space<smem>>
          memref.store %add3A_347, %arg8[%swap3A] : memref<16xf32, #tpu.memory_space<smem>>
          %add3A_349 = arith.constant 1 : i32
          %add3A_350 = arith.addi %sub3A_344, %add3A_349 : i32
          %get3A_351 = arith.index_cast %add3A_350 : i32 to index
          %get3A_352 = memref.load %arg8[%get3A_351] : memref<16xf32, #tpu.memory_space<smem>>
          %add3A_353 = arith.addf %get3A_352, %mul3A_343 : f32
          %add3A_354 = arith.constant 1 : i32
          %add3A_355 = arith.addi %sub3A_344, %add3A_354 : i32
          %swap3A_356 = arith.index_cast %add3A_355 : i32 to index
          %swap3A_357 = memref.load %arg8[%swap3A_356] : memref<16xf32, #tpu.memory_space<smem>>
          memref.store %add3A_353, %arg8[%swap3A_356] : memref<16xf32, #tpu.memory_space<smem>>
          %while3A_358 = arith.constant 0 : i32
          scf.yield %while3A_358 : i32
        }
        %while3A_316 = arith.constant 0 : i32
        %while3A_317 = arith.constant 0 : i32
        %while3A_318 = arith.subi %select_n3A_180, %while3A_316 : i32
        %while3A_319 = arith.addi %while3A_316, %while3A_318 : i32
        %while3A_320 = arith.constant 1 : i32
        %while3A_321 = arith.divsi %while3A_318, %while3A_320 : i32
        %while3A_322 = arith.muli %while3A_321, %while3A_320 : i32
        %while3A_323 = arith.addi %while3A_316, %while3A_322 : i32
        %while3A_324 = arith.constant 1 : i32
        %while3A_325 = scf.for %while3A_329 = %while3A_316 to %while3A_323 step %while3A_324 iter_args(%while3A_330 = %while3A_317) -> (i32)  : i32 {
          %mul3A_331 = arith.constant 16 : i32
          %mul3A_332 = arith.muli %while3A_329, %mul3A_331 : i32
          %add3A_333 = arith.addi %neg3A_150, %mul3A_332 : i32
          %add3A_334 = arith.addi %mul3A_116, %add3A_333 : i32
          %add3A_335 = arith.addi %add3A_334, %sub3A_279 : i32
          %add3A_336 = vector.broadcast %add3A_335 : i32 to vector<16xi32>
          %add3A_337 = arith.addi %add3A_336, %iota3A : vector<16xi32>
          %mul3A_338 = arith.constant 65 : i32
          %mul3A_339 = vector.broadcast %mul3A_338 : i32 to vector<16xi32>
          %mul3A_340 = arith.muli %add3A_337, %mul3A_339 : vector<16xi32>
          %add3A_341 = vector.broadcast %mul3A_114 : i32 to vector<16xi32>
          %add3A_342 = arith.addi %mul3A_340, %add3A_341 : vector<16xi32>
          %broadcast_in_dim3A = arith.constant 0.000000e+00 : f32
          %broadcast_in_dim3A_343 = vector.broadcast %broadcast_in_dim3A : f32 to vector<16xf32>
          %while3A_344 = arith.constant 0 : i32
          %while3A_345 = arith.subi %sub3A_291, %while3A_344 : i32
          %while3A_346 = arith.addi %while3A_344, %while3A_345 : i32
          %while3A_347 = arith.constant 1 : i32
          %while3A_348 = arith.divsi %while3A_345, %while3A_347 : i32
          %while3A_349 = arith.muli %while3A_348, %while3A_347 : i32
          %while3A_350 = arith.addi %while3A_344, %while3A_349 : i32
          %while3A_351 = arith.constant 1 : i32
          %while3A_352:17 = scf.for %while3A_435 = %while3A_344 to %while3A_350 step %while3A_351 iter_args(%while3A_436 = %broadcast_in_dim3A_343, %while3A_437 = %broadcast_in_dim3A_343, %while3A_438 = %broadcast_in_dim3A_343, %while3A_439 = %broadcast_in_dim3A_343, %while3A_440 = %broadcast_in_dim3A_343, %while3A_441 = %broadcast_in_dim3A_343, %while3A_442 = %broadcast_in_dim3A_343, %while3A_443 = %broadcast_in_dim3A_343, %while3A_444 = %broadcast_in_dim3A_343, %while3A_445 = %broadcast_in_dim3A_343, %while3A_446 = %broadcast_in_dim3A_343, %while3A_447 = %broadcast_in_dim3A_343, %while3A_448 = %broadcast_in_dim3A_343, %while3A_449 = %broadcast_in_dim3A_343, %while3A_450 = %broadcast_in_dim3A_343, %while3A_451 = %broadcast_in_dim3A_343, %while3A_452 = %add3A_342) -> (vector<16xf32>, vector<16xf32>, vector<16xf32>, vector<16xf32>, vector<16xf32>, vector<16xf32>, vector<16xf32>, vector<16xf32>, vector<16xf32>, vector<16xf32>, vector<16xf32>, vector<16xf32>, vector<16xf32>, vector<16xf32>, vector<16xf32>, vector<16xf32>, vector<16xi32>)  : i32 {
            %get3A = arith.index_cast %while3A_435 : i32 to index
            %get3A_453 = memref.load %arg8[%get3A] : memref<16xf32, #tpu.memory_space<smem>>
            %add3A_454 = arith.constant 0 : i32
            %add3A_455 = vector.broadcast %add3A_454 : i32 to vector<16xi32>
            %add3A_456 = arith.addi %while3A_452, %add3A_455 : vector<16xi32>
            %gather3A = tpu.vector_load_idx %arg6[%add3A_456] : memref<26000xf32, #tpu.memory_space<vmem>>[vector<16xi32>], vector<16xf32>,
            %mul3A_457 = vector.broadcast %get3A_453 : f32 to vector<16xf32>
            %mul3A_458 = arith.mulf %mul3A_457, %gather3A : vector<16xf32>
            %add3A_459 = arith.addf %while3A_436, %mul3A_458 : vector<16xf32>
            %add3A_460 = arith.constant 1 : i32
            %add3A_461 = vector.broadcast %add3A_460 : i32 to vector<16xi32>
            %add3A_462 = arith.addi %while3A_452, %add3A_461 : vector<16xi32>
            %gather3A_463 = tpu.vector_load_idx %arg6[%add3A_462] : memref<26000xf32, #tpu.memory_space<vmem>>[vector<16xi32>], vector<16xf32>,
            %mul3A_464 = vector.broadcast %get3A_453 : f32 to vector<16xf32>
            %mul3A_465 = arith.mulf %mul3A_464, %gather3A_463 : vector<16xf32>
            %add3A_466 = arith.addf %while3A_437, %mul3A_465 : vector<16xf32>
            %add3A_467 = arith.constant 2 : i32
            %add3A_468 = vector.broadcast %add3A_467 : i32 to vector<16xi32>
            %add3A_469 = arith.addi %while3A_452, %add3A_468 : vector<16xi32>
            %gather3A_470 = tpu.vector_load_idx %arg6[%add3A_469] : memref<26000xf32, #tpu.memory_space<vmem>>[vector<16xi32>], vector<16xf32>,
            %mul3A_471 = vector.broadcast %get3A_453 : f32 to vector<16xf32>
            %mul3A_472 = arith.mulf %mul3A_471, %gather3A_470 : vector<16xf32>
            %add3A_473 = arith.addf %while3A_438, %mul3A_472 : vector<16xf32>
            %add3A_474 = arith.constant 3 : i32
            %add3A_475 = vector.broadcast %add3A_474 : i32 to vector<16xi32>
            %add3A_476 = arith.addi %while3A_452, %add3A_475 : vector<16xi32>
            %gather3A_477 = tpu.vector_load_idx %arg6[%add3A_476] : memref<26000xf32, #tpu.memory_space<vmem>>[vector<16xi32>], vector<16xf32>,
            %mul3A_478 = vector.broadcast %get3A_453 : f32 to vector<16xf32>
            %mul3A_479 = arith.mulf %mul3A_478, %gather3A_477 : vector<16xf32>
            %add3A_480 = arith.addf %while3A_439, %mul3A_479 : vector<16xf32>
            %add3A_481 = arith.constant 4 : i32
            %add3A_482 = vector.broadcast %add3A_481 : i32 to vector<16xi32>
            %add3A_483 = arith.addi %while3A_452, %add3A_482 : vector<16xi32>
            %gather3A_484 = tpu.vector_load_idx %arg6[%add3A_483] : memref<26000xf32, #tpu.memory_space<vmem>>[vector<16xi32>], vector<16xf32>,
            %mul3A_485 = vector.broadcast %get3A_453 : f32 to vector<16xf32>
            %mul3A_486 = arith.mulf %mul3A_485, %gather3A_484 : vector<16xf32>
            %add3A_487 = arith.addf %while3A_440, %mul3A_486 : vector<16xf32>
            %add3A_488 = arith.constant 5 : i32
            %add3A_489 = vector.broadcast %add3A_488 : i32 to vector<16xi32>
            %add3A_490 = arith.addi %while3A_452, %add3A_489 : vector<16xi32>
            %gather3A_491 = tpu.vector_load_idx %arg6[%add3A_490] : memref<26000xf32, #tpu.memory_space<vmem>>[vector<16xi32>], vector<16xf32>,
            %mul3A_492 = vector.broadcast %get3A_453 : f32 to vector<16xf32>
            %mul3A_493 = arith.mulf %mul3A_492, %gather3A_491 : vector<16xf32>
            %add3A_494 = arith.addf %while3A_441, %mul3A_493 : vector<16xf32>
            %add3A_495 = arith.constant 6 : i32
            %add3A_496 = vector.broadcast %add3A_495 : i32 to vector<16xi32>
            %add3A_497 = arith.addi %while3A_452, %add3A_496 : vector<16xi32>
            %gather3A_498 = tpu.vector_load_idx %arg6[%add3A_497] : memref<26000xf32, #tpu.memory_space<vmem>>[vector<16xi32>], vector<16xf32>,
            %mul3A_499 = vector.broadcast %get3A_453 : f32 to vector<16xf32>
            %mul3A_500 = arith.mulf %mul3A_499, %gather3A_498 : vector<16xf32>
            %add3A_501 = arith.addf %while3A_442, %mul3A_500 : vector<16xf32>
            %add3A_502 = arith.constant 7 : i32
            %add3A_503 = vector.broadcast %add3A_502 : i32 to vector<16xi32>
            %add3A_504 = arith.addi %while3A_452, %add3A_503 : vector<16xi32>
            %gather3A_505 = tpu.vector_load_idx %arg6[%add3A_504] : memref<26000xf32, #tpu.memory_space<vmem>>[vector<16xi32>], vector<16xf32>,
            %mul3A_506 = vector.broadcast %get3A_453 : f32 to vector<16xf32>
            %mul3A_507 = arith.mulf %mul3A_506, %gather3A_505 : vector<16xf32>
            %add3A_508 = arith.addf %while3A_443, %mul3A_507 : vector<16xf32>
            %add3A_509 = arith.constant 8 : i32
            %add3A_510 = vector.broadcast %add3A_509 : i32 to vector<16xi32>
            %add3A_511 = arith.addi %while3A_452, %add3A_510 : vector<16xi32>
            %gather3A_512 = tpu.vector_load_idx %arg6[%add3A_511] : memref<26000xf32, #tpu.memory_space<vmem>>[vector<16xi32>], vector<16xf32>,
            %mul3A_513 = vector.broadcast %get3A_453 : f32 to vector<16xf32>
            %mul3A_514 = arith.mulf %mul3A_513, %gather3A_512 : vector<16xf32>
            %add3A_515 = arith.addf %while3A_444, %mul3A_514 : vector<16xf32>
            %add3A_516 = arith.constant 9 : i32
            %add3A_517 = vector.broadcast %add3A_516 : i32 to vector<16xi32>
            %add3A_518 = arith.addi %while3A_452, %add3A_517 : vector<16xi32>
            %gather3A_519 = tpu.vector_load_idx %arg6[%add3A_518] : memref<26000xf32, #tpu.memory_space<vmem>>[vector<16xi32>], vector<16xf32>,
            %mul3A_520 = vector.broadcast %get3A_453 : f32 to vector<16xf32>
            %mul3A_521 = arith.mulf %mul3A_520, %gather3A_519 : vector<16xf32>
            %add3A_522 = arith.addf %while3A_445, %mul3A_521 : vector<16xf32>
            %add3A_523 = arith.constant 10 : i32
            %add3A_524 = vector.broadcast %add3A_523 : i32 to vector<16xi32>
            %add3A_525 = arith.addi %while3A_452, %add3A_524 : vector<16xi32>
            %gather3A_526 = tpu.vector_load_idx %arg6[%add3A_525] : memref<26000xf32, #tpu.memory_space<vmem>>[vector<16xi32>], vector<16xf32>,
            %mul3A_527 = vector.broadcast %get3A_453 : f32 to vector<16xf32>
            %mul3A_528 = arith.mulf %mul3A_527, %gather3A_526 : vector<16xf32>
            %add3A_529 = arith.addf %while3A_446, %mul3A_528 : vector<16xf32>
            %add3A_530 = arith.constant 11 : i32
            %add3A_531 = vector.broadcast %add3A_530 : i32 to vector<16xi32>
            %add3A_532 = arith.addi %while3A_452, %add3A_531 : vector<16xi32>
            %gather3A_533 = tpu.vector_load_idx %arg6[%add3A_532] : memref<26000xf32, #tpu.memory_space<vmem>>[vector<16xi32>], vector<16xf32>,
            %mul3A_534 = vector.broadcast %get3A_453 : f32 to vector<16xf32>
            %mul3A_535 = arith.mulf %mul3A_534, %gather3A_533 : vector<16xf32>
            %add3A_536 = arith.addf %while3A_447, %mul3A_535 : vector<16xf32>
            %add3A_537 = arith.constant 12 : i32
            %add3A_538 = vector.broadcast %add3A_537 : i32 to vector<16xi32>
            %add3A_539 = arith.addi %while3A_452, %add3A_538 : vector<16xi32>
            %gather3A_540 = tpu.vector_load_idx %arg6[%add3A_539] : memref<26000xf32, #tpu.memory_space<vmem>>[vector<16xi32>], vector<16xf32>,
            %mul3A_541 = vector.broadcast %get3A_453 : f32 to vector<16xf32>
            %mul3A_542 = arith.mulf %mul3A_541, %gather3A_540 : vector<16xf32>
            %add3A_543 = arith.addf %while3A_448, %mul3A_542 : vector<16xf32>
            %add3A_544 = arith.constant 13 : i32
            %add3A_545 = vector.broadcast %add3A_544 : i32 to vector<16xi32>
            %add3A_546 = arith.addi %while3A_452, %add3A_545 : vector<16xi32>
            %gather3A_547 = tpu.vector_load_idx %arg6[%add3A_546] : memref<26000xf32, #tpu.memory_space<vmem>>[vector<16xi32>], vector<16xf32>,
            %mul3A_548 = vector.broadcast %get3A_453 : f32 to vector<16xf32>
            %mul3A_549 = arith.mulf %mul3A_548, %gather3A_547 : vector<16xf32>
            %add3A_550 = arith.addf %while3A_449, %mul3A_549 : vector<16xf32>
            %add3A_551 = arith.constant 14 : i32
            %add3A_552 = vector.broadcast %add3A_551 : i32 to vector<16xi32>
            %add3A_553 = arith.addi %while3A_452, %add3A_552 : vector<16xi32>
            %gather3A_554 = tpu.vector_load_idx %arg6[%add3A_553] : memref<26000xf32, #tpu.memory_space<vmem>>[vector<16xi32>], vector<16xf32>,
            %mul3A_555 = vector.broadcast %get3A_453 : f32 to vector<16xf32>
            %mul3A_556 = arith.mulf %mul3A_555, %gather3A_554 : vector<16xf32>
            %add3A_557 = arith.addf %while3A_450, %mul3A_556 : vector<16xf32>
            %add3A_558 = arith.constant 15 : i32
            %add3A_559 = vector.broadcast %add3A_558 : i32 to vector<16xi32>
            %add3A_560 = arith.addi %while3A_452, %add3A_559 : vector<16xi32>
            %gather3A_561 = tpu.vector_load_idx %arg6[%add3A_560] : memref<26000xf32, #tpu.memory_space<vmem>>[vector<16xi32>], vector<16xf32>,
            %mul3A_562 = vector.broadcast %get3A_453 : f32 to vector<16xf32>
            %mul3A_563 = arith.mulf %mul3A_562, %gather3A_561 : vector<16xf32>
            %add3A_564 = arith.addf %while3A_451, %mul3A_563 : vector<16xf32>
            %add3A_565 = arith.constant 65 : i32
            %add3A_566 = vector.broadcast %add3A_565 : i32 to vector<16xi32>
            %add3A_567 = arith.addi %while3A_452, %add3A_566 : vector<16xi32>
            scf.yield %add3A_459, %add3A_466, %add3A_473, %add3A_480, %add3A_487, %add3A_494, %add3A_501, %add3A_508, %add3A_515, %add3A_522, %add3A_529, %add3A_536, %add3A_543, %add3A_550, %add3A_557, %add3A_564, %add3A_567 : vector<16xf32>, vector<16xf32>, vector<16xf32>, vector<16xf32>, vector<16xf32>, vector<16xf32>, vector<16xf32>, vector<16xf32>, vector<16xf32>, vector<16xf32>, vector<16xf32>, vector<16xf32>, vector<16xf32>, vector<16xf32>, vector<16xf32>, vector<16xf32>, vector<16xi32>
          }
          %while3A_353 = arith.constant 1 : i32
          %while3A_354:17 = scf.for %while3A_435 = %while3A_350 to %while3A_346 step %while3A_353 iter_args(%while3A_436 = %while3A_352#0, %while3A_437 = %while3A_352#1, %while3A_438 = %while3A_352#2, %while3A_439 = %while3A_352#3, %while3A_440 = %while3A_352#4, %while3A_441 = %while3A_352#5, %while3A_442 = %while3A_352#6, %while3A_443 = %while3A_352#7, %while3A_444 = %while3A_352#8, %while3A_445 = %while3A_352#9, %while3A_446 = %while3A_352#10, %while3A_447 = %while3A_352#11, %while3A_448 = %while3A_352#12, %while3A_449 = %while3A_352#13, %while3A_450 = %while3A_352#14, %while3A_451 = %while3A_352#15, %while3A_452 = %while3A_352#16) -> (vector<16xf32>, vector<16xf32>, vector<16xf32>, vector<16xf32>, vector<16xf32>, vector<16xf32>, vector<16xf32>, vector<16xf32>, vector<16xf32>, vector<16xf32>, vector<16xf32>, vector<16xf32>, vector<16xf32>, vector<16xf32>, vector<16xf32>, vector<16xf32>, vector<16xi32>)  : i32 {
            %get3A = arith.index_cast %while3A_435 : i32 to index
            %get3A_453 = memref.load %arg8[%get3A] : memref<16xf32, #tpu.memory_space<smem>>
            %add3A_454 = arith.constant 0 : i32
            %add3A_455 = vector.broadcast %add3A_454 : i32 to vector<16xi32>
            %add3A_456 = arith.addi %while3A_452, %add3A_455 : vector<16xi32>
            %gather3A = tpu.vector_load_idx %arg6[%add3A_456] : memref<26000xf32, #tpu.memory_space<vmem>>[vector<16xi32>], vector<16xf32>,
            %mul3A_457 = vector.broadcast %get3A_453 : f32 to vector<16xf32>
            %mul3A_458 = arith.mulf %mul3A_457, %gather3A : vector<16xf32>
            %add3A_459 = arith.addf %while3A_436, %mul3A_458 : vector<16xf32>
            %add3A_460 = arith.constant 1 : i32
            %add3A_461 = vector.broadcast %add3A_460 : i32 to vector<16xi32>
            %add3A_462 = arith.addi %while3A_452, %add3A_461 : vector<16xi32>
            %gather3A_463 = tpu.vector_load_idx %arg6[%add3A_462] : memref<26000xf32, #tpu.memory_space<vmem>>[vector<16xi32>], vector<16xf32>,
            %mul3A_464 = vector.broadcast %get3A_453 : f32 to vector<16xf32>
            %mul3A_465 = arith.mulf %mul3A_464, %gather3A_463 : vector<16xf32>
            %add3A_466 = arith.addf %while3A_437, %mul3A_465 : vector<16xf32>
            %add3A_467 = arith.constant 2 : i32
            %add3A_468 = vector.broadcast %add3A_467 : i32 to vector<16xi32>
            %add3A_469 = arith.addi %while3A_452, %add3A_468 : vector<16xi32>
            %gather3A_470 = tpu.vector_load_idx %arg6[%add3A_469] : memref<26000xf32, #tpu.memory_space<vmem>>[vector<16xi32>], vector<16xf32>,
            %mul3A_471 = vector.broadcast %get3A_453 : f32 to vector<16xf32>
            %mul3A_472 = arith.mulf %mul3A_471, %gather3A_470 : vector<16xf32>
            %add3A_473 = arith.addf %while3A_438, %mul3A_472 : vector<16xf32>
            %add3A_474 = arith.constant 3 : i32
            %add3A_475 = vector.broadcast %add3A_474 : i32 to vector<16xi32>
            %add3A_476 = arith.addi %while3A_452, %add3A_475 : vector<16xi32>
            %gather3A_477 = tpu.vector_load_idx %arg6[%add3A_476] : memref<26000xf32, #tpu.memory_space<vmem>>[vector<16xi32>], vector<16xf32>,
            %mul3A_478 = vector.broadcast %get3A_453 : f32 to vector<16xf32>
            %mul3A_479 = arith.mulf %mul3A_478, %gather3A_477 : vector<16xf32>
            %add3A_480 = arith.addf %while3A_439, %mul3A_479 : vector<16xf32>
            %add3A_481 = arith.constant 4 : i32
            %add3A_482 = vector.broadcast %add3A_481 : i32 to vector<16xi32>
            %add3A_483 = arith.addi %while3A_452, %add3A_482 : vector<16xi32>
            %gather3A_484 = tpu.vector_load_idx %arg6[%add3A_483] : memref<26000xf32, #tpu.memory_space<vmem>>[vector<16xi32>], vector<16xf32>,
            %mul3A_485 = vector.broadcast %get3A_453 : f32 to vector<16xf32>
            %mul3A_486 = arith.mulf %mul3A_485, %gather3A_484 : vector<16xf32>
            %add3A_487 = arith.addf %while3A_440, %mul3A_486 : vector<16xf32>
            %add3A_488 = arith.constant 5 : i32
            %add3A_489 = vector.broadcast %add3A_488 : i32 to vector<16xi32>
            %add3A_490 = arith.addi %while3A_452, %add3A_489 : vector<16xi32>
            %gather3A_491 = tpu.vector_load_idx %arg6[%add3A_490] : memref<26000xf32, #tpu.memory_space<vmem>>[vector<16xi32>], vector<16xf32>,
            %mul3A_492 = vector.broadcast %get3A_453 : f32 to vector<16xf32>
            %mul3A_493 = arith.mulf %mul3A_492, %gather3A_491 : vector<16xf32>
            %add3A_494 = arith.addf %while3A_441, %mul3A_493 : vector<16xf32>
            %add3A_495 = arith.constant 6 : i32
            %add3A_496 = vector.broadcast %add3A_495 : i32 to vector<16xi32>
            %add3A_497 = arith.addi %while3A_452, %add3A_496 : vector<16xi32>
            %gather3A_498 = tpu.vector_load_idx %arg6[%add3A_497] : memref<26000xf32, #tpu.memory_space<vmem>>[vector<16xi32>], vector<16xf32>,
            %mul3A_499 = vector.broadcast %get3A_453 : f32 to vector<16xf32>
            %mul3A_500 = arith.mulf %mul3A_499, %gather3A_498 : vector<16xf32>
            %add3A_501 = arith.addf %while3A_442, %mul3A_500 : vector<16xf32>
            %add3A_502 = arith.constant 7 : i32
            %add3A_503 = vector.broadcast %add3A_502 : i32 to vector<16xi32>
            %add3A_504 = arith.addi %while3A_452, %add3A_503 : vector<16xi32>
            %gather3A_505 = tpu.vector_load_idx %arg6[%add3A_504] : memref<26000xf32, #tpu.memory_space<vmem>>[vector<16xi32>], vector<16xf32>,
            %mul3A_506 = vector.broadcast %get3A_453 : f32 to vector<16xf32>
            %mul3A_507 = arith.mulf %mul3A_506, %gather3A_505 : vector<16xf32>
            %add3A_508 = arith.addf %while3A_443, %mul3A_507 : vector<16xf32>
            %add3A_509 = arith.constant 8 : i32
            %add3A_510 = vector.broadcast %add3A_509 : i32 to vector<16xi32>
            %add3A_511 = arith.addi %while3A_452, %add3A_510 : vector<16xi32>
            %gather3A_512 = tpu.vector_load_idx %arg6[%add3A_511] : memref<26000xf32, #tpu.memory_space<vmem>>[vector<16xi32>], vector<16xf32>,
            %mul3A_513 = vector.broadcast %get3A_453 : f32 to vector<16xf32>
            %mul3A_514 = arith.mulf %mul3A_513, %gather3A_512 : vector<16xf32>
            %add3A_515 = arith.addf %while3A_444, %mul3A_514 : vector<16xf32>
            %add3A_516 = arith.constant 9 : i32
            %add3A_517 = vector.broadcast %add3A_516 : i32 to vector<16xi32>
            %add3A_518 = arith.addi %while3A_452, %add3A_517 : vector<16xi32>
            %gather3A_519 = tpu.vector_load_idx %arg6[%add3A_518] : memref<26000xf32, #tpu.memory_space<vmem>>[vector<16xi32>], vector<16xf32>,
            %mul3A_520 = vector.broadcast %get3A_453 : f32 to vector<16xf32>
            %mul3A_521 = arith.mulf %mul3A_520, %gather3A_519 : vector<16xf32>
            %add3A_522 = arith.addf %while3A_445, %mul3A_521 : vector<16xf32>
            %add3A_523 = arith.constant 10 : i32
            %add3A_524 = vector.broadcast %add3A_523 : i32 to vector<16xi32>
            %add3A_525 = arith.addi %while3A_452, %add3A_524 : vector<16xi32>
            %gather3A_526 = tpu.vector_load_idx %arg6[%add3A_525] : memref<26000xf32, #tpu.memory_space<vmem>>[vector<16xi32>], vector<16xf32>,
            %mul3A_527 = vector.broadcast %get3A_453 : f32 to vector<16xf32>
            %mul3A_528 = arith.mulf %mul3A_527, %gather3A_526 : vector<16xf32>
            %add3A_529 = arith.addf %while3A_446, %mul3A_528 : vector<16xf32>
            %add3A_530 = arith.constant 11 : i32
            %add3A_531 = vector.broadcast %add3A_530 : i32 to vector<16xi32>
            %add3A_532 = arith.addi %while3A_452, %add3A_531 : vector<16xi32>
            %gather3A_533 = tpu.vector_load_idx %arg6[%add3A_532] : memref<26000xf32, #tpu.memory_space<vmem>>[vector<16xi32>], vector<16xf32>,
            %mul3A_534 = vector.broadcast %get3A_453 : f32 to vector<16xf32>
            %mul3A_535 = arith.mulf %mul3A_534, %gather3A_533 : vector<16xf32>
            %add3A_536 = arith.addf %while3A_447, %mul3A_535 : vector<16xf32>
            %add3A_537 = arith.constant 12 : i32
            %add3A_538 = vector.broadcast %add3A_537 : i32 to vector<16xi32>
            %add3A_539 = arith.addi %while3A_452, %add3A_538 : vector<16xi32>
            %gather3A_540 = tpu.vector_load_idx %arg6[%add3A_539] : memref<26000xf32, #tpu.memory_space<vmem>>[vector<16xi32>], vector<16xf32>,
            %mul3A_541 = vector.broadcast %get3A_453 : f32 to vector<16xf32>
            %mul3A_542 = arith.mulf %mul3A_541, %gather3A_540 : vector<16xf32>
            %add3A_543 = arith.addf %while3A_448, %mul3A_542 : vector<16xf32>
            %add3A_544 = arith.constant 13 : i32
            %add3A_545 = vector.broadcast %add3A_544 : i32 to vector<16xi32>
            %add3A_546 = arith.addi %while3A_452, %add3A_545 : vector<16xi32>
            %gather3A_547 = tpu.vector_load_idx %arg6[%add3A_546] : memref<26000xf32, #tpu.memory_space<vmem>>[vector<16xi32>], vector<16xf32>,
            %mul3A_548 = vector.broadcast %get3A_453 : f32 to vector<16xf32>
            %mul3A_549 = arith.mulf %mul3A_548, %gather3A_547 : vector<16xf32>
            %add3A_550 = arith.addf %while3A_449, %mul3A_549 : vector<16xf32>
            %add3A_551 = arith.constant 14 : i32
            %add3A_552 = vector.broadcast %add3A_551 : i32 to vector<16xi32>
            %add3A_553 = arith.addi %while3A_452, %add3A_552 : vector<16xi32>
            %gather3A_554 = tpu.vector_load_idx %arg6[%add3A_553] : memref<26000xf32, #tpu.memory_space<vmem>>[vector<16xi32>], vector<16xf32>,
            %mul3A_555 = vector.broadcast %get3A_453 : f32 to vector<16xf32>
            %mul3A_556 = arith.mulf %mul3A_555, %gather3A_554 : vector<16xf32>
            %add3A_557 = arith.addf %while3A_450, %mul3A_556 : vector<16xf32>
            %add3A_558 = arith.constant 15 : i32
            %add3A_559 = vector.broadcast %add3A_558 : i32 to vector<16xi32>
            %add3A_560 = arith.addi %while3A_452, %add3A_559 : vector<16xi32>
            %gather3A_561 = tpu.vector_load_idx %arg6[%add3A_560] : memref<26000xf32, #tpu.memory_space<vmem>>[vector<16xi32>], vector<16xf32>,
            %mul3A_562 = vector.broadcast %get3A_453 : f32 to vector<16xf32>
            %mul3A_563 = arith.mulf %mul3A_562, %gather3A_561 : vector<16xf32>
            %add3A_564 = arith.addf %while3A_451, %mul3A_563 : vector<16xf32>
            %add3A_565 = arith.constant 65 : i32
            %add3A_566 = vector.broadcast %add3A_565 : i32 to vector<16xi32>
            %add3A_567 = arith.addi %while3A_452, %add3A_566 : vector<16xi32>
            scf.yield %add3A_459, %add3A_466, %add3A_473, %add3A_480, %add3A_487, %add3A_494, %add3A_501, %add3A_508, %add3A_515, %add3A_522, %add3A_529, %add3A_536, %add3A_543, %add3A_550, %add3A_557, %add3A_564, %add3A_567 : vector<16xf32>, vector<16xf32>, vector<16xf32>, vector<16xf32>, vector<16xf32>, vector<16xf32>, vector<16xf32>, vector<16xf32>, vector<16xf32>, vector<16xf32>, vector<16xf32>, vector<16xf32>, vector<16xf32>, vector<16xf32>, vector<16xf32>, vector<16xf32>, vector<16xi32>
          }
          %add3A_355 = arith.constant 0 : i32
          %add3A_356 = arith.addi %add3A_355, %scan3A_267 : i32
          %swap3A = arith.index_cast %add3A_356 : i32 to index
          %swap3A_357 = arith.index_cast %add3A_333 : i32 to index
          %swap3A_358 = tpu.vector_load %arg7[%swap3A, %swap3A_357] {strides = array<i32>} : memref<256x209xf32, #tpu.memory_space<vmem>>, vector<16xf32>,
          tpu.vector_store %arg7[%swap3A, %swap3A_357], %while3A_354#0 {strides = array<i32>} : memref<256x209xf32, #tpu.memory_space<vmem>>, vector<16xf32>,
          %add3A_359 = arith.constant 16 : i32
          %add3A_360 = arith.addi %add3A_359, %scan3A_267 : i32
          %swap3A_361 = arith.index_cast %add3A_360 : i32 to index
          %swap3A_362 = arith.index_cast %add3A_333 : i32 to index
          %swap3A_363 = tpu.vector_load %arg7[%swap3A_361, %swap3A_362] {strides = array<i32>} : memref<256x209xf32, #tpu.memory_space<vmem>>, vector<16xf32>,
          tpu.vector_store %arg7[%swap3A_361, %swap3A_362], %while3A_354#1 {strides = array<i32>} : memref<256x209xf32, #tpu.memory_space<vmem>>, vector<16xf32>,
          %add3A_364 = arith.constant 32 : i32
          %add3A_365 = arith.addi %add3A_364, %scan3A_267 : i32
          %swap3A_366 = arith.index_cast %add3A_365 : i32 to index
          %swap3A_367 = arith.index_cast %add3A_333 : i32 to index
          %swap3A_368 = tpu.vector_load %arg7[%swap3A_366, %swap3A_367] {strides = array<i32>} : memref<256x209xf32, #tpu.memory_space<vmem>>, vector<16xf32>,
          tpu.vector_store %arg7[%swap3A_366, %swap3A_367], %while3A_354#2 {strides = array<i32>} : memref<256x209xf32, #tpu.memory_space<vmem>>, vector<16xf32>,
          %add3A_369 = arith.constant 48 : i32
          %add3A_370 = arith.addi %add3A_369, %scan3A_267 : i32
          %swap3A_371 = arith.index_cast %add3A_370 : i32 to index
          %swap3A_372 = arith.index_cast %add3A_333 : i32 to index
          %swap3A_373 = tpu.vector_load %arg7[%swap3A_371, %swap3A_372] {strides = array<i32>} : memref<256x209xf32, #tpu.memory_space<vmem>>, vector<16xf32>,
          tpu.vector_store %arg7[%swap3A_371, %swap3A_372], %while3A_354#3 {strides = array<i32>} : memref<256x209xf32, #tpu.memory_space<vmem>>, vector<16xf32>,
          %add3A_374 = arith.constant 64 : i32
          %add3A_375 = arith.addi %add3A_374, %scan3A_267 : i32
          %swap3A_376 = arith.index_cast %add3A_375 : i32 to index
          %swap3A_377 = arith.index_cast %add3A_333 : i32 to index
          %swap3A_378 = tpu.vector_load %arg7[%swap3A_376, %swap3A_377] {strides = array<i32>} : memref<256x209xf32, #tpu.memory_space<vmem>>, vector<16xf32>,
          tpu.vector_store %arg7[%swap3A_376, %swap3A_377], %while3A_354#4 {strides = array<i32>} : memref<256x209xf32, #tpu.memory_space<vmem>>, vector<16xf32>,
          %add3A_379 = arith.constant 80 : i32
          %add3A_380 = arith.addi %add3A_379, %scan3A_267 : i32
          %swap3A_381 = arith.index_cast %add3A_380 : i32 to index
          %swap3A_382 = arith.index_cast %add3A_333 : i32 to index
          %swap3A_383 = tpu.vector_load %arg7[%swap3A_381, %swap3A_382] {strides = array<i32>} : memref<256x209xf32, #tpu.memory_space<vmem>>, vector<16xf32>,
          tpu.vector_store %arg7[%swap3A_381, %swap3A_382], %while3A_354#5 {strides = array<i32>} : memref<256x209xf32, #tpu.memory_space<vmem>>, vector<16xf32>,
          %add3A_384 = arith.constant 96 : i32
          %add3A_385 = arith.addi %add3A_384, %scan3A_267 : i32
          %swap3A_386 = arith.index_cast %add3A_385 : i32 to index
          %swap3A_387 = arith.index_cast %add3A_333 : i32 to index
          %swap3A_388 = tpu.vector_load %arg7[%swap3A_386, %swap3A_387] {strides = array<i32>} : memref<256x209xf32, #tpu.memory_space<vmem>>, vector<16xf32>,
          tpu.vector_store %arg7[%swap3A_386, %swap3A_387], %while3A_354#6 {strides = array<i32>} : memref<256x209xf32, #tpu.memory_space<vmem>>, vector<16xf32>,
          %add3A_389 = arith.constant 112 : i32
          %add3A_390 = arith.addi %add3A_389, %scan3A_267 : i32
          %swap3A_391 = arith.index_cast %add3A_390 : i32 to index
          %swap3A_392 = arith.index_cast %add3A_333 : i32 to index
          %swap3A_393 = tpu.vector_load %arg7[%swap3A_391, %swap3A_392] {strides = array<i32>} : memref<256x209xf32, #tpu.memory_space<vmem>>, vector<16xf32>,
          tpu.vector_store %arg7[%swap3A_391, %swap3A_392], %while3A_354#7 {strides = array<i32>} : memref<256x209xf32, #tpu.memory_space<vmem>>, vector<16xf32>,
          %add3A_394 = arith.constant 128 : i32
          %add3A_395 = arith.addi %add3A_394, %scan3A_267 : i32
          %swap3A_396 = arith.index_cast %add3A_395 : i32 to index
          %swap3A_397 = arith.index_cast %add3A_333 : i32 to index
          %swap3A_398 = tpu.vector_load %arg7[%swap3A_396, %swap3A_397] {strides = array<i32>} : memref<256x209xf32, #tpu.memory_space<vmem>>, vector<16xf32>,
          tpu.vector_store %arg7[%swap3A_396, %swap3A_397], %while3A_354#8 {strides = array<i32>} : memref<256x209xf32, #tpu.memory_space<vmem>>, vector<16xf32>,
          %add3A_399 = arith.constant 144 : i32
          %add3A_400 = arith.addi %add3A_399, %scan3A_267 : i32
          %swap3A_401 = arith.index_cast %add3A_400 : i32 to index
          %swap3A_402 = arith.index_cast %add3A_333 : i32 to index
          %swap3A_403 = tpu.vector_load %arg7[%swap3A_401, %swap3A_402] {strides = array<i32>} : memref<256x209xf32, #tpu.memory_space<vmem>>, vector<16xf32>,
          tpu.vector_store %arg7[%swap3A_401, %swap3A_402], %while3A_354#9 {strides = array<i32>} : memref<256x209xf32, #tpu.memory_space<vmem>>, vector<16xf32>,
          %add3A_404 = arith.constant 160 : i32
          %add3A_405 = arith.addi %add3A_404, %scan3A_267 : i32
          %swap3A_406 = arith.index_cast %add3A_405 : i32 to index
          %swap3A_407 = arith.index_cast %add3A_333 : i32 to index
          %swap3A_408 = tpu.vector_load %arg7[%swap3A_406, %swap3A_407] {strides = array<i32>} : memref<256x209xf32, #tpu.memory_space<vmem>>, vector<16xf32>,
          tpu.vector_store %arg7[%swap3A_406, %swap3A_407], %while3A_354#10 {strides = array<i32>} : memref<256x209xf32, #tpu.memory_space<vmem>>, vector<16xf32>,
          %add3A_409 = arith.constant 176 : i32
          %add3A_410 = arith.addi %add3A_409, %scan3A_267 : i32
          %swap3A_411 = arith.index_cast %add3A_410 : i32 to index
          %swap3A_412 = arith.index_cast %add3A_333 : i32 to index
          %swap3A_413 = tpu.vector_load %arg7[%swap3A_411, %swap3A_412] {strides = array<i32>} : memref<256x209xf32, #tpu.memory_space<vmem>>, vector<16xf32>,
          tpu.vector_store %arg7[%swap3A_411, %swap3A_412], %while3A_354#11 {strides = array<i32>} : memref<256x209xf32, #tpu.memory_space<vmem>>, vector<16xf32>,
          %add3A_414 = arith.constant 192 : i32
          %add3A_415 = arith.addi %add3A_414, %scan3A_267 : i32
          %swap3A_416 = arith.index_cast %add3A_415 : i32 to index
          %swap3A_417 = arith.index_cast %add3A_333 : i32 to index
          %swap3A_418 = tpu.vector_load %arg7[%swap3A_416, %swap3A_417] {strides = array<i32>} : memref<256x209xf32, #tpu.memory_space<vmem>>, vector<16xf32>,
          tpu.vector_store %arg7[%swap3A_416, %swap3A_417], %while3A_354#12 {strides = array<i32>} : memref<256x209xf32, #tpu.memory_space<vmem>>, vector<16xf32>,
          %add3A_419 = arith.constant 208 : i32
          %add3A_420 = arith.addi %add3A_419, %scan3A_267 : i32
          %swap3A_421 = arith.index_cast %add3A_420 : i32 to index
          %swap3A_422 = arith.index_cast %add3A_333 : i32 to index
          %swap3A_423 = tpu.vector_load %arg7[%swap3A_421, %swap3A_422] {strides = array<i32>} : memref<256x209xf32, #tpu.memory_space<vmem>>, vector<16xf32>,
          tpu.vector_store %arg7[%swap3A_421, %swap3A_422], %while3A_354#13 {strides = array<i32>} : memref<256x209xf32, #tpu.memory_space<vmem>>, vector<16xf32>,
          %add3A_424 = arith.constant 224 : i32
          %add3A_425 = arith.addi %add3A_424, %scan3A_267 : i32
          %swap3A_426 = arith.index_cast %add3A_425 : i32 to index
          %swap3A_427 = arith.index_cast %add3A_333 : i32 to index
          %swap3A_428 = tpu.vector_load %arg7[%swap3A_426, %swap3A_427] {strides = array<i32>} : memref<256x209xf32, #tpu.memory_space<vmem>>, vector<16xf32>,
          tpu.vector_store %arg7[%swap3A_426, %swap3A_427], %while3A_354#14 {strides = array<i32>} : memref<256x209xf32, #tpu.memory_space<vmem>>, vector<16xf32>,
          %add3A_429 = arith.constant 240 : i32
          %add3A_430 = arith.addi %add3A_429, %scan3A_267 : i32
          %swap3A_431 = arith.index_cast %add3A_430 : i32 to index
          %swap3A_432 = arith.index_cast %add3A_333 : i32 to index
          %swap3A_433 = tpu.vector_load %arg7[%swap3A_431, %swap3A_432] {strides = array<i32>} : memref<256x209xf32, #tpu.memory_space<vmem>>, vector<16xf32>,
          tpu.vector_store %arg7[%swap3A_431, %swap3A_432], %while3A_354#15 {strides = array<i32>} : memref<256x209xf32, #tpu.memory_space<vmem>>, vector<16xf32>,
          %while3A_434 = arith.constant 0 : i32
          scf.yield %while3A_434 : i32
        }
        %while3A_326 = arith.constant 1 : i32
        %while3A_327 = scf.for %while3A_329 = %while3A_323 to %while3A_319 step %while3A_326 iter_args(%while3A_330 = %while3A_325) -> (i32)  : i32 {
          %mul3A_331 = arith.constant 16 : i32
          %mul3A_332 = arith.muli %while3A_329, %mul3A_331 : i32
          %add3A_333 = arith.addi %neg3A_150, %mul3A_332 : i32
          %add3A_334 = arith.addi %mul3A_116, %add3A_333 : i32
          %add3A_335 = arith.addi %add3A_334, %sub3A_279 : i32
          %add3A_336 = vector.broadcast %add3A_335 : i32 to vector<16xi32>
          %add3A_337 = arith.addi %add3A_336, %iota3A : vector<16xi32>
          %mul3A_338 = arith.constant 65 : i32
          %mul3A_339 = vector.broadcast %mul3A_338 : i32 to vector<16xi32>
          %mul3A_340 = arith.muli %add3A_337, %mul3A_339 : vector<16xi32>
          %add3A_341 = vector.broadcast %mul3A_114 : i32 to vector<16xi32>
          %add3A_342 = arith.addi %mul3A_340, %add3A_341 : vector<16xi32>
          %broadcast_in_dim3A = arith.constant 0.000000e+00 : f32
          %broadcast_in_dim3A_343 = vector.broadcast %broadcast_in_dim3A : f32 to vector<16xf32>
          %while3A_344 = arith.constant 0 : i32
          %while3A_345 = arith.subi %sub3A_291, %while3A_344 : i32
          %while3A_346 = arith.addi %while3A_344, %while3A_345 : i32
          %while3A_347 = arith.constant 1 : i32
          %while3A_348 = arith.divsi %while3A_345, %while3A_347 : i32
          %while3A_349 = arith.muli %while3A_348, %while3A_347 : i32
          %while3A_350 = arith.addi %while3A_344, %while3A_349 : i32
          %while3A_351 = arith.constant 1 : i32
          %while3A_352:17 = scf.for %while3A_435 = %while3A_344 to %while3A_350 step %while3A_351 iter_args(%while3A_436 = %broadcast_in_dim3A_343, %while3A_437 = %broadcast_in_dim3A_343, %while3A_438 = %broadcast_in_dim3A_343, %while3A_439 = %broadcast_in_dim3A_343, %while3A_440 = %broadcast_in_dim3A_343, %while3A_441 = %broadcast_in_dim3A_343, %while3A_442 = %broadcast_in_dim3A_343, %while3A_443 = %broadcast_in_dim3A_343, %while3A_444 = %broadcast_in_dim3A_343, %while3A_445 = %broadcast_in_dim3A_343, %while3A_446 = %broadcast_in_dim3A_343, %while3A_447 = %broadcast_in_dim3A_343, %while3A_448 = %broadcast_in_dim3A_343, %while3A_449 = %broadcast_in_dim3A_343, %while3A_450 = %broadcast_in_dim3A_343, %while3A_451 = %broadcast_in_dim3A_343, %while3A_452 = %add3A_342) -> (vector<16xf32>, vector<16xf32>, vector<16xf32>, vector<16xf32>, vector<16xf32>, vector<16xf32>, vector<16xf32>, vector<16xf32>, vector<16xf32>, vector<16xf32>, vector<16xf32>, vector<16xf32>, vector<16xf32>, vector<16xf32>, vector<16xf32>, vector<16xf32>, vector<16xi32>)  : i32 {
            %get3A = arith.index_cast %while3A_435 : i32 to index
            %get3A_453 = memref.load %arg8[%get3A] : memref<16xf32, #tpu.memory_space<smem>>
            %add3A_454 = arith.constant 0 : i32
            %add3A_455 = vector.broadcast %add3A_454 : i32 to vector<16xi32>
            %add3A_456 = arith.addi %while3A_452, %add3A_455 : vector<16xi32>
            %gather3A = tpu.vector_load_idx %arg6[%add3A_456] : memref<26000xf32, #tpu.memory_space<vmem>>[vector<16xi32>], vector<16xf32>,
            %mul3A_457 = vector.broadcast %get3A_453 : f32 to vector<16xf32>
            %mul3A_458 = arith.mulf %mul3A_457, %gather3A : vector<16xf32>
            %add3A_459 = arith.addf %while3A_436, %mul3A_458 : vector<16xf32>
            %add3A_460 = arith.constant 1 : i32
            %add3A_461 = vector.broadcast %add3A_460 : i32 to vector<16xi32>
            %add3A_462 = arith.addi %while3A_452, %add3A_461 : vector<16xi32>
            %gather3A_463 = tpu.vector_load_idx %arg6[%add3A_462] : memref<26000xf32, #tpu.memory_space<vmem>>[vector<16xi32>], vector<16xf32>,
            %mul3A_464 = vector.broadcast %get3A_453 : f32 to vector<16xf32>
            %mul3A_465 = arith.mulf %mul3A_464, %gather3A_463 : vector<16xf32>
            %add3A_466 = arith.addf %while3A_437, %mul3A_465 : vector<16xf32>
            %add3A_467 = arith.constant 2 : i32
            %add3A_468 = vector.broadcast %add3A_467 : i32 to vector<16xi32>
            %add3A_469 = arith.addi %while3A_452, %add3A_468 : vector<16xi32>
            %gather3A_470 = tpu.vector_load_idx %arg6[%add3A_469] : memref<26000xf32, #tpu.memory_space<vmem>>[vector<16xi32>], vector<16xf32>,
            %mul3A_471 = vector.broadcast %get3A_453 : f32 to vector<16xf32>
            %mul3A_472 = arith.mulf %mul3A_471, %gather3A_470 : vector<16xf32>
            %add3A_473 = arith.addf %while3A_438, %mul3A_472 : vector<16xf32>
            %add3A_474 = arith.constant 3 : i32
            %add3A_475 = vector.broadcast %add3A_474 : i32 to vector<16xi32>
            %add3A_476 = arith.addi %while3A_452, %add3A_475 : vector<16xi32>
            %gather3A_477 = tpu.vector_load_idx %arg6[%add3A_476] : memref<26000xf32, #tpu.memory_space<vmem>>[vector<16xi32>], vector<16xf32>,
            %mul3A_478 = vector.broadcast %get3A_453 : f32 to vector<16xf32>
            %mul3A_479 = arith.mulf %mul3A_478, %gather3A_477 : vector<16xf32>
            %add3A_480 = arith.addf %while3A_439, %mul3A_479 : vector<16xf32>
            %add3A_481 = arith.constant 4 : i32
            %add3A_482 = vector.broadcast %add3A_481 : i32 to vector<16xi32>
            %add3A_483 = arith.addi %while3A_452, %add3A_482 : vector<16xi32>
            %gather3A_484 = tpu.vector_load_idx %arg6[%add3A_483] : memref<26000xf32, #tpu.memory_space<vmem>>[vector<16xi32>], vector<16xf32>,
            %mul3A_485 = vector.broadcast %get3A_453 : f32 to vector<16xf32>
            %mul3A_486 = arith.mulf %mul3A_485, %gather3A_484 : vector<16xf32>
            %add3A_487 = arith.addf %while3A_440, %mul3A_486 : vector<16xf32>
            %add3A_488 = arith.constant 5 : i32
            %add3A_489 = vector.broadcast %add3A_488 : i32 to vector<16xi32>
            %add3A_490 = arith.addi %while3A_452, %add3A_489 : vector<16xi32>
            %gather3A_491 = tpu.vector_load_idx %arg6[%add3A_490] : memref<26000xf32, #tpu.memory_space<vmem>>[vector<16xi32>], vector<16xf32>,
            %mul3A_492 = vector.broadcast %get3A_453 : f32 to vector<16xf32>
            %mul3A_493 = arith.mulf %mul3A_492, %gather3A_491 : vector<16xf32>
            %add3A_494 = arith.addf %while3A_441, %mul3A_493 : vector<16xf32>
            %add3A_495 = arith.constant 6 : i32
            %add3A_496 = vector.broadcast %add3A_495 : i32 to vector<16xi32>
            %add3A_497 = arith.addi %while3A_452, %add3A_496 : vector<16xi32>
            %gather3A_498 = tpu.vector_load_idx %arg6[%add3A_497] : memref<26000xf32, #tpu.memory_space<vmem>>[vector<16xi32>], vector<16xf32>,
            %mul3A_499 = vector.broadcast %get3A_453 : f32 to vector<16xf32>
            %mul3A_500 = arith.mulf %mul3A_499, %gather3A_498 : vector<16xf32>
            %add3A_501 = arith.addf %while3A_442, %mul3A_500 : vector<16xf32>
            %add3A_502 = arith.constant 7 : i32
            %add3A_503 = vector.broadcast %add3A_502 : i32 to vector<16xi32>
            %add3A_504 = arith.addi %while3A_452, %add3A_503 : vector<16xi32>
            %gather3A_505 = tpu.vector_load_idx %arg6[%add3A_504] : memref<26000xf32, #tpu.memory_space<vmem>>[vector<16xi32>], vector<16xf32>,
            %mul3A_506 = vector.broadcast %get3A_453 : f32 to vector<16xf32>
            %mul3A_507 = arith.mulf %mul3A_506, %gather3A_505 : vector<16xf32>
            %add3A_508 = arith.addf %while3A_443, %mul3A_507 : vector<16xf32>
            %add3A_509 = arith.constant 8 : i32
            %add3A_510 = vector.broadcast %add3A_509 : i32 to vector<16xi32>
            %add3A_511 = arith.addi %while3A_452, %add3A_510 : vector<16xi32>
            %gather3A_512 = tpu.vector_load_idx %arg6[%add3A_511] : memref<26000xf32, #tpu.memory_space<vmem>>[vector<16xi32>], vector<16xf32>,
            %mul3A_513 = vector.broadcast %get3A_453 : f32 to vector<16xf32>
            %mul3A_514 = arith.mulf %mul3A_513, %gather3A_512 : vector<16xf32>
            %add3A_515 = arith.addf %while3A_444, %mul3A_514 : vector<16xf32>
            %add3A_516 = arith.constant 9 : i32
            %add3A_517 = vector.broadcast %add3A_516 : i32 to vector<16xi32>
            %add3A_518 = arith.addi %while3A_452, %add3A_517 : vector<16xi32>
            %gather3A_519 = tpu.vector_load_idx %arg6[%add3A_518] : memref<26000xf32, #tpu.memory_space<vmem>>[vector<16xi32>], vector<16xf32>,
            %mul3A_520 = vector.broadcast %get3A_453 : f32 to vector<16xf32>
            %mul3A_521 = arith.mulf %mul3A_520, %gather3A_519 : vector<16xf32>
            %add3A_522 = arith.addf %while3A_445, %mul3A_521 : vector<16xf32>
            %add3A_523 = arith.constant 10 : i32
            %add3A_524 = vector.broadcast %add3A_523 : i32 to vector<16xi32>
            %add3A_525 = arith.addi %while3A_452, %add3A_524 : vector<16xi32>
            %gather3A_526 = tpu.vector_load_idx %arg6[%add3A_525] : memref<26000xf32, #tpu.memory_space<vmem>>[vector<16xi32>], vector<16xf32>,
            %mul3A_527 = vector.broadcast %get3A_453 : f32 to vector<16xf32>
            %mul3A_528 = arith.mulf %mul3A_527, %gather3A_526 : vector<16xf32>
            %add3A_529 = arith.addf %while3A_446, %mul3A_528 : vector<16xf32>
            %add3A_530 = arith.constant 11 : i32
            %add3A_531 = vector.broadcast %add3A_530 : i32 to vector<16xi32>
            %add3A_532 = arith.addi %while3A_452, %add3A_531 : vector<16xi32>
            %gather3A_533 = tpu.vector_load_idx %arg6[%add3A_532] : memref<26000xf32, #tpu.memory_space<vmem>>[vector<16xi32>], vector<16xf32>,
            %mul3A_534 = vector.broadcast %get3A_453 : f32 to vector<16xf32>
            %mul3A_535 = arith.mulf %mul3A_534, %gather3A_533 : vector<16xf32>
            %add3A_536 = arith.addf %while3A_447, %mul3A_535 : vector<16xf32>
            %add3A_537 = arith.constant 12 : i32
            %add3A_538 = vector.broadcast %add3A_537 : i32 to vector<16xi32>
            %add3A_539 = arith.addi %while3A_452, %add3A_538 : vector<16xi32>
            %gather3A_540 = tpu.vector_load_idx %arg6[%add3A_539] : memref<26000xf32, #tpu.memory_space<vmem>>[vector<16xi32>], vector<16xf32>,
            %mul3A_541 = vector.broadcast %get3A_453 : f32 to vector<16xf32>
            %mul3A_542 = arith.mulf %mul3A_541, %gather3A_540 : vector<16xf32>
            %add3A_543 = arith.addf %while3A_448, %mul3A_542 : vector<16xf32>
            %add3A_544 = arith.constant 13 : i32
            %add3A_545 = vector.broadcast %add3A_544 : i32 to vector<16xi32>
            %add3A_546 = arith.addi %while3A_452, %add3A_545 : vector<16xi32>
            %gather3A_547 = tpu.vector_load_idx %arg6[%add3A_546] : memref<26000xf32, #tpu.memory_space<vmem>>[vector<16xi32>], vector<16xf32>,
            %mul3A_548 = vector.broadcast %get3A_453 : f32 to vector<16xf32>
            %mul3A_549 = arith.mulf %mul3A_548, %gather3A_547 : vector<16xf32>
            %add3A_550 = arith.addf %while3A_449, %mul3A_549 : vector<16xf32>
            %add3A_551 = arith.constant 14 : i32
            %add3A_552 = vector.broadcast %add3A_551 : i32 to vector<16xi32>
            %add3A_553 = arith.addi %while3A_452, %add3A_552 : vector<16xi32>
            %gather3A_554 = tpu.vector_load_idx %arg6[%add3A_553] : memref<26000xf32, #tpu.memory_space<vmem>>[vector<16xi32>], vector<16xf32>,
            %mul3A_555 = vector.broadcast %get3A_453 : f32 to vector<16xf32>
            %mul3A_556 = arith.mulf %mul3A_555, %gather3A_554 : vector<16xf32>
            %add3A_557 = arith.addf %while3A_450, %mul3A_556 : vector<16xf32>
            %add3A_558 = arith.constant 15 : i32
            %add3A_559 = vector.broadcast %add3A_558 : i32 to vector<16xi32>
            %add3A_560 = arith.addi %while3A_452, %add3A_559 : vector<16xi32>
            %gather3A_561 = tpu.vector_load_idx %arg6[%add3A_560] : memref<26000xf32, #tpu.memory_space<vmem>>[vector<16xi32>], vector<16xf32>,
            %mul3A_562 = vector.broadcast %get3A_453 : f32 to vector<16xf32>
            %mul3A_563 = arith.mulf %mul3A_562, %gather3A_561 : vector<16xf32>
            %add3A_564 = arith.addf %while3A_451, %mul3A_563 : vector<16xf32>
            %add3A_565 = arith.constant 65 : i32
            %add3A_566 = vector.broadcast %add3A_565 : i32 to vector<16xi32>
            %add3A_567 = arith.addi %while3A_452, %add3A_566 : vector<16xi32>
            scf.yield %add3A_459, %add3A_466, %add3A_473, %add3A_480, %add3A_487, %add3A_494, %add3A_501, %add3A_508, %add3A_515, %add3A_522, %add3A_529, %add3A_536, %add3A_543, %add3A_550, %add3A_557, %add3A_564, %add3A_567 : vector<16xf32>, vector<16xf32>, vector<16xf32>, vector<16xf32>, vector<16xf32>, vector<16xf32>, vector<16xf32>, vector<16xf32>, vector<16xf32>, vector<16xf32>, vector<16xf32>, vector<16xf32>, vector<16xf32>, vector<16xf32>, vector<16xf32>, vector<16xf32>, vector<16xi32>
          }
          %while3A_353 = arith.constant 1 : i32
          %while3A_354:17 = scf.for %while3A_435 = %while3A_350 to %while3A_346 step %while3A_353 iter_args(%while3A_436 = %while3A_352#0, %while3A_437 = %while3A_352#1, %while3A_438 = %while3A_352#2, %while3A_439 = %while3A_352#3, %while3A_440 = %while3A_352#4, %while3A_441 = %while3A_352#5, %while3A_442 = %while3A_352#6, %while3A_443 = %while3A_352#7, %while3A_444 = %while3A_352#8, %while3A_445 = %while3A_352#9, %while3A_446 = %while3A_352#10, %while3A_447 = %while3A_352#11, %while3A_448 = %while3A_352#12, %while3A_449 = %while3A_352#13, %while3A_450 = %while3A_352#14, %while3A_451 = %while3A_352#15, %while3A_452 = %while3A_352#16) -> (vector<16xf32>, vector<16xf32>, vector<16xf32>, vector<16xf32>, vector<16xf32>, vector<16xf32>, vector<16xf32>, vector<16xf32>, vector<16xf32>, vector<16xf32>, vector<16xf32>, vector<16xf32>, vector<16xf32>, vector<16xf32>, vector<16xf32>, vector<16xf32>, vector<16xi32>)  : i32 {
            %get3A = arith.index_cast %while3A_435 : i32 to index
            %get3A_453 = memref.load %arg8[%get3A] : memref<16xf32, #tpu.memory_space<smem>>
            %add3A_454 = arith.constant 0 : i32
            %add3A_455 = vector.broadcast %add3A_454 : i32 to vector<16xi32>
            %add3A_456 = arith.addi %while3A_452, %add3A_455 : vector<16xi32>
            %gather3A = tpu.vector_load_idx %arg6[%add3A_456] : memref<26000xf32, #tpu.memory_space<vmem>>[vector<16xi32>], vector<16xf32>,
            %mul3A_457 = vector.broadcast %get3A_453 : f32 to vector<16xf32>
            %mul3A_458 = arith.mulf %mul3A_457, %gather3A : vector<16xf32>
            %add3A_459 = arith.addf %while3A_436, %mul3A_458 : vector<16xf32>
            %add3A_460 = arith.constant 1 : i32
            %add3A_461 = vector.broadcast %add3A_460 : i32 to vector<16xi32>
            %add3A_462 = arith.addi %while3A_452, %add3A_461 : vector<16xi32>
            %gather3A_463 = tpu.vector_load_idx %arg6[%add3A_462] : memref<26000xf32, #tpu.memory_space<vmem>>[vector<16xi32>], vector<16xf32>,
            %mul3A_464 = vector.broadcast %get3A_453 : f32 to vector<16xf32>
            %mul3A_465 = arith.mulf %mul3A_464, %gather3A_463 : vector<16xf32>
            %add3A_466 = arith.addf %while3A_437, %mul3A_465 : vector<16xf32>
            %add3A_467 = arith.constant 2 : i32
            %add3A_468 = vector.broadcast %add3A_467 : i32 to vector<16xi32>
            %add3A_469 = arith.addi %while3A_452, %add3A_468 : vector<16xi32>
            %gather3A_470 = tpu.vector_load_idx %arg6[%add3A_469] : memref<26000xf32, #tpu.memory_space<vmem>>[vector<16xi32>], vector<16xf32>,
            %mul3A_471 = vector.broadcast %get3A_453 : f32 to vector<16xf32>
            %mul3A_472 = arith.mulf %mul3A_471, %gather3A_470 : vector<16xf32>
            %add3A_473 = arith.addf %while3A_438, %mul3A_472 : vector<16xf32>
            %add3A_474 = arith.constant 3 : i32
            %add3A_475 = vector.broadcast %add3A_474 : i32 to vector<16xi32>
            %add3A_476 = arith.addi %while3A_452, %add3A_475 : vector<16xi32>
            %gather3A_477 = tpu.vector_load_idx %arg6[%add3A_476] : memref<26000xf32, #tpu.memory_space<vmem>>[vector<16xi32>], vector<16xf32>,
            %mul3A_478 = vector.broadcast %get3A_453 : f32 to vector<16xf32>
            %mul3A_479 = arith.mulf %mul3A_478, %gather3A_477 : vector<16xf32>
            %add3A_480 = arith.addf %while3A_439, %mul3A_479 : vector<16xf32>
            %add3A_481 = arith.constant 4 : i32
            %add3A_482 = vector.broadcast %add3A_481 : i32 to vector<16xi32>
            %add3A_483 = arith.addi %while3A_452, %add3A_482 : vector<16xi32>
            %gather3A_484 = tpu.vector_load_idx %arg6[%add3A_483] : memref<26000xf32, #tpu.memory_space<vmem>>[vector<16xi32>], vector<16xf32>,
            %mul3A_485 = vector.broadcast %get3A_453 : f32 to vector<16xf32>
            %mul3A_486 = arith.mulf %mul3A_485, %gather3A_484 : vector<16xf32>
            %add3A_487 = arith.addf %while3A_440, %mul3A_486 : vector<16xf32>
            %add3A_488 = arith.constant 5 : i32
            %add3A_489 = vector.broadcast %add3A_488 : i32 to vector<16xi32>
            %add3A_490 = arith.addi %while3A_452, %add3A_489 : vector<16xi32>
            %gather3A_491 = tpu.vector_load_idx %arg6[%add3A_490] : memref<26000xf32, #tpu.memory_space<vmem>>[vector<16xi32>], vector<16xf32>,
            %mul3A_492 = vector.broadcast %get3A_453 : f32 to vector<16xf32>
            %mul3A_493 = arith.mulf %mul3A_492, %gather3A_491 : vector<16xf32>
            %add3A_494 = arith.addf %while3A_441, %mul3A_493 : vector<16xf32>
            %add3A_495 = arith.constant 6 : i32
            %add3A_496 = vector.broadcast %add3A_495 : i32 to vector<16xi32>
            %add3A_497 = arith.addi %while3A_452, %add3A_496 : vector<16xi32>
            %gather3A_498 = tpu.vector_load_idx %arg6[%add3A_497] : memref<26000xf32, #tpu.memory_space<vmem>>[vector<16xi32>], vector<16xf32>,
            %mul3A_499 = vector.broadcast %get3A_453 : f32 to vector<16xf32>
            %mul3A_500 = arith.mulf %mul3A_499, %gather3A_498 : vector<16xf32>
            %add3A_501 = arith.addf %while3A_442, %mul3A_500 : vector<16xf32>
            %add3A_502 = arith.constant 7 : i32
            %add3A_503 = vector.broadcast %add3A_502 : i32 to vector<16xi32>
            %add3A_504 = arith.addi %while3A_452, %add3A_503 : vector<16xi32>
            %gather3A_505 = tpu.vector_load_idx %arg6[%add3A_504] : memref<26000xf32, #tpu.memory_space<vmem>>[vector<16xi32>], vector<16xf32>,
            %mul3A_506 = vector.broadcast %get3A_453 : f32 to vector<16xf32>
            %mul3A_507 = arith.mulf %mul3A_506, %gather3A_505 : vector<16xf32>
            %add3A_508 = arith.addf %while3A_443, %mul3A_507 : vector<16xf32>
            %add3A_509 = arith.constant 8 : i32
            %add3A_510 = vector.broadcast %add3A_509 : i32 to vector<16xi32>
            %add3A_511 = arith.addi %while3A_452, %add3A_510 : vector<16xi32>
            %gather3A_512 = tpu.vector_load_idx %arg6[%add3A_511] : memref<26000xf32, #tpu.memory_space<vmem>>[vector<16xi32>], vector<16xf32>,
            %mul3A_513 = vector.broadcast %get3A_453 : f32 to vector<16xf32>
            %mul3A_514 = arith.mulf %mul3A_513, %gather3A_512 : vector<16xf32>
            %add3A_515 = arith.addf %while3A_444, %mul3A_514 : vector<16xf32>
            %add3A_516 = arith.constant 9 : i32
            %add3A_517 = vector.broadcast %add3A_516 : i32 to vector<16xi32>
            %add3A_518 = arith.addi %while3A_452, %add3A_517 : vector<16xi32>
            %gather3A_519 = tpu.vector_load_idx %arg6[%add3A_518] : memref<26000xf32, #tpu.memory_space<vmem>>[vector<16xi32>], vector<16xf32>,
            %mul3A_520 = vector.broadcast %get3A_453 : f32 to vector<16xf32>
            %mul3A_521 = arith.mulf %mul3A_520, %gather3A_519 : vector<16xf32>
            %add3A_522 = arith.addf %while3A_445, %mul3A_521 : vector<16xf32>
            %add3A_523 = arith.constant 10 : i32
            %add3A_524 = vector.broadcast %add3A_523 : i32 to vector<16xi32>
            %add3A_525 = arith.addi %while3A_452, %add3A_524 : vector<16xi32>
            %gather3A_526 = tpu.vector_load_idx %arg6[%add3A_525] : memref<26000xf32, #tpu.memory_space<vmem>>[vector<16xi32>], vector<16xf32>,
            %mul3A_527 = vector.broadcast %get3A_453 : f32 to vector<16xf32>
            %mul3A_528 = arith.mulf %mul3A_527, %gather3A_526 : vector<16xf32>
            %add3A_529 = arith.addf %while3A_446, %mul3A_528 : vector<16xf32>
            %add3A_530 = arith.constant 11 : i32
            %add3A_531 = vector.broadcast %add3A_530 : i32 to vector<16xi32>
            %add3A_532 = arith.addi %while3A_452, %add3A_531 : vector<16xi32>
            %gather3A_533 = tpu.vector_load_idx %arg6[%add3A_532] : memref<26000xf32, #tpu.memory_space<vmem>>[vector<16xi32>], vector<16xf32>,
            %mul3A_534 = vector.broadcast %get3A_453 : f32 to vector<16xf32>
            %mul3A_535 = arith.mulf %mul3A_534, %gather3A_533 : vector<16xf32>
            %add3A_536 = arith.addf %while3A_447, %mul3A_535 : vector<16xf32>
            %add3A_537 = arith.constant 12 : i32
            %add3A_538 = vector.broadcast %add3A_537 : i32 to vector<16xi32>
            %add3A_539 = arith.addi %while3A_452, %add3A_538 : vector<16xi32>
            %gather3A_540 = tpu.vector_load_idx %arg6[%add3A_539] : memref<26000xf32, #tpu.memory_space<vmem>>[vector<16xi32>], vector<16xf32>,
            %mul3A_541 = vector.broadcast %get3A_453 : f32 to vector<16xf32>
            %mul3A_542 = arith.mulf %mul3A_541, %gather3A_540 : vector<16xf32>
            %add3A_543 = arith.addf %while3A_448, %mul3A_542 : vector<16xf32>
            %add3A_544 = arith.constant 13 : i32
            %add3A_545 = vector.broadcast %add3A_544 : i32 to vector<16xi32>
            %add3A_546 = arith.addi %while3A_452, %add3A_545 : vector<16xi32>
            %gather3A_547 = tpu.vector_load_idx %arg6[%add3A_546] : memref<26000xf32, #tpu.memory_space<vmem>>[vector<16xi32>], vector<16xf32>,
            %mul3A_548 = vector.broadcast %get3A_453 : f32 to vector<16xf32>
            %mul3A_549 = arith.mulf %mul3A_548, %gather3A_547 : vector<16xf32>
            %add3A_550 = arith.addf %while3A_449, %mul3A_549 : vector<16xf32>
            %add3A_551 = arith.constant 14 : i32
            %add3A_552 = vector.broadcast %add3A_551 : i32 to vector<16xi32>
            %add3A_553 = arith.addi %while3A_452, %add3A_552 : vector<16xi32>
            %gather3A_554 = tpu.vector_load_idx %arg6[%add3A_553] : memref<26000xf32, #tpu.memory_space<vmem>>[vector<16xi32>], vector<16xf32>,
            %mul3A_555 = vector.broadcast %get3A_453 : f32 to vector<16xf32>
            %mul3A_556 = arith.mulf %mul3A_555, %gather3A_554 : vector<16xf32>
            %add3A_557 = arith.addf %while3A_450, %mul3A_556 : vector<16xf32>
            %add3A_558 = arith.constant 15 : i32
            %add3A_559 = vector.broadcast %add3A_558 : i32 to vector<16xi32>
            %add3A_560 = arith.addi %while3A_452, %add3A_559 : vector<16xi32>
            %gather3A_561 = tpu.vector_load_idx %arg6[%add3A_560] : memref<26000xf32, #tpu.memory_space<vmem>>[vector<16xi32>], vector<16xf32>,
            %mul3A_562 = vector.broadcast %get3A_453 : f32 to vector<16xf32>
            %mul3A_563 = arith.mulf %mul3A_562, %gather3A_561 : vector<16xf32>
            %add3A_564 = arith.addf %while3A_451, %mul3A_563 : vector<16xf32>
            %add3A_565 = arith.constant 65 : i32
            %add3A_566 = vector.broadcast %add3A_565 : i32 to vector<16xi32>
            %add3A_567 = arith.addi %while3A_452, %add3A_566 : vector<16xi32>
            scf.yield %add3A_459, %add3A_466, %add3A_473, %add3A_480, %add3A_487, %add3A_494, %add3A_501, %add3A_508, %add3A_515, %add3A_522, %add3A_529, %add3A_536, %add3A_543, %add3A_550, %add3A_557, %add3A_564, %add3A_567 : vector<16xf32>, vector<16xf32>, vector<16xf32>, vector<16xf32>, vector<16xf32>, vector<16xf32>, vector<16xf32>, vector<16xf32>, vector<16xf32>, vector<16xf32>, vector<16xf32>, vector<16xf32>, vector<16xf32>, vector<16xf32>, vector<16xf32>, vector<16xf32>, vector<16xi32>
          }
          %add3A_355 = arith.constant 0 : i32
          %add3A_356 = arith.addi %add3A_355, %scan3A_267 : i32
          %swap3A = arith.index_cast %add3A_356 : i32 to index
          %swap3A_357 = arith.index_cast %add3A_333 : i32 to index
          %swap3A_358 = tpu.vector_load %arg7[%swap3A, %swap3A_357] {strides = array<i32>} : memref<256x209xf32, #tpu.memory_space<vmem>>, vector<16xf32>,
          tpu.vector_store %arg7[%swap3A, %swap3A_357], %while3A_354#0 {strides = array<i32>} : memref<256x209xf32, #tpu.memory_space<vmem>>, vector<16xf32>,
          %add3A_359 = arith.constant 16 : i32
          %add3A_360 = arith.addi %add3A_359, %scan3A_267 : i32
          %swap3A_361 = arith.index_cast %add3A_360 : i32 to index
          %swap3A_362 = arith.index_cast %add3A_333 : i32 to index
          %swap3A_363 = tpu.vector_load %arg7[%swap3A_361, %swap3A_362] {strides = array<i32>} : memref<256x209xf32, #tpu.memory_space<vmem>>, vector<16xf32>,
          tpu.vector_store %arg7[%swap3A_361, %swap3A_362], %while3A_354#1 {strides = array<i32>} : memref<256x209xf32, #tpu.memory_space<vmem>>, vector<16xf32>,
          %add3A_364 = arith.constant 32 : i32
          %add3A_365 = arith.addi %add3A_364, %scan3A_267 : i32
          %swap3A_366 = arith.index_cast %add3A_365 : i32 to index
          %swap3A_367 = arith.index_cast %add3A_333 : i32 to index
          %swap3A_368 = tpu.vector_load %arg7[%swap3A_366, %swap3A_367] {strides = array<i32>} : memref<256x209xf32, #tpu.memory_space<vmem>>, vector<16xf32>,
          tpu.vector_store %arg7[%swap3A_366, %swap3A_367], %while3A_354#2 {strides = array<i32>} : memref<256x209xf32, #tpu.memory_space<vmem>>, vector<16xf32>,
          %add3A_369 = arith.constant 48 : i32
          %add3A_370 = arith.addi %add3A_369, %scan3A_267 : i32
          %swap3A_371 = arith.index_cast %add3A_370 : i32 to index
          %swap3A_372 = arith.index_cast %add3A_333 : i32 to index
          %swap3A_373 = tpu.vector_load %arg7[%swap3A_371, %swap3A_372] {strides = array<i32>} : memref<256x209xf32, #tpu.memory_space<vmem>>, vector<16xf32>,
          tpu.vector_store %arg7[%swap3A_371, %swap3A_372], %while3A_354#3 {strides = array<i32>} : memref<256x209xf32, #tpu.memory_space<vmem>>, vector<16xf32>,
          %add3A_374 = arith.constant 64 : i32
          %add3A_375 = arith.addi %add3A_374, %scan3A_267 : i32
          %swap3A_376 = arith.index_cast %add3A_375 : i32 to index
          %swap3A_377 = arith.index_cast %add3A_333 : i32 to index
          %swap3A_378 = tpu.vector_load %arg7[%swap3A_376, %swap3A_377] {strides = array<i32>} : memref<256x209xf32, #tpu.memory_space<vmem>>, vector<16xf32>,
          tpu.vector_store %arg7[%swap3A_376, %swap3A_377], %while3A_354#4 {strides = array<i32>} : memref<256x209xf32, #tpu.memory_space<vmem>>, vector<16xf32>,
          %add3A_379 = arith.constant 80 : i32
          %add3A_380 = arith.addi %add3A_379, %scan3A_267 : i32
          %swap3A_381 = arith.index_cast %add3A_380 : i32 to index
          %swap3A_382 = arith.index_cast %add3A_333 : i32 to index
          %swap3A_383 = tpu.vector_load %arg7[%swap3A_381, %swap3A_382] {strides = array<i32>} : memref<256x209xf32, #tpu.memory_space<vmem>>, vector<16xf32>,
          tpu.vector_store %arg7[%swap3A_381, %swap3A_382], %while3A_354#5 {strides = array<i32>} : memref<256x209xf32, #tpu.memory_space<vmem>>, vector<16xf32>,
          %add3A_384 = arith.constant 96 : i32
          %add3A_385 = arith.addi %add3A_384, %scan3A_267 : i32
          %swap3A_386 = arith.index_cast %add3A_385 : i32 to index
          %swap3A_387 = arith.index_cast %add3A_333 : i32 to index
          %swap3A_388 = tpu.vector_load %arg7[%swap3A_386, %swap3A_387] {strides = array<i32>} : memref<256x209xf32, #tpu.memory_space<vmem>>, vector<16xf32>,
          tpu.vector_store %arg7[%swap3A_386, %swap3A_387], %while3A_354#6 {strides = array<i32>} : memref<256x209xf32, #tpu.memory_space<vmem>>, vector<16xf32>,
          %add3A_389 = arith.constant 112 : i32
          %add3A_390 = arith.addi %add3A_389, %scan3A_267 : i32
          %swap3A_391 = arith.index_cast %add3A_390 : i32 to index
          %swap3A_392 = arith.index_cast %add3A_333 : i32 to index
          %swap3A_393 = tpu.vector_load %arg7[%swap3A_391, %swap3A_392] {strides = array<i32>} : memref<256x209xf32, #tpu.memory_space<vmem>>, vector<16xf32>,
          tpu.vector_store %arg7[%swap3A_391, %swap3A_392], %while3A_354#7 {strides = array<i32>} : memref<256x209xf32, #tpu.memory_space<vmem>>, vector<16xf32>,
          %add3A_394 = arith.constant 128 : i32
          %add3A_395 = arith.addi %add3A_394, %scan3A_267 : i32
          %swap3A_396 = arith.index_cast %add3A_395 : i32 to index
          %swap3A_397 = arith.index_cast %add3A_333 : i32 to index
          %swap3A_398 = tpu.vector_load %arg7[%swap3A_396, %swap3A_397] {strides = array<i32>} : memref<256x209xf32, #tpu.memory_space<vmem>>, vector<16xf32>,
          tpu.vector_store %arg7[%swap3A_396, %swap3A_397], %while3A_354#8 {strides = array<i32>} : memref<256x209xf32, #tpu.memory_space<vmem>>, vector<16xf32>,
          %add3A_399 = arith.constant 144 : i32
          %add3A_400 = arith.addi %add3A_399, %scan3A_267 : i32
          %swap3A_401 = arith.index_cast %add3A_400 : i32 to index
          %swap3A_402 = arith.index_cast %add3A_333 : i32 to index
          %swap3A_403 = tpu.vector_load %arg7[%swap3A_401, %swap3A_402] {strides = array<i32>} : memref<256x209xf32, #tpu.memory_space<vmem>>, vector<16xf32>,
          tpu.vector_store %arg7[%swap3A_401, %swap3A_402], %while3A_354#9 {strides = array<i32>} : memref<256x209xf32, #tpu.memory_space<vmem>>, vector<16xf32>,
          %add3A_404 = arith.constant 160 : i32
          %add3A_405 = arith.addi %add3A_404, %scan3A_267 : i32
          %swap3A_406 = arith.index_cast %add3A_405 : i32 to index
          %swap3A_407 = arith.index_cast %add3A_333 : i32 to index
          %swap3A_408 = tpu.vector_load %arg7[%swap3A_406, %swap3A_407] {strides = array<i32>} : memref<256x209xf32, #tpu.memory_space<vmem>>, vector<16xf32>,
          tpu.vector_store %arg7[%swap3A_406, %swap3A_407], %while3A_354#10 {strides = array<i32>} : memref<256x209xf32, #tpu.memory_space<vmem>>, vector<16xf32>,
          %add3A_409 = arith.constant 176 : i32
          %add3A_410 = arith.addi %add3A_409, %scan3A_267 : i32
          %swap3A_411 = arith.index_cast %add3A_410 : i32 to index
          %swap3A_412 = arith.index_cast %add3A_333 : i32 to index
          %swap3A_413 = tpu.vector_load %arg7[%swap3A_411, %swap3A_412] {strides = array<i32>} : memref<256x209xf32, #tpu.memory_space<vmem>>, vector<16xf32>,
          tpu.vector_store %arg7[%swap3A_411, %swap3A_412], %while3A_354#11 {strides = array<i32>} : memref<256x209xf32, #tpu.memory_space<vmem>>, vector<16xf32>,
          %add3A_414 = arith.constant 192 : i32
          %add3A_415 = arith.addi %add3A_414, %scan3A_267 : i32
          %swap3A_416 = arith.index_cast %add3A_415 : i32 to index
          %swap3A_417 = arith.index_cast %add3A_333 : i32 to index
          %swap3A_418 = tpu.vector_load %arg7[%swap3A_416, %swap3A_417] {strides = array<i32>} : memref<256x209xf32, #tpu.memory_space<vmem>>, vector<16xf32>,
          tpu.vector_store %arg7[%swap3A_416, %swap3A_417], %while3A_354#12 {strides = array<i32>} : memref<256x209xf32, #tpu.memory_space<vmem>>, vector<16xf32>,
          %add3A_419 = arith.constant 208 : i32
          %add3A_420 = arith.addi %add3A_419, %scan3A_267 : i32
          %swap3A_421 = arith.index_cast %add3A_420 : i32 to index
          %swap3A_422 = arith.index_cast %add3A_333 : i32 to index
          %swap3A_423 = tpu.vector_load %arg7[%swap3A_421, %swap3A_422] {strides = array<i32>} : memref<256x209xf32, #tpu.memory_space<vmem>>, vector<16xf32>,
          tpu.vector_store %arg7[%swap3A_421, %swap3A_422], %while3A_354#13 {strides = array<i32>} : memref<256x209xf32, #tpu.memory_space<vmem>>, vector<16xf32>,
          %add3A_424 = arith.constant 224 : i32
          %add3A_425 = arith.addi %add3A_424, %scan3A_267 : i32
          %swap3A_426 = arith.index_cast %add3A_425 : i32 to index
          %swap3A_427 = arith.index_cast %add3A_333 : i32 to index
          %swap3A_428 = tpu.vector_load %arg7[%swap3A_426, %swap3A_427] {strides = array<i32>} : memref<256x209xf32, #tpu.memory_space<vmem>>, vector<16xf32>,
          tpu.vector_store %arg7[%swap3A_426, %swap3A_427], %while3A_354#14 {strides = array<i32>} : memref<256x209xf32, #tpu.memory_space<vmem>>, vector<16xf32>,
          %add3A_429 = arith.constant 240 : i32
          %add3A_430 = arith.addi %add3A_429, %scan3A_267 : i32
          %swap3A_431 = arith.index_cast %add3A_430 : i32 to index
          %swap3A_432 = arith.index_cast %add3A_333 : i32 to index
          %swap3A_433 = tpu.vector_load %arg7[%swap3A_431, %swap3A_432] {strides = array<i32>} : memref<256x209xf32, #tpu.memory_space<vmem>>, vector<16xf32>,
          tpu.vector_store %arg7[%swap3A_431, %swap3A_432], %while3A_354#15 {strides = array<i32>} : memref<256x209xf32, #tpu.memory_space<vmem>>, vector<16xf32>,
          %while3A_434 = arith.constant 0 : i32
          scf.yield %while3A_434 : i32
        }
        %scan3A_328 = arith.constant 0 : i32
        scf.yield %scan3A_328 : i32
      }
      %scan3A_265 = arith.constant 16 : i32
      "tpu.region"() ({
        %run_scoped3A = tpu.sem_alloc : memref<!tpu.dma_semaphore, #tpu.memory_space<semaphore_mem>>
        %dma_start3A = arith.constant 0 : i32
        %dma_start3A_267 = arith.constant 0 : i32
        %dma_start3A_268 = tpu.memref_slice %arg7[%dma_start3A, %dma_start3A_267] : memref<256x209xf32, #tpu.memory_space<vmem>> -> memref<256x200xf32, #tpu.memory_space<vmem>>
        %dma_start3A_269 = arith.constant 0 : i32
        %dma_start3A_270 = arith.constant 0 : i32
        %dma_start3A_271 = tpu.memref_slice %arg4[%select_n3A, %sub3A_57, %dma_start3A_269, %select_n3A_54, %dma_start3A_270] : memref<2x4x256x64x200xf32, #tpu.memory_space<hbm>> -> memref<1x1x256x1x200xf32, #tpu.memory_space<hbm>>
        %dma_start3A_272 = tpu.memref_squeeze %dma_start3A_271 : memref<1x1x256x1x200xf32, #tpu.memory_space<hbm>> -> memref<256x200xf32, #tpu.memory_space<hbm>>
        %dma_start3A_273 = arith.constant 0 : i32
        %dma_start3A_274 = arith.constant 0 : i32
        %dma_start3A_275 = tpu.memref_slice %arg4[%select_n3A, %sub3A_57, %dma_start3A_273, %select_n3A_54, %dma_start3A_274] : memref<2x4x256x64x200xf32, #tpu.memory_space<hbm>> -> memref<1x1x256x1x200xf32, #tpu.memory_space<hbm>>
        %dma_start3A_276 = tpu.memref_squeeze %dma_start3A_275 : memref<1x1x256x1x200xf32, #tpu.memory_space<hbm>> -> memref<256x200xf32, #tpu.memory_space<hbm>>
        %dma_start3A_277 = arith.constant 0 : i32
        %dma_start3A_278 = arith.constant 0 : i32
        %dma_start3A_279 = tpu.memref_slice %arg7[%dma_start3A_277, %dma_start3A_278] : memref<256x209xf32, #tpu.memory_space<vmem>> -> memref<256x200xf32, #tpu.memory_space<vmem>>
        tpu.enqueue_dma source(%dma_start3A_279 : memref<256x200xf32, #tpu.memory_space<vmem>>) target(%dma_start3A_276 : memref<256x200xf32, #tpu.memory_space<hbm>>) target_semaphore(%run_scoped3A : memref<!tpu.dma_semaphore, #tpu.memory_space<semaphore_mem>>)
        %dma_wait3A = arith.constant 0 : i32
        %dma_wait3A_280 = arith.constant 0 : i32
        %dma_wait3A_281 = tpu.memref_slice %arg7[%dma_wait3A, %dma_wait3A_280] : memref<256x209xf32, #tpu.memory_space<vmem>> -> memref<256x200xf32, #tpu.memory_space<vmem>>
        %dma_wait3A_282 = arith.constant 0 : i32
        %dma_wait3A_283 = arith.constant 0 : i32
        %dma_wait3A_284 = tpu.memref_slice %arg4[%select_n3A, %sub3A_57, %dma_wait3A_282, %select_n3A_54, %dma_wait3A_283] : memref<2x4x256x64x200xf32, #tpu.memory_space<hbm>> -> memref<1x1x256x1x200xf32, #tpu.memory_space<hbm>>
        %dma_wait3A_285 = tpu.memref_squeeze %dma_wait3A_284 : memref<1x1x256x1x200xf32, #tpu.memory_space<hbm>> -> memref<256x200xf32, #tpu.memory_space<hbm>>
        %dma_wait3A_286 = arith.constant 0 : i32
        %dma_wait3A_287 = arith.constant 0 : i32
        %dma_wait3A_288 = tpu.memref_slice %arg4[%select_n3A, %sub3A_57, %dma_wait3A_286, %select_n3A_54, %dma_wait3A_287] : memref<2x4x256x64x200xf32, #tpu.memory_space<hbm>> -> memref<1x1x256x1x200xf32, #tpu.memory_space<hbm>>
        %dma_wait3A_289 = tpu.memref_squeeze %dma_wait3A_288 : memref<1x1x256x1x200xf32, #tpu.memory_space<hbm>> -> memref<256x200xf32, #tpu.memory_space<hbm>>
        %dma_wait3A_290 = arith.constant 0 : i32
        %dma_wait3A_291 = arith.constant 0 : i32
        %dma_wait3A_292 = tpu.memref_slice %arg7[%dma_wait3A_290, %dma_wait3A_291] : memref<256x209xf32, #tpu.memory_space<vmem>> -> memref<256x200xf32, #tpu.memory_space<vmem>>
        tpu.wait_dma2 semaphore(%run_scoped3A : memref<!tpu.dma_semaphore, #tpu.memory_space<semaphore_mem>>) src(%dma_wait3A_292 : memref<256x200xf32, #tpu.memory_space<vmem>>) dst(%dma_wait3A_289 : memref<256x200xf32, #tpu.memory_space<hbm>>)
        tpu.yield
      }) : () -> ()
      %scan3A_266 = arith.constant 0 : i32
      scf.yield %scan3A_266 : i32
    }
    %scan3A_6 = arith.constant 16 : i32
    return
  }
}

</mosaic_0001>

<sc_bundles>
// kernel: kernel.3.cloned.1.call-start
scs
__scs_entry_jumppad:
0x0: {  	(pc) =	sbr.rel $0x88, $3  }
0x1: {  	(tag) =	ssettag $0x0;
	lr =	simm.s32 $0x1  }
0x2: {  	[smem:$0x3FA0] =	sst lr;
	_ =	strace $0xD0000000  }
0x3: {  	_ = 	snop  }
0x4: {  	_ = 	snop  }
0x5: {  	_ = 	snop  }
0x6: {  	_ = 	snop  }
0x7: {  	_ = 	snop  }
__scs_overlays_trampoline_lowered:
0x8: {  	[smem:$0x3FAF] =	sst s0  }
0x9: {  	[smem:$0x3FB0] =	sst s1  }
0xa: {  	[smem:$0x3FB1] =	sst s2  }
0xb: {  	[smem:$0x3FB2] =	sst s3  }
0xc: {  	[smem:$0x3FB3] =	sst s4  }
0xd: {  	[smem:$0x3FB4] =	sst s5  }
0xe: {  	[smem:$0x3FB5] =	sst s6  }
0xf: {  	[smem:$0x3FB6] =	sst s7  }
0x10: {  	[smem:$0x3FB7] =	sst s8  }
0x11: {  	[smem:$0x3FB8] =	sst s9;
	s0 =	simm.s32 @!p0 $0x0  }
0x12: {  	s1 =	sld [smem:$0x3F9E];
	s0 =	simm.s32 @p0 $0x1  }
0x13: {  	[smem:$0x3FB9] =	sst s0;
	s0 =	simm.s32 @!p1 $0x0  }
0x14: {  	s2 =	sld [smem:$0x3F9D];
	s0 =	simm.s32 @p1 $0x1  }
0x15: {  	[smem:$0x3FBA] =	sst s0;
	s0 =	simm.s32 @!p2 $0x0  }
0x16: {  	s3 =	sld [smem:$0x3FDB];
	s0 =	simm.s32 @p2 $0x1  }
0x17: {  	s4 =	simm.s32 $0x1BF5;
	[smem:$0x3FBC] =	sst s0  }
0x18: {  	s0 =	sld [smem:$0x3F9F];
	_ =	swait.ge [sflag:s4], $0x0  }
0x19: {  	s7 =	sld [smem:$0x3FA0]  }
0x1a: {  	s8 =	sadd.s32 $0xFFFFE003, lr  }
0x1b: {  	s9 =	sadd.s32 $0xFFFFFEF7, lr;
	s5 =	simm.s32 $0xFFFFFFFF;
	p2 =	slt.u32 s8, $0xFFFFF086  }
0x1c: {  	p1 =	slt.u32 s9, $0xF7A;
	s5 =	simm.s32 @!p2 $0x0  }
0x1d: {  	s5 =	simm.s32 @p1 $0x1;
	p0 =	seq.s32 s7, s2  }
0x1e: {  	s7 =	smul.u32 @!p0 $0xF7A, s2;
	p2 =	seq.s32 @!p0 s5, $0x0  }
0x1f: {  	s9 =	smul.u32 $0xF7A, s1;
	s8 =	simm.s32 @!p0 $0x1BF5;
	p2 =	por !p2, p0  }
0x20: {  	[sflag:s8] =	ssyncset.s32 @!p0 $0xFFFFF086;
	s6 =	sadd.s32 @!p0 s3, s7;
	s7 =	simm.s32 @!p0 $0x108  }
0x21: {  	s3 =	sadd.s32 s3, s9;
	s6 =	sadd.s32 @!p0 $0x88, s6;
	s7 =	simm.s32 @p2 $0x1082  }
0x22: {  	[simem:s7], [sflag:s8] =	dma.local @!p0 [hbm:s6], $0xF7A  }
0x23: {  	s9 =	sor.u32 $0xD0000000, s2;
	s6 =	simm.s32 $0x108;
	_ =	swait.ge @!p0 [sflag:s8], $0x0  }
0x24: {  	s3 =	sadd.s32 $0x88, s3;
	s6 =	simm.s32 @!p1 $0x1082;
	[sflag:s4] =	ssyncset.s32 $0xFFFFF086  }
0x25: {  	[simem:s6], [sflag:s4] =	dma.local [hbm:s3], $0xF7A  }
0x26: {  	[smem:$0x3FA0] =	sst s1;
	(tag) =	ssettag s2;
	_ =	strace s9  }
0x27: {  	s1 =	sld [smem:$0x3FB0]  }
0x28: {  	s2 =	sld [smem:$0x3FB1]  }
0x29: {  	s4 =	sld [smem:$0x3FB3]  }
0x2a: {  	p0 =	seq.s32 s5, $0x0;
	s5 =	sld [smem:$0x3FB4]  }
0x2b: {  	s6 =	sld [smem:$0x3FB5]  }
0x2c: {  	s7 =	sld [smem:$0x3FB6]  }
0x2d: {  	s3 =	simm.s32 $0x108;
	s8 =	sld [smem:$0x3FB7]  }
0x2e: {  	s3 =	simm.s32 @!p0 $0x1082;
	s9 =	sld [smem:$0x3FB8]  }
0x2f: {  	lr =	sadd.s32 s0, s3;
	s0 =	sld [smem:$0x3FAF]  }
0x30: {  	s3 =	sld [smem:$0x3FB2]  }
0x31: {  	[smem:$0x3FBB] =	sst s10  }
0x32: {  	s10 =	sld [smem:$0x3FB9];
	_ =	sdelay $0x3  }
0x33: {  	p0 =	seq.s32 s10, $0x1;
	s10 =	sld [smem:$0x3FBB];
	_ =	sdelay $0x3  }
0x34: {  	[smem:$0x3FBB] =	sst s10  }
0x35: {  	s10 =	sld [smem:$0x3FBA];
	_ =	sdelay $0x3  }
0x36: {  	p1 =	seq.s32 s10, $0x1;
	s10 =	sld [smem:$0x3FBB];
	_ =	sdelay $0x3  }
0x37: {  	[smem:$0x3FBB] =	sst s10  }
0x38: {  	s10 =	sld [smem:$0x3FBC]  }
0x39: {  	_ = 	snop;
	(pc) =	sbr.ind lr, $3  }
0x3a: {  	_ = 	snop  }
0x3b: {  	_ = 	snop  }
0x3c: {  	p2 =	seq.s32 s10, $0x1;
	s10 =	sld [smem:$0x3FBB]  }
0x3d: {  	_ =	shalt  }
0x3e: {  	_ =	shalt  }
0x3f: {  	_ =	shalt  }
0x40: {  	_ =	shalt  }
0x41: {  	_ =	shalt  }
0x42: {  	_ =	shalt  }
0x43: {  	_ =	shalt  }
0x44: {  	_ =	shalt  }
0x45: {  	_ =	shalt  }
0x46: {  	_ =	shalt  }
0x47: {  	_ =	shalt  }
0x48: {  	_ =	shalt  }
0x49: {  	_ =	shalt  }
0x4a: {  	_ =	shalt  }
0x4b: {  	_ =	shalt  }
0x4c: {  	_ =	shalt  }
0x4d: {  	_ =	shalt  }
0x4e: {  	_ =	shalt  }
0x4f: {  	_ =	shalt  }
0x50: {  	_ =	shalt  }
0x51: {  	_ =	shalt  }
0x52: {  	_ =	shalt  }
0x53: {  	_ =	shalt  }
0x54: {  	_ =	shalt  }
0x55: {  	_ =	shalt  }
0x56: {  	_ =	shalt  }
0x57: {  	_ =	shalt  }
0x58: {  	_ =	shalt  }
0x59: {  	_ =	shalt  }
0x5a: {  	_ =	shalt  }
0x5b: {  	_ =	shalt  }
0x5c: {  	_ =	shalt  }
0x5d: {  	_ =	shalt  }
0x5e: {  	_ =	shalt  }
0x5f: {  	_ =	shalt  }
0x60: {  	_ =	shalt  }
0x61: {  	_ =	shalt  }
0x62: {  	_ =	shalt  }
0x63: {  	_ =	shalt  }
0x64: {  	_ =	shalt  }
0x65: {  	_ =	shalt  }
0x66: {  	_ =	shalt  }
0x67: {  	_ =	shalt  }
0x68: {  	_ =	shalt  }
0x69: {  	_ =	shalt  }
0x6a: {  	_ =	shalt  }
0x6b: {  	_ =	shalt  }
0x6c: {  	_ =	shalt  }
0x6d: {  	_ =	shalt  }
0x6e: {  	_ =	shalt  }
0x6f: {  	_ =	shalt  }
0x70: {  	_ =	shalt  }
0x71: {  	_ =	shalt  }
0x72: {  	_ =	shalt  }
0x73: {  	_ =	shalt  }
0x74: {  	_ =	shalt  }
0x75: {  	_ =	shalt  }
0x76: {  	_ =	shalt  }
0x77: {  	_ =	shalt  }
0x78: {  	_ =	shalt  }
0x79: {  	_ =	shalt  }
0x7a: {  	_ =	shalt  }
0x7b: {  	_ =	shalt  }
0x7c: {  	_ =	shalt  }
0x7d: {  	_ =	shalt  }
0x7e: {  	_ =	shalt  }
0x7f: {  	_ =	shalt  }
0x80: {  	_ =	shalt  }
0x81: {  	_ =	shalt  }
0x82: {  	_ =	shalt  }
0x83: {  	_ =	shalt  }
0x84: {  	_ =	shalt  }
0x85: {  	_ =	shalt  }
0x86: {  	_ =	shalt  }
0x87: {  	_ =	shalt  }
.Lfunc_end0:
.L_simem_size_0:
called_computation.1_lowered:
.L_overlay_start_0:
0x88: {  	s2 =	sld [smem:$0x3FD9]  }
0x89: {  	s3 =	sld [smem:$0x3FFE];
	_ =	sdelay $0x1  }
0x8a: {  	s1 =	srdreg.scid  }
0x8b: {  	s0 =	sand.u32 $0x1, s1  }
0x8c: {  	s17 =	sshll.u32 s0, $0xA;
	s2 =	sadd.s32 s3, s2  }
0x8d: {  	s2 =	sadd.s32 s2, s17  }
0x8e: {  	[smem:$0x3FC7] =	sst s2  }
0x8f: {  	_ = 	snop  }
0x90: {  	s2 =	sld [smem:$0x3FD0];
	(tm) =	ssettm $0x1  }
0x91: {  	s18 =	sld [smem:$0x3FFB];
	_ =	sdelay $0x3  }
0x92: {  	_ =	strace s18  }
0x93: {  	s3 =	sld [smem:$0x3FFC];
	_ =	sdelay $0x3  }
0x94: {  	_ =	strace s3  }
0x95: {  	s3 =	sld [smem:$0x3FFD];
	_ =	sdelay $0x3  }
0x96: {  	_ =	strace s3  }
0x97: {  	_ =	strace $0x8FFFFFFF  }
0x98: {  	s19 =	sld [smem:$0x3FDB];
	_ =	sdelay $0x1  }
0x99: {  	s4 =	simm.s32 $_scs_section_size  }
0x9a: {  	s5 =	simm.s32 $_size__tile_overlayer_lowered;
	s6 =	simm.s32 $_tile_overlayer_lowered  }
0x9b: {  	s22 =	simm.s32 $0x1BFF;
	s21 =	sshll.u32 s6, $0x1;
	s3 =	sadd.s32 s4, s19  }
0x9c: {  	s7 =	simm.s32 $0x0;
	s20 =	sshll.u32 s5, $0x1;
	s5 =	sadd.s32 s21, s3  }
0x9d: {  	[timem:s7], [sflag:s22] =	dma.local [hbm:s5], s20  }
0x9e: {  	_ =	swait.ge [sflag:s22], s20  }
0x9f: {  	s4 =	ssub.s32 $0x0, s20;
	[sflag:s22] =	ssyncset.done $0x0  }
0xa0: {  	[sflag:s22] =	ssyncadd.s32 s4;
	_ =	sdelay $0x1  }
0xa1: {  	s23 =	simm.s32 $0x1B8B  }
0xa2: {  	_ =	swait.ge [sflag:s23], $0x1  }
0xa3: {  	[sflag:s23] =	ssyncset.done $0x0  }
0xa4: {  	s25 =	simm.s32 $0x1B8E;
	s24 =	sld [smem:$0x3FFE];
	[sflag:s23] =	ssyncadd.s32 $0xFFFFFFFF  }
0xa5: {  	s26 =	simm.s32 $execute0_lowered;
	[smem:$0x3FD2] =	sst s25  }
0xa6: {  	s5 =	sshll.u32 s26, $0x1;
	_ =	strace $0x80000046;
	[dreg:$0x1] =	wrdreg $0xFFFFFFFF  }
0xa7: {  	s28 =	simm.s32 $_size_execute0_lowered;
	s3 =	sadd.s32 s3, s5;
	[dreg:$0x0] =	wrdreg $0x0  }
0xa8: {  	s5 =	sshll.u32 s28, $0x1;
	[dreg:$0x2] =	wrdreg s3  }
0xa9: {  	[dreg:$0x3] =	wrdreg s5  }
0xaa: {  	[dreg:$0x4] =	wrdreg $0xC0  }
0xab: {  	_ =	task [dreg:s7], $0x5FFFF  }
0xac: {  	[dreg:$0x1] =	wrdreg $0xFFFFFFFF  }
0xad: {  	[dreg:$0x0] =	wrdreg $0x60  }
0xae: {  	[dreg:$0x2] =	wrdreg s24  }
0xaf: {  	[dreg:$0x3] =	wrdreg s2  }
0xb0: {  	[dreg:$0x4] =	wrdreg $0x9  }
0xb1: {  	_ =	task.clear_ibuf [dreg:s7], $0x5FFFF;
	_ =	strace $0x90000046  }
0xb2: {  	s29 =	simm.s32 $0x9;
	_ =	strace $0x80000048  }
0xb3: {  	_ =	swait.ge [sflag:s29], $0x1  }
0xb4: {  	[sflag:s29] =	ssyncadd.s32 $0xFFFFFFFF  }
0xb5: {  	_ =	strace $0x90000048  }
0xb6: {  	_ =	sfence  }
0xb7: {  	s30 =	sld [smem:$0x0];
	_ =	sdelay $0x2  }
0xb8: {  	s31 =	sshll.u32 s1, $0xD;
	s1 =	sshrl.u32 s1, $0x2  }
0xb9: {  	s3 =	sand.u32 $0x4000, s31;
	s1 =	sadd.s32 s1, s30  }
0xba: {  	s0 =	sor.u32 s3, s0;
	s1 =	sshll.u32 s1, $0x11  }
0xbb: {  	s0 =	sor.u32 s1, s0  }
0xbc: {  	s0 =	sadd.s32 $0x8F2B, s0  }
0xbd: {  	[sflag:s0] =	ssyncadd.remote.s32 $0x1  }
0xbe: {  	_ =	sfence.sel $0xFFFF  }
0xbf: {  	[dreg:$0x0] =	wrdreg $0xFFFFFFFF;
	(pc) =	sbr.abs _section_cstart, $3  }
0xc0: {  	[dreg:$0x1] =	wrdreg $0xFFFFFFFF  }
0xc1: {  	_ =	task.clear_ibuf [dreg:s7], $0x2FFFF;
	_ =	strace $0x9FFFFFFF  }
0xc2: {  	(tm) =	ssettm $0x7FFFFFFF  }
0xc3: {  	_ =	shalt  }
tec
execute0_lowered:
.L_overlay_start_1:
0x0: {  	(tag) =	ssettag $0x1  }
0x1: {  	v0 =	vimm.f32 $1.500000000e+01;
	vm0 =	vcmask $0x300  }
0x2: {  	vm14 =	vcmask $0x704;
	v0 =	vsel vm0, $0x0, v0  }
0x3: {  	vm15 =	vcmask $0xB08;
	v0 =	vsel vm14, $0x3F800000, v0  }
0x4: {  	vm4 =	vcmask $0xF0C;
	v0 =	vsel vm15, $0x40000000, v0  }
0x5: {  	vm5 =	vcmask $0x1310;
	v0 =	vsel vm4, $0x40400000, v0  }
0x6: {  	vm6 =	vcmask $0x1714;
	v0 =	vsel vm5, $0x40800000, v0  }
0x7: {  	vm7 =	vcmask $0x1B18;
	v0 =	vsel vm6, $0x40A00000, v0  }
0x8: {  	vm8 =	vcmask $0x1F1C;
	v0 =	vsel vm7, $0x40C00000, v0  }
0x9: {  	vm9 =	vcmask $0x2320;
	v0 =	vsel vm8, $0x40E00000, v0  }
0xa: {  	vm10 =	vcmask $0x2724;
	v0 =	vsel vm9, $0x41000000, v0  }
0xb: {  	vm11 =	vcmask $0x2B28;
	v0 =	vsel vm10, $0x41100000, v0  }
0xc: {  	vm12 =	vcmask $0x2F2C;
	v0 =	vsel vm11, $0x41200000, v0  }
0xd: {  	vm13 =	vcmask $0x3330;
	v0 =	vsel vm12, $0x41300000, v0  }
0xe: {  	v1 =	vsel vm13, $0x41400000, v0;
	v0 =	vlaneseq.u32  }
0xf: {  	s4 =	simm.s32 $0x0;
	vm14 =	vcmask $0x3734;
	v11 =	vmul.u32 $0xD8, v0  }
0x10: {  	[smem:$0x7FF] =	sst s4;
	vm15 =	vcmask $0x3B38;
	v1 =	vsel vm14, $0x41500000, v1  }
0x11: {  	s5 =	rddreg [dreg:$0x0];
	_ =	strace $0x80000047;
	v12 =	vsel vm15, $0x41600000, v1;
	[tilespmem:$0x1FF90] =	vst v11  }
0x12: {  	v1 =	vadd.s32 $0x6C00, v11;
	[tilespmem:$0x1FFA0] =	vst v12  }
0x13: {  	v9 =	vadd.s32 $0x5100, v11;
	[tilespmem:$0x1FEF0] =	vst v1  }
0x14: {  	v10 =	vadd.s32 $0x5E80, v11;
	[tilespmem:$0x1FF70] =	vst v9  }
0x15: {  	v13 =	vadd.s32 $0xD80, v11;
	[tilespmem:$0x1FF80] =	vst v10  }
0x16: {  	v14 =	vadd.s32 $0x1B00, v11;
	[tilespmem:$0x1FFB0] =	vst v13  }
0x17: {  	v15 =	vadd.s32 $0x2880, v11;
	[tilespmem:$0x1FFC0] =	vst v14  }
0x18: {  	v16 =	vadd.s32 $0x3600, v11;
	[tilespmem:$0x1FFD0] =	vst v15  }
0x19: {  	v17 =	vadd.s32 $0x4380, v11;
	[tilespmem:$0x1FFE0] =	vst v16  }
0x1a: {  	v1 =	vadd.s32 $0x7980, v11;
	[tilespmem:$0x1FFF0] =	vst v17  }
0x1b: {  	s0 =	srdreg.scid;
	[tilespmem:$0x1FF00] =	vst v1;
	v1 =	vadd.s32 $0x8700, v11  }
0x1c: {  	s2 =	stileid.u32;
	s0 =	sand.u32 $0x1, s0;
	[tilespmem:$0x1FF10] =	vst v1;
	v1 =	vadd.s32 $0x9480, v11  }
0x1d: {  	s9 =	simm.s32 $0x7D00;
	s10 =	simm.s32 $0xE290;
	s1 =	ssub.s32 $0x2, s0;
	[tilespmem:$0x1FF20] =	vst v1;
	v1 =	vadd.s32 $0xA200, v11  }
0x1e: {  	s2 =	sshll.u32 s2, $0x1;
	s29 =	sadd.s32 $0xE00, s5;
	s3 =	sshrl.u32 s1, $0x1;
	[tilespmem:$0x1FF30] =	vst v1;
	v1 =	vadd.s32 $0xAF80, v11  }
0x1f: {  	s2 =	sor.u32 s0, s2;
	[dreg:$0x4] =	wrdreg s29;
	s30 =	ssub.s32 s1, s3;
	[tilespmem:$0x1FF40] =	vst v1;
	v1 =	vadd.s32 $0xBD00, v11  }
0x20: {  	[dreg:$0x3] =	wrdreg s2;
	s31 =	sand.u32 $0x3, s2;
	s0 =	smax.u32 s30, $0x1;
	[tilespmem:$0x1FF50] =	vst v1;
	v1 =	vadd.s32 $0xCA80, v11  }
0x21: {  	p0 =	sne.s32 s31, $0x0;
	s1 =	simm.s32 $0x0;
	[dreg:$0x5] =	wrdreg s0;
	[tilespmem:$0x1FF60] =	vst v1  }
.LBB2_1:
0x22: {  	[dreg:$0x6] =	wrdreg s1  }
0x23: {  	s0 =	rddreg [dreg:$0x4];
	s30 =	simm.s32 $0x1  }
0x24: {  	[tilespmem:s4], [sflag:$0x1] =	stream.linear.gather [hbm4b:s0+s4], $0x7D00, $0x38;
	[tilespmem:$0x1BA90] =	vst v63  }
0x25: {  	_ =	swait.ge [sflag:s30], $0x7D00  }
0x26: {  	[sflag:s30] =	ssyncset.done $0x0  }
0x27: {  	[sflag:s30] =	ssyncadd.s32 $0xFFFF8300  }
0x28: {  	s31 =	rddreg [dreg:$0x0]  }
0x29: {  	[tilespmem:s9], [sflag:$0x1] =	stream.linear.gather [hbm4b:s31+s4], $0x6590, $0x38;
	[tilespmem:$0x1BA90] =	vst v63  }
0x2a: {  	_ =	swait.ge [sflag:s30], $0x6590  }
0x2b: {  	[sflag:s30] =	ssyncset.done $0x0  }
0x2c: {  	s12 =	simm.s32 $0x0;
	[sflag:s30] =	ssyncadd.s32 $0xFFFF9A70  }
.LBB2_2:
0x2d: {  	s0 =	sshll.u32 s12, $0x5;
	s5 =	sshrl.u32 s12, $0x3;
	s1 =	rddreg [dreg:$0x3]  }
0x2e: {  	s0 =	sor.u32 s1, s0;
	s22 =	sshll.u32 s5, $0x8  }
0x2f: {  	s2 =	ssub.s32 s0, s22;
	p1 =	sne.s32 s0, s22;
	s0 =	simm.s32 $0x1  }
0x30: {  	s23 =	sshra.s32 s2, $0x1F;
	s0 =	simm.s32 @!p1 $0x0  }
0x31: {  	s0 =	sor.u32 s0, s23  }
0x32: {  	p5 =	sne.s32 s0, $0x1  }
0x33: {  	s24 =	sshrl.u32 s23, $0x1E;
	p1 =	por !p0, !p5  }
0x34: {  	s1 =	simm.s32 $0x1;
	s0 =	sadd.s32 s24, s2;
	p1 =	por !p1, !p1  }
0x35: {  	s0 =	sshra.s32 s0, $0x2;
	s1 =	simm.s32 @!p1 $0x0  }
0x36: {  	s14 =	ssub.s32 s0, s1  }
0x37: {  	s0 =	sand.u32 $0x7, s14  }
0x38: {  	s1 =	sshra.s32 s14, $0x1F;
	p6 =	slt.s32 s14, $0x1;
	p2 =	sne.s32 s0, $0x0  }
0x39: {  	s25 =	sshrl.u32 s1, $0x1D;
	p1 =	por !p6, !p2  }
0x3a: {  	s1 =	simm.s32 $0x1;
	s0 =	sadd.s32 s25, s14;
	p1 =	por !p1, !p1  }
0x3b: {  	s0 =	sshra.s32 s0, $0x3;
	s1 =	simm.s32 @!p1 $0x0  }
0x3c: {  	s24 =	ssub.s32 s0, s1  }
0x3d: {  	s0 =	sadd.s32 $0x1, s24  }
0x3e: {  	s16 =	simm.f32 $5.000000000e-01;
	s26 =	scvt.s32.f32 s14;
	p1 =	seq.s32 s0, $0x2  }
0x3f: {  	s16 =	simm.s32 @!p1 $0x3F800000;
	p1 =	seq.s32 s0, $0x3  }
0x40: {  	s3 =	sadd.f32 s26, s26;
	s16 =	simm.s32 @p1 $0x3EAAAAAB;
	p1 =	seq.s32 s0, $0x4  }
0x41: {  	s16 =	simm.s32 @p1 $0x3E800000;
	p1 =	seq.s32 s0, $0x5  }
0x42: {  	s3 =	sadd.f32 $1.000000000e+00, s3;
	s16 =	simm.s32 @p1 $0x3E4CCCCD;
	p1 =	seq.s32 s0, $0x6  }
0x43: {  	s1 =	sadd.f32 $1.000000000e+00, s26;
	s16 =	simm.s32 @p1 $0x3E2AAAAB;
	p1 =	seq.s32 s0, $0x7  }
0x44: {  	s17 =	smul.f32 $6.250000000e-02, s3;
	s16 =	simm.s32 @p1 $0x3E124925;
	p1 =	seq.s32 s0, $0x8  }
0x45: {  	s30 =	ssub.f32 $0.0e+00, s1;
	s16 =	simm.s32 @p1 $0x3E000000  }
0x46: {  	s18 =	smul.f32 s16, s17  }
0x47: {  	s19 =	smul.f32 $5.000000000e-01, s30  }
0x48: {  	s20 =	smul.f32 $5.000000000e-01, s18;
	_ =	sdelay $0x1  }
0x49: {  	s3 =	sadd.f32 s20, s19;
	_ =	sdelay $0x1  }
0x4a: {  	s6 =	scvt.f32.s32 s3;
	_ =	sdelay $0x1  }
0x4b: {  	s7 =	scvt.s32.f32 s6;
	_ =	sdelay $0x1  }
0x4c: {  	p1 =	slt.f32 s3, s7  }
0x4d: {  	s3 =	simm.s32 $0x1  }
0x4e: {  	s3 =	simm.s32 @!p1 $0x0  }
0x4f: {  	s23 =	ssub.s32 s3, s6  }
0x50: {  	p1 =	slt.s32 s23, $0x1  }
.Ltmp0:
0x51: {  	_ = 	snop;
	(pc) =	sbr.rel @p1 .LBB2_10-.Ltmp0, $4  }
0x52: {  	s22 =	smul.u32 $0xC8, s5;
	s31 =	sshll.u32 s14, $0x2  }
0x53: {  	s2 =	ssub.s32 s2, s31  }
0x54: {  	[dreg:$0x7] =	wrdreg s5;
	v19 =	vmov s22;
	s28 =	sshll.u32 s2, $0x4  }
0x55: {  	v20 =	vor.u32 $0x1, v19;
	[dreg:$0x8] =	wrdreg s2;
	v18 =	vmov s28;
	s29 =	smul.f32 $5.000000000e-01, s1  }
.Ltmp1:
0x56: {  	(pc) =	sbr.rel .LBB2_4-.Ltmp1, $2  }
0x57: {  	_ =	sdelay $0x2  }
0x58: {  	s1 =	simm.s32 $0x0  }
.LBB2_5:
0x59: {  	v34 =	vimm.f32 $0.0e+00  }
0x5a: {  	v29 =	vimm.f32 $0.0e+00;
	v3 =	vimm.f32 $0.0e+00;
	v30 =	vimm.f32 $0.0e+00  }
0x5b: {  	v22 =	vimm.f32 $0.0e+00;
	v26 =	vimm.f32 $0.0e+00;
	v32 =	vimm.f32 $0.0e+00  }
0x5c: {  	v2 =	vimm.f32 $0.0e+00;
	v33 =	vimm.f32 $0.0e+00;
	v23 =	vimm.f32 $0.0e+00  }
0x5d: {  	v21 =	vimm.f32 $0.0e+00;
	v28 =	vimm.f32 $0.0e+00;
	v1 =	vimm.f32 $0.0e+00  }
0x5e: {  	v27 =	vimm.f32 $0.0e+00;
	v24 =	vimm.f32 $0.0e+00;
	v25 =	vimm.f32 $0.0e+00  }
.LBB2_9:
0x5f: {  	v4 =	vmov s1  }
0x60: {  	v4 =	vand.u32 $0x7FFFFFFF, v4  }
0x61: {  	v5 =	vadd.s32 v11, v4  }
0x62: {  	v6 =	vadd.s32 v13, v4  }
0x63: {  	v7 =	vadd.s32 v14, v4  }
0x64: {  	v8 =	vadd.s32 v15, v4  }
0x65: {  	v31 =	vadd.s32 v16, v4  }
0x66: {  	v57 =	vadd.s32 v17, v4;
	[tilespmem:v5+s10+$0x0] =	vst.idx.msk $0xffff, v34  }
0x67: {  	v58 =	vadd.s32 v9, v4;
	[tilespmem:v6+s10+$0x0] =	vst.idx.msk $0xffff, v29  }
0x68: {  	[tilespmem:v7+s10+$0x0] =	vst.idx.msk $0xffff, v3;
	v3 =	vadd.s32 v10, v4  }
0x69: {  	v59 =	vld [tilespmem:$0x1FEF0];
	[tilespmem:v8+s10+$0x0] =	vst.idx.msk $0xffff, v30  }
0x6a: {  	v8 =	vld [tilespmem:$0x1FF00];
	[tilespmem:v31+s10+$0x0] =	vst.idx.msk $0xffff, v22  }
0x6b: {  	v60 =	vld [tilespmem:$0x1FF10];
	[tilespmem:v57+s10+$0x0] =	vst.idx.msk $0xffff, v26  }
0x6c: {  	v61 =	vld [tilespmem:$0x1FF20];
	[tilespmem:v58+s10+$0x0] =	vst.idx.msk $0xffff, v32  }
0x6d: {  	[tilespmem:v3+s10+$0x0] =	vst.idx.msk $0xffff, v2;
	v2 =	vld [tilespmem:$0x1FF30]  }
0x6e: {  	v7 =	vadd.s32 v59, v4;
	v3 =	vld [tilespmem:$0x1FF40]  }
0x6f: {  	v62 =	vld [tilespmem:$0x1FF50];
	v8 =	vadd.s32 v8, v4  }
0x70: {  	v63 =	vld [tilespmem:$0x1FF60];
	v5 =	vadd.s32 v60, v4  }
0x71: {  	v6 =	vadd.s32 v61, v4  }
0x72: {  	v2 =	vadd.s32 v2, v4  }
0x73: {  	[tilespmem:v7+s10+$0x0] =	vst.idx.msk $0xffff, v33;
	v3 =	vadd.s32 v3, v4  }
0x74: {  	s1 =	sadd.s32 $0x1, s1;
	v7 =	vadd.s32 v62, v4;
	[tilespmem:v8+s10+$0x0] =	vst.idx.msk $0xffff, v23  }
0x75: {  	p1 =	sne.s32 s1, s23;
	v4 =	vadd.s32 v63, v4;
	[tilespmem:v5+s10+$0x0] =	vst.idx.msk $0xffff, v21  }
.Ltmp2:
0x76: {  	[tilespmem:v6+s10+$0x0] =	vst.idx.msk $0xffff, v28;
	(pc) =	sbr.rel @!p1 .LBB2_10-.Ltmp2, $4  }
0x77: {  	[tilespmem:v2+s10+$0x0] =	vst.idx.msk $0xffff, v1  }
0x78: {  	[tilespmem:v3+s10+$0x0] =	vst.idx.msk $0xffff, v27  }
0x79: {  	[tilespmem:v7+s10+$0x0] =	vst.idx.msk $0xffff, v24  }
0x7a: {  	[tilespmem:v4+s10+$0x0] =	vst.idx.msk $0xffff, v25  }
.LBB2_4:
0x7b: {  	s2 =	sadd.s32 s14, s1  }
0x7c: {  	s3 =	smov.u32 s0;
	p1 =	slt.s32 s2, $0xC8  }
0x7d: {  	s3 =	simm.s32 @!p1 $0x1  }
0x7e: {  	p2 =	slt.s32 s3, $0x1  }
.Ltmp3:
0x7f: {  	_ = 	snop;
	(pc) =	sbr.rel @p2 .LBB2_5-.Ltmp3, $1  }
0x80: {  	_ =	sdelay $0x3  }
0x81: {  	s2 =	scvt.s32.f32 s1;
	s6 =	simm.s32 $0x0  }
0x82: {  	s7 =	smov.u32 s16;
	s11 =	smov.u32 s17;
	s6 =	scvt.s32.f32 s6  }
0x83: {  	s7 =	simm.s32 @!p1 $0x3F800000;
	s11 =	simm.s32 @!p1 $0x3D800000;
	s2 =	ssub.f32 s2, s29  }
0x84: {  	v1 =	vmul.f32 s11, v12;
	s15 =	smul.f32 s7, s11;
	s6 =	sadd.f32 $5.000000000e-01, s6  }
0x85: {  	s2 =	simm.s32 @!p1 $0x0  }
0x86: {  	v21 =	vadd.f32 s2, v1;
	s31 =	smul.f32 s6, s15;
	_ =	sdelay $0x1  }
0x87: {  	v1 =	vadd.f32 s31, v21;
	_ =	sdelay $0x1  }
0x88: {  	v2 =	vmax.f32 v1, $0.0e+00  }
0x89: {  	v3 =	vtrunc.f32 v2  }
0x8a: {  	v3 =	vcvt.f32.s32 v3;
	_ =	sdelay $0x1  }
0x8b: {  	vm0 =	vlt.s32 v3, $0xC7  }
0x8c: {  	v23 =	vnsel vm0, $0xC7, v3  }
0x8d: {  	v22 =	vadd.s32 v19, v23  }
0x8e: {  	v24 =	vmul.u32 $0x50, v22;
	v25 =	vshrl.u32 v22, $0x2  }
0x8f: {  	vm14 =	vlt.s32 v3, $0xC6;
	v22 =	vadd.s32 v22, v25  }
0x90: {  	v3 =	vnsel vm14, $0xC6, v3;
	v25 =	vand.u32 $0xF, v22;
	v24 =	vadd.s32 v18, v24  }
0x91: {  	v3 =	vadd.s32 v3, v20;
	v24 =	vor.u32 v25, v24  }
0x92: {  	vm15 =	vge.f32 v1, $-1.000000000e+00;
	v27 =	vshrl.u32 v3, $0x2;
	v28 =	vadd.s32 $0x4, v24  }
0x93: {  	vm1 =	vle.f32 v1, $2.000000000e+02;
	v1 =	vadd.s32 v3, v27;
	v27 =	vadd.s32 $0x2, v24  }
0x94: {  	v33 =	vimm.f32 $0.0e+00;
	v23 =	vcvt.s32.f32 v23;
	v31 =	vadd.s32 $0x3, v24  }
0x95: {  	vm0 =	vmand vm15, vm1;
	v3 =	vmul.u32 $0x50, v3;
	v30 =	vadd.s32 $0x1, v24  }
0x96: {  	v2 =	vsub.f32 v2, v23;
	v26 =	vand.u32 $0x7, v22;
	v35 =	vadd.s32 $0xA, v24  }
0x97: {  	v22 =	vmov s7;
	v37 =	vand.u32 $0xF, v1;
	v29 =	vadd.s32 $0x5, v24;
	v39 =	vld.idx.msk [tilespmem:v28+s4+$0x0], $0xffff  }
0x98: {  	v3 =	vadd.s32 v18, v3;
	v25 =	vand.u32 $0xFFFFFFF8, v24;
	v38 =	vadd.s32 $0x6, v24;
	v27 =	vld.idx.msk [tilespmem:v27+s4+$0x0], $0xffff  }
0x99: {  	v1 =	vand.u32 $0x7, v1;
	v45 =	vor.u32 v37, v3;
	v25 =	vor.u32 v26, v25;
	v31 =	vld.idx.msk [tilespmem:v31+s4+$0x0], $0xffff  }
0x9a: {  	v40 =	vnsel vm0, $0x0, v22;
	v34 =	vadd.s32 $0x7, v24;
	v46 =	vadd.s32 $0xC, v45;
	v30 =	vld.idx.msk [tilespmem:v30+s4+$0x0], $0xffff  }
0x9b: {  	v32 =	vadd.s32 $0xF, v24;
	v36 =	vadd.s32 $0xE, v24;
	v26 =	vadd.s32 $0x8, v25;
	v42 =	vld.idx.msk [tilespmem:v35+s4+$0x0], $0xffff  }
0x9c: {  	v3 =	vadd.s32 $0x9, v24;
	v23 =	vmul.f32 v2, v40;
	v28 =	vadd.s32 $0xD, v24;
	v29 =	vld.idx.msk [tilespmem:v29+s4+$0x0], $0xffff  }
0x9d: {  	v41 =	vadd.s32 $0xB, v24;
	v49 =	vadd.s32 $0xC, v24;
	v2 =	vand.u32 $0xFFFFFFF8, v45;
	v50 =	vld.idx.msk [tilespmem:v38+s4+$0x0], $0xffff  }
0x9e: {  	v44 =	vadd.s32 $0x6, v45;
	v60 =	vadd.s32 $0x4, v45;
	v55 =	vadd.s32 $0x5, v45;
	v25 =	vld.idx.msk [tilespmem:v25+s4+$0x0], $0xffff  }
0x9f: {  	v7 =	vadd.s32 $0xA, v45;
	v62 =	vadd.s32 $0x1, v45;
	v47 =	vadd.s32 $0x2, v45;
	v57 =	vld.idx.msk [tilespmem:v46+s4+$0x0], $0xffff  }
0xa0: {  	v63 =	vadd.s32 $0x3, v45;
	v53 =	vadd.s32 $0x9, v45;
	v35 =	vsub.f32 v40, v23;
	v26 =	vld.idx.msk [tilespmem:v26+s4+$0x0], $0xffff  }
0xa1: {  	v61 =	vadd.s32 $0xD, v45;
	v37 =	vor.u32 v1, v2;
	v2 =	vadd.s32 $0x7, v45;
	v1 =	vld.idx.msk [tilespmem:v28+s4+$0x0], $0xffff  }
0xa2: {  	v43 =	vadd.s32 $0x8, v37;
	v38 =	vimm.f32 $0.0e+00;
	v28 =	vld.idx.msk [tilespmem:v36+s4+$0x0], $0xffff;
	v27 =	vmul.f32 v27, v35  }
0xa3: {  	v46 =	vimm.f32 $0.0e+00;
	v54 =	vmul.f32 v42, v35;
	v24 =	vmul.f32 v25, v35;
	v25 =	vld.idx.msk [tilespmem:v32+s4+$0x0], $0xffff  }
0xa4: {  	v51 =	vld.idx.msk [tilespmem:v41+s4+$0x0], $0xffff;
	v30 =	vmul.f32 v30, v35;
	v59 =	vmul.f32 v29, v35;
	v29 =	vimm.f32 $0.0e+00  }
0xa5: {  	p1 =	sne.s32 s3, $0x1;
	v52 =	vld.idx.msk [tilespmem:v3+s4+$0x0], $0xffff;
	v32 =	vadd.s32 $0xB, v45;
	v36 =	vadd.f32 v27, v33;
	v27 =	vmul.f32 v31, v35  }
.Ltmp4:
0xa6: {  	v56 =	vld.idx.msk [tilespmem:v44+s4+$0x0], $0xffff;
	v3 =	vmul.f32 v26, v35;
	v42 =	vadd.f32 v30, v33;
	v30 =	vimm.f32 $0.0e+00;
	(pc) =	sbr.rel @!p1 .LBB2_8-.Ltmp4, $4  }
0xa7: {  	v58 =	vld.idx.msk [tilespmem:v7+s4+$0x0], $0xffff;
	v24 =	vadd.f32 v24, v33;
	v44 =	vadd.f32 v27, v33;
	v1 =	vmul.f32 v1, v35  }
0xa8: {  	v48 =	vld.idx.msk [tilespmem:v2+s4+$0x0], $0xffff;
	v27 =	vimm.f32 $0.0e+00;
	v26 =	vmul.f32 v28, v35;
	v2 =	vmul.f32 v25, v35  }
0xa9: {  	v60 =	vld.idx.msk [tilespmem:v60+s4+$0x0], $0xffff;
	v28 =	vadd.f32 v3, v33;
	v25 =	vimm.f32 $0.0e+00;
	v40 =	vadd.f32 v1, v33  }
0xaa: {  	s6 =	simm.s32 $0x1;
	v62 =	vld.idx.msk [tilespmem:v62+s4+$0x0], $0xffff;
	v31 =	vadd.f32 v26, v33;
	v26 =	vimm.f32 $0.0e+00;
	v41 =	vadd.f32 v2, v33  }
.LBB2_7:
0xab: {  	s2 =	scvt.s32.f32 s6;
	s6 =	sadd.s32 $0x1, s6;
	v1 =	vmul.f32 v39, v35;
	v2 =	vld.idx.msk [tilespmem:v55+s4+$0x0], $0xffff;
	v3 =	vadd.s32 $0xE, v45;
	v39 =	vadd.s32 $0xF, v45  }
0xac: {  	v55 =	vmul.f32 v56, v23;
	p1 =	sne.s32 s3, s6;
	v45 =	vld.idx.msk [tilespmem:v63+s4+$0x0], $0xffff  }
0xad: {  	v33 =	vadd.f32 v59, v33;
	v51 =	vmul.f32 v51, v35;
	v56 =	vmul.f32 v58, v23;
	s2 =	sadd.f32 $5.000000000e-01, s2;
	v34 =	vld.idx.msk [tilespmem:v34+s4+$0x0], $0xffff  }
0xae: {  	v52 =	vmul.f32 v52, v35;
	v29 =	vadd.f32 v54, v29;
	v49 =	vld.idx.msk [tilespmem:v49+s4+$0x0], $0xffff  }
0xaf: {  	v1 =	vadd.f32 v1, v30;
	v54 =	vmul.f32 v57, v23;
	v30 =	vmul.f32 v60, v23;
	s2 =	smul.f32 s2, s15;
	v57 =	vld.idx.msk [tilespmem:v61+s4+$0x0], $0xffff  }
0xb0: {  	v46 =	vadd.f32 v51, v46;
	v29 =	vadd.f32 v56, v29;
	v58 =	vmul.f32 v62, v23;
	v43 =	vld.idx.msk [tilespmem:v43+s4+$0x0], $0xffff  }
0xb1: {  	v30 =	vadd.f32 v30, v1;
	v1 =	vmul.f32 v2, v23;
	v51 =	vadd.f32 s2, v21;
	v37 =	vld.idx.msk [tilespmem:v37+s4+$0x0], $0xffff  }
0xb2: {  	v42 =	vadd.f32 v58, v42;
	v45 =	vmul.f32 v45, v23;
	v2 =	vld.idx.msk [tilespmem:v47+s4+$0x0], $0xffff;
	v47 =	vmul.f32 v48, v23  }
0xb3: {  	v50 =	vmul.f32 v50, v35;
	v34 =	vmul.f32 v34, v35;
	v48 =	vmax.f32 v51, $0.0e+00;
	v3 =	vld.idx.msk [tilespmem:v3+s4+$0x0], $0xffff  }
0xb4: {  	v38 =	vadd.f32 v52, v38;
	v35 =	vmul.f32 v49, v35;
	v56 =	vtrunc.f32 v48;
	v53 =	vld.idx.msk [tilespmem:v53+s4+$0x0], $0xffff  }
0xb5: {  	v44 =	vadd.f32 v45, v44;
	v27 =	vadd.f32 v34, v27;
	v49 =	vcvt.f32.s32 v56;
	v34 =	vld.idx.msk [tilespmem:v39+s4+$0x0], $0xffff  }
0xb6: {  	vm0 =	vge.f32 v51, $-1.000000000e+00;
	vm1 =	vle.f32 v51, $2.000000000e+02;
	v43 =	vmul.f32 v43, v23  }
0xb7: {  	v27 =	vadd.f32 v47, v27;
	vm2 =	vlt.s32 v49, $0xC7;
	vm3 =	vlt.s32 v49, $0xC6  }
0xb8: {  	v2 =	vmul.f32 v2, v23;
	v39 =	vnsel vm2, $0xC7, v49;
	v45 =	vnsel vm3, $0xC6, v49  }
0xb9: {  	v49 =	vmul.f32 v57, v23;
	v47 =	vadd.s32 v19, v39;
	v45 =	vadd.s32 v45, v20  }
0xba: {  	v53 =	vmul.f32 v53, v23;
	v51 =	vmul.u32 $0x50, v47;
	v52 =	vshrl.u32 v47, $0x2  }
0xbb: {  	v37 =	vmul.f32 v37, v23;
	v47 =	vadd.s32 v47, v52;
	v52 =	vshrl.u32 v45, $0x2  }
0xbc: {  	v3 =	vmul.f32 v3, v23;
	v56 =	vand.u32 $0xF, v47;
	v51 =	vadd.s32 v18, v51  }
0xbd: {  	v2 =	vadd.f32 v2, v36;
	v52 =	vadd.s32 v45, v52;
	v51 =	vor.u32 v56, v51  }
0xbe: {  	v34 =	vmul.f32 v34, v23;
	v47 =	vand.u32 $0x7, v47;
	v36 =	vand.u32 $0xFFFFFFF8, v51  }
0xbf: {  	v40 =	vadd.f32 v49, v40;
	v36 =	vor.u32 v47, v36;
	v47 =	vadd.s32 $0x5, v51  }
0xc0: {  	v41 =	vadd.f32 v34, v41;
	v49 =	vadd.s32 $0x1, v51;
	v56 =	vadd.s32 $0x8, v36  }
0xc1: {  	v25 =	vadd.f32 v35, v25;
	v57 =	vadd.s32 $0x3, v51;
	v58 =	vadd.s32 $0x4, v51;
	v32 =	vld.idx.msk [tilespmem:v32+s4+$0x0], $0xffff  }
0xc2: {  	v26 =	vadd.f32 v50, v26;
	v35 =	vadd.s32 $0x2, v51;
	v59 =	vadd.s32 $0x6, v51  }
0xc3: {  	v25 =	vadd.f32 v54, v25;
	v34 =	vadd.s32 $0x7, v51;
	v50 =	vadd.s32 $0xF, v51  }
0xc4: {  	v33 =	vadd.f32 v1, v33;
	v54 =	vand.u32 $0x7, v52;
	v60 =	vadd.s32 $0x9, v51;
	v36 =	vld.idx.msk [tilespmem:v36+s4+$0x0], $0xffff  }
0xc5: {  	v26 =	vadd.f32 v55, v26;
	v61 =	vadd.s32 $0xB, v51;
	v1 =	vld.idx.msk [tilespmem:v56+s4+$0x0], $0xffff;
	v56 =	vadd.s32 $0xA, v51  }
0xc6: {  	vm0 =	vmand vm0, vm1;
	v55 =	vcvt.s32.f32 v39;
	v38 =	vadd.f32 v53, v38;
	v39 =	vld.idx.msk [tilespmem:v58+s4+$0x0], $0xffff  }
0xc7: {  	v58 =	vadd.s32 $0xE, v51;
	v23 =	vmul.f32 v32, v23;
	v53 =	vld.idx.msk [tilespmem:v35+s4+$0x0], $0xffff;
	v35 =	vadd.s32 $0xD, v51  }
0xc8: {  	v28 =	vadd.f32 v43, v28;
	v32 =	vmul.u32 $0x50, v45;
	v45 =	vand.u32 $0xF, v52;
	v62 =	vld.idx.msk [tilespmem:v50+s4+$0x0], $0xffff  }
0xc9: {  	v43 =	vsub.f32 v48, v55;
	v48 =	vnsel vm0, $0x0, v22;
	v46 =	vadd.f32 v23, v46;
	v57 =	vld.idx.msk [tilespmem:v57+s4+$0x0], $0xffff  }
0xca: {  	v24 =	vadd.f32 v37, v24;
	v3 =	vadd.f32 v3, v31;
	v23 =	vadd.s32 v18, v32;
	v50 =	vld.idx.msk [tilespmem:v49+s4+$0x0], $0xffff  }
0xcb: {  	v45 =	vor.u32 v45, v23;
	v31 =	vld.idx.msk [tilespmem:v56+s4+$0x0], $0xffff  }
0xcc: {  	v23 =	vmul.f32 v43, v48;
	v32 =	vand.u32 $0xFFFFFFF8, v45;
	v56 =	vadd.s32 $0x6, v45;
	v63 =	vld.idx.msk [tilespmem:v35+s4+$0x0], $0xffff  }
0xcd: {  	v4 =	vadd.s32 $0x7, v45;
	v5 =	vadd.s32 $0xC, v45;
	v37 =	vor.u32 v54, v32;
	v58 =	vld.idx.msk [tilespmem:v58+s4+$0x0], $0xffff  }
0xce: {  	v49 =	vadd.s32 $0xC, v51;
	v35 =	vsub.f32 v48, v23;
	v43 =	vadd.s32 $0x8, v37;
	v6 =	vld.idx.msk [tilespmem:v47+s4+$0x0], $0xffff  }
0xcf: {  	v7 =	vadd.s32 $0x4, v45;
	v55 =	vadd.s32 $0x5, v45;
	v8 =	vadd.s32 $0xA, v45;
	v51 =	vld.idx.msk [tilespmem:v61+s4+$0x0], $0xffff  }
0xd0: {  	v32 =	vadd.s32 $0xB, v45;
	v36 =	vmul.f32 v36, v35;
	v61 =	vadd.s32 $0x1, v45;
	v52 =	vld.idx.msk [tilespmem:v60+s4+$0x0], $0xffff  }
0xd1: {  	v47 =	vadd.s32 $0x2, v45;
	v53 =	vmul.f32 v53, v35;
	v54 =	vmul.f32 v31, v35;
	v56 =	vld.idx.msk [tilespmem:v56+s4+$0x0], $0xffff  }
0xd2: {  	v24 =	vadd.f32 v36, v24;
	v31 =	vmul.f32 v50, v35;
	v48 =	vld.idx.msk [tilespmem:v4+s4+$0x0], $0xffff;
	v4 =	vmul.f32 v63, v35  }
.Ltmp5:
0xd3: {  	v1 =	vmul.f32 v1, v35;
	v36 =	vadd.f32 v53, v2;
	v2 =	vmul.f32 v58, v35;
	v50 =	vld.idx.msk [tilespmem:v59+s4+$0x0], $0xffff;
	(pc) =	sbr.rel @p1 .LBB2_7-.Ltmp5, $4  }
0xd4: {  	v42 =	vadd.f32 v31, v42;
	v63 =	vadd.s32 $0x3, v45;
	v31 =	vmul.f32 v57, v35;
	v58 =	vld.idx.msk [tilespmem:v8+s4+$0x0], $0xffff  }
0xd5: {  	v28 =	vadd.f32 v1, v28;
	v1 =	vmul.f32 v62, v35;
	v59 =	vmul.f32 v6, v35;
	v57 =	vld.idx.msk [tilespmem:v5+s4+$0x0], $0xffff  }
0xd6: {  	v53 =	vadd.s32 $0x9, v45;
	v44 =	vadd.f32 v31, v44;
	v40 =	vadd.f32 v4, v40;
	v60 =	vld.idx.msk [tilespmem:v7+s4+$0x0], $0xffff  }
0xd7: {  	v41 =	vadd.f32 v1, v41;
	v31 =	vadd.f32 v2, v3;
	v62 =	vld.idx.msk [tilespmem:v61+s4+$0x0], $0xffff;
	v61 =	vadd.s32 $0xD, v45  }
.LBB2_8:
0xd8: {  	_ =	sdelay $0x3  }
0xd9: {  	v1 =	vld.idx.msk [tilespmem:v55+s4+$0x0], $0xffff  }
0xda: {  	v2 =	vld.idx.msk [tilespmem:v63+s4+$0x0], $0xffff  }
0xdb: {  	v3 =	vmul.f32 v39, v35;
	v4 =	vadd.s32 $0xF, v45;
	v5 =	vld.idx.msk [tilespmem:v34+s4+$0x0], $0xffff  }
0xdc: {  	v6 =	vadd.s32 $0xE, v45;
	v7 =	vmul.f32 v56, v23;
	v8 =	vadd.f32 v59, v33;
	v63 =	vld.idx.msk [tilespmem:v49+s4+$0x0], $0xffff  }
0xdd: {  	v22 =	vmul.f32 v51, v35;
	v29 =	vadd.f32 v54, v29;
	v54 =	vld.idx.msk [tilespmem:v61+s4+$0x0], $0xffff;
	v55 =	vmul.f32 v52, v35  }
0xde: {  	v43 =	vld.idx.msk [tilespmem:v43+s4+$0x0], $0xffff;
	v61 =	vmul.f32 v50, v35;
	v21 =	vmul.f32 v58, v23;
	v3 =	vadd.f32 v3, v30  }
0xdf: {  	v56 =	vld.idx.msk [tilespmem:v47+s4+$0x0], $0xffff;
	v57 =	vmul.f32 v57, v23;
	v46 =	vadd.f32 v22, v46;
	v30 =	vmul.f32 v60, v23  }
0xe0: {  	v32 =	vld.idx.msk [tilespmem:v32+s4+$0x0], $0xffff;
	v38 =	vadd.f32 v55, v38;
	v60 =	vmul.f32 v48, v23;
	v58 =	vmul.f32 v62, v23  }
0xe1: {  	v21 =	vadd.f32 v21, v29;
	v59 =	vmul.f32 v1, v23;
	v1 =	vld.idx.msk [tilespmem:v4+s4+$0x0], $0xffff;
	v2 =	vmul.f32 v2, v23  }
0xe2: {  	v22 =	vadd.f32 v30, v3;
	v3 =	vmul.f32 v5, v35;
	v4 =	vld.idx.msk [tilespmem:v53+s4+$0x0], $0xffff;
	v33 =	vmul.f32 v63, v35  }
0xe3: {  	v5 =	vld.idx.msk [tilespmem:v37+s4+$0x0], $0xffff;
	v62 =	vmul.f32 v43, v23;
	v63 =	vadd.f32 v61, v26;
	v29 =	vadd.f32 v58, v42  }
0xe4: {  	v6 =	vld.idx.msk [tilespmem:v6+s4+$0x0], $0xffff;
	v34 =	vmul.f32 v54, v23;
	v3 =	vadd.f32 v3, v27;
	v30 =	vadd.f32 v2, v44  }
0xe5: {  	v27 =	vmul.f32 v56, v23;
	v33 =	vadd.f32 v33, v25;
	v26 =	vadd.f32 v59, v8  }
0xe6: {  	v8 =	vmul.f32 v32, v23;
	v32 =	vadd.f32 v7, v63;
	v1 =	vmul.f32 v1, v23  }
.Ltmp6:
0xe7: {  	v2 =	vadd.f32 v60, v3;
	v3 =	vadd.f32 v27, v36;
	v4 =	vmul.f32 v4, v23;
	(pc) =	sbr.rel .LBB2_9-.Ltmp6, $4  }
0xe8: {  	v27 =	vadd.f32 v34, v40;
	v5 =	vmul.f32 v5, v23;
	v25 =	vadd.f32 v1, v41  }
0xe9: {  	v6 =	vmul.f32 v6, v23;
	v1 =	vadd.f32 v57, v33;
	v23 =	vadd.f32 v4, v38  }
0xea: {  	v33 =	vadd.f32 v62, v28;
	v28 =	vadd.f32 v8, v46  }
0xeb: {  	v34 =	vadd.f32 v5, v24;
	v24 =	vadd.f32 v6, v31  }
.LBB2_10:
0xec: {  	s1 =	scvt.s32.f32 s0;
	_ =	sdelay $0x1  }
0xed: {  	s2 =	smul.f32 $1.500000000e+01, s17;
	s1 =	sadd.f32 $-5.000000000e-01, s1  }
0xee: {  	_ = 	snop  }
0xef: {  	s2 =	sadd.f32 s2, s19;
	s25 =	smul.f32 s18, s1  }
0xf0: {  	_ = 	snop  }
0xf1: {  	s1 =	sadd.f32 s25, s2;
	_ =	sdelay $0x1  }
0xf2: {  	s2 =	scvt.f32.s32 s1;
	_ =	sdelay $0x1  }
0xf3: {  	s3 =	scvt.s32.f32 s2;
	_ =	sdelay $0x1  }
0xf4: {  	p1 =	slt.f32 s1, s3  }
0xf5: {  	s1 =	simm.s32 $0xC8  }
0xf6: {  	s2 =	sadd.s32 s2, s23;
	s1 =	simm.s32 @!p1 $0xC7  }
0xf7: {  	s1 =	ssub.s32 s1, s2  }
0xf8: {  	p1 =	sgt.s32 s1, $0x0  }
0xf9: {  	p2 =	slt.s32 s1, $0x1;
	s1 =	simm.s32 @!p1 $0x0  }
0xfa: {  	s26 =	sand.u32 $0xF, s1  }
0xfb: {  	p6 =	sne.s32 s26, $0x0  }
0xfc: {  	p1 =	por !p2, !p6  }
0xfd: {  	s2 =	simm.s32 $0x1;
	p1 =	por !p1, !p1  }
0xfe: {  	s30 =	ssub.s32 $0xD7, s14;
	s1 =	sshrl.u32 s1, $0x4;
	s2 =	simm.s32 @!p1 $0x0  }
0xff: {  	s26 =	ssub.s32 s1, s2;
	s1 =	sand.u32 $0xFFFFFFF0, s30  }
0x100: {  	s2 =	sshll.u32 s26, $0x4;
	p1 =	slt.s32 s1, $0xC8;
	s31 =	smov.u32 s1  }
0x101: {  	s3 =	sadd.s32 s23, s2;
	s31 =	simm.s32 @!p1 $0xC8  }
0x102: {  	p1 =	sge.s32 s3, s31  }
.Ltmp7:
0x103: {  	_ = 	snop;
	(pc) =	sbr.rel @!p1 .LBB2_11-.Ltmp7, $1  }
0x104: {  	_ =	sdelay $0x3  }
.LBB2_17:
0x105: {  	s1 =	ssub.s32 $0xD7, s1  }
0x106: {  	s2 =	sshra.s32 s1, $0x1F  }
0x107: {  	s3 =	sshrl.u32 s2, $0x1C  }
0x108: {  	s1 =	sadd.s32 s3, s1  }
0x109: {  	s1 =	sshra.s32 s1, $0x4  }
0x10a: {  	s1 =	sadd.s32 s2, s1  }
0x10b: {  	p1 =	slt.s32 s1, $0x1  }
.Ltmp8:
0x10c: {  	_ = 	snop;
	(pc) =	sbr.rel @p1 .LBB2_22-.Ltmp8, $1  }
0x10d: {  	_ =	sdelay $0x3  }
0x10e: {  	s2 =	rddreg [dreg:$0x7]  }
0x10f: {  	s2 =	smul.u32 $0x32C8, s2;
	_ =	sdelay $0x1  }
0x110: {  	s2 =	sadd.s32 s2, s28  }
0x111: {  	s3 =	sor.u32 $0x1, s2  }
0x112: {  	s5 =	sor.u32 $0x2, s2;
	s29 =	sor.u32 $0x3, s2;
	s31 =	sor.u32 $0x4, s2;
	v22 =	vmov s2;
	v2 =	vmov s3  }
0x113: {  	s6 =	sor.u32 $0x6, s2;
	s7 =	sor.u32 $0x7, s2;
	v1 =	vmov s5;
	v21 =	vmov s29;
	v23 =	vmov s31  }
0x114: {  	s8 =	sadd.s32 $0x8, s2;
	s11 =	sadd.s32 $0x9, s2;
	s13 =	sadd.s32 $0xA, s2;
	v3 =	vadd.s32 $0x41, v22;
	v28 =	vmov s6;
	v30 =	vmov s7  }
0x115: {  	s15 =	sadd.s32 $0xC, s2;
	s21 =	sadd.s32 $0xB, s2;
	s28 =	sadd.s32 $0xE, s2;
	v32 =	vmov s8;
	v35 =	vmov s11;
	v38 =	vmov s13  }
0x116: {  	s5 =	sor.u32 $0x5, s2;
	v40 =	vmov s15;
	v42 =	vmov s21;
	v45 =	vmov s28  }
0x117: {  	v24 =	vmovc v1;
	v1 =	vand.u32 $0xFFFFFFF8, v1;
	v25 =	vmov s5;
	v26 =	vadd.s32 $0x41, v2  }
0x118: {  	v29 =	vadd.s32 $0x41, v21;
	v36 =	vadd.s32 $0x41, v30;
	v37 =	vadd.s32 $0x41, v32  }
0x119: {  	v39 =	vadd.s32 $0x41, v35;
	v27 =	vadd.s32 $0x43, v1;
	v1 =	vand.u32 $0xFFFFFFF8, v23  }
0x11a: {  	s29 =	sshll.u32 s30, $0x2;
	s30 =	sadd.s32 $0xD, s2;
	v43 =	vadd.s32 $0x41, v42;
	v31 =	vadd.s32 $0x45, v1;
	v1 =	vand.u32 $0xFFFFFFF8, v28  }
0x11b: {  	s2 =	sadd.s32 $0xF, s2;
	v46 =	vmov s30;
	v34 =	vadd.s32 $0x47, v1;
	v1 =	vand.u32 $0xFFFFFFF8, v38  }
0x11c: {  	s5 =	sshra.s32 s29, $0x2;
	v47 =	vmov s2;
	v41 =	vadd.s32 $0x43, v1;
	v1 =	vand.u32 $0xFFFFFFF8, v40  }
0x11d: {  	v33 =	vadd.s32 $0x41, v25;
	s31 =	sand.u32 $0xFFFFFFF0, s5;
	v44 =	vadd.s32 $0x45, v1;
	v1 =	vand.u32 $0xFFFFFFF8, v45  }
0x11e: {  	s6 =	simm.s32 $0x0;
	[tilespmem:$0x1FEE0] =	vst v3;
	v20 =	vmovc v2;
	v48 =	vadd.s32 $0x41, v46;
	v50 =	vadd.s32 $0x41, v47;
	s3 =	sadd.s32 $0x1AD10, s31;
	v49 =	vadd.s32 $0x47, v1  }
.LBB2_19:
0x11f: {  	_ =	sdelay $0x3  }
0x120: {  	v1 =	vld.idx.msk [tilespmem:v22+s9+$0x0], $0xffff  }
0x121: {  	v2 =	vld [tilespmem:$0x1FEE0]  }
0x122: {  	v3 =	vld.idx.msk [tilespmem:v20+s9+$0x0], $0xffff  }
0x123: {  	v4 =	vld.idx.msk [tilespmem:v26+s9+$0x0], $0xffff  }
0x124: {  	v5 =	vld.idx.msk [tilespmem:v24+s9+$0x0], $0xffff  }
0x125: {  	v6 =	vld.idx.msk [tilespmem:v27+s9+$0x0], $0xffff  }
0x126: {  	v7 =	vld.idx.msk [tilespmem:v21+s9+$0x0], $0xffff  }
0x127: {  	v8 =	vld.idx.msk [tilespmem:v29+s9+$0x0], $0xffff  }
0x128: {  	v9 =	vld.idx.msk [tilespmem:v23+s9+$0x0], $0xffff  }
0x129: {  	v10 =	vld.idx.msk [tilespmem:v31+s9+$0x0], $0xffff  }
0x12a: {  	v61 =	vld.idx.msk [tilespmem:v25+s9+$0x0], $0xffff  }
0x12b: {  	v62 =	vld.idx.msk [tilespmem:v33+s9+$0x0], $0xffff  }
0x12c: {  	v60 =	vld.idx.msk [tilespmem:v28+s9+$0x0], $0xffff  }
0x12d: {  	v63 =	vld.idx.msk [tilespmem:v34+s9+$0x0], $0xffff  }
0x12e: {  	v59 =	vld.idx.msk [tilespmem:v30+s9+$0x0], $0xffff  }
0x12f: {  	v58 =	vld.idx.msk [tilespmem:v32+s9+$0x0], $0xffff  }
0x130: {  	v57 =	vld.idx.msk [tilespmem:v35+s9+$0x0], $0xffff  }
0x131: {  	v56 =	vld.idx.msk [tilespmem:v38+s9+$0x0], $0xffff  }
0x132: {  	v55 =	vld.idx.msk [tilespmem:v42+s9+$0x0], $0xffff  }
0x133: {  	v54 =	vld.idx.msk [tilespmem:v40+s9+$0x0], $0xffff  }
0x134: {  	s2 =	scvt.s32.f32 s6;
	v53 =	vld.idx.msk [tilespmem:v46+s9+$0x0], $0xffff  }
0x135: {  	v52 =	vld.idx.msk [tilespmem:v45+s9+$0x0], $0xffff  }
0x136: {  	v51 =	vld.idx.msk [tilespmem:v47+s9+$0x0], $0xffff;
	s2 =	sadd.f32 $5.000000000e-01, s2  }
0x137: {  	v2 =	vld.idx.msk [tilespmem:v2+s9+$0x0], $0xffff  }
0x138: {  	v12 =	vld.idx.msk [tilespmem:v50+s9+$0x0], $0xffff;
	s7 =	smul.f32 $6.250000000e-02, s2  }
0x139: {  	v13 =	vld.idx.msk [tilespmem:v49+s9+$0x0], $0xffff  }
0x13a: {  	v14 =	vld.idx.msk [tilespmem:v48+s9+$0x0], $0xffff;
	s15 =	ssub.f32 $1.000000000e+00, s7  }
0x13b: {  	v15 =	vld.idx.msk [tilespmem:v44+s9+$0x0], $0xffff  }
0x13c: {  	v16 =	vld.idx.msk [tilespmem:v43+s9+$0x0], $0xffff;
	v1 =	vmul.f32 s15, v1;
	v2 =	vmul.f32 s7, v2  }
0x13d: {  	v17 =	vld.idx.msk [tilespmem:v41+s9+$0x0], $0xffff;
	v12 =	vmul.f32 s7, v12;
	v19 =	vmul.f32 s15, v51  }
0x13e: {  	v13 =	vmul.f32 s7, v13;
	v51 =	vadd.f32 v2, v1;
	v1 =	vld.idx.msk [tilespmem:v39+s9+$0x0], $0xffff;
	v2 =	vmul.f32 s15, v52  }
0x13f: {  	v14 =	vmul.f32 s7, v14;
	v52 =	vadd.f32 v12, v19;
	v12 =	vld.idx.msk [tilespmem:v37+s9+$0x0], $0xffff;
	v19 =	vmul.f32 s15, v53  }
0x140: {  	v11 =	vld.idx.msk [tilespmem:v36+s9+$0x0], $0xffff;
	v53 =	vadd.f32 v13, v2;
	v2 =	vmul.f32 s15, v54;
	v13 =	vmul.f32 s7, v15;
	[tilespmem:s3+$0xFFFF3580] =	vst v51  }
0x141: {  	v54 =	vadd.f32 v14, v19;
	v14 =	vmul.f32 s15, v55;
	v15 =	vmul.f32 s7, v16;
	[tilespmem:s3+$0x0] =	vst v52  }
0x142: {  	v55 =	vadd.f32 v13, v2;
	v2 =	vmul.f32 s15, v56;
	v13 =	vmul.f32 s7, v17;
	[tilespmem:s3+$0xFFFFF280] =	vst v53  }
0x143: {  	v56 =	vadd.f32 v15, v14;
	v14 =	vmul.f32 s15, v57;
	[tilespmem:s3+$0xFFFFE500] =	vst v54;
	v1 =	vmul.f32 s7, v1  }
0x144: {  	v12 =	vmul.f32 s7, v12;
	v57 =	vadd.f32 v13, v2;
	v2 =	vmul.f32 s15, v58;
	[tilespmem:s3+$0xFFFFD780] =	vst v55  }
0x145: {  	v11 =	vmul.f32 s7, v11;
	[tilespmem:s3+$0xFFFFCA00] =	vst v56;
	v58 =	vadd.f32 v1, v14;
	v1 =	vmul.f32 s15, v59  }
0x146: {  	v59 =	vadd.f32 v12, v2;
	v2 =	vmul.f32 s15, v60;
	v12 =	vmul.f32 s7, v63;
	[tilespmem:s3+$0xFFFFBC80] =	vst v57  }
0x147: {  	v13 =	vmul.f32 s7, v62;
	v60 =	vadd.f32 v11, v1;
	v1 =	vmul.f32 s15, v61;
	[tilespmem:s3+$0xFFFFAF00] =	vst v58  }
0x148: {  	v14 =	vmul.f32 s7, v10;
	v61 =	vadd.f32 v12, v2;
	v2 =	vmul.f32 s15, v9;
	[tilespmem:s3+$0xFFFFA180] =	vst v59  }
0x149: {  	p1 =	sne.s32 s1, $0x1;
	v15 =	vmul.f32 s7, v8;
	v62 =	vadd.f32 v13, v1;
	v1 =	vmul.f32 s15, v7;
	[tilespmem:s3+$0xFFFF9400] =	vst v60  }
.Ltmp9:
0x14a: {  	v6 =	vmul.f32 s7, v6;
	v5 =	vmul.f32 s15, v5;
	v63 =	vadd.f32 v14, v2;
	[tilespmem:s3+$0xFFFF8680] =	vst v61;
	(pc) =	sbr.rel @!p1 .LBB2_21-.Ltmp9, $4  }
0x14b: {  	v4 =	vmul.f32 s7, v4;
	v3 =	vmul.f32 s15, v3;
	v2 =	vadd.f32 v15, v1;
	[tilespmem:s3+$0xFFFF7900] =	vst v62  }
0x14c: {  	v1 =	vadd.f32 v6, v5;
	[tilespmem:s3+$0xFFFF6B80] =	vst v63  }
0x14d: {  	v3 =	vadd.f32 v4, v3;
	[tilespmem:s3+$0xFFFF5E00] =	vst v2  }
0x14e: {  	s7 =	smov.u32 s3;
	s15 =	sadd.s32 $0xFFFFFFFF, s1;
	[tilespmem:s3+$0xFFFF5080] =	vst v1  }
.LBB2_20:
0x14f: {  	p1 =	sne.s32 s15, $0x1;
	s15 =	sadd.s32 $0xFFFFFFFF, s15;
	[tilespmem:s7+$0xFFFF4300] =	vst v3;
	s7 =	sadd.s32 $0x10, s7  }
0x150: {  	[tilespmem:s7+$0xFFFF3580] =	vst v51  }
0x151: {  	[tilespmem:s7+$0x0] =	vst v52  }
0x152: {  	[tilespmem:s7+$0xFFFFF280] =	vst v53  }
0x153: {  	[tilespmem:s7+$0xFFFFE500] =	vst v54  }
0x154: {  	[tilespmem:s7+$0xFFFFD780] =	vst v55  }
0x155: {  	[tilespmem:s7+$0xFFFFCA00] =	vst v56  }
0x156: {  	[tilespmem:s7+$0xFFFFBC80] =	vst v57  }
0x157: {  	[tilespmem:s7+$0xFFFFAF00] =	vst v58  }
0x158: {  	[tilespmem:s7+$0xFFFFA180] =	vst v59  }
0x159: {  	[tilespmem:s7+$0xFFFF9400] =	vst v60  }
.Ltmp10:
0x15a: {  	[tilespmem:s7+$0xFFFF8680] =	vst v61;
	(pc) =	sbr.rel @p1 .LBB2_20-.Ltmp10, $4  }
0x15b: {  	[tilespmem:s7+$0xFFFF7900] =	vst v62  }
0x15c: {  	[tilespmem:s7+$0xFFFF6B80] =	vst v63  }
0x15d: {  	[tilespmem:s7+$0xFFFF5E00] =	vst v2  }
0x15e: {  	[tilespmem:s7+$0xFFFF5080] =	vst v1  }
.LBB2_21:
0x15f: {  	s6 =	sadd.s32 $0x1, s6  }
0x160: {  	p1 =	seq.s32 s6, $0x10  }
.Ltmp11:
0x161: {  	_ = 	snop;
	(pc) =	sbr.rel @!p1 .LBB2_19-.Ltmp11, $2  }
0x162: {  	_ =	sdelay $0x2  }
0x163: {  	[tilespmem:s7+$0xFFFF4300] =	vst v3;
	s3 =	sadd.s32 $0xD8, s3  }
.LBB2_22:
.Ltmp12:
0x164: {  	(pc) =	sbr.rel .LBB2_23-.Ltmp12, $3  }
0x165: {  	_ =	sdelay $0x1  }
0x166: {  	s1 =	sand.u32 $0x7, s23;
	s3 =	simm.s32 $0x0  }
0x167: {  	p1 =	slt.s32 s24, $0x0;
	p2 =	slt.s32 s26, $0x1;
	s24 =	simm.s32 $0x0  }
.LBB2_42:
0x168: {  	s24 =	sadd.s32 $0x1, s24  }
0x169: {  	p3 =	sne.s32 s24, $0x10  }
.Ltmp13:
0x16a: {  	_ = 	snop;
	(pc) =	sbr.rel @!p3 .LBB2_43-.Ltmp13, $1  }
0x16b: {  	_ =	sdelay $0x3  }
.LBB2_23:
0x16c: {  	s2 =	scvt.s32.f32 s24;
	_ =	sdelay $0x1  }
0x16d: {  	s2 =	smul.f32 s2, s17;
	_ =	sdelay $0x1  }
0x16e: {  	s7 =	sadd.f32 s2, s19;
	_ =	sdelay $0x1  }
0x16f: {  	s2 =	sadd.f32 s7, s20  }
0x170: {  	s5 =	sadd.f32 s7, s25;
	_ =	sdelay $0x1  }
0x171: {  	s6 =	scvt.f32.s32 s2;
	s11 =	scvt.f32.s32 s5  }
0x172: {  	_ = 	snop  }
0x173: {  	s15 =	scvt.s32.f32 s6;
	s28 =	scvt.s32.f32 s11  }
0x174: {  	_ = 	snop  }
0x175: {  	p3 =	slt.f32 s2, s15;
	p4 =	slt.f32 s5, s28  }
0x176: {  	s2 =	simm.s32 $0x1;
	s5 =	simm.s32 $0x1  }
0x177: {  	s2 =	simm.s32 @!p3 $0x0;
	s5 =	simm.s32 @!p4 $0x0  }
0x178: {  	s6 =	ssub.s32 s6, s2;
	s31 =	ssub.s32 s11, s5  }
0x179: {  	s2 =	ssub.s32 s31, s6  }
0x17a: {  	s28 =	sadd.s32 $0x2, s2  }
0x17b: {  	p3 =	sgt.s32 s28, $0x0  }
.Ltmp14:
0x17c: {  	_ = 	snop;
	(pc) =	sbr.rel @!p3 .LBB2_24-.Ltmp14, $1  }
0x17d: {  	_ =	sdelay $0x3  }
0x17e: {  	p3 =	seq.s32 s28, $0x1  }
.Ltmp15:
0x17f: {  	_ = 	snop;
	(pc) =	sbr.rel @p3 .LBB2_24-.Ltmp15, $2  }
0x180: {  	_ =	sdelay $0x2  }
0x181: {  	s2 =	sadd.s32 $0xFFFFFFFF, s28;
	[smem:s3] =	sst s4;
	s11 =	simm.s32 $0x0  }
.LBB2_30:
0x182: {  	p3 =	seq.s32 s2, $0x1  }
.Ltmp16:
0x183: {  	_ = 	snop;
	(pc) =	sbr.rel @!p3 .LBB2_30-.Ltmp16, $3  }
0x184: {  	_ =	sdelay $0x1  }
0x185: {  	s2 =	sadd.s32 $0xFFFFFFFF, s2;
	s11 =	sadd.s32 $0x1, s11  }
0x186: {  	[smem:s11] =	sst s4  }
.LBB2_24:
.Ltmp17:
0x187: {  	(pc) =	sbr.rel @p1 .LBB2_25-.Ltmp17, $2  }
0x188: {  	_ =	sdelay $0x2  }
0x189: {  	s2 =	simm.s32 $0x0  }
0x18a: {  	p5 =	seq.s32 s0, $0x1  }
.Ltmp18:
0x18b: {  	s2 =	scvt.s32.f32 s2;
	(pc) =	sbr.rel @p5 .LBB2_32-.Ltmp18, $4  }
0x18c: {  	_ = 	snop  }
0x18d: {  	s5 =	sadd.f32 $5.000000000e-01, s2  }
0x18e: {  	p3 =	por $0x0, $0x0  }
0x18f: {  	p4 =	por $0x0, $0x0;
	s2 =	simm.s32 $0x1;
	s30 =	smul.f32 s5, s18  }
0x190: {  	_ = 	snop  }
0x191: {  	s5 =	sadd.f32 s30, s7;
	_ =	sdelay $0x1  }
0x192: {  	s11 =	scvt.f32.s32 s5;
	_ =	sdelay $0x1  }
0x193: {  	s15 =	scvt.s32.f32 s11;
	_ =	sdelay $0x1  }
0x194: {  	p3 =	slt.f32 s5, s15  }
0x195: {  	p5 =	seq.s32 s0, $0x2;
	s15 =	simm.s32 $0x1  }
.Ltmp19:
0x196: {  	s2 =	scvt.s32.f32 s2;
	s15 =	simm.s32 @!p3 $0x0;
	(pc) =	sbr.rel @p5 .LBB2_34-.Ltmp19, $4  }
0x197: {  	s15 =	ssub.s32 s11, s15  }
0x198: {  	s21 =	sadd.f32 $5.000000000e-01, s2;
	s29 =	scvt.s32.f32 s15  }
0x199: {  	s2 =	simm.s32 $0x2  }
0x19a: {  	s30 =	smul.f32 s21, s18;
	p3 =	por $0x1, $0x1;
	s31 =	ssub.f32 s5, s29  }
0x19b: {  	_ = 	snop  }
0x19c: {  	s5 =	sadd.f32 s30, s7  }
0x19d: {  	s8 =	ssub.s32 s15, s6;
	s11 =	smul.f32 s31, s16  }
0x19e: {  	s29 =	sld [smem:s8+$0x0];
	s21 =	scvt.f32.s32 s5  }
0x19f: {  	s30 =	ssub.f32 s16, s11  }
0x1a0: {  	s31 =	scvt.s32.f32 s21  }
0x1a1: {  	s29 =	sadd.f32 s29, s30  }
0x1a2: {  	s2 =	scvt.s32.f32 s2;
	p4 =	slt.f32 s5, s31  }
0x1a3: {  	p5 =	seq.s32 s0, $0x3;
	[smem:s8] =	sst s29;
	s29 =	simm.s32 $0x1  }
.Ltmp20:
0x1a4: {  	s31 =	sld [smem:s8+$0x1];
	s29 =	simm.s32 @!p4 $0x0;
	(pc) =	sbr.rel @p5 .LBB2_37-.Ltmp20, $4  }
0x1a5: {  	s2 =	sadd.f32 $5.000000000e-01, s2;
	s15 =	ssub.s32 s21, s29  }
0x1a6: {  	s21 =	scvt.s32.f32 s15  }
0x1a7: {  	s30 =	smul.f32 s2, s18;
	s2 =	sadd.s32 $0x1, s8;
	s11 =	sadd.f32 s31, s11  }
0x1a8: {  	p4 =	por $0x1, $0x1;
	s29 =	simm.s32 $0x3;
	s31 =	ssub.f32 s5, s21  }
.LBB2_36:
0x1a9: {  	s5 =	sadd.f32 s30, s7;
	s8 =	smov.u32 s29;
	s29 =	sadd.s32 $0x1, s29  }
0x1aa: {  	s13 =	ssub.s32 s15, s6;
	s21 =	smul.f32 s31, s16;
	[smem:s2] =	sst s11  }
0x1ab: {  	p5 =	seq.s32 s0, s29;
	s2 =	scvt.f32.s32 s5;
	s11 =	sld [smem:s13+$0x0]  }
0x1ac: {  	s15 =	ssub.f32 s16, s21  }
0x1ad: {  	s30 =	scvt.s32.f32 s2  }
0x1ae: {  	s11 =	sadd.f32 s11, s15  }
0x1af: {  	p6 =	slt.f32 s5, s30  }
0x1b0: {  	s8 =	scvt.s32.f32 s8;
	[smem:s13] =	sst s11;
	s11 =	simm.s32 $0x1  }
.Ltmp21:
0x1b1: {  	s11 =	simm.s32 @!p6 $0x0;
	s31 =	sld [smem:s13+$0x1];
	(pc) =	sbr.rel @!p5 .LBB2_36-.Ltmp21, $4  }
0x1b2: {  	s8 =	sadd.f32 $5.000000000e-01, s8;
	s15 =	ssub.s32 s2, s11  }
0x1b3: {  	s2 =	scvt.s32.f32 s15  }
0x1b4: {  	s30 =	smul.f32 s8, s18;
	s11 =	sadd.f32 s31, s21  }
0x1b5: {  	s31 =	ssub.f32 s5, s2;
	s2 =	sadd.s32 $0x1, s13  }
.LBB2_37:
0x1b6: {  	s5 =	sadd.f32 s30, s7  }
0x1b7: {  	s8 =	ssub.s32 @p3 s15, s6;
	[smem:s2] =	sst @p4 s11;
	s7 =	smul.f32 @p3 s31, s16  }
0x1b8: {  	s11 =	sld @p3 [smem:s8+$0x0];
	s29 =	scvt.f32.s32 s5  }
0x1b9: {  	s13 =	ssub.f32 @p3 s16, s7  }
0x1ba: {  	s30 =	scvt.s32.f32 s29  }
0x1bb: {  	s11 =	sadd.f32 @p3 s11, s13  }
0x1bc: {  	p4 =	slt.f32 s5, s30  }
0x1bd: {  	[smem:s8] =	sst @p3 s11;
	s11 =	simm.s32 $0x1  }
0x1be: {  	s11 =	simm.s32 @!p4 $0x0;
	s13 =	sld @p3 [smem:s8+$0x1]  }
0x1bf: {  	s2 =	ssub.s32 s29, s11  }
0x1c0: {  	s11 =	scvt.s32.f32 s2  }
0x1c1: {  	s7 =	sadd.f32 @p3 s13, s7  }
0x1c2: {  	s8 =	sadd.s32 @p3 $0x1, s8;
	s5 =	ssub.f32 s5, s11  }
0x1c3: {  	s8 =	smov.u32 @p3 s8;
	s7 =	smov.u32 @p3 s7  }
0x1c4: {  	s2 =	ssub.s32 s2, s6;
	s5 =	smul.f32 s5, s16;
	[smem:s8] =	sst @p3 s7  }
0x1c5: {  	s7 =	sld [smem:s2+$0x0]  }
0x1c6: {  	s31 =	ssub.f32 s16, s5;
	_ =	sdelay $0x1  }
0x1c7: {  	s7 =	sadd.f32 s7, s31;
	_ =	sdelay $0x1  }
0x1c8: {  	[smem:s2] =	sst s7  }
0x1c9: {  	s7 =	sld [smem:s2+$0x1];
	_ =	sdelay $0x2  }
0x1ca: {  	s5 =	sadd.f32 s7, s5  }
0x1cb: {  	s2 =	sadd.s32 $0x1, s2  }
0x1cc: {  	[smem:s2] =	sst s5  }
.LBB2_25:
.Ltmp22:
0x1cd: {  	(pc) =	sbr.rel @p2 .LBB2_42-.Ltmp22, $1  }
0x1ce: {  	_ =	sdelay $0x3  }
0x1cf: {  	s2 =	smul.u32 $0x360, s24;
	_ =	sdelay $0x1  }
0x1d0: {  	s2 =	sshra.s32 s2, $0x2  }
0x1d1: {  	s2 =	sor.u32 s1, s2  }
0x1d2: {  	s5 =	sadd.s32 $0xE290, s2;
	s7 =	sadd.s32 $0xF010, s2  }
0x1d3: {  	s11 =	sadd.s32 $0xFD90, s2;
	s15 =	sadd.s32 $0x10B10, s2;
	s13 =	sadd.s32 $0x11890, s2;
	v19 =	vmov s5  }
.Ltmp23:
0x1d4: {  	s29 =	sadd.s32 $0x12610, s2;
	s30 =	sadd.s32 $0x13390, s2;
	v20 =	vmov s7;
	v21 =	vmov s11;
	v22 =	vmov s15;
	(pc) =	sbr.rel .LBB2_27-.Ltmp23, $4  }
0x1d5: {  	s21 =	sadd.s32 $0x14E90, s2;
	s31 =	sadd.s32 $0x15C10, s2;
	s8 =	sadd.s32 $0x17710, s2;
	v23 =	vmov s13;
	v24 =	vmov s29;
	v25 =	vmov s30  }
0x1d6: {  	s15 =	sadd.s32 $0x14110, s2;
	s5 =	sadd.s32 $0x16990, s2;
	s13 =	sadd.s32 $0x18490, s2;
	v27 =	vmov s21;
	v28 =	vmov s31;
	v30 =	vmov s8  }
0x1d7: {  	s21 =	sadd.s32 $0x19210, s2;
	s31 =	sadd.s32 $0x19F90, s2;
	s2 =	sadd.s32 $0x1AD10, s2;
	v26 =	vmov s15;
	v29 =	vmov s5;
	v31 =	vmov s13  }
0x1d8: {  	s6 =	sadd.s32 s22, s6;
	p3 =	slt.s32 s28, $0x1;
	s15 =	simm.s32 $0x0;
	v32 =	vmov s21;
	v33 =	vmov s31;
	v34 =	vmov s2  }
.LBB2_28:
0x1d9: {  	v36 =	vimm.f32 $0.0e+00  }
0x1da: {  	v46 =	vimm.f32 $0.0e+00;
	v41 =	vimm.f32 $0.0e+00;
	v42 =	vimm.f32 $0.0e+00  }
0x1db: {  	v43 =	vimm.f32 $0.0e+00;
	v40 =	vimm.f32 $0.0e+00;
	v44 =	vimm.f32 $0.0e+00  }
0x1dc: {  	v35 =	vimm.f32 $0.0e+00;
	v2 =	vimm.f32 $0.0e+00;
	v47 =	vimm.f32 $0.0e+00  }
0x1dd: {  	v1 =	vimm.f32 $0.0e+00;
	v37 =	vimm.f32 $0.0e+00;
	v39 =	vimm.f32 $0.0e+00  }
0x1de: {  	v3 =	vimm.f32 $0.0e+00;
	v38 =	vimm.f32 $0.0e+00;
	v45 =	vimm.f32 $0.0e+00  }
.LBB2_41:
0x1df: {  	_ =	sdelay $0x2  }
0x1e0: {  	s2 =	sand.u32 $0xFFFFFFF8, s7  }
0x1e1: {  	[tilespmem:v19+s2+$0x0 ss:$0x1] =	vst.idx.msk $0xffff, v36  }
0x1e2: {  	[tilespmem:v20+s2+$0x0 ss:$0x1] =	vst.idx.msk $0xffff, v46  }
0x1e3: {  	[tilespmem:v21+s2+$0x0 ss:$0x1] =	vst.idx.msk $0xffff, v41  }
0x1e4: {  	[tilespmem:v22+s2+$0x0 ss:$0x1] =	vst.idx.msk $0xffff, v42  }
0x1e5: {  	[tilespmem:v23+s2+$0x0 ss:$0x1] =	vst.idx.msk $0xffff, v43  }
0x1e6: {  	[tilespmem:v24+s2+$0x0 ss:$0x1] =	vst.idx.msk $0xffff, v40  }
0x1e7: {  	[tilespmem:v25+s2+$0x0 ss:$0x1] =	vst.idx.msk $0xffff, v44  }
0x1e8: {  	[tilespmem:v26+s2+$0x0 ss:$0x1] =	vst.idx.msk $0xffff, v35  }
0x1e9: {  	[tilespmem:v27+s2+$0x0 ss:$0x1] =	vst.idx.msk $0xffff, v2  }
0x1ea: {  	s15 =	sadd.s32 $0x1, s15;
	[tilespmem:v28+s2+$0x0 ss:$0x1] =	vst.idx.msk $0xffff, v47  }
0x1eb: {  	p4 =	sne.s32 s15, s26;
	[tilespmem:v29+s2+$0x0 ss:$0x1] =	vst.idx.msk $0xffff, v1  }
.Ltmp24:
0x1ec: {  	[tilespmem:v30+s2+$0x0 ss:$0x1] =	vst.idx.msk $0xffff, v37;
	(pc) =	sbr.rel @!p4 .LBB2_42-.Ltmp24, $4  }
0x1ed: {  	[tilespmem:v31+s2+$0x0 ss:$0x1] =	vst.idx.msk $0xffff, v39  }
0x1ee: {  	[tilespmem:v32+s2+$0x0 ss:$0x1] =	vst.idx.msk $0xffff, v3  }
0x1ef: {  	[tilespmem:v33+s2+$0x0 ss:$0x1] =	vst.idx.msk $0xffff, v38  }
0x1f0: {  	[tilespmem:v34+s2+$0x0 ss:$0x1] =	vst.idx.msk $0xffff, v45  }
.LBB2_27:
.Ltmp25:
0x1f1: {  	(pc) =	sbr.rel @p3 .LBB2_28-.Ltmp25, $3  }
0x1f2: {  	_ =	sdelay $0x1  }
0x1f3: {  	s2 =	sshll.u32 s15, $0x4  }
0x1f4: {  	s7 =	sadd.s32 s23, s2  }
0x1f5: {  	s2 =	sadd.s32 s7, s6  }
0x1f6: {  	v1 =	vmov s2  }
0x1f7: {  	v1 =	vmul.u32 $0x41, v1;
	_ =	sdelay $0x1  }
0x1f8: {  	v1 =	vadd.s32 v18, v1  }
0x1f9: {  	v2 =	vmul.u32 $0x41, v0;
	v1 =	vbroadcast v1, $0x0;
	_ =	sdelay $0x1  }
0x1fa: {  	v1 =	vadd.s32 v2, v1  }
0x1fb: {  	v2 =	vadd.s32 $0xB, v1  }
0x1fc: {  	v3 =	vadd.s32 $0x7, v1  }
0x1fd: {  	v4 =	vadd.s32 $0xA, v1  }
0x1fe: {  	v5 =	vadd.s32 $0x8, v1  }
0x1ff: {  	v7 =	vadd.s32 $0xD, v1;
	v6 =	vld.idx.msk [tilespmem:v1+s9+$0x0], $0xffff  }
0x200: {  	v38 =	vimm.f32 $0.0e+00;
	v52 =	vimm.f32 $0.0e+00;
	v9 =	vadd.s32 $0x5, v1;
	v2 =	vld.idx.msk [tilespmem:v2+s9+$0x0], $0xffff  }
0x201: {  	v47 =	vimm.f32 $0.0e+00;
	v48 =	vimm.f32 $0.0e+00;
	v8 =	vadd.s32 $0x4, v1;
	v3 =	vld.idx.msk [tilespmem:v3+s9+$0x0], $0xffff  }
0x202: {  	v46 =	vimm.f32 $0.0e+00;
	v39 =	vimm.f32 $0.0e+00;
	v12 =	vadd.s32 $0xE, v1;
	v4 =	vld.idx.msk [tilespmem:v4+s9+$0x0], $0xffff  }
0x203: {  	v40 =	vimm.f32 $0.0e+00;
	v44 =	vimm.f32 $0.0e+00;
	v10 =	vadd.s32 $0x1, v1;
	v5 =	vld.idx.msk [tilespmem:v5+s9+$0x0], $0xffff  }
0x204: {  	v41 =	vimm.f32 $0.0e+00;
	v42 =	vimm.f32 $0.0e+00;
	v13 =	vadd.s32 $0xC, v1;
	s29 =	sld [smem:$0x0];
	v7 =	vld.idx.msk [tilespmem:v7+s9+$0x0], $0xffff  }
0x205: {  	p4 =	sne.s32 s28, $0x1;
	v49 =	vimm.f32 $0.0e+00;
	v50 =	vimm.f32 $0.0e+00;
	v11 =	vadd.s32 $0x2, v1;
	v60 =	vld.idx.msk [tilespmem:v9+s9+$0x0], $0xffff  }
.Ltmp26:
0x206: {  	v43 =	vadd.s32 $0xF, v1;
	v56 =	vadd.s32 $0x3, v1;
	v53 =	vadd.s32 $0x6, v1;
	v57 =	vld.idx.msk [tilespmem:v8+s9+$0x0], $0xffff;
	(pc) =	sbr.rel @!p4 .LBB2_40-.Ltmp26, $4  }
0x207: {  	v54 =	vadd.s32 $0x9, v1;
	v45 =	vadd.s32 $0x41, v1;
	v58 =	vld.idx.msk [tilespmem:v12+s9+$0x0], $0xffff;
	v1 =	vmul.f32 s29, v6  }
0x208: {  	v51 =	vimm.f32 $0.0e+00;
	v59 =	vld.idx.msk [tilespmem:v10+s9+$0x0], $0xffff;
	v3 =	vmul.f32 s29, v3;
	v55 =	vmul.f32 s29, v2  }
0x209: {  	v63 =	vld.idx.msk [tilespmem:v13+s9+$0x0], $0xffff;
	v62 =	vmul.f32 s29, v5;
	v2 =	vmul.f32 s29, v4;
	v36 =	vadd.f32 v1, v38  }
0x20a: {  	s30 =	simm.s32 $0x0;
	s31 =	sadd.s32 $0xFFFFFFFF, s28;
	v61 =	vmul.f32 s29, v7;
	v35 =	vadd.f32 v3, v38;
	v37 =	vadd.f32 v55, v38;
	v55 =	vld.idx.msk [tilespmem:v11+s9+$0x0], $0xffff  }
.LBB2_39:
0x20b: {  	v1 =	vadd.s32 $0xA, v45;
	v3 =	vadd.s32 $0xB, v45;
	p4 =	sne.s32 s31, $0x1;
	s31 =	sadd.s32 $0xFFFFFFFF, s31;
	v4 =	vld.idx.msk [tilespmem:v56+s9+$0x0], $0xffff;
	v5 =	vmul.f32 s29, v60;
	s30 =	sadd.s32 $0x1, s30  }
0x20c: {  	v6 =	vadd.s32 $0x7, v45;
	v7 =	vadd.s32 $0x8, v45;
	v38 =	vadd.f32 v2, v38;
	v2 =	vld.idx.msk [tilespmem:v43+s9+$0x0], $0xffff  }
0x20d: {  	v8 =	vadd.s32 $0x4, v45;
	v9 =	vadd.s32 $0x5, v45;
	v52 =	vadd.f32 v62, v52;
	v10 =	vld.idx.msk [tilespmem:v53+s9+$0x0], $0xffff  }
0x20e: {  	v11 =	vadd.s32 $0x1, v45;
	v12 =	vadd.s32 $0x2, v45;
	v14 =	vmul.f32 s29, v58;
	v13 =	vld.idx.msk [tilespmem:v54+s9+$0x0], $0xffff  }
0x20f: {  	v16 =	vadd.s32 $0xD, v45;
	v17 =	vmul.f32 s29, v57;
	v43 =	vadd.s32 $0xF, v45;
	v15 =	vld.idx.msk [tilespmem:v45+s9+$0x0], $0xffff  }
0x210: {  	v47 =	vadd.f32 v61, v47;
	v48 =	vadd.f32 v14, v48;
	v54 =	vmul.f32 s29, v63;
	v3 =	vld.idx.msk [tilespmem:v3+s9+$0x0], $0xffff  }
0x211: {  	v46 =	vadd.f32 v17, v46;
	v14 =	vadd.s32 $0xE, v45;
	v59 =	vmul.f32 s29, v59;
	v6 =	vld.idx.msk [tilespmem:v6+s9+$0x0], $0xffff  }
0x212: {  	v56 =	vadd.s32 $0x3, v45;
	v53 =	vadd.s32 $0x6, v45;
	v4 =	vmul.f32 s29, v4;
	v1 =	vld.idx.msk [tilespmem:v1+s9+$0x0], $0xffff  }
0x213: {  	v17 =	vmul.f32 s29, v55;
	v39 =	vadd.f32 v54, v39;
	v10 =	vmul.f32 s29, v10;
	v7 =	vld.idx.msk [tilespmem:v7+s9+$0x0], $0xffff  }
0x214: {  	v40 =	vadd.f32 v5, v40;
	v54 =	vadd.s32 $0x9, v45;
	v5 =	vmul.f32 s29, v13;
	s2 =	sld [smem:s30+$0x0];
	v16 =	vld.idx.msk [tilespmem:v16+s9+$0x0], $0xffff  }
0x215: {  	v2 =	vmul.f32 s29, v2;
	v44 =	vadd.f32 v10, v44;
	v60 =	vld.idx.msk [tilespmem:v9+s9+$0x0], $0xffff;
	v9 =	vadd.s32 $0xC, v45  }
.Ltmp27:
0x216: {  	v41 =	vadd.f32 v17, v41;
	v42 =	vadd.f32 v4, v42;
	v45 =	vadd.s32 $0x41, v45;
	v57 =	vld.idx.msk [tilespmem:v8+s9+$0x0], $0xffff;
	(pc) =	sbr.rel @p4 .LBB2_39-.Ltmp27, $4  }
0x217: {  	v49 =	vadd.f32 v59, v49;
	v50 =	vadd.f32 v2, v50;
	v4 =	vmul.f32 s2, v6;
	v58 =	vld.idx.msk [tilespmem:v14+s9+$0x0], $0xffff;
	s29 =	smov.u32 s2  }
0x218: {  	v51 =	vadd.f32 v5, v51;
	v6 =	vmul.f32 s29, v15;
	v55 =	vld.idx.msk [tilespmem:v12+s9+$0x0], $0xffff;
	v3 =	vmul.f32 s29, v3  }
0x219: {  	v62 =	vmul.f32 s29, v7;
	v2 =	vmul.f32 s29, v1;
	v59 =	vld.idx.msk [tilespmem:v11+s9+$0x0], $0xffff;
	v35 =	vadd.f32 v4, v35  }
0x21a: {  	v61 =	vmul.f32 s29, v16;
	v36 =	vadd.f32 v6, v36;
	v37 =	vadd.f32 v3, v37;
	v63 =	vld.idx.msk [tilespmem:v9+s9+$0x0], $0xffff  }
.LBB2_40:
0x21b: {  	_ =	sdelay $0x3  }
0x21c: {  	v4 =	vld.idx.msk [tilespmem:v56+s9+$0x0], $0xffff  }
0x21d: {  	v5 =	vld.idx.msk [tilespmem:v53+s9+$0x0], $0xffff  }
0x21e: {  	v7 =	vld.idx.msk [tilespmem:v54+s9+$0x0], $0xffff;
	v10 =	vmul.f32 s29, v57  }
0x21f: {  	v6 =	vmul.f32 s29, v60;
	v1 =	vadd.f32 v2, v38;
	v8 =	vld.idx.msk [tilespmem:v43+s9+$0x0], $0xffff;
	v2 =	vadd.f32 v62, v52  }
0x220: {  	v9 =	vmul.f32 s29, v58;
	v3 =	vadd.f32 v61, v47;
	v43 =	vadd.f32 v10, v46  }
0x221: {  	v40 =	vadd.f32 v6, v40;
	v61 =	vmul.f32 s29, v59;
	v11 =	vmul.f32 s29, v63  }
.Ltmp28:
0x222: {  	v38 =	vadd.f32 v9, v48;
	v62 =	vmul.f32 s29, v55;
	v5 =	vmul.f32 s29, v5;
	(pc) =	sbr.rel .LBB2_41-.Ltmp28, $4  }
0x223: {  	v4 =	vmul.f32 s29, v4;
	v63 =	vmul.f32 s29, v7;
	v46 =	vadd.f32 v61, v49  }
0x224: {  	v39 =	vadd.f32 v11, v39;
	v44 =	vadd.f32 v5, v44;
	v5 =	vmul.f32 s29, v8  }
0x225: {  	v41 =	vadd.f32 v62, v41;
	v42 =	vadd.f32 v4, v42  }
0x226: {  	v47 =	vadd.f32 v63, v51;
	v45 =	vadd.f32 v5, v50  }
.LBB2_32:
.Ltmp29:
0x227: {  	(pc) =	sbr.rel .LBB2_37-.Ltmp29, $2  }
0x228: {  	_ =	sdelay $0x2  }
0x229: {  	_ = 	snop  }
.LBB2_34:
.Ltmp30:
0x22a: {  	(pc) =	sbr.rel .LBB2_37-.Ltmp30, $2  }
0x22b: {  	_ =	sdelay $0x2  }
0x22c: {  	_ = 	snop  }
.LBB2_12:
0x22d: {  	v34 =	vimm.f32 $0.0e+00  }
0x22e: {  	v29 =	vimm.f32 $0.0e+00;
	v30 =	vimm.f32 $0.0e+00;
	v27 =	vimm.f32 $0.0e+00  }
0x22f: {  	v22 =	vimm.f32 $0.0e+00;
	v26 =	vimm.f32 $0.0e+00;
	v32 =	vimm.f32 $0.0e+00  }
0x230: {  	v1 =	vimm.f32 $0.0e+00;
	v33 =	vimm.f32 $0.0e+00;
	v23 =	vimm.f32 $0.0e+00  }
0x231: {  	v21 =	vimm.f32 $0.0e+00;
	v28 =	vimm.f32 $0.0e+00;
	v3 =	vimm.f32 $0.0e+00  }
0x232: {  	v2 =	vimm.f32 $0.0e+00;
	v24 =	vimm.f32 $0.0e+00;
	v25 =	vimm.f32 $0.0e+00  }
.LBB2_16:
0x233: {  	v4 =	vadd.s32 s3, v11  }
0x234: {  	v5 =	vadd.s32 s3, v13  }
0x235: {  	v6 =	vadd.s32 s3, v14  }
0x236: {  	v7 =	vadd.s32 s3, v15  }
0x237: {  	v8 =	vadd.s32 s3, v16  }
0x238: {  	[tilespmem:v4+s10+$0x0] =	vst.idx.msk $0xffff, v34  }
0x239: {  	v55 =	vadd.s32 s3, v17;
	[tilespmem:v5+s10+$0x0] =	vst.idx.msk $0xffff, v29  }
0x23a: {  	v56 =	vadd.s32 s3, v9;
	[tilespmem:v6+s10+$0x0] =	vst.idx.msk $0xffff, v30  }
0x23b: {  	v57 =	vadd.s32 s3, v10;
	v58 =	vld [tilespmem:$0x1FEF0];
	[tilespmem:v7+s10+$0x0] =	vst.idx.msk $0xffff, v27  }
0x23c: {  	[tilespmem:v8+s10+$0x0] =	vst.idx.msk $0xffff, v22;
	v8 =	vld [tilespmem:$0x1FF00]  }
0x23d: {  	v59 =	vld [tilespmem:$0x1FF10]  }
0x23e: {  	v60 =	vld [tilespmem:$0x1FF20];
	[tilespmem:v55+s10+$0x0] =	vst.idx.msk $0xffff, v26  }
0x23f: {  	v61 =	vld [tilespmem:$0x1FF40];
	[tilespmem:v56+s10+$0x0] =	vst.idx.msk $0xffff, v32  }
0x240: {  	v7 =	vadd.s32 s3, v58;
	[tilespmem:v57+s10+$0x0] =	vst.idx.msk $0xffff, v1;
	v1 =	vld [tilespmem:$0x1FF30]  }
0x241: {  	v62 =	vld [tilespmem:$0x1FF50];
	v8 =	vadd.s32 s3, v8  }
0x242: {  	v63 =	vld [tilespmem:$0x1FF60];
	v4 =	vadd.s32 s3, v59;
	_ =	sdelay $0x1  }
0x243: {  	v5 =	vadd.s32 s3, v60  }
0x244: {  	[tilespmem:v7+s10+$0x0] =	vst.idx.msk $0xffff, v33;
	v1 =	vadd.s32 s3, v1  }
0x245: {  	v6 =	vadd.s32 s3, v61;
	[tilespmem:v8+s10+$0x0] =	vst.idx.msk $0xffff, v23  }
0x246: {  	v7 =	vadd.s32 s3, v62;
	[tilespmem:v4+s10+$0x0] =	vst.idx.msk $0xffff, v21;
	v4 =	vadd.s32 s3, v63;
	s3 =	sadd.s32 $0x1, s3  }
0x247: {  	p1 =	slt.s32 s3, s31  }
.Ltmp31:
0x248: {  	[tilespmem:v5+s10+$0x0] =	vst.idx.msk $0xffff, v28;
	(pc) =	sbr.rel @!p1 .LBB2_17-.Ltmp31, $4  }
0x249: {  	[tilespmem:v1+s10+$0x0] =	vst.idx.msk $0xffff, v3  }
0x24a: {  	[tilespmem:v6+s10+$0x0] =	vst.idx.msk $0xffff, v2  }
0x24b: {  	[tilespmem:v7+s10+$0x0] =	vst.idx.msk $0xffff, v24  }
0x24c: {  	[tilespmem:v4+s10+$0x0] =	vst.idx.msk $0xffff, v25  }
.LBB2_11:
0x24d: {  	s2 =	sadd.s32 s14, s3  }
0x24e: {  	s15 =	smov.u32 s0;
	p1 =	slt.s32 s2, $0xC8  }
0x24f: {  	s15 =	simm.s32 @!p1 $0x1  }
0x250: {  	p2 =	slt.s32 s15, $0x1  }
.Ltmp32:
0x251: {  	_ = 	snop;
	(pc) =	sbr.rel @p2 .LBB2_12-.Ltmp32, $1  }
0x252: {  	_ =	sdelay $0x3  }
0x253: {  	s2 =	scvt.s32.f32 s3;
	s6 =	simm.s32 $0x0  }
0x254: {  	s7 =	smov.u32 s16;
	s11 =	smov.u32 s17;
	s5 =	scvt.s32.f32 s6  }
0x255: {  	s7 =	simm.s32 @!p1 $0x3F800000;
	s11 =	simm.s32 @!p1 $0x3D800000;
	s2 =	ssub.f32 s2, s29  }
0x256: {  	v1 =	vmul.f32 s11, v12;
	s6 =	smul.f32 s7, s11;
	s5 =	sadd.f32 $5.000000000e-01, s5  }
0x257: {  	s2 =	simm.s32 @!p1 $0x0  }
0x258: {  	v21 =	vadd.f32 s2, v1;
	s21 =	smul.f32 s5, s6;
	_ =	sdelay $0x1  }
0x259: {  	v1 =	vadd.f32 s21, v21;
	_ =	sdelay $0x1  }
0x25a: {  	v2 =	vmax.f32 v1, $0.0e+00  }
0x25b: {  	v3 =	vtrunc.f32 v2  }
0x25c: {  	v3 =	vcvt.f32.s32 v3;
	_ =	sdelay $0x1  }
0x25d: {  	vm0 =	vlt.s32 v3, $0xC7  }
0x25e: {  	v4 =	vnsel vm0, $0xC7, v3  }
0x25f: {  	v5 =	vadd.s32 v19, v4  }
0x260: {  	v6 =	vmul.u32 $0x50, v5;
	v7 =	vshrl.u32 v5, $0x2  }
0x261: {  	vm14 =	vlt.s32 v3, $0xC6;
	v5 =	vadd.s32 v5, v7  }
0x262: {  	v3 =	vnsel vm14, $0xC6, v3;
	v7 =	vand.u32 $0xF, v5;
	v6 =	vadd.s32 v18, v6  }
0x263: {  	v3 =	vadd.s32 v3, v20;
	v6 =	vor.u32 v7, v6  }
0x264: {  	vm15 =	vge.f32 v1, $-1.000000000e+00;
	v8 =	vshrl.u32 v3, $0x2;
	v23 =	vadd.s32 $0x4, v6  }
0x265: {  	vm1 =	vle.f32 v1, $2.000000000e+02;
	v1 =	vadd.s32 v3, v8;
	v8 =	vadd.s32 $0x2, v6  }
0x266: {  	v33 =	vimm.f32 $0.0e+00;
	v46 =	vimm.f32 $0.0e+00;
	v26 =	vadd.s32 $0x3, v6  }
0x267: {  	v22 =	vmov s7;
	v4 =	vcvt.s32.f32 v4;
	v25 =	vadd.s32 $0x1, v6  }
0x268: {  	vm0 =	vmand vm15, vm1;
	v3 =	vmul.u32 $0x50, v3;
	v29 =	vadd.s32 $0xA, v6  }
0x269: {  	v52 =	vnsel vm0, $0x0, v22;
	v2 =	vsub.f32 v2, v4;
	v27 =	vadd.s32 $0x6, v6;
	v39 =	vld.idx.msk [tilespmem:v23+s4+$0x0], $0xffff  }
0x26a: {  	v5 =	vand.u32 $0x7, v5;
	v3 =	vadd.s32 v18, v3;
	v31 =	vadd.s32 $0xE, v6;
	v8 =	vld.idx.msk [tilespmem:v8+s4+$0x0], $0xffff  }
0x26b: {  	v7 =	vand.u32 $0xFFFFFFF8, v6;
	v24 =	vadd.s32 $0x5, v6;
	v34 =	vadd.s32 $0x7, v6;
	v26 =	vld.idx.msk [tilespmem:v26+s4+$0x0], $0xffff  }
0x26c: {  	v28 =	vadd.s32 $0xF, v6;
	v30 =	vadd.s32 $0xD, v6;
	v5 =	vor.u32 v5, v7;
	v25 =	vld.idx.msk [tilespmem:v25+s4+$0x0], $0xffff  }
0x26d: {  	v36 =	vadd.s32 $0xB, v6;
	v49 =	vadd.s32 $0xC, v6;
	v7 =	vadd.s32 $0x8, v5;
	v29 =	vld.idx.msk [tilespmem:v29+s4+$0x0], $0xffff  }
0x26e: {  	v23 =	vand.u32 $0xF, v1;
	v1 =	vand.u32 $0x7, v1;
	v50 =	vld.idx.msk [tilespmem:v27+s4+$0x0], $0xffff;
	v27 =	vimm.f32 $0.0e+00  }
0x26f: {  	v4 =	vld.idx.msk [tilespmem:v31+s4+$0x0], $0xffff;
	v45 =	vor.u32 v23, v3;
	v3 =	vadd.s32 $0x9, v6;
	v23 =	vmul.f32 v2, v52  }
0x270: {  	v31 =	vld.idx.msk [tilespmem:v24+s4+$0x0], $0xffff;
	v2 =	vand.u32 $0xFFFFFFF8, v45;
	v38 =	vadd.s32 $0x6, v45;
	v6 =	vadd.s32 $0x4, v45  }
0x271: {  	v41 =	vld.idx.msk [tilespmem:v28+s4+$0x0], $0xffff;
	v55 =	vadd.s32 $0x5, v45;
	v40 =	vadd.s32 $0xA, v45;
	v62 =	vadd.s32 $0x1, v45  }
0x272: {  	v5 =	vld.idx.msk [tilespmem:v5+s4+$0x0], $0xffff;
	v32 =	vadd.s32 $0xB, v45;
	v47 =	vadd.s32 $0x2, v45;
	v35 =	vsub.f32 v52, v23  }
0x273: {  	v7 =	vld.idx.msk [tilespmem:v7+s4+$0x0], $0xffff;
	v63 =	vadd.s32 $0x3, v45;
	v61 =	vadd.s32 $0xD, v45;
	v37 =	vor.u32 v1, v2  }
0x274: {  	v51 =	vld.idx.msk [tilespmem:v36+s4+$0x0], $0xffff;
	v2 =	vadd.s32 $0x7, v45;
	v8 =	vmul.f32 v8, v35;
	v54 =	vmul.f32 v29, v35  }
0x275: {  	v1 =	vld.idx.msk [tilespmem:v30+s4+$0x0], $0xffff;
	v30 =	vadd.s32 $0xC, v45;
	v25 =	vmul.f32 v25, v35;
	v4 =	vmul.f32 v4, v35  }
0x276: {  	v43 =	vadd.s32 $0x8, v37;
	v53 =	vmul.f32 v26, v35;
	v59 =	vmul.f32 v31, v35;
	v52 =	vld.idx.msk [tilespmem:v3+s4+$0x0], $0xffff  }
0x277: {  	p1 =	sne.s32 s15, $0x1;
	v29 =	vimm.f32 $0.0e+00;
	v26 =	vimm.f32 $0.0e+00;
	v5 =	vmul.f32 v5, v35;
	v56 =	vld.idx.msk [tilespmem:v38+s4+$0x0], $0xffff  }
.Ltmp33:
0x278: {  	v3 =	vmul.f32 v7, v35;
	v36 =	vadd.f32 v8, v33;
	v42 =	vadd.f32 v25, v33;
	v58 =	vld.idx.msk [tilespmem:v40+s4+$0x0], $0xffff;
	(pc) =	sbr.rel @!p1 .LBB2_15-.Ltmp33, $4  }
0x279: {  	v44 =	vadd.f32 v53, v33;
	v53 =	vadd.s32 $0x9, v45;
	v31 =	vadd.f32 v4, v33;
	v60 =	vld.idx.msk [tilespmem:v6+s4+$0x0], $0xffff  }
0x27a: {  	v38 =	vimm.f32 $0.0e+00;
	v1 =	vmul.f32 v1, v35;
	v48 =	vld.idx.msk [tilespmem:v2+s4+$0x0], $0xffff;
	v2 =	vmul.f32 v41, v35  }
0x27b: {  	v62 =	vld.idx.msk [tilespmem:v62+s4+$0x0], $0xffff;
	v25 =	vimm.f32 $0.0e+00;
	v24 =	vadd.f32 v5, v33;
	v28 =	vadd.f32 v3, v33  }
0x27c: {  	s7 =	simm.s32 $0x1;
	v57 =	vld.idx.msk [tilespmem:v30+s4+$0x0], $0xffff;
	v30 =	vimm.f32 $0.0e+00;
	v40 =	vadd.f32 v1, v33;
	v41 =	vadd.f32 v2, v33  }
.LBB2_14:
0x27d: {  	s2 =	scvt.s32.f32 s7;
	s7 =	sadd.s32 $0x1, s7;
	v1 =	vmul.f32 v39, v35;
	v2 =	vld.idx.msk [tilespmem:v55+s4+$0x0], $0xffff;
	v3 =	vadd.s32 $0xE, v45;
	v4 =	vadd.s32 $0xF, v45  }
0x27e: {  	v6 =	vmul.f32 v56, v23;
	p1 =	sne.s32 s15, s7;
	v5 =	vld.idx.msk [tilespmem:v63+s4+$0x0], $0xffff  }
0x27f: {  	v7 =	vadd.f32 v59, v33;
	v33 =	vmul.f32 v58, v23;
	s2 =	sadd.f32 $5.000000000e-01, s2;
	v8 =	vld.idx.msk [tilespmem:v34+s4+$0x0], $0xffff;
	v34 =	vmul.f32 v51, v35  }
0x280: {  	v39 =	vmul.f32 v52, v35;
	v29 =	vadd.f32 v54, v29;
	v45 =	vld.idx.msk [tilespmem:v49+s4+$0x0], $0xffff  }
0x281: {  	v1 =	vadd.f32 v1, v30;
	v30 =	vmul.f32 v60, v23;
	v49 =	vmul.f32 v57, v23;
	s2 =	smul.f32 s2, s6;
	v51 =	vld.idx.msk [tilespmem:v61+s4+$0x0], $0xffff  }
0x282: {  	v29 =	vadd.f32 v33, v29;
	v52 =	vmul.f32 v62, v23;
	v46 =	vadd.f32 v34, v46;
	v43 =	vld.idx.msk [tilespmem:v43+s4+$0x0], $0xffff  }
0x283: {  	v30 =	vadd.f32 v30, v1;
	v1 =	vmul.f32 v2, v23;
	v33 =	vadd.f32 s2, v21;
	v34 =	vld.idx.msk [tilespmem:v37+s4+$0x0], $0xffff  }
0x284: {  	v42 =	vadd.f32 v52, v42;
	v5 =	vmul.f32 v5, v23;
	v37 =	vmul.f32 v48, v23;
	v2 =	vld.idx.msk [tilespmem:v47+s4+$0x0], $0xffff  }
0x285: {  	v48 =	vmul.f32 v50, v35;
	v8 =	vmul.f32 v8, v35;
	v47 =	vmax.f32 v33, $0.0e+00;
	v3 =	vld.idx.msk [tilespmem:v3+s4+$0x0], $0xffff  }
0x286: {  	v38 =	vadd.f32 v39, v38;
	v35 =	vmul.f32 v45, v35;
	v50 =	vtrunc.f32 v47;
	v52 =	vld.idx.msk [tilespmem:v53+s4+$0x0], $0xffff  }
0x287: {  	v44 =	vadd.f32 v5, v44;
	v5 =	vadd.f32 v8, v27;
	v39 =	vcvt.f32.s32 v50;
	v4 =	vld.idx.msk [tilespmem:v4+s4+$0x0], $0xffff  }
0x288: {  	vm0 =	vge.f32 v33, $-1.000000000e+00;
	vm1 =	vle.f32 v33, $2.000000000e+02;
	v8 =	vmul.f32 v43, v23  }
0x289: {  	v27 =	vadd.f32 v37, v5;
	vm2 =	vlt.s32 v39, $0xC7;
	vm3 =	vlt.s32 v39, $0xC6  }
0x28a: {  	v2 =	vmul.f32 v2, v23;
	v5 =	vnsel vm2, $0xC7, v39;
	v33 =	vnsel vm3, $0xC6, v39  }
0x28b: {  	v37 =	vadd.s32 v19, v5;
	v43 =	vadd.s32 v33, v20;
	v33 =	vmul.f32 v51, v23  }
0x28c: {  	v50 =	vmul.f32 v52, v23;
	v39 =	vmul.u32 $0x50, v37;
	v45 =	vshrl.u32 v37, $0x2  }
0x28d: {  	v51 =	vmul.f32 v34, v23;
	v37 =	vadd.s32 v37, v45;
	v45 =	vshrl.u32 v43, $0x2  }
0x28e: {  	v3 =	vmul.f32 v3, v23;
	v34 =	vand.u32 $0xF, v37;
	v39 =	vadd.s32 v18, v39  }
0x28f: {  	v2 =	vadd.f32 v2, v36;
	v45 =	vadd.s32 v43, v45;
	v52 =	vor.u32 v34, v39  }
0x290: {  	v4 =	vmul.f32 v4, v23;
	v36 =	vand.u32 $0x7, v37;
	v34 =	vand.u32 $0xFFFFFFF8, v52  }
0x291: {  	v40 =	vadd.f32 v33, v40;
	v53 =	vadd.s32 $0x5, v52;
	v36 =	vor.u32 v36, v34  }
0x292: {  	v4 =	vadd.f32 v4, v41;
	v37 =	vadd.s32 $0x1, v52;
	v39 =	vadd.s32 $0x8, v36  }
0x293: {  	v25 =	vadd.f32 v35, v25;
	v41 =	vadd.s32 $0x3, v52;
	v54 =	vadd.s32 $0x4, v52;
	v32 =	vld.idx.msk [tilespmem:v32+s4+$0x0], $0xffff  }
0x294: {  	v26 =	vadd.f32 v48, v26;
	v35 =	vadd.s32 $0x2, v52;
	v57 =	vadd.s32 $0x6, v52  }
0x295: {  	v25 =	vadd.f32 v49, v25;
	v48 =	vadd.s32 $0xF, v52;
	v34 =	vadd.s32 $0x7, v52  }
0x296: {  	v33 =	vadd.f32 v1, v7;
	v49 =	vand.u32 $0x7, v45;
	v56 =	vadd.s32 $0x9, v52;
	v36 =	vld.idx.msk [tilespmem:v36+s4+$0x0], $0xffff  }
0x297: {  	v26 =	vadd.f32 v6, v26;
	v7 =	vadd.s32 $0xA, v52;
	v58 =	vadd.s32 $0xB, v52;
	v1 =	vld.idx.msk [tilespmem:v39+s4+$0x0], $0xffff  }
0x298: {  	vm0 =	vmand vm0, vm1;
	v5 =	vcvt.s32.f32 v5;
	v38 =	vadd.f32 v50, v38;
	v39 =	vld.idx.msk [tilespmem:v54+s4+$0x0], $0xffff  }
0x299: {  	v50 =	vadd.s32 $0xE, v52;
	v23 =	vmul.f32 v32, v23;
	v6 =	vld.idx.msk [tilespmem:v35+s4+$0x0], $0xffff;
	v35 =	vadd.s32 $0xD, v52  }
0x29a: {  	v8 =	vadd.f32 v8, v28;
	v32 =	vmul.u32 $0x50, v43;
	v43 =	vand.u32 $0xF, v45;
	v60 =	vld.idx.msk [tilespmem:v48+s4+$0x0], $0xffff  }
0x29b: {  	v28 =	vnsel vm0, $0x0, v22;
	v5 =	vsub.f32 v47, v5;
	v46 =	vadd.f32 v23, v46;
	v41 =	vld.idx.msk [tilespmem:v41+s4+$0x0], $0xffff  }
0x29c: {  	v3 =	vadd.f32 v3, v31;
	v24 =	vadd.f32 v51, v24;
	v23 =	vadd.s32 v18, v32;
	v48 =	vld.idx.msk [tilespmem:v37+s4+$0x0], $0xffff  }
0x29d: {  	v45 =	vor.u32 v43, v23;
	v7 =	vld.idx.msk [tilespmem:v7+s4+$0x0], $0xffff  }
0x29e: {  	v23 =	vmul.f32 v5, v28;
	v5 =	vand.u32 $0xFFFFFFF8, v45;
	v31 =	vadd.s32 $0x6, v45;
	v59 =	vld.idx.msk [tilespmem:v35+s4+$0x0], $0xffff  }
0x29f: {  	v61 =	vadd.s32 $0xC, v45;
	v37 =	vor.u32 v49, v5;
	v5 =	vadd.s32 $0x7, v45;
	v62 =	vld.idx.msk [tilespmem:v50+s4+$0x0], $0xffff  }
0x2a0: {  	v49 =	vadd.s32 $0xC, v52;
	v35 =	vsub.f32 v28, v23;
	v43 =	vadd.s32 $0x8, v37;
	v28 =	vld.idx.msk [tilespmem:v53+s4+$0x0], $0xffff  }
0x2a1: {  	v55 =	vadd.s32 $0x5, v45;
	v9 =	vadd.s32 $0xA, v45;
	v53 =	vadd.s32 $0x4, v45;
	v51 =	vld.idx.msk [tilespmem:v58+s4+$0x0], $0xffff  }
0x2a2: {  	v10 =	vadd.s32 $0x1, v45;
	v32 =	vadd.s32 $0xB, v45;
	v36 =	vmul.f32 v36, v35;
	v52 =	vld.idx.msk [tilespmem:v56+s4+$0x0], $0xffff  }
0x2a3: {  	v47 =	vadd.s32 $0x2, v45;
	v6 =	vmul.f32 v6, v35;
	v54 =	vmul.f32 v7, v35;
	v56 =	vld.idx.msk [tilespmem:v31+s4+$0x0], $0xffff  }
0x2a4: {  	v24 =	vadd.f32 v36, v24;
	v7 =	vmul.f32 v48, v35;
	v48 =	vld.idx.msk [tilespmem:v5+s4+$0x0], $0xffff;
	v5 =	vmul.f32 v59, v35  }
.Ltmp34:
0x2a5: {  	v1 =	vmul.f32 v1, v35;
	v36 =	vadd.f32 v6, v2;
	v2 =	vmul.f32 v62, v35;
	v50 =	vld.idx.msk [tilespmem:v57+s4+$0x0], $0xffff;
	(pc) =	sbr.rel @p1 .LBB2_14-.Ltmp34, $4  }
0x2a6: {  	v63 =	vadd.s32 $0x3, v45;
	v6 =	vmul.f32 v41, v35;
	v42 =	vadd.f32 v7, v42;
	v58 =	vld.idx.msk [tilespmem:v9+s4+$0x0], $0xffff  }
0x2a7: {  	v59 =	vmul.f32 v28, v35;
	v28 =	vadd.f32 v1, v8;
	v1 =	vmul.f32 v60, v35;
	v57 =	vld.idx.msk [tilespmem:v61+s4+$0x0], $0xffff  }
0x2a8: {  	v44 =	vadd.f32 v6, v44;
	v40 =	vadd.f32 v5, v40;
	v60 =	vld.idx.msk [tilespmem:v53+s4+$0x0], $0xffff;
	v53 =	vadd.s32 $0x9, v45  }
0x2a9: {  	v31 =	vadd.f32 v2, v3;
	v61 =	vadd.s32 $0xD, v45;
	v41 =	vadd.f32 v1, v4;
	v62 =	vld.idx.msk [tilespmem:v10+s4+$0x0], $0xffff  }
.LBB2_15:
0x2aa: {  	_ =	sdelay $0x3  }
0x2ab: {  	v1 =	vld.idx.msk [tilespmem:v55+s4+$0x0], $0xffff  }
0x2ac: {  	v2 =	vld.idx.msk [tilespmem:v63+s4+$0x0], $0xffff  }
0x2ad: {  	v3 =	vmul.f32 v39, v35;
	v4 =	vadd.s32 $0xF, v45;
	v5 =	vld.idx.msk [tilespmem:v34+s4+$0x0], $0xffff  }
0x2ae: {  	v6 =	vadd.s32 $0xE, v45;
	v7 =	vmul.f32 v56, v23;
	v8 =	vadd.f32 v59, v33;
	v9 =	vld.idx.msk [tilespmem:v49+s4+$0x0], $0xffff  }
0x2af: {  	v21 =	vadd.f32 v54, v29;
	v55 =	vld.idx.msk [tilespmem:v61+s4+$0x0], $0xffff;
	v56 =	vmul.f32 v52, v35;
	v10 =	vmul.f32 v58, v23  }
0x2b0: {  	v22 =	vmul.f32 v51, v35;
	v43 =	vld.idx.msk [tilespmem:v43+s4+$0x0], $0xffff;
	v61 =	vmul.f32 v50, v35;
	v3 =	vadd.f32 v3, v30  }
0x2b1: {  	v32 =	vld.idx.msk [tilespmem:v32+s4+$0x0], $0xffff;
	v34 =	vadd.f32 v56, v38;
	v29 =	vmul.f32 v60, v23;
	v21 =	vadd.f32 v10, v21  }
0x2b2: {  	v30 =	vld.idx.msk [tilespmem:v47+s4+$0x0], $0xffff;
	v10 =	vadd.f32 v22, v46;
	v60 =	vmul.f32 v48, v23;
	v57 =	vmul.f32 v57, v23  }
0x2b3: {  	v58 =	vmul.f32 v62, v23;
	v22 =	vadd.f32 v29, v3;
	v59 =	vmul.f32 v1, v23;
	v3 =	vld.idx.msk [tilespmem:v4+s4+$0x0], $0xffff  }
0x2b4: {  	v63 =	vadd.f32 v61, v26;
	v1 =	vmul.f32 v2, v23;
	v2 =	vmul.f32 v5, v35;
	v4 =	vld.idx.msk [tilespmem:v53+s4+$0x0], $0xffff  }
0x2b5: {  	v5 =	vld.idx.msk [tilespmem:v37+s4+$0x0], $0xffff;
	v9 =	vmul.f32 v9, v35;
	v62 =	vmul.f32 v43, v23;
	v29 =	vadd.f32 v58, v42  }
0x2b6: {  	v6 =	vld.idx.msk [tilespmem:v6+s4+$0x0], $0xffff;
	v33 =	vmul.f32 v55, v23;
	v2 =	vadd.f32 v2, v27;
	v27 =	vadd.f32 v1, v44  }
0x2b7: {  	v30 =	vmul.f32 v30, v23;
	v9 =	vadd.f32 v9, v25;
	v26 =	vadd.f32 v59, v8  }
0x2b8: {  	v8 =	vmul.f32 v32, v23;
	v32 =	vadd.f32 v7, v63;
	v1 =	vadd.f32 v60, v2  }
.Ltmp35:
0x2b9: {  	v30 =	vadd.f32 v30, v36;
	v2 =	vadd.f32 v33, v40;
	v3 =	vmul.f32 v3, v23;
	(pc) =	sbr.rel .LBB2_16-.Ltmp35, $4  }
0x2ba: {  	v33 =	vadd.f32 v62, v28;
	v28 =	vadd.f32 v8, v10;
	v4 =	vmul.f32 v4, v23  }
0x2bb: {  	v5 =	vmul.f32 v5, v23;
	v6 =	vmul.f32 v6, v23;
	v25 =	vadd.f32 v3, v41  }
0x2bc: {  	v10 =	vld [tilespmem:$0x1FF80];
	v3 =	vadd.f32 v57, v9;
	v23 =	vadd.f32 v4, v34  }
0x2bd: {  	v34 =	vadd.f32 v5, v24;
	v24 =	vadd.f32 v6, v31;
	v9 =	vld [tilespmem:$0x1FF70]  }
.LBB2_43:
0x2be: {  	s0 =	rddreg [dreg:$0x7];
	s1 =	smul.u32 $0xC8, s14  }
0x2bf: {  	s2 =	rddreg [dreg:$0x8];
	s0 =	smul.u32 $0xC80000, s0  }
0x2c0: {  	s2 =	smul.u32 $0x320000, s2  }
0x2c1: {  	s0 =	sadd.s32 s0, s1  }
0x2c2: {  	s0 =	sadd.s32 s2, s0  }
0x2c3: {  	s30 =	rddreg [dreg:$0x1];
	s0 =	sshrl.u32 s0, $0x3  }
0x2c4: {  	s31 =	simm.s32 $0xE290;
	s1 =	simm.s32 $0x360;
	s0 =	sadd.s32 s30, s0  }
0x2c5: {  	v12 =	vld [tilespmem:$0x1FFA0];
	[hbm4b:s0+s4] =	stream.linear.scatter [tilespmem:s31], [sflag:$0x1], $0xC8, $0x38  }
.LBB2_44:
0x2c6: {  	p1 =	sne.s32 s1, $0x35CA0  }
.Ltmp36:
0x2c7: {  	_ = 	snop;
	(pc) =	sbr.rel @p1 .LBB2_44-.Ltmp36, $4  }
0x2c8: {  	_ = 	snop  }
0x2c9: {  	s2 =	sshra.s32 s1, $0x2;
	s1 =	sadd.s32 $0x360, s1  }
0x2ca: {  	s0 =	sadd.s32 $0x640, s0;
	s2 =	sadd.s32 $0xE290, s2  }
0x2cb: {  	[hbm4b:s0+s4] =	stream.linear.scatter [tilespmem:s2], [sflag:$0x1], $0xC8, $0x38;
	[tilespmem:$0x1BA90] =	vst v63  }
0x2cc: {  	s0 =	simm.s32 $0x1  }
0x2cd: {  	_ =	swait.ge [sflag:s0], $0xC800  }
0x2ce: {  	v11 =	vld [tilespmem:$0x1FF90]  }
0x2cf: {  	s12 =	sadd.s32 $0x1, s12;
	v13 =	vld [tilespmem:$0x1FFB0]  }
0x2d0: {  	p1 =	sne.s32 s12, $0x10;
	v14 =	vld [tilespmem:$0x1FFC0]  }
.Ltmp37:
0x2d1: {  	v15 =	vld [tilespmem:$0x1FFD0];
	(pc) =	sbr.rel @p1 .LBB2_2-.Ltmp37, $4  }
0x2d2: {  	v16 =	vld [tilespmem:$0x1FFE0]  }
0x2d3: {  	v17 =	vld [tilespmem:$0x1FFF0]  }
0x2d4: {  	[sflag:s0] =	ssyncset.done $0x0;
	v9 =	vld [tilespmem:$0x1FF70]  }
0x2d5: {  	v10 =	vld [tilespmem:$0x1FF80];
	[sflag:s0] =	ssyncadd.s32 $0xFFFF3800  }
0x2d6: {  	s1 =	rddreg [dreg:$0x6]  }
0x2d7: {  	s0 =	rddreg [dreg:$0x5];
	s1 =	sadd.s32 $0x1, s1  }
0x2d8: {  	p1 =	sne.s32 s1, s0  }
.Ltmp38:
0x2d9: {  	_ = 	snop;
	(pc) =	sbr.rel @p1 .LBB2_1-.Ltmp38, $1  }
0x2da: {  	_ =	sdelay $0x3  }
0x2db: {  	_ =	sfence.sel $0x180000  }
0x2dc: {  	[bflag:$0x0] =	sbarrier.arrive $0xFFFF  }
0x2dd: {  	_ =	strace $0x90000047  }
0x2de: {  	s0 =	stileid.u32;
	[bflag:$0x2] =	sbarrier.arrive $0xFFFF  }
0x2df: {  	p0 =	sne.s32 s0, $0x0;
	s0 =	rddreg [dreg:$0x2]  }
0x2e0: {  	s0 =	sadd.s32 @!p0 $0x100000, s0  }
0x2e1: {  	[sflag:s0] =	ssyncadd.tile.s32 @!p0 $0x1;
	_ =	shalt  }
.Lfunc_end2:
_tile_overlayer_lowered:
.L_overlay_start_2:
0x2e2: {  	(tag) =	ssettag $0x2  }
0x2e3: {  	s0 =	rddreg [dreg:$0x0];
	s2 =	stileid.u32  }
0x2e4: {  	s1 =	rddreg [dreg:$0x1];
	p0 =	sne.s32 s2, $0x0  }
0x2e5: {  	s3 =	rddreg [dreg:$0x2];
	[bflag:$0x3] =	sbarrier.arrive $0xFFFF;
	s2 =	simm.s32 @!p0 $0x1C01  }
0x2e6: {  	[timem:s3], [sflag:s2] =	dma.local @!p0 [hbm:s0], s1  }
0x2e7: {  	s0 =	simm.s32 @!p0 $0x1  }
0x2e8: {  	_ =	swait.ge @!p0 [sflag:s0], s1  }
0x2e9: {  	s1 =	ssub.s32 @!p0 $0x0, s1;
	[sflag:s0] =	ssyncset.done @!p0 $0x0  }
0x2ea: {  	[sflag:s0] =	ssyncadd.s32 @!p0 s1  }
0x2eb: {  	[bflag:$0x3] =	sbarrier.arrive $0xFFFF  }
0x2ec: {  	_ =	shalt  }

// kernel: sparse-core-data-format-call.cloned.1.call-start
scs
called_computation_lowered:
.L_overlay_start_0:
0x0: {  	s2 =	sld [smem:$0x3FD9]  }
0x1: {  	s3 =	sld [smem:$0x3FFE];
	_ =	sdelay $0x1  }
0x2: {  	s1 =	srdreg.scid  }
0x3: {  	s0 =	sand.u32 $0x1, s1  }
0x4: {  	s18 =	sshll.u32 s0, $0xA;
	s2 =	sadd.s32 s3, s2  }
0x5: {  	s2 =	sadd.s32 s2, s18  }
0x6: {  	[smem:$0x3FC7] =	sst s2  }
0x7: {  	_ = 	snop  }
0x8: {  	s2 =	sld [smem:$0x3FD0];
	(tm) =	ssettm $0x1  }
0x9: {  	s19 =	sld [smem:$0x3FFB];
	_ =	sdelay $0x3  }
0xa: {  	_ =	strace s19  }
0xb: {  	s3 =	sld [smem:$0x3FFC];
	_ =	sdelay $0x3  }
0xc: {  	_ =	strace s3  }
0xd: {  	s3 =	sld [smem:$0x3FFD];
	_ =	sdelay $0x3  }
0xe: {  	_ =	strace s3  }
0xf: {  	_ =	strace $0x8FFFFFFF  }
0x10: {  	s20 =	sld [smem:$0x3FDB];
	_ =	sdelay $0x1  }
0x11: {  	s4 =	simm.s32 $_scs_section_size  }
0x12: {  	s5 =	simm.s32 $_size__tile_overlayer_lowered;
	s6 =	simm.s32 $_tile_overlayer_lowered  }
0x13: {  	s23 =	simm.s32 $0x1BFF;
	s22 =	sshll.u32 s6, $0x1;
	s3 =	sadd.s32 s4, s20  }
0x14: {  	s7 =	simm.s32 $0x0;
	s21 =	sshll.u32 s5, $0x1;
	s5 =	sadd.s32 s22, s3  }
0x15: {  	[timem:s7], [sflag:s23] =	dma.local [hbm:s5], s21  }
0x16: {  	_ =	swait.ge [sflag:s23], s21  }
0x17: {  	s4 =	ssub.s32 $0x0, s21;
	[sflag:s23] =	ssyncset.done $0x0  }
0x18: {  	[sflag:s23] =	ssyncadd.s32 s4;
	_ =	sdelay $0x1  }
0x19: {  	s24 =	simm.s32 $0x1B8B  }
0x1a: {  	_ =	swait.ge [sflag:s24], $0x1  }
0x1b: {  	[sflag:s24] =	ssyncset.done $0x0  }
0x1c: {  	s26 =	simm.s32 $0x1B8E;
	s25 =	sld [smem:$0x3FFE];
	[sflag:s24] =	ssyncadd.s32 $0xFFFFFFFF  }
0x1d: {  	s27 =	simm.s32 $execute0_lowered;
	[smem:$0x3FD2] =	sst s26  }
0x1e: {  	s5 =	sshll.u32 s27, $0x1;
	_ =	strace $0x80000049;
	[dreg:$0x1] =	wrdreg $0xFFFFFFFF  }
0x1f: {  	s28 =	simm.s32 $_size_execute0_lowered;
	s3 =	sadd.s32 s3, s5;
	[dreg:$0x0] =	wrdreg $0x0  }
0x20: {  	s5 =	sshll.u32 s28, $0x1;
	[dreg:$0x2] =	wrdreg s3  }
0x21: {  	[dreg:$0x3] =	wrdreg s5  }
0x22: {  	[dreg:$0x4] =	wrdreg $0xC0  }
0x23: {  	_ =	task [dreg:s7], $0x5FFFF  }
0x24: {  	[dreg:$0x1] =	wrdreg $0xFFFFFFFF  }
0x25: {  	[dreg:$0x0] =	wrdreg $0x60  }
0x26: {  	[dreg:$0x2] =	wrdreg s25  }
0x27: {  	[dreg:$0x3] =	wrdreg s2  }
0x28: {  	[dreg:$0x4] =	wrdreg $0x9  }
0x29: {  	_ =	task.clear_ibuf [dreg:s7], $0x5FFFF;
	_ =	strace $0x90000049  }
0x2a: {  	s29 =	simm.s32 $0x9;
	_ =	strace $0x8000004B  }
0x2b: {  	_ =	swait.ge [sflag:s29], $0x1  }
0x2c: {  	[sflag:s29] =	ssyncadd.s32 $0xFFFFFFFF  }
0x2d: {  	_ =	strace $0x9000004B  }
0x2e: {  	_ =	sfence  }
0x2f: {  	s30 =	sld [smem:$0x0];
	_ =	sdelay $0x2  }
0x30: {  	s31 =	sshll.u32 s1, $0xD;
	s1 =	sshrl.u32 s1, $0x2  }
0x31: {  	s3 =	sand.u32 $0x4000, s31;
	s1 =	sadd.s32 s1, s30  }
0x32: {  	s0 =	sor.u32 s3, s0;
	s1 =	sshll.u32 s1, $0x11  }
0x33: {  	s0 =	sor.u32 s1, s0  }
0x34: {  	s0 =	sadd.s32 $0x8F2B, s0  }
0x35: {  	[sflag:s0] =	ssyncadd.remote.s32 $0x1  }
0x36: {  	_ =	sfence.sel $0xFFFF  }
0x37: {  	[dreg:$0x0] =	wrdreg $0xFFFFFFFF;
	(pc) =	sbr.abs _section_cstart, $3  }
0x38: {  	[dreg:$0x1] =	wrdreg $0xFFFFFFFF  }
0x39: {  	_ =	task.clear_ibuf [dreg:s7], $0x2FFFF;
	_ =	strace $0x9FFFFFFF  }
0x3a: {  	(tm) =	ssettm $0x7FFFFFFF  }
0x3b: {  	_ =	shalt  }
tec
execute0_lowered:
.L_overlay_start_1:
0x0: {  	(tag) =	ssettag $0x1  }
0x1: {  	s1 =	rddreg [dreg:$0x0];
	s0 =	stileid.u32  }
0x2: {  	s2 =	rddreg [dreg:$0x1];
	s5 =	srdreg.scid;
	_ =	strace $0x8000004A  }
0x3: {  	s31 =	simm.s32 $0x2;
	s20 =	simm.s32 $0x0;
	s22 =	simm.s32 $0x0  }
0x4: {  	s21 =	simm.s32 $0x0;
	s23 =	simm.s32 $0x0;
	s11 =	simm.s32 $0x0  }
0x5: {  	s12 =	simm.s32 $0x0;
	s17 =	simm.s32 $0x0;
	s3 =	sand.u32 $0x1, s0  }
0x6: {  	s14 =	simm.s32 $0x0;
	s4 =	sshll.u32 s0, $0x6;
	s6 =	ssub.s32 $0x2, s3  }
0x7: {  	s5 =	sand.u32 $0x1, s5;
	s0 =	sand.u32 $0x380, s4;
	s8 =	sshll.u32 s6, $0x1  }
0x8: {  	s10 =	ssub.s32 $0x40, s5;
	s7 =	ssub.s32 $0x400, s0;
	s8 =	sand.u32 $0x2, s8  }
0x9: {  	s30 =	sshrl.u32 s10, $0x1;
	s9 =	sand.u32 $0x380, s7;
	s6 =	sadd.s32 s8, s6  }
0xa: {  	p0 =	sne.s32 s9, $0x0;
	s9 =	ssub.s32 s10, s30;
	s6 =	sand.u32 $0x6, s6  }
0xb: {  	s15 =	simm.s32 $0x0;
	s8 =	simm.s32 $0x1;
	s9 =	smul.u32 s9, s6  }
.Ltmp0:
0xc: {  	s7 =	sshrl.u32 s7, $0xA;
	s8 =	simm.s32 @!p0 $0x0;
	(pc) =	sbr.rel .LBB1_1-.Ltmp0, $4  }
0xd: {  	s19 =	simm.s32 $0x0;
	s16 =	smov.u32 s5;
	s8 =	sadd.s32 s8, s7  }
0xe: {  	s18 =	smov.u32 s3;
	s7 =	simm.s32 $0x1;
	s8 =	smul.u32 s8, s9  }
0xf: {  	s4 =	smov.u32 s0;
	s10 =	simm.s32 $0x2000;
	[sflag:s7] =	ssyncpa.u1 $0x0  }
0x10: {  	p0 =	por $0x0, $0x0;
	[sflag:s31] =	ssyncpa.u1 $0x0;
	s9 =	sor.u32 $0x1, s8  }
.LBB1_4:
0x11: {  	v5 =	vld [tilespmem:s25+$0xFFFFFFD0]  }
0x12: {  	v58 =	vld [tilespmem:s25+$0xFFFFFFE0]  }
0x13: {  	v59 =	vld [tilespmem:s25+$0xFFFFFFF0]  }
0x14: {  	s28 =	sshra.s32 s28, $0x2;
	[tilespmem:s26+$0x2040 ss:$0x81] =	vst.msk $0xffff, v4;
	v60 =	vld [tilespmem:s25+$0x0]  }
0x15: {  	s6 =	sshra.s32 s14, $0x1F;
	s29 =	sshll.u32 s11, $0xA;
	p1 =	sgt.s32 s14, $0x1;
	[tilespmem:s26+$0x2850 ss:$0x81] =	vst.msk $0xffff, v3;
	v61 =	vld [tilespmem:s25+$0x10]  }
0x16: {  	s30 =	smov.u32 s14;
	s31 =	sshll.u32 s17, $0x3;
	p2 =	sgt.s32 s12, $0x3F;
	[tilespmem:s26+$0x3060 ss:$0x81] =	vst.msk $0xffff, v2;
	v62 =	vld [tilespmem:s25+$0x20]  }
0x17: {  	s13 =	sshra.s32 s12, $0x1F;
	[tilespmem:s26+$0x0 ss:$0x81] =	vst.msk $0xffff, v0;
	s26 =	sand.u32 $0x78, s17;
	v63 =	vld [tilespmem:s25+$0xFFFFFFC0];
	s25 =	smul.u32 $0x190000, s14  }
0x18: {  	s27 =	sadd.s32 s28, s27;
	s28 =	sand.u32 s6, s14;
	s30 =	simm.s32 @!p1 $0x1  }
0x19: {  	s29 =	sand.u32 $0xFFFFE000, s29;
	s31 =	sand.u32 $0xFFFFFC00, s31;
	s6 =	sshra.s32 s17, $0x1F  }
0x1a: {  	s28 =	sxor.u32 $0xFFFFFFFF, s28;
	s29 =	sadd.s32 s31, s29;
	s31 =	sand.u32 s13, s12  }
0x1b: {  	s13 =	smov.u32 s17;
	s6 =	sand.u32 s6, s17;
	s28 =	sadd.s32 s28, s30  }
0x1c: {  	s25 =	sadd.s32 s2, s25;
	s30 =	smov.u32 s12;
	p1 =	sgt.s32 s28, $0x0  }
0x1d: {  	s28 =	ssub.s32 $0x1, s28;
	s30 =	simm.s32 @!p2 $0x3F;
	p2 =	sgt.s32 s17, $0x380  }
0x1e: {  	s30 =	ssub.s32 s30, s31;
	s13 =	simm.s32 @!p2 $0x380;
	s28 =	simm.s32 @p1 $0x0  }
0x1f: {  	p2 =	sgt.s32 s11, $0x48;
	s31 =	sadd.s32 $0xFFFFFFC1, s30;
	s6 =	ssub.s32 s13, s6  }
0x20: {  	s13 =	smov.u32 s11;
	p1 =	sgt.s32 s31, $0x0;
	s31 =	sadd.s32 $0xFFFFFC80, s6  }
0x21: {  	s13 =	simm.s32 @!p2 $0x48;
	p2 =	sgt.s32 s31, $0x7F;
	s31 =	sshra.s32 s11, $0x1F  }
0x22: {  	s29 =	sshrl.u32 s29, $0xA;
	s6 =	ssub.s32 $0x400, s6;
	s31 =	sand.u32 s31, s11  }
0x23: {  	s6 =	simm.s32 @p2 $0x0;
	s13 =	ssub.s32 s13, s31;
	s31 =	smulhi.u32 $0x147AE15, s29  }
0x24: {  	[tilespmem:s27+$0x3870 ss:$0x81] =	vst.msk $0xffff, v1;
	s30 =	ssub.s32 $0x40, s30;
	s6 =	smul.u32 s28, s6;
	s28 =	sshll.u32 s11, $0x7  }
0x25: {  	[tilespmem:s27+$0x810 ss:$0x81] =	vst.msk $0xffff, v5;
	s30 =	simm.s32 @p1 $0x0;
	s28 =	sand.u32 $0x380, s28;
	s31 =	smul.u32 $0xC8, s31  }
0x26: {  	[tilespmem:s27+$0x1020 ss:$0x81] =	vst.msk $0xffff, v58;
	s6 =	smul.u32 s30, s6;
	s30 =	sadd.s32 $0xFFFFFFB8, s13;
	s13 =	ssub.s32 $0xC8, s13  }
0x27: {  	[tilespmem:s27+$0x1830 ss:$0x81] =	vst.msk $0xffff, v59;
	s26 =	sor.u32 s26, s28;
	p1 =	sgt.s32 s30, $0x7F;
	s30 =	smul.u32 $0x6400, s12  }
0x28: {  	[tilespmem:s27+$0x2040 ss:$0x81] =	vst.msk $0xffff, v60;
	s26 =	sshrl.u32 s26, $0x3;
	s13 =	simm.s32 @p1 $0x0;
	s29 =	ssub.s32 s29, s31  }
0x29: {  	[tilespmem:s27+$0x2850 ss:$0x81] =	vst.msk $0xffff, v61;
	s31 =	sand.u32 $0x7, s17;
	s6 =	smul.u32 s13, s6;
	s13 =	sadd.s32 s30, s25  }
0x2a: {  	[tilespmem:s27+$0x3060 ss:$0x81] =	vst.msk $0xffff, v62;
	s30 =	sshll.u32 s29, $0x7;
	s31 =	sshll.u32 s31, $0x12;
	s13 =	sadd.s32 s26, s13  }
0x2b: {  	[tilespmem:s27+$0x0 ss:$0x81] =	vst.msk $0xffff, v63;
	s25 =	sor.u32 $0x400, s31;
	s6 =	sand.u32 $0x3FFFFFFF, s6;
	s13 =	sadd.s32 s30, s13  }
0x2c: {  	[hbm4b:s13+s25] =	stream.strided.scatter [tilespmem:s24], [sflag:$0x2], s6, s10, s25, $0x20;
	[tilespmem:$0x10100] =	vst v63  }
.LBB1_5:
0x2d: {  	p1 =	slt.u32 s19, $0x2;
	s13 =	smov.u32 s23  }
0x2e: {  	s24 =	sadd.s32 $0x80, s15;
	s25 =	smov.u32 s16;
	s26 =	smov.u32 s4  }
0x2f: {  	s27 =	smov.u32 s18;
	p2 =	sgt.s32 @!p1 s23, $0x1;
	s6 =	sshra.s32 @!p1 s23, $0x1F  }
0x30: {  	p0 =	por !p0, !p0;
	p2 =	por !p2, p1;
	s6 =	sand.u32 @!p1 s6, s23  }
0x31: {  	s13 =	simm.s32 @p2 $0x1;
	s6 =	sxor.u32 @!p1 $0xFFFFFFFF, s6;
	p2 =	sgt.s32 @!p1 s22, $0x3F  }
0x32: {  	s23 =	sshra.s32 @!p1 s22, $0x1F;
	s6 =	sadd.s32 @!p1 s6, s13;
	p2 =	por !p2, p1  }
0x33: {  	s13 =	smov.u32 s22;
	s22 =	sand.u32 @!p1 s23, s22;
	p3 =	sgt.s32 @!p1 s6, $0x0  }
0x34: {  	s13 =	simm.s32 @p2 $0x3F;
	s6 =	ssub.s32 @!p1 $0x1, s6;
	p2 =	por !p3, p1  }
0x35: {  	s23 =	sshra.s32 @!p1 s21, $0x1F;
	s13 =	ssub.s32 @!p1 s13, s22;
	s6 =	simm.s32 @!p2 $0x0  }
0x36: {  	s22 =	sadd.s32 @!p1 $0xFFFFFFC1, s13;
	p2 =	sgt.s32 @!p1 s21, $0x380;
	s13 =	ssub.s32 @!p1 $0x40, s13  }
0x37: {  	p3 =	sgt.s32 @!p1 s22, $0x0;
	p2 =	por !p2, p1;
	s22 =	smov.u32 s21  }
0x38: {  	s21 =	sand.u32 @!p1 s23, s21;
	s23 =	sshra.s32 @!p1 s20, $0x1F;
	s22 =	simm.s32 @p2 $0x380  }
0x39: {  	p2 =	sgt.s32 @!p1 s20, $0x48;
	p3 =	por !p3, p1;
	s21 =	ssub.s32 @!p1 s22, s21  }
0x3a: {  	p2 =	por !p2, p1;
	s22 =	smov.u32 s20;
	s20 =	sand.u32 @!p1 s23, s20  }
0x3b: {  	s13 =	simm.s32 @!p3 $0x0;
	s23 =	sadd.s32 @!p1 $0xFFFFFC80, s21;
	s22 =	simm.s32 @p2 $0x48  }
0x3c: {  	p3 =	sgt.s32 s24, $0xC7;
	p2 =	sgt.s32 @!p1 s23, $0x7F;
	s20 =	ssub.s32 @!p1 s22, s20  }
0x3d: {  	s21 =	ssub.s32 @!p1 $0x400, s21;
	p2 =	por !p2, p1;
	s22 =	sadd.s32 @!p1 $0xFFFFFFB8, s20  }
0x3e: {  	s20 =	ssub.s32 @!p1 $0xC8, s20;
	s21 =	simm.s32 @!p2 $0x0;
	p2 =	sgt.s32 @!p1 s22, $0x7F  }
0x3f: {  	s6 =	smul.u32 @!p1 s6, s21;
	s21 =	sadd.s32 $0x2, s16;
	p2 =	por !p2, p1  }
0x40: {  	s24 =	simm.s32 @p3 $0x0;
	s25 =	smov.u32 @p3 s21;
	s20 =	simm.s32 @!p2 $0x0  }
0x41: {  	s6 =	smul.u32 @!p1 s13, s6;
	p2 =	sgt.s32 s25, $0x3F;
	s13 =	sadd.s32 $0x400, s4  }
0x42: {  	s23 =	smov.u32 s14;
	s14 =	smov.u32 s18;
	s26 =	smov.u32 @p2 s13  }
0x43: {  	s22 =	smov.u32 s12;
	s13 =	sadd.s32 $0x2, s18;
	p3 =	sgt.s32 s26, $0x3FF  }
0x44: {  	s12 =	smov.u32 s16;
	s21 =	smov.u32 s17;
	s27 =	smov.u32 @p3 s13  }
0x45: {  	s17 =	smov.u32 s4;
	s25 =	smov.u32 @p2 s5;
	p2 =	sgt.s32 s27, $0x1  }
0x46: {  	s6 =	smul.u32 @!p1 s20, s6;
	s27 =	smov.u32 @p2 s3;
	p2 =	sne.s32 s19, s9  }
.Ltmp1:
0x47: {  	s20 =	smov.u32 s11;
	s11 =	smov.u32 s15;
	(pc) =	sbr.rel @!p2 .LBB1_6-.Ltmp1, $4  }
0x48: {  	s15 =	smov.u32 s24;
	s13 =	simm.s32 @!p1 $0x2;
	s6 =	sand.u32 @!p1 $0x3FFFFFFF, s6  }
0x49: {  	s16 =	smov.u32 s25;
	s26 =	smov.u32 @p3 s0;
	_ =	swait.ge @!p1 [sflag:s13], s6  }
0x4a: {  	s4 =	smov.u32 s26;
	s6 =	ssub.s32 @!p1 $0x0, s6;
	[sflag:s13] =	ssyncset.done @!p1 $0x0  }
0x4b: {  	s19 =	sadd.s32 $0x1, s19;
	s18 =	smov.u32 s27;
	[sflag:s13] =	ssyncadd.s32 @!p1 s6  }
.LBB1_1:
0x4c: {  	p1 =	sge.u32 s19, s8;
	s31 =	sadd.s32 $0xFFFFFFFF, s19  }
0x4d: {  	s24 =	sxor.u32 @!p1 $0xFFFFFFFF, s19;
	s25 =	sand.u32 @!p1 $0x78, s15;
	s26 =	sshll.u32 @!p1 s16, $0x8  }
0x4e: {  	s27 =	sshll.u32 @!p1 s15, $0x3;
	s28 =	sshll.u32 @!p1 s16, $0x7;
	s24 =	sshll.u32 @!p1 s24, $0xE  }
0x4f: {  	s26 =	sand.u32 @!p1 $0x3800, s26;
	s27 =	sand.u32 @!p1 $0x3C00, s27;
	s24 =	sand.u32 @!p1 $0x4000, s24  }
0x50: {  	s26 =	sadd.s32 @!p1 s26, s27;
	s27 =	sand.u32 @!p1 $0x300, s28;
	s28 =	sand.u32 @!p1 $0x80, s28  }
0x51: {  	s26 =	sor.u32 @!p1 s27, s26;
	s25 =	sor.u32 @!p1 s25, s28;
	s27 =	sshll.u32 @!p1 s18, $0x15  }
0x52: {  	s28 =	sshll.u32 @!p1 s4, $0xB;
	s26 =	sshrl.u32 @!p1 s26, $0x3;
	s27 =	sadd.s32 @!p1 s1, s27  }
0x53: {  	s25 =	sshrl.u32 @!p1 s25, $0x3;
	s27 =	sadd.s32 @!p1 s28, s27;
	s28 =	sand.u32 @!p1 $0x7, s15  }
0x54: {  	s26 =	sand.u32 @!p1 $0x7E0, s26;
	s25 =	sadd.s32 @!p1 s25, s27;
	s27 =	sshll.u32 @!p1 s28, $0x12  }
0x55: {  	s25 =	sadd.s32 @!p1 s26, s25;
	s26 =	sor.u32 @!p1 $0x80, s27;
	s27 =	simm.s32 @!p1 $0x4000  }
0x56: {  	[tilespmem:s24], [sflag:$0x1] =	stream.strided.gather @!p1 [hbm4b:s25+s26], $0x4000, s27, s26, $0x38;
	[tilespmem:$0x10100] =	vst v63  }
0x57: {  	p1 =	sge.u32 s31, s8  }
.Ltmp2:
0x58: {  	_ = 	snop;
	(pc) =	sbr.rel @p1 .LBB1_5-.Ltmp2, $1  }
0x59: {  	_ =	sdelay $0x3  }
0x5a: {  	s24 =	simm.s32 $0x1  }
0x5b: {  	_ =	swait.ge [sflag:s7], $0x4000;
	s24 =	simm.s32 @!p0 $0x0  }
0x5c: {  	[sflag:s7] =	ssyncset.done $0x0;
	s25 =	sshll.u32 s24, $0xE  }
0x5d: {  	[sflag:s7] =	ssyncadd.s32 $0xFFFFC000;
	s25 =	sor.u32 $0x40, s25  }
0x5e: {  	s24 =	smul.u32 $0x10200, s24;
	v0 =	vld [tilespmem:s25+$0x30]  }
0x5f: {  	v1 =	vld [tilespmem:s25+$0xFFFFFFD0]  }
0x60: {  	s24 =	sshrl.u32 s24, $0x2;
	v5 =	vld [tilespmem:s25+$0xFFFFFFE0]  }
0x61: {  	v6 =	vld [tilespmem:s25+$0xFFFFFFF0];
	s27 =	sor.u32 $0x8000, s24  }
0x62: {  	s31 =	sand.u32 $0x1, s19;
	v4 =	vld [tilespmem:s25+$0x0];
	s26 =	sadd.s32 $0x0, s27  }
0x63: {  	v3 =	vld [tilespmem:s25+$0x10];
	s24 =	smul.u32 $0x10200, s31;
	[tilespmem:s26+$0x3870 ss:$0x81] =	vst.msk $0xffff, v0  }
0x64: {  	v2 =	vld [tilespmem:s25+$0x20];
	[tilespmem:s26+$0x810 ss:$0x81] =	vst.msk $0xffff, v1  }
0x65: {  	s24 =	sshrl.u32 s24, $0x2;
	v0 =	vld [tilespmem:s25+$0xFFFFFFC0];
	[tilespmem:s26+$0x1020 ss:$0x81] =	vst.msk $0xffff, v5;
	s25 =	sadd.s32 $0x80, s25  }
0x66: {  	s28 =	simm.s32 $0x4;
	s29 =	simm.s32 $0x8;
	s24 =	sor.u32 $0x8000, s24;
	[tilespmem:s26+$0x1830 ss:$0x81] =	vst.msk $0xffff, v6;
	v1 =	vld [tilespmem:s25+$0x30]  }
.LBB1_3:
0x67: {  	p1 =	sne.s32 s29, $0x1FC;
	v5 =	vld [tilespmem:s25+$0xFFFFFFD0];
	[tilespmem:s26+$0x2040 ss:$0x81] =	vst.msk $0xffff, v4  }
0x68: {  	v6 =	vld [tilespmem:s25+$0xFFFFFFE0];
	[tilespmem:s26+$0x2850 ss:$0x81] =	vst.msk $0xffff, v3  }
0x69: {  	s30 =	sshra.s32 s28, $0x2;
	s28 =	smov.u32 s29;
	v7 =	vld [tilespmem:s25+$0xFFFFFFF0];
	[tilespmem:s26+$0x3060 ss:$0x81] =	vst.msk $0xffff, v2  }
.Ltmp3:
0x6a: {  	v4 =	vld [tilespmem:s25+$0x0];
	[tilespmem:s26+$0x0 ss:$0x81] =	vst.msk $0xffff, v0;
	s26 =	sadd.s32 s30, s27;
	(pc) =	sbr.rel @p1 .LBB1_3-.Ltmp3, $4  }
0x6b: {  	v3 =	vld [tilespmem:s25+$0x10];
	[tilespmem:s26+$0x3870 ss:$0x81] =	vst.msk $0xffff, v1  }
0x6c: {  	[tilespmem:s26+$0x810 ss:$0x81] =	vst.msk $0xffff, v5;
	v2 =	vld [tilespmem:s25+$0x20]  }
0x6d: {  	v0 =	vld [tilespmem:s25+$0xFFFFFFC0];
	[tilespmem:s26+$0x1020 ss:$0x81] =	vst.msk $0xffff, v6;
	s25 =	sadd.s32 $0x80, s25  }
0x6e: {  	s29 =	sadd.s32 $0x4, s29;
	v1 =	vld [tilespmem:s25+$0x30];
	[tilespmem:s26+$0x1830 ss:$0x81] =	vst.msk $0xffff, v7  }
.Ltmp4:
0x6f: {  	_ = 	snop;
	(pc) =	sbr.rel .LBB1_4-.Ltmp4, $1  }
0x70: {  	_ =	sdelay $0x3  }
.LBB1_6:
0x71: {  	_ =	sfence.sel $0x180000  }
0x72: {  	s0 =	simm.s32 $0x1;
	[bflag:$0x0] =	sbarrier.arrive $0xFFFF  }
0x73: {  	s30 =	simm.s32 $0x2;
	[sflag:s0] =	ssyncpa.u1 $0x1  }
0x74: {  	[sflag:s30] =	ssyncpa.u1 $0x1  }
0x75: {  	_ =	strace $0x9000004A  }
0x76: {  	s31 =	stileid.u32;
	[bflag:$0x2] =	sbarrier.arrive $0xFFFF  }
0x77: {  	p0 =	sne.s32 s31, $0x0;
	s0 =	rddreg [dreg:$0x2]  }
0x78: {  	s0 =	sadd.s32 @!p0 $0x100000, s0  }
0x79: {  	[sflag:s0] =	ssyncadd.tile.s32 @!p0 $0x1;
	_ =	shalt  }
.Lfunc_end1:
_tile_overlayer_lowered:
.L_overlay_start_2:
0x7a: {  	(tag) =	ssettag $0x2  }
0x7b: {  	s0 =	rddreg [dreg:$0x0];
	s2 =	stileid.u32  }
0x7c: {  	s1 =	rddreg [dreg:$0x1];
	p0 =	sne.s32 s2, $0x0  }
0x7d: {  	s3 =	rddreg [dreg:$0x2];
	[bflag:$0x3] =	sbarrier.arrive $0xFFFF;
	s2 =	simm.s32 @!p0 $0x1C01  }
0x7e: {  	[timem:s3], [sflag:s2] =	dma.local @!p0 [hbm:s0], s1  }
0x7f: {  	s0 =	simm.s32 @!p0 $0x1  }
0x80: {  	_ =	swait.ge @!p0 [sflag:s0], s1  }
0x81: {  	s1 =	ssub.s32 @!p0 $0x0, s1;
	[sflag:s0] =	ssyncset.done @!p0 $0x0  }
0x82: {  	[sflag:s0] =	ssyncadd.s32 @!p0 s1  }
0x83: {  	[bflag:$0x3] =	sbarrier.arrive $0xFFFF  }
0x84: {  	_ =	shalt  }

</sc_bundles>
